<compile_context>
chip_gen: v7x
topology: tpu7x:2x2x1
jax: 0.10.2.dev20260603
libtpu: 0.0.44.dev20260713+nightly
codegen_flags: <defaults>
</compile_context>

<pallas_src>
import functools

import jax
import jax.numpy as jnp
from jax import lax
from jax.experimental import pallas as pl
from jax.experimental.pallas import tpu as pltpu
from jax.experimental.pallas import tpu_sc as plsc

N = 10000
E = 320000
H = 128
NTILES = 16
CHUNK = 80
EDGES_PER_TILE = E // NTILES
NCHUNKS = EDGES_PER_TILE // CHUNK
STRIPE = 624
TAIL = N - NTILES * STRIPE
TAIL_BASE = NTILES * STRIPE
BN = 1000
_LOG2E = 1.4426950408889634
NLIN = 4
NG = 4



def _tc1_body(x_ref, h_ref, c_ref, wft_ref, uft_ref, wiout_ref, bf_ref,
              biou_ref, wxf_ref, atab_ref, xwiou_ref, s_ref):
    x = x_ref[...]
    h = h_ref[...]
    cc = c_ref[...]
    wxf_ref[...] = -(
        jnp.dot(x, wft_ref[...], preferred_element_type=jnp.float32)
        + bf_ref[...])
    hu = -jnp.dot(h, uft_ref[...],
                  preferred_element_type=jnp.float32)
    atab_ref[...] = jnp.concatenate(
        [hu[:, :64], cc[:, :64], hu[:, 64:], cc[:, 64:]], axis=1)
    xwiou_ref[...] = (
        jnp.dot(x, wiout_ref[...], preferred_element_type=jnp.float32)
        + biou_ref[...])
    s_ref[...] = -jnp.sum(uft_ref[...], axis=0, keepdims=True)


def _tc1(x, h, c, wft, uft, wiout, bf, biou):
    grid = (N // BN,)
    return pl.pallas_call(
        _tc1_body,
        grid=grid,
        in_specs=[
            pl.BlockSpec((BN, H), lambda i: (i, 0)),
            pl.BlockSpec((BN, H), lambda i: (i, 0)),
            pl.BlockSpec((BN, H), lambda i: (i, 0)),
            pl.BlockSpec((H, H), lambda i: (0, 0)),
            pl.BlockSpec((H, H), lambda i: (0, 0)),
            pl.BlockSpec((H, 3 * H), lambda i: (0, 0)),
            pl.BlockSpec((1, H), lambda i: (0, 0)),
            pl.BlockSpec((1, 3 * H), lambda i: (0, 0)),
        ],
        out_specs=[
            pl.BlockSpec((BN, H), lambda i: (i, 0)),
            pl.BlockSpec((BN, 2 * H), lambda i: (i, 0)),
            pl.BlockSpec((BN, 3 * H), lambda i: (i, 0)),
            pl.BlockSpec((1, H), lambda i: (0, 0)),
        ],
        out_shape=[
            jax.ShapeDtypeStruct((N, H), jnp.float32),
            jax.ShapeDtypeStruct((N, 2 * H), jnp.float32),
            jax.ShapeDtypeStruct((N, 3 * H), jnp.float32),
            jax.ShapeDtypeStruct((1, H), jnp.float32),
        ],
    )(x, h, c, wft, uft, wiout, bf, biou)



_sc_mesh = plsc.VectorSubcoreMesh(core_axis_name="c", subcore_axis_name="s")

_sc_scratch = (
    [pltpu.VMEM((CHUNK,), jnp.int32) for _ in range(NLIN)]
    + [pltpu.VMEM((CHUNK,), jnp.int32) for _ in range(NLIN)]
    + [pltpu.VMEM((CHUNK,), jnp.int32) for _ in range(NG)]
    + [pltpu.VMEM((CHUNK, 16), jnp.float32) for _ in range(NLIN)]
    + [pltpu.VMEM((CHUNK, 2 * 64), jnp.float32) for _ in range(NG)]
    + [pltpu.VMEM((CHUNK, 64), jnp.float32) for _ in range(NG)]
    + [
        pltpu.VMEM((CHUNK, 64), jnp.float32),
        pltpu.VMEM((64,), jnp.float32),
        pltpu.VMEM_SHARED((N, 64), jnp.float32),
        pltpu.VMEM_SHARED((N, 16), jnp.float32),
    ]
    + [pltpu.SemaphoreType.DMA for _ in range(NLIN + NG)]
)


def _sc_edge_body(atab, w2, h2, src, dst, t16, svec, zeros, zeros_t,
                  out_c, out_h, out_t, *scr):
    pos = 0
    lin_src = scr[pos:pos + NLIN]; pos += NLIN
    lin_dst = scr[pos:pos + NLIN]; pos += NLIN
    lin_dsto = scr[pos:pos + NG]; pos += NG
    lin_t = scr[pos:pos + NLIN]; pos += NLIN
    g_a = scr[pos:pos + NG]; pos += NG
    g_w = scr[pos:pos + NG]; pos += NG
    out_v, s_v, acc, acc_t = scr[pos:pos + 4]; pos += 4
    sem_lin = scr[pos:pos + NLIN]; pos += NLIN
    sem_g = scr[pos:pos + NG]; pos += NG

    cid = lax.axis_index("c")
    sid = lax.axis_index("s")
    row0 = sid * STRIPE
    ebase = sid * EDGES_PER_TILE

    def zero_stripe():
        pltpu.sync_copy(zeros.at[pl.ds(row0, STRIPE)],
                        acc.at[pl.ds(row0, STRIPE)])

        @pl.when(sid == NTILES - 1)
        def _zero_tail():
            pltpu.sync_copy(zeros.at[pl.ds(TAIL_BASE, TAIL)],
                            acc.at[pl.ds(TAIL_BASE, TAIL)])

    def copy_out(out):
        pltpu.sync_copy(acc.at[pl.ds(row0, STRIPE)],
                        out.at[pl.ds(cid * N + row0, STRIPE)])

        @pl.when(sid == NTILES - 1)
        def _out_tail():
            pltpu.sync_copy(acc.at[pl.ds(TAIL_BASE, TAIL)],
                            out.at[pl.ds(cid * N + TAIL_BASE, TAIL)])

    def fire_lin(ci, l):
        base = ebase + ci * CHUNK
        pltpu.async_copy(src.at[pl.ds(base, CHUNK)], lin_src[l], sem_lin[l])
        pltpu.async_copy(dst.at[pl.ds(base, CHUNK)], lin_dst[l], sem_lin[l])
        pltpu.async_copy(t16.at[pl.ds(base, CHUNK)], lin_t[l], sem_lin[l])

    def wait_lin(l):
        pltpu.make_async_copy(src.at[pl.ds(0, CHUNK)], lin_src[l],
                              sem_lin[l]).wait()
        pltpu.make_async_copy(dst.at[pl.ds(0, CHUNK)], lin_dst[l],
                              sem_lin[l]).wait()
        pltpu.make_async_copy(t16.at[pl.ds(0, CHUNK)], lin_t[l],
                              sem_lin[l]).wait()

    def offset(ref_v):
        for j in range(CHUNK // 16):
            sl = pl.ds(j * 16, 16)
            ref_v[sl] = ref_v[sl] * 2 + cid

    def fire_gather_a(b, l):
        offset(lin_src[l])
        for j in range(CHUNK // 16):
            sl = pl.ds(j * 16, 16)
            lin_dsto[b][sl] = lin_dst[l][sl] * 2 + cid
        return [pltpu.async_copy(atab.at[lin_src[l]], g_a[b], sem_g[b]),
                pltpu.async_copy(w2.at[lin_dsto[b]], g_w[b], sem_g[b])]

    def wait_gather_a(b):
        pltpu.make_async_copy(atab.at[pl.ds(0, CHUNK)], g_a[b],
                              sem_g[b]).wait()
        pltpu.make_async_copy(w2.at[pl.ds(0, CHUNK)], g_w[b],
                              sem_g[b]).wait()

    def compute_a(b, l):
        sj = [s_v[pl.ds(j * 16, 16)] for j in range(4)]

        def _edge(e2, carry):
            vals = []
            for u in range(2):
                e = e2 * 2 + u
                tv = lin_t[l][e]
                for j in range(4):
                    sl = pl.ds(j * 16, 16)
                    zn = g_a[b][e, sl] + g_w[b][e, sl] + tv * sj[j]
                    f = 1.0 / (1.0 + jnp.exp(zn))
                    vals.append((e, j, f * g_a[b][e, pl.ds(64 + j * 16, 16)]))
            for e, j, v in vals:
                out_v[e, pl.ds(j * 16, 16)] = v
            return carry

        lax.fori_loop(0, CHUNK // 2, _edge, 0)

    def fire_gather_b(b, l):
        offset(lin_src[l])
        return [pltpu.async_copy(h2.at[lin_src[l]], g_w[b], sem_g[b])]

    def wait_gather_b(b):
        pltpu.make_async_copy(h2.at[pl.ds(0, CHUNK)], g_w[b],
                              sem_g[b]).wait()

    def work_a(b, l):
        wait_gather_a(b)
        compute_a(b, l)
        pltpu.sync_copy(out_v, acc.at[lin_dst[l]], add=True)

    def work_b(b, l):
        wait_gather_b(b)
        pltpu.sync_copy(g_w[b], acc.at[lin_dst[l]], add=True)
        pltpu.sync_copy(lin_t[l], acc_t.at[lin_dst[l]], add=True)

    def run_pass(fire_gather, work):
        fire_lin(0, 0)
        fire_lin(1, 1)
        wait_lin(0)
        fire_gather(0, 0)
        fire_lin(2, 2)
        wait_lin(1)
        fire_gather(1, 1)
        fire_lin(3, 3)

        def outer(g, carry):
            ci0 = g * 4
            for k in range(4):
                ci = ci0 + k

                @pl.when(ci + 2 < NCHUNKS)
                def _pref():
                    wait_lin((k + 2) % NLIN)
                    fire_gather((k + 2) % NG, (k + 2) % NLIN)

                @pl.when(ci < NCHUNKS)
                def _work():
                    work(k, k)

                @pl.when(ci + 4 < NCHUNKS)
                def _lin():
                    fire_lin(ci + 4, k)
            return carry

        lax.fori_loop(0, (NCHUNKS + 3) // 4, outer, 0)

    pltpu.sync_copy(svec.at[pl.ds(cid * 64, 64)], s_v)
    zero_stripe()
    plsc.subcore_barrier()
    run_pass(fire_gather_a, work_a)
    plsc.subcore_barrier()
    copy_out(out_c)
    zero_stripe()
    pltpu.sync_copy(zeros_t.at[pl.ds(row0, STRIPE)],
                    acc_t.at[pl.ds(row0, STRIPE)])

    @pl.when(sid == NTILES - 1)
    def _zero_t_tail():
        pltpu.sync_copy(zeros_t.at[pl.ds(TAIL_BASE, TAIL)],
                        acc_t.at[pl.ds(TAIL_BASE, TAIL)])

    plsc.subcore_barrier()
    run_pass(fire_gather_b, work_b)
    plsc.subcore_barrier()
    copy_out(out_h)

    @pl.when(cid == 0)
    def _copy_t():
        pltpu.sync_copy(acc_t.at[pl.ds(row0, STRIPE)],
                        out_t.at[pl.ds(row0, STRIPE)])

        @pl.when(sid == NTILES - 1)
        def _out_t_tail():
            pltpu.sync_copy(acc_t.at[pl.ds(TAIL_BASE, TAIL)],
                            out_t.at[pl.ds(TAIL_BASE, TAIL)])


def _make_sc_kernel(interpret=False):
    return pl.kernel(
        _sc_edge_body,
        out_type=[
            jax.ShapeDtypeStruct((2 * N, 64), jnp.float32),
            jax.ShapeDtypeStruct((2 * N, 64), jnp.float32),
            jax.ShapeDtypeStruct((N, 16), jnp.float32),
        ],
        mesh=_sc_mesh,
        scratch_types=_sc_scratch,
        compiler_params=pltpu.CompilerParams(use_tc_tiling_on_sc=False),
        interpret=interpret,
    )


_sc_edge_kernel = _make_sc_kernel()



def _tc2_body(ht_ref, tacc_ref, cred_ref, xwiou_ref, uiout_ref,
              hnew_ref, cnew_ref):
    ht = ht_ref[...] + tacc_ref[:, 0:1]
    iou = (jnp.dot(ht, uiout_ref[...],
                   preferred_element_type=jnp.float32)
           + xwiou_ref[...])
    i = jax.nn.sigmoid(iou[:, :H])
    o = jax.nn.sigmoid(iou[:, H:2 * H])
    u = jnp.tanh(iou[:, 2 * H:])
    cn = i * u + cred_ref[...]
    cnew_ref[...] = cn
    hnew_ref[...] = o * jnp.tanh(cn)


def _tc2(h_tild, tacc, c_red, xwiou, uiout):
    grid = (N // BN,)
    return pl.pallas_call(
        _tc2_body,
        grid=grid,
        in_specs=[
            pl.BlockSpec((BN, H), lambda i: (i, 0)),
            pl.BlockSpec((BN, 16), lambda i: (i, 0)),
            pl.BlockSpec((BN, H), lambda i: (i, 0)),
            pl.BlockSpec((BN, 3 * H), lambda i: (i, 0)),
            pl.BlockSpec((H, 3 * H), lambda i: (0, 0)),
        ],
        out_specs=[
            pl.BlockSpec((BN, H), lambda i: (i, 0)),
            pl.BlockSpec((BN, H), lambda i: (i, 0)),
        ],
        out_shape=[
            jax.ShapeDtypeStruct((N, H), jnp.float32),
            jax.ShapeDtypeStruct((N, H), jnp.float32),
        ],
    )(h_tild, tacc, c_red, xwiou, uiout)



def kernel(x, h, c, edge_index, time, W_iou, U_iou, b_iou, U_f, W_f, b_f):
    x = x.astype(jnp.float32)
    h = h.astype(jnp.float32)
    c = c.astype(jnp.float32)
    src = edge_index[0].astype(jnp.int32)
    dst = edge_index[1].astype(jnp.int32)
    t16 = jnp.broadcast_to(time.astype(jnp.float32), (E, 16))

    wxf, atab, xwiou, s = _tc1(x, h, c, W_f.T, U_f.T, W_iou.T, b_f, b_iou)

    atab2 = atab.reshape(2 * N, 128)
    w2 = wxf.reshape(2 * N, 64)
    h2 = h.reshape(2 * N, 64)
    zeros = jnp.zeros((N, 64), jnp.float32)
    zeros_t = jnp.zeros((N, 16), jnp.float32)

    out_c, out_h, out_t = _sc_edge_kernel(atab2, w2, h2, src, dst, t16,
                                          s.reshape(H), zeros, zeros_t)
    c_red = jnp.concatenate([out_c[:N], out_c[N:]], axis=1)
    h_acc = jnp.concatenate([out_h[:N], out_h[N:]], axis=1)

    h_new, c_new = _tc2(h_acc, out_t, c_red, xwiou, U_iou.T)
    return (h_new, c_new)

# --- scband reference (transcript-rebuilt; emitter-appended) ---
"""Pipeline reference for scband-tree-aggregator-cell-80556406604249 (READ-ONLY COPY).

The authoritative reference and input builder live on the scoring server;
editing this copy changes nothing except your own understanding.
"""

import jax, jax.numpy as jnp
import numpy as np

N = 10000
E = 320000
X_SIZE = 128
H_SIZE = 128


def setup_inputs(seed: int = 0) -> dict:
    key = jax.random.key(seed)
    ks = jax.random.split(key, 12)
    x = jax.random.normal(ks[0], (N, X_SIZE), dtype=jnp.float32)
    h = jax.random.normal(ks[1], (N, H_SIZE), dtype=jnp.float32)
    c = jax.random.normal(ks[2], (N, H_SIZE), dtype=jnp.float32)
    edge_index = jax.random.randint(ks[3], (2, E), 0, N)
    time = jax.random.normal(ks[4], (E, 1), dtype=jnp.float32) * 0.05
    # parameters (nn.Linear weights: [out, in]; applied as v @ W.T)
    W_iou = jax.random.normal(ks[5], (3 * H_SIZE, X_SIZE), dtype=jnp.float32) * 0.05
    U_iou = jax.random.normal(ks[6], (3 * H_SIZE, H_SIZE), dtype=jnp.float32) * 0.05
    b_iou = jnp.zeros((1, 3 * H_SIZE), dtype=jnp.float32)
    U_f = jax.random.normal(ks[7], (H_SIZE, H_SIZE), dtype=jnp.float32) * 0.05
    W_f = jax.random.normal(ks[8], (H_SIZE, X_SIZE), dtype=jnp.float32) * 0.05
    b_f = jnp.zeros((1, H_SIZE), dtype=jnp.float32)
    return {
        'x': x, 'h': h, 'c': c, 'edge_index': edge_index, 'time': time,
        'W_iou': W_iou, 'U_iou': U_iou, 'b_iou': b_iou,
        'U_f': U_f, 'W_f': W_f, 'b_f': b_f,
    }


def reference(x, h, c, edge_index, time, W_iou, U_iou, b_iou, U_f, W_f, b_f):
    src = edge_index[0]
    dst = edge_index[1]
    n = x.shape[0]
    # message_func: h,c from src nodes; edge_time adds time to mailbox h
    h_msg = h[src] + time          # [E, H]
    c_msg = c[src]                 # [E, H]
    # reduce_func: f = sigmoid(U_f(mail_h) + W_f(x_dst) + b_f)
    wx_f = x @ W_f.T               # [N, H]
    f = jax.nn.sigmoid(h_msg @ U_f.T + wx_f[dst] + b_f)   # [E, H]
    c_red = jax.ops.segment_sum(f * c_msg, dst, num_segments=n)  # sum over mailbox
    h_tild = jax.ops.segment_sum(h_msg, dst, num_segments=n)
    # apply_node_func
    iou = h_tild @ U_iou.T + x @ W_iou.T + b_iou
    i, o, u = jnp.split(iou, 3, axis=1)
    i = jax.nn.sigmoid(i)
    o = jax.nn.sigmoid(o)
    u = jnp.tanh(u)
    c_new = i * u + c_red
    h_new = o * jnp.tanh(c_new)
    return (h_new, c_new)

if __name__ == "__main__":
    import jax
    _d = setup_inputs()
    print(jax.jit(kernel)(*tuple(_d.values())))

</pallas_src>

<mosaic_0001>
#map = affine_map<(d0, d1) -> (0, 0)>
#map1 = affine_map<(d0, d1) -> (0)>
module attributes {stable_mosaic.version = 14 : i64} {
  func.func @_sc_edge_body(%arg0: i32, %arg1: i32, %arg2: memref<20000x128xf32, #tpu.memory_space<hbm>>, %arg3: memref<20000x64xf32, #tpu.memory_space<hbm>>, %arg4: memref<20000x64xf32, #tpu.memory_space<hbm>>, %arg5: memref<320000xi32, #tpu.memory_space<hbm>>, %arg6: memref<320000xi32, #tpu.memory_space<hbm>>, %arg7: memref<320000x16xf32, #tpu.memory_space<hbm>>, %arg8: memref<128xf32, #tpu.memory_space<hbm>>, %arg9: memref<10000x64xf32, #tpu.memory_space<hbm>>, %arg10: memref<10000x16xf32, #tpu.memory_space<hbm>>, %arg11: memref<20000x64xf32, #tpu.memory_space<hbm>>, %arg12: memref<20000x64xf32, #tpu.memory_space<hbm>>, %arg13: memref<10000x16xf32, #tpu.memory_space<hbm>>, %arg14: memref<80xi32, #tpu.memory_space<vmem>>, %arg15: memref<80xi32, #tpu.memory_space<vmem>>, %arg16: memref<80xi32, #tpu.memory_space<vmem>>, %arg17: memref<80xi32, #tpu.memory_space<vmem>>, %arg18: memref<80xi32, #tpu.memory_space<vmem>>, %arg19: memref<80xi32, #tpu.memory_space<vmem>>, %arg20: memref<80xi32, #tpu.memory_space<vmem>>, %arg21: memref<80xi32, #tpu.memory_space<vmem>>, %arg22: memref<80xi32, #tpu.memory_space<vmem>>, %arg23: memref<80xi32, #tpu.memory_space<vmem>>, %arg24: memref<80xi32, #tpu.memory_space<vmem>>, %arg25: memref<80xi32, #tpu.memory_space<vmem>>, %arg26: memref<80x16xf32, #tpu.memory_space<vmem>>, %arg27: memref<80x16xf32, #tpu.memory_space<vmem>>, %arg28: memref<80x16xf32, #tpu.memory_space<vmem>>, %arg29: memref<80x16xf32, #tpu.memory_space<vmem>>, %arg30: memref<80x128xf32, #tpu.memory_space<vmem>>, %arg31: memref<80x128xf32, #tpu.memory_space<vmem>>, %arg32: memref<80x128xf32, #tpu.memory_space<vmem>>, %arg33: memref<80x128xf32, #tpu.memory_space<vmem>>, %arg34: memref<80x64xf32, #tpu.memory_space<vmem>>, %arg35: memref<80x64xf32, #tpu.memory_space<vmem>>, %arg36: memref<80x64xf32, #tpu.memory_space<vmem>>, %arg37: memref<80x64xf32, #tpu.memory_space<vmem>>, %arg38: memref<80x64xf32, #tpu.memory_space<vmem>>, %arg39: memref<64xf32, #tpu.memory_space<vmem>>, %arg40: memref<10000x64xf32, #tpu.memory_space<vmem_shared>>, %arg41: memref<10000x16xf32, #tpu.memory_space<vmem_shared>>, %arg42: memref<!tpu.dma_semaphore, #tpu.memory_space<semaphore_mem>>, %arg43: memref<!tpu.dma_semaphore, #tpu.memory_space<semaphore_mem>>, %arg44: memref<!tpu.dma_semaphore, #tpu.memory_space<semaphore_mem>>, %arg45: memref<!tpu.dma_semaphore, #tpu.memory_space<semaphore_mem>>, %arg46: memref<!tpu.dma_semaphore, #tpu.memory_space<semaphore_mem>>, %arg47: memref<!tpu.dma_semaphore, #tpu.memory_space<semaphore_mem>>, %arg48: memref<!tpu.dma_semaphore, #tpu.memory_space<semaphore_mem>>, %arg49: memref<!tpu.dma_semaphore, #tpu.memory_space<semaphore_mem>>) attributes {dimension_semantics = [#tpu.dimension_semantics<core_parallel>, #tpu.dimension_semantics<subcore_parallel>], iteration_bounds = array<i64: 2, 16>, scalar_prefetch = 0 : i64, scratch_operands = 36 : i64, tpu.core_type = #tpu.core_type<sc_vector_subcore>, window_params = [{transform_indices = #map}, {transform_indices = #map}, {transform_indices = #map}, {transform_indices = #map1}, {transform_indices = #map1}, {transform_indices = #map}, {transform_indices = #map1}, {transform_indices = #map}, {transform_indices = #map}, {transform_indices = #map}, {transform_indices = #map}, {transform_indices = #map}]} {
    %mul3A = arith.constant 624 : i32
    %mul3A_0 = arith.muli %arg1, %mul3A : i32
    %mul3A_1 = arith.constant 20000 : i32
    %mul3A_2 = arith.muli %arg1, %mul3A_1 : i32
    %mul3A_3 = arith.constant 64 : i32
    %mul3A_4 = arith.muli %arg0, %mul3A_3 : i32
    "tpu.region"() ({
      %run_scoped3A = tpu.sem_alloc : memref<!tpu.dma_semaphore, #tpu.memory_space<semaphore_mem>>
      %dma_start3A_561 = tpu.memref_slice %arg8[%mul3A_4] : memref<128xf32, #tpu.memory_space<hbm>> -> memref<64xf32, #tpu.memory_space<hbm>>
      %dma_start3A_562 = tpu.memref_slice %arg8[%mul3A_4] : memref<128xf32, #tpu.memory_space<hbm>> -> memref<64xf32, #tpu.memory_space<hbm>>
      tpu.enqueue_dma source(%dma_start3A_562 : memref<64xf32, #tpu.memory_space<hbm>>) target(%arg39 : memref<64xf32, #tpu.memory_space<vmem>>) target_semaphore(%run_scoped3A : memref<!tpu.dma_semaphore, #tpu.memory_space<semaphore_mem>>)
      %dma_wait3A_563 = tpu.memref_slice %arg8[%mul3A_4] : memref<128xf32, #tpu.memory_space<hbm>> -> memref<64xf32, #tpu.memory_space<hbm>>
      %dma_wait3A_564 = tpu.memref_slice %arg8[%mul3A_4] : memref<128xf32, #tpu.memory_space<hbm>> -> memref<64xf32, #tpu.memory_space<hbm>>
      tpu.wait_dma2 semaphore(%run_scoped3A : memref<!tpu.dma_semaphore, #tpu.memory_space<semaphore_mem>>) src(%dma_wait3A_564 : memref<64xf32, #tpu.memory_space<hbm>>) dst(%arg39 : memref<64xf32, #tpu.memory_space<vmem>>)
      tpu.yield
    }) : () -> ()
    "tpu.region"() ({
      %run_scoped3A = tpu.sem_alloc : memref<!tpu.dma_semaphore, #tpu.memory_space<semaphore_mem>>
      %dma_start3A_561 = arith.constant 0 : i32
      %dma_start3A_562 = tpu.memref_slice %arg40[%mul3A_0, %dma_start3A_561] : memref<10000x64xf32, #tpu.memory_space<vmem_shared>> -> memref<624x64xf32, #tpu.memory_space<vmem_shared>>
      %dma_start3A_563 = arith.constant 0 : i32
      %dma_start3A_564 = tpu.memref_slice %arg9[%mul3A_0, %dma_start3A_563] : memref<10000x64xf32, #tpu.memory_space<hbm>> -> memref<624x64xf32, #tpu.memory_space<hbm>>
      tpu.enqueue_dma source(%dma_start3A_564 : memref<624x64xf32, #tpu.memory_space<hbm>>) target(%dma_start3A_562 : memref<624x64xf32, #tpu.memory_space<vmem_shared>>) target_semaphore(%run_scoped3A : memref<!tpu.dma_semaphore, #tpu.memory_space<semaphore_mem>>)
      %dma_wait3A_565 = arith.constant 0 : i32
      %dma_wait3A_566 = tpu.memref_slice %arg40[%mul3A_0, %dma_wait3A_565] : memref<10000x64xf32, #tpu.memory_space<vmem_shared>> -> memref<624x64xf32, #tpu.memory_space<vmem_shared>>
      %dma_wait3A_567 = arith.constant 0 : i32
      %dma_wait3A_568 = tpu.memref_slice %arg9[%mul3A_0, %dma_wait3A_567] : memref<10000x64xf32, #tpu.memory_space<hbm>> -> memref<624x64xf32, #tpu.memory_space<hbm>>
      tpu.wait_dma2 semaphore(%run_scoped3A : memref<!tpu.dma_semaphore, #tpu.memory_space<semaphore_mem>>) src(%dma_wait3A_568 : memref<624x64xf32, #tpu.memory_space<hbm>>) dst(%dma_wait3A_566 : memref<624x64xf32, #tpu.memory_space<vmem_shared>>)
      tpu.yield
    }) : () -> ()
    %eq3A = arith.constant 15 : i32
    %eq3A_5 = arith.cmpi eq, %arg1, %eq3A : i32
    %convert_element_type3A = arith.extui %eq3A_5 : i1 to i32
    %cond3A = arith.constant 0 : i32
    %cond3A_6 = arith.cmpi ne, %convert_element_type3A, %cond3A : i32
    scf.if %cond3A_6 {
      "tpu.region"() ({
        %run_scoped3A = tpu.sem_alloc : memref<!tpu.dma_semaphore, #tpu.memory_space<semaphore_mem>>
        %dma_start3A_561 = arith.constant 9984 : i32
        %dma_start3A_562 = arith.constant 0 : i32
        %dma_start3A_563 = tpu.memref_slice %arg40[%dma_start3A_561, %dma_start3A_562] : memref<10000x64xf32, #tpu.memory_space<vmem_shared>> -> memref<16x64xf32, #tpu.memory_space<vmem_shared>>
        %dma_start3A_564 = arith.constant 9984 : i32
        %dma_start3A_565 = arith.constant 0 : i32
        %dma_start3A_566 = tpu.memref_slice %arg9[%dma_start3A_564, %dma_start3A_565] : memref<10000x64xf32, #tpu.memory_space<hbm>> -> memref<16x64xf32, #tpu.memory_space<hbm>>
        tpu.enqueue_dma source(%dma_start3A_566 : memref<16x64xf32, #tpu.memory_space<hbm>>) target(%dma_start3A_563 : memref<16x64xf32, #tpu.memory_space<vmem_shared>>) target_semaphore(%run_scoped3A : memref<!tpu.dma_semaphore, #tpu.memory_space<semaphore_mem>>)
        %dma_wait3A_567 = arith.constant 9984 : i32
        %dma_wait3A_568 = arith.constant 0 : i32
        %dma_wait3A_569 = tpu.memref_slice %arg40[%dma_wait3A_567, %dma_wait3A_568] : memref<10000x64xf32, #tpu.memory_space<vmem_shared>> -> memref<16x64xf32, #tpu.memory_space<vmem_shared>>
        %dma_wait3A_570 = arith.constant 9984 : i32
        %dma_wait3A_571 = arith.constant 0 : i32
        %dma_wait3A_572 = tpu.memref_slice %arg9[%dma_wait3A_570, %dma_wait3A_571] : memref<10000x64xf32, #tpu.memory_space<hbm>> -> memref<16x64xf32, #tpu.memory_space<hbm>>
        tpu.wait_dma2 semaphore(%run_scoped3A : memref<!tpu.dma_semaphore, #tpu.memory_space<semaphore_mem>>) src(%dma_wait3A_572 : memref<16x64xf32, #tpu.memory_space<hbm>>) dst(%dma_wait3A_569 : memref<16x64xf32, #tpu.memory_space<vmem_shared>>)
        tpu.yield
      }) : () -> ()
    } else {
    }
    %barrier3A = arith.constant 0 : index
    tpu.barrier barrier_id(%barrier3A)
    %add3A = arith.constant 0 : i32
    %add3A_7 = arith.addi %mul3A_2, %add3A : i32
    %dma_start3A = tpu.memref_slice %arg5[%add3A_7] : memref<320000xi32, #tpu.memory_space<hbm>> -> memref<80xi32, #tpu.memory_space<hbm>>
    %dma_start3A_8 = tpu.memref_slice %arg5[%add3A_7] : memref<320000xi32, #tpu.memory_space<hbm>> -> memref<80xi32, #tpu.memory_space<hbm>>
    tpu.enqueue_dma source(%dma_start3A_8 : memref<80xi32, #tpu.memory_space<hbm>>) target(%arg14 : memref<80xi32, #tpu.memory_space<vmem>>) target_semaphore(%arg42 : memref<!tpu.dma_semaphore, #tpu.memory_space<semaphore_mem>>)
    %dma_start3A_9 = tpu.memref_slice %arg6[%add3A_7] : memref<320000xi32, #tpu.memory_space<hbm>> -> memref<80xi32, #tpu.memory_space<hbm>>
    %dma_start3A_10 = tpu.memref_slice %arg6[%add3A_7] : memref<320000xi32, #tpu.memory_space<hbm>> -> memref<80xi32, #tpu.memory_space<hbm>>
    tpu.enqueue_dma source(%dma_start3A_10 : memref<80xi32, #tpu.memory_space<hbm>>) target(%arg18 : memref<80xi32, #tpu.memory_space<vmem>>) target_semaphore(%arg42 : memref<!tpu.dma_semaphore, #tpu.memory_space<semaphore_mem>>)
    %dma_start3A_11 = arith.constant 0 : i32
    %dma_start3A_12 = tpu.memref_slice %arg7[%add3A_7, %dma_start3A_11] : memref<320000x16xf32, #tpu.memory_space<hbm>> -> memref<80x16xf32, #tpu.memory_space<hbm>>
    %dma_start3A_13 = arith.constant 0 : i32
    %dma_start3A_14 = tpu.memref_slice %arg7[%add3A_7, %dma_start3A_13] : memref<320000x16xf32, #tpu.memory_space<hbm>> -> memref<80x16xf32, #tpu.memory_space<hbm>>
    tpu.enqueue_dma source(%dma_start3A_14 : memref<80x16xf32, #tpu.memory_space<hbm>>) target(%arg26 : memref<80x16xf32, #tpu.memory_space<vmem>>) target_semaphore(%arg42 : memref<!tpu.dma_semaphore, #tpu.memory_space<semaphore_mem>>)
    %add3A_15 = arith.constant 80 : i32
    %add3A_16 = arith.addi %mul3A_2, %add3A_15 : i32
    %dma_start3A_17 = tpu.memref_slice %arg5[%add3A_16] : memref<320000xi32, #tpu.memory_space<hbm>> -> memref<80xi32, #tpu.memory_space<hbm>>
    %dma_start3A_18 = tpu.memref_slice %arg5[%add3A_16] : memref<320000xi32, #tpu.memory_space<hbm>> -> memref<80xi32, #tpu.memory_space<hbm>>
    tpu.enqueue_dma source(%dma_start3A_18 : memref<80xi32, #tpu.memory_space<hbm>>) target(%arg15 : memref<80xi32, #tpu.memory_space<vmem>>) target_semaphore(%arg43 : memref<!tpu.dma_semaphore, #tpu.memory_space<semaphore_mem>>)
    %dma_start3A_19 = tpu.memref_slice %arg6[%add3A_16] : memref<320000xi32, #tpu.memory_space<hbm>> -> memref<80xi32, #tpu.memory_space<hbm>>
    %dma_start3A_20 = tpu.memref_slice %arg6[%add3A_16] : memref<320000xi32, #tpu.memory_space<hbm>> -> memref<80xi32, #tpu.memory_space<hbm>>
    tpu.enqueue_dma source(%dma_start3A_20 : memref<80xi32, #tpu.memory_space<hbm>>) target(%arg19 : memref<80xi32, #tpu.memory_space<vmem>>) target_semaphore(%arg43 : memref<!tpu.dma_semaphore, #tpu.memory_space<semaphore_mem>>)
    %dma_start3A_21 = arith.constant 0 : i32
    %dma_start3A_22 = tpu.memref_slice %arg7[%add3A_16, %dma_start3A_21] : memref<320000x16xf32, #tpu.memory_space<hbm>> -> memref<80x16xf32, #tpu.memory_space<hbm>>
    %dma_start3A_23 = arith.constant 0 : i32
    %dma_start3A_24 = tpu.memref_slice %arg7[%add3A_16, %dma_start3A_23] : memref<320000x16xf32, #tpu.memory_space<hbm>> -> memref<80x16xf32, #tpu.memory_space<hbm>>
    tpu.enqueue_dma source(%dma_start3A_24 : memref<80x16xf32, #tpu.memory_space<hbm>>) target(%arg27 : memref<80x16xf32, #tpu.memory_space<vmem>>) target_semaphore(%arg43 : memref<!tpu.dma_semaphore, #tpu.memory_space<semaphore_mem>>)
    %dma_wait3A = arith.constant 0 : i32
    %dma_wait3A_25 = tpu.memref_slice %arg5[%dma_wait3A] : memref<320000xi32, #tpu.memory_space<hbm>> -> memref<80xi32, #tpu.memory_space<hbm>>
    %dma_wait3A_26 = arith.constant 0 : i32
    %dma_wait3A_27 = tpu.memref_slice %arg5[%dma_wait3A_26] : memref<320000xi32, #tpu.memory_space<hbm>> -> memref<80xi32, #tpu.memory_space<hbm>>
    tpu.wait_dma2 semaphore(%arg42 : memref<!tpu.dma_semaphore, #tpu.memory_space<semaphore_mem>>) src(%dma_wait3A_27 : memref<80xi32, #tpu.memory_space<hbm>>) dst(%arg14 : memref<80xi32, #tpu.memory_space<vmem>>)
    %dma_wait3A_28 = arith.constant 0 : i32
    %dma_wait3A_29 = tpu.memref_slice %arg6[%dma_wait3A_28] : memref<320000xi32, #tpu.memory_space<hbm>> -> memref<80xi32, #tpu.memory_space<hbm>>
    %dma_wait3A_30 = arith.constant 0 : i32
    %dma_wait3A_31 = tpu.memref_slice %arg6[%dma_wait3A_30] : memref<320000xi32, #tpu.memory_space<hbm>> -> memref<80xi32, #tpu.memory_space<hbm>>
    tpu.wait_dma2 semaphore(%arg42 : memref<!tpu.dma_semaphore, #tpu.memory_space<semaphore_mem>>) src(%dma_wait3A_31 : memref<80xi32, #tpu.memory_space<hbm>>) dst(%arg18 : memref<80xi32, #tpu.memory_space<vmem>>)
    %dma_wait3A_32 = arith.constant 0 : i32
    %dma_wait3A_33 = arith.constant 0 : i32
    %dma_wait3A_34 = tpu.memref_slice %arg7[%dma_wait3A_32, %dma_wait3A_33] : memref<320000x16xf32, #tpu.memory_space<hbm>> -> memref<80x16xf32, #tpu.memory_space<hbm>>
    %dma_wait3A_35 = arith.constant 0 : i32
    %dma_wait3A_36 = arith.constant 0 : i32
    %dma_wait3A_37 = tpu.memref_slice %arg7[%dma_wait3A_35, %dma_wait3A_36] : memref<320000x16xf32, #tpu.memory_space<hbm>> -> memref<80x16xf32, #tpu.memory_space<hbm>>
    tpu.wait_dma2 semaphore(%arg42 : memref<!tpu.dma_semaphore, #tpu.memory_space<semaphore_mem>>) src(%dma_wait3A_37 : memref<80x16xf32, #tpu.memory_space<hbm>>) dst(%arg26 : memref<80x16xf32, #tpu.memory_space<vmem>>)
    %get3A = arith.constant 0 : index
    %get3A_38 = tpu.vector_load %arg14[%get3A] {strides = array<i32>} : memref<80xi32, #tpu.memory_space<vmem>>, vector<16xi32>,
    %get3A_39 = vector.shape_cast %get3A_38 : vector<16xi32> to vector<16xi32>
    %mul3A_40 = arith.constant 2 : i32
    %mul3A_41 = vector.broadcast %mul3A_40 : i32 to vector<16xi32>
    %mul3A_42 = arith.muli %get3A_39, %mul3A_41 : vector<16xi32>
    %add3A_43 = vector.broadcast %arg0 : i32 to vector<16xi32>
    %add3A_44 = arith.addi %mul3A_42, %add3A_43 : vector<16xi32>
    %swap3A = arith.constant 0 : index
    %swap3A_45 = tpu.vector_load %arg14[%swap3A] {strides = array<i32>} : memref<80xi32, #tpu.memory_space<vmem>>, vector<16xi32>,
    %swap3A_46 = vector.shape_cast %swap3A_45 : vector<16xi32> to vector<16xi32>
    %swap3A_47 = vector.shape_cast %add3A_44 : vector<16xi32> to vector<16xi32>
    tpu.vector_store %arg14[%swap3A], %swap3A_47 {strides = array<i32>} : memref<80xi32, #tpu.memory_space<vmem>>, vector<16xi32>,
    %get3A_48 = arith.constant 16 : index
    %get3A_49 = tpu.vector_load %arg14[%get3A_48] {strides = array<i32>} : memref<80xi32, #tpu.memory_space<vmem>>, vector<16xi32>,
    %get3A_50 = vector.shape_cast %get3A_49 : vector<16xi32> to vector<16xi32>
    %mul3A_51 = arith.constant 2 : i32
    %mul3A_52 = vector.broadcast %mul3A_51 : i32 to vector<16xi32>
    %mul3A_53 = arith.muli %get3A_50, %mul3A_52 : vector<16xi32>
    %add3A_54 = vector.broadcast %arg0 : i32 to vector<16xi32>
    %add3A_55 = arith.addi %mul3A_53, %add3A_54 : vector<16xi32>
    %swap3A_56 = arith.constant 16 : index
    %swap3A_57 = tpu.vector_load %arg14[%swap3A_56] {strides = array<i32>} : memref<80xi32, #tpu.memory_space<vmem>>, vector<16xi32>,
    %swap3A_58 = vector.shape_cast %swap3A_57 : vector<16xi32> to vector<16xi32>
    %swap3A_59 = vector.shape_cast %add3A_55 : vector<16xi32> to vector<16xi32>
    tpu.vector_store %arg14[%swap3A_56], %swap3A_59 {strides = array<i32>} : memref<80xi32, #tpu.memory_space<vmem>>, vector<16xi32>,
    %get3A_60 = arith.constant 32 : index
    %get3A_61 = tpu.vector_load %arg14[%get3A_60] {strides = array<i32>} : memref<80xi32, #tpu.memory_space<vmem>>, vector<16xi32>,
    %get3A_62 = vector.shape_cast %get3A_61 : vector<16xi32> to vector<16xi32>
    %mul3A_63 = arith.constant 2 : i32
    %mul3A_64 = vector.broadcast %mul3A_63 : i32 to vector<16xi32>
    %mul3A_65 = arith.muli %get3A_62, %mul3A_64 : vector<16xi32>
    %add3A_66 = vector.broadcast %arg0 : i32 to vector<16xi32>
    %add3A_67 = arith.addi %mul3A_65, %add3A_66 : vector<16xi32>
    %swap3A_68 = arith.constant 32 : index
    %swap3A_69 = tpu.vector_load %arg14[%swap3A_68] {strides = array<i32>} : memref<80xi32, #tpu.memory_space<vmem>>, vector<16xi32>,
    %swap3A_70 = vector.shape_cast %swap3A_69 : vector<16xi32> to vector<16xi32>
    %swap3A_71 = vector.shape_cast %add3A_67 : vector<16xi32> to vector<16xi32>
    tpu.vector_store %arg14[%swap3A_68], %swap3A_71 {strides = array<i32>} : memref<80xi32, #tpu.memory_space<vmem>>, vector<16xi32>,
    %get3A_72 = arith.constant 48 : index
    %get3A_73 = tpu.vector_load %arg14[%get3A_72] {strides = array<i32>} : memref<80xi32, #tpu.memory_space<vmem>>, vector<16xi32>,
    %get3A_74 = vector.shape_cast %get3A_73 : vector<16xi32> to vector<16xi32>
    %mul3A_75 = arith.constant 2 : i32
    %mul3A_76 = vector.broadcast %mul3A_75 : i32 to vector<16xi32>
    %mul3A_77 = arith.muli %get3A_74, %mul3A_76 : vector<16xi32>
    %add3A_78 = vector.broadcast %arg0 : i32 to vector<16xi32>
    %add3A_79 = arith.addi %mul3A_77, %add3A_78 : vector<16xi32>
    %swap3A_80 = arith.constant 48 : index
    %swap3A_81 = tpu.vector_load %arg14[%swap3A_80] {strides = array<i32>} : memref<80xi32, #tpu.memory_space<vmem>>, vector<16xi32>,
    %swap3A_82 = vector.shape_cast %swap3A_81 : vector<16xi32> to vector<16xi32>
    %swap3A_83 = vector.shape_cast %add3A_79 : vector<16xi32> to vector<16xi32>
    tpu.vector_store %arg14[%swap3A_80], %swap3A_83 {strides = array<i32>} : memref<80xi32, #tpu.memory_space<vmem>>, vector<16xi32>,
    %get3A_84 = arith.constant 64 : index
    %get3A_85 = tpu.vector_load %arg14[%get3A_84] {strides = array<i32>} : memref<80xi32, #tpu.memory_space<vmem>>, vector<16xi32>,
    %get3A_86 = vector.shape_cast %get3A_85 : vector<16xi32> to vector<16xi32>
    %mul3A_87 = arith.constant 2 : i32
    %mul3A_88 = vector.broadcast %mul3A_87 : i32 to vector<16xi32>
    %mul3A_89 = arith.muli %get3A_86, %mul3A_88 : vector<16xi32>
    %add3A_90 = vector.broadcast %arg0 : i32 to vector<16xi32>
    %add3A_91 = arith.addi %mul3A_89, %add3A_90 : vector<16xi32>
    %swap3A_92 = arith.constant 64 : index
    %swap3A_93 = tpu.vector_load %arg14[%swap3A_92] {strides = array<i32>} : memref<80xi32, #tpu.memory_space<vmem>>, vector<16xi32>,
    %swap3A_94 = vector.shape_cast %swap3A_93 : vector<16xi32> to vector<16xi32>
    %swap3A_95 = vector.shape_cast %add3A_91 : vector<16xi32> to vector<16xi32>
    tpu.vector_store %arg14[%swap3A_92], %swap3A_95 {strides = array<i32>} : memref<80xi32, #tpu.memory_space<vmem>>, vector<16xi32>,
    %get3A_96 = arith.constant 0 : index
    %get3A_97 = tpu.vector_load %arg18[%get3A_96] {strides = array<i32>} : memref<80xi32, #tpu.memory_space<vmem>>, vector<16xi32>,
    %get3A_98 = vector.shape_cast %get3A_97 : vector<16xi32> to vector<16xi32>
    %mul3A_99 = arith.constant 2 : i32
    %mul3A_100 = vector.broadcast %mul3A_99 : i32 to vector<16xi32>
    %mul3A_101 = arith.muli %get3A_98, %mul3A_100 : vector<16xi32>
    %add3A_102 = vector.broadcast %arg0 : i32 to vector<16xi32>
    %add3A_103 = arith.addi %mul3A_101, %add3A_102 : vector<16xi32>
    %swap3A_104 = arith.constant 0 : index
    %swap3A_105 = tpu.vector_load %arg22[%swap3A_104] {strides = array<i32>} : memref<80xi32, #tpu.memory_space<vmem>>, vector<16xi32>,
    %swap3A_106 = vector.shape_cast %swap3A_105 : vector<16xi32> to vector<16xi32>
    %swap3A_107 = vector.shape_cast %add3A_103 : vector<16xi32> to vector<16xi32>
    tpu.vector_store %arg22[%swap3A_104], %swap3A_107 {strides = array<i32>} : memref<80xi32, #tpu.memory_space<vmem>>, vector<16xi32>,
    %get3A_108 = arith.constant 16 : index
    %get3A_109 = tpu.vector_load %arg18[%get3A_108] {strides = array<i32>} : memref<80xi32, #tpu.memory_space<vmem>>, vector<16xi32>,
    %get3A_110 = vector.shape_cast %get3A_109 : vector<16xi32> to vector<16xi32>
    %mul3A_111 = arith.constant 2 : i32
    %mul3A_112 = vector.broadcast %mul3A_111 : i32 to vector<16xi32>
    %mul3A_113 = arith.muli %get3A_110, %mul3A_112 : vector<16xi32>
    %add3A_114 = vector.broadcast %arg0 : i32 to vector<16xi32>
    %add3A_115 = arith.addi %mul3A_113, %add3A_114 : vector<16xi32>
    %swap3A_116 = arith.constant 16 : index
    %swap3A_117 = tpu.vector_load %arg22[%swap3A_116] {strides = array<i32>} : memref<80xi32, #tpu.memory_space<vmem>>, vector<16xi32>,
    %swap3A_118 = vector.shape_cast %swap3A_117 : vector<16xi32> to vector<16xi32>
    %swap3A_119 = vector.shape_cast %add3A_115 : vector<16xi32> to vector<16xi32>
    tpu.vector_store %arg22[%swap3A_116], %swap3A_119 {strides = array<i32>} : memref<80xi32, #tpu.memory_space<vmem>>, vector<16xi32>,
    %get3A_120 = arith.constant 32 : index
    %get3A_121 = tpu.vector_load %arg18[%get3A_120] {strides = array<i32>} : memref<80xi32, #tpu.memory_space<vmem>>, vector<16xi32>,
    %get3A_122 = vector.shape_cast %get3A_121 : vector<16xi32> to vector<16xi32>
    %mul3A_123 = arith.constant 2 : i32
    %mul3A_124 = vector.broadcast %mul3A_123 : i32 to vector<16xi32>
    %mul3A_125 = arith.muli %get3A_122, %mul3A_124 : vector<16xi32>
    %add3A_126 = vector.broadcast %arg0 : i32 to vector<16xi32>
    %add3A_127 = arith.addi %mul3A_125, %add3A_126 : vector<16xi32>
    %swap3A_128 = arith.constant 32 : index
    %swap3A_129 = tpu.vector_load %arg22[%swap3A_128] {strides = array<i32>} : memref<80xi32, #tpu.memory_space<vmem>>, vector<16xi32>,
    %swap3A_130 = vector.shape_cast %swap3A_129 : vector<16xi32> to vector<16xi32>
    %swap3A_131 = vector.shape_cast %add3A_127 : vector<16xi32> to vector<16xi32>
    tpu.vector_store %arg22[%swap3A_128], %swap3A_131 {strides = array<i32>} : memref<80xi32, #tpu.memory_space<vmem>>, vector<16xi32>,
    %get3A_132 = arith.constant 48 : index
    %get3A_133 = tpu.vector_load %arg18[%get3A_132] {strides = array<i32>} : memref<80xi32, #tpu.memory_space<vmem>>, vector<16xi32>,
    %get3A_134 = vector.shape_cast %get3A_133 : vector<16xi32> to vector<16xi32>
    %mul3A_135 = arith.constant 2 : i32
    %mul3A_136 = vector.broadcast %mul3A_135 : i32 to vector<16xi32>
    %mul3A_137 = arith.muli %get3A_134, %mul3A_136 : vector<16xi32>
    %add3A_138 = vector.broadcast %arg0 : i32 to vector<16xi32>
    %add3A_139 = arith.addi %mul3A_137, %add3A_138 : vector<16xi32>
    %swap3A_140 = arith.constant 48 : index
    %swap3A_141 = tpu.vector_load %arg22[%swap3A_140] {strides = array<i32>} : memref<80xi32, #tpu.memory_space<vmem>>, vector<16xi32>,
    %swap3A_142 = vector.shape_cast %swap3A_141 : vector<16xi32> to vector<16xi32>
    %swap3A_143 = vector.shape_cast %add3A_139 : vector<16xi32> to vector<16xi32>
    tpu.vector_store %arg22[%swap3A_140], %swap3A_143 {strides = array<i32>} : memref<80xi32, #tpu.memory_space<vmem>>, vector<16xi32>,
    %get3A_144 = arith.constant 64 : index
    %get3A_145 = tpu.vector_load %arg18[%get3A_144] {strides = array<i32>} : memref<80xi32, #tpu.memory_space<vmem>>, vector<16xi32>,
    %get3A_146 = vector.shape_cast %get3A_145 : vector<16xi32> to vector<16xi32>
    %mul3A_147 = arith.constant 2 : i32
    %mul3A_148 = vector.broadcast %mul3A_147 : i32 to vector<16xi32>
    %mul3A_149 = arith.muli %get3A_146, %mul3A_148 : vector<16xi32>
    %add3A_150 = vector.broadcast %arg0 : i32 to vector<16xi32>
    %add3A_151 = arith.addi %mul3A_149, %add3A_150 : vector<16xi32>
    %swap3A_152 = arith.constant 64 : index
    %swap3A_153 = tpu.vector_load %arg22[%swap3A_152] {strides = array<i32>} : memref<80xi32, #tpu.memory_space<vmem>>, vector<16xi32>,
    %swap3A_154 = vector.shape_cast %swap3A_153 : vector<16xi32> to vector<16xi32>
    %swap3A_155 = vector.shape_cast %add3A_151 : vector<16xi32> to vector<16xi32>
    tpu.vector_store %arg22[%swap3A_152], %swap3A_155 {strides = array<i32>} : memref<80xi32, #tpu.memory_space<vmem>>, vector<16xi32>,
    %dma_start3A_156 = arith.constant 0 : i32
    %dma_start3A_157 = arith.constant 0 : i32
    %dma_start3A_158 = tpu.memref_slice %arg2[%dma_start3A_156, %dma_start3A_157] : memref<20000x128xf32, #tpu.memory_space<hbm>> -> memref<20000x128xf32, #tpu.memory_space<hbm>>
    tpu.enqueue_indirect_dma source(%dma_start3A_158 : memref<20000x128xf32, #tpu.memory_space<hbm>>) target(%arg30 : memref<80x128xf32, #tpu.memory_space<vmem>>) offsets(%arg14 : memref<80xi32, #tpu.memory_space<vmem>>) semaphore(%arg46 : memref<!tpu.dma_semaphore, #tpu.memory_space<semaphore_mem>>)
    %dma_start3A_159 = arith.constant 0 : i32
    %dma_start3A_160 = arith.constant 0 : i32
    %dma_start3A_161 = tpu.memref_slice %arg3[%dma_start3A_159, %dma_start3A_160] : memref<20000x64xf32, #tpu.memory_space<hbm>> -> memref<20000x64xf32, #tpu.memory_space<hbm>>
    tpu.enqueue_indirect_dma source(%dma_start3A_161 : memref<20000x64xf32, #tpu.memory_space<hbm>>) target(%arg34 : memref<80x64xf32, #tpu.memory_space<vmem>>) offsets(%arg22 : memref<80xi32, #tpu.memory_space<vmem>>) semaphore(%arg46 : memref<!tpu.dma_semaphore, #tpu.memory_space<semaphore_mem>>)
    %add3A_162 = arith.constant 160 : i32
    %add3A_163 = arith.addi %mul3A_2, %add3A_162 : i32
    %dma_start3A_164 = tpu.memref_slice %arg5[%add3A_163] : memref<320000xi32, #tpu.memory_space<hbm>> -> memref<80xi32, #tpu.memory_space<hbm>>
    %dma_start3A_165 = tpu.memref_slice %arg5[%add3A_163] : memref<320000xi32, #tpu.memory_space<hbm>> -> memref<80xi32, #tpu.memory_space<hbm>>
    tpu.enqueue_dma source(%dma_start3A_165 : memref<80xi32, #tpu.memory_space<hbm>>) target(%arg16 : memref<80xi32, #tpu.memory_space<vmem>>) target_semaphore(%arg44 : memref<!tpu.dma_semaphore, #tpu.memory_space<semaphore_mem>>)
    %dma_start3A_166 = tpu.memref_slice %arg6[%add3A_163] : memref<320000xi32, #tpu.memory_space<hbm>> -> memref<80xi32, #tpu.memory_space<hbm>>
    %dma_start3A_167 = tpu.memref_slice %arg6[%add3A_163] : memref<320000xi32, #tpu.memory_space<hbm>> -> memref<80xi32, #tpu.memory_space<hbm>>
    tpu.enqueue_dma source(%dma_start3A_167 : memref<80xi32, #tpu.memory_space<hbm>>) target(%arg20 : memref<80xi32, #tpu.memory_space<vmem>>) target_semaphore(%arg44 : memref<!tpu.dma_semaphore, #tpu.memory_space<semaphore_mem>>)
    %dma_start3A_168 = arith.constant 0 : i32
    %dma_start3A_169 = tpu.memref_slice %arg7[%add3A_163, %dma_start3A_168] : memref<320000x16xf32, #tpu.memory_space<hbm>> -> memref<80x16xf32, #tpu.memory_space<hbm>>
    %dma_start3A_170 = arith.constant 0 : i32
    %dma_start3A_171 = tpu.memref_slice %arg7[%add3A_163, %dma_start3A_170] : memref<320000x16xf32, #tpu.memory_space<hbm>> -> memref<80x16xf32, #tpu.memory_space<hbm>>
    tpu.enqueue_dma source(%dma_start3A_171 : memref<80x16xf32, #tpu.memory_space<hbm>>) target(%arg28 : memref<80x16xf32, #tpu.memory_space<vmem>>) target_semaphore(%arg44 : memref<!tpu.dma_semaphore, #tpu.memory_space<semaphore_mem>>)
    %dma_wait3A_172 = arith.constant 0 : i32
    %dma_wait3A_173 = tpu.memref_slice %arg5[%dma_wait3A_172] : memref<320000xi32, #tpu.memory_space<hbm>> -> memref<80xi32, #tpu.memory_space<hbm>>
    %dma_wait3A_174 = arith.constant 0 : i32
    %dma_wait3A_175 = tpu.memref_slice %arg5[%dma_wait3A_174] : memref<320000xi32, #tpu.memory_space<hbm>> -> memref<80xi32, #tpu.memory_space<hbm>>
    tpu.wait_dma2 semaphore(%arg43 : memref<!tpu.dma_semaphore, #tpu.memory_space<semaphore_mem>>) src(%dma_wait3A_175 : memref<80xi32, #tpu.memory_space<hbm>>) dst(%arg15 : memref<80xi32, #tpu.memory_space<vmem>>)
    %dma_wait3A_176 = arith.constant 0 : i32
    %dma_wait3A_177 = tpu.memref_slice %arg6[%dma_wait3A_176] : memref<320000xi32, #tpu.memory_space<hbm>> -> memref<80xi32, #tpu.memory_space<hbm>>
    %dma_wait3A_178 = arith.constant 0 : i32
    %dma_wait3A_179 = tpu.memref_slice %arg6[%dma_wait3A_178] : memref<320000xi32, #tpu.memory_space<hbm>> -> memref<80xi32, #tpu.memory_space<hbm>>
    tpu.wait_dma2 semaphore(%arg43 : memref<!tpu.dma_semaphore, #tpu.memory_space<semaphore_mem>>) src(%dma_wait3A_179 : memref<80xi32, #tpu.memory_space<hbm>>) dst(%arg19 : memref<80xi32, #tpu.memory_space<vmem>>)
    %dma_wait3A_180 = arith.constant 0 : i32
    %dma_wait3A_181 = arith.constant 0 : i32
    %dma_wait3A_182 = tpu.memref_slice %arg7[%dma_wait3A_180, %dma_wait3A_181] : memref<320000x16xf32, #tpu.memory_space<hbm>> -> memref<80x16xf32, #tpu.memory_space<hbm>>
    %dma_wait3A_183 = arith.constant 0 : i32
    %dma_wait3A_184 = arith.constant 0 : i32
    %dma_wait3A_185 = tpu.memref_slice %arg7[%dma_wait3A_183, %dma_wait3A_184] : memref<320000x16xf32, #tpu.memory_space<hbm>> -> memref<80x16xf32, #tpu.memory_space<hbm>>
    tpu.wait_dma2 semaphore(%arg43 : memref<!tpu.dma_semaphore, #tpu.memory_space<semaphore_mem>>) src(%dma_wait3A_185 : memref<80x16xf32, #tpu.memory_space<hbm>>) dst(%arg27 : memref<80x16xf32, #tpu.memory_space<vmem>>)
    %get3A_186 = arith.constant 0 : index
    %get3A_187 = tpu.vector_load %arg15[%get3A_186] {strides = array<i32>} : memref<80xi32, #tpu.memory_space<vmem>>, vector<16xi32>,
    %get3A_188 = vector.shape_cast %get3A_187 : vector<16xi32> to vector<16xi32>
    %mul3A_189 = arith.constant 2 : i32
    %mul3A_190 = vector.broadcast %mul3A_189 : i32 to vector<16xi32>
    %mul3A_191 = arith.muli %get3A_188, %mul3A_190 : vector<16xi32>
    %add3A_192 = vector.broadcast %arg0 : i32 to vector<16xi32>
    %add3A_193 = arith.addi %mul3A_191, %add3A_192 : vector<16xi32>
    %swap3A_194 = arith.constant 0 : index
    %swap3A_195 = tpu.vector_load %arg15[%swap3A_194] {strides = array<i32>} : memref<80xi32, #tpu.memory_space<vmem>>, vector<16xi32>,
    %swap3A_196 = vector.shape_cast %swap3A_195 : vector<16xi32> to vector<16xi32>
    %swap3A_197 = vector.shape_cast %add3A_193 : vector<16xi32> to vector<16xi32>
    tpu.vector_store %arg15[%swap3A_194], %swap3A_197 {strides = array<i32>} : memref<80xi32, #tpu.memory_space<vmem>>, vector<16xi32>,
    %get3A_198 = arith.constant 16 : index
    %get3A_199 = tpu.vector_load %arg15[%get3A_198] {strides = array<i32>} : memref<80xi32, #tpu.memory_space<vmem>>, vector<16xi32>,
    %get3A_200 = vector.shape_cast %get3A_199 : vector<16xi32> to vector<16xi32>
    %mul3A_201 = arith.constant 2 : i32
    %mul3A_202 = vector.broadcast %mul3A_201 : i32 to vector<16xi32>
    %mul3A_203 = arith.muli %get3A_200, %mul3A_202 : vector<16xi32>
    %add3A_204 = vector.broadcast %arg0 : i32 to vector<16xi32>
    %add3A_205 = arith.addi %mul3A_203, %add3A_204 : vector<16xi32>
    %swap3A_206 = arith.constant 16 : index
    %swap3A_207 = tpu.vector_load %arg15[%swap3A_206] {strides = array<i32>} : memref<80xi32, #tpu.memory_space<vmem>>, vector<16xi32>,
    %swap3A_208 = vector.shape_cast %swap3A_207 : vector<16xi32> to vector<16xi32>
    %swap3A_209 = vector.shape_cast %add3A_205 : vector<16xi32> to vector<16xi32>
    tpu.vector_store %arg15[%swap3A_206], %swap3A_209 {strides = array<i32>} : memref<80xi32, #tpu.memory_space<vmem>>, vector<16xi32>,
    %get3A_210 = arith.constant 32 : index
    %get3A_211 = tpu.vector_load %arg15[%get3A_210] {strides = array<i32>} : memref<80xi32, #tpu.memory_space<vmem>>, vector<16xi32>,
    %get3A_212 = vector.shape_cast %get3A_211 : vector<16xi32> to vector<16xi32>
    %mul3A_213 = arith.constant 2 : i32
    %mul3A_214 = vector.broadcast %mul3A_213 : i32 to vector<16xi32>
    %mul3A_215 = arith.muli %get3A_212, %mul3A_214 : vector<16xi32>
    %add3A_216 = vector.broadcast %arg0 : i32 to vector<16xi32>
    %add3A_217 = arith.addi %mul3A_215, %add3A_216 : vector<16xi32>
    %swap3A_218 = arith.constant 32 : index
    %swap3A_219 = tpu.vector_load %arg15[%swap3A_218] {strides = array<i32>} : memref<80xi32, #tpu.memory_space<vmem>>, vector<16xi32>,
    %swap3A_220 = vector.shape_cast %swap3A_219 : vector<16xi32> to vector<16xi32>
    %swap3A_221 = vector.shape_cast %add3A_217 : vector<16xi32> to vector<16xi32>
    tpu.vector_store %arg15[%swap3A_218], %swap3A_221 {strides = array<i32>} : memref<80xi32, #tpu.memory_space<vmem>>, vector<16xi32>,
    %get3A_222 = arith.constant 48 : index
    %get3A_223 = tpu.vector_load %arg15[%get3A_222] {strides = array<i32>} : memref<80xi32, #tpu.memory_space<vmem>>, vector<16xi32>,
    %get3A_224 = vector.shape_cast %get3A_223 : vector<16xi32> to vector<16xi32>
    %mul3A_225 = arith.constant 2 : i32
    %mul3A_226 = vector.broadcast %mul3A_225 : i32 to vector<16xi32>
    %mul3A_227 = arith.muli %get3A_224, %mul3A_226 : vector<16xi32>
    %add3A_228 = vector.broadcast %arg0 : i32 to vector<16xi32>
    %add3A_229 = arith.addi %mul3A_227, %add3A_228 : vector<16xi32>
    %swap3A_230 = arith.constant 48 : index
    %swap3A_231 = tpu.vector_load %arg15[%swap3A_230] {strides = array<i32>} : memref<80xi32, #tpu.memory_space<vmem>>, vector<16xi32>,
    %swap3A_232 = vector.shape_cast %swap3A_231 : vector<16xi32> to vector<16xi32>
    %swap3A_233 = vector.shape_cast %add3A_229 : vector<16xi32> to vector<16xi32>
    tpu.vector_store %arg15[%swap3A_230], %swap3A_233 {strides = array<i32>} : memref<80xi32, #tpu.memory_space<vmem>>, vector<16xi32>,
    %get3A_234 = arith.constant 64 : index
    %get3A_235 = tpu.vector_load %arg15[%get3A_234] {strides = array<i32>} : memref<80xi32, #tpu.memory_space<vmem>>, vector<16xi32>,
    %get3A_236 = vector.shape_cast %get3A_235 : vector<16xi32> to vector<16xi32>
    %mul3A_237 = arith.constant 2 : i32
    %mul3A_238 = vector.broadcast %mul3A_237 : i32 to vector<16xi32>
    %mul3A_239 = arith.muli %get3A_236, %mul3A_238 : vector<16xi32>
    %add3A_240 = vector.broadcast %arg0 : i32 to vector<16xi32>
    %add3A_241 = arith.addi %mul3A_239, %add3A_240 : vector<16xi32>
    %swap3A_242 = arith.constant 64 : index
    %swap3A_243 = tpu.vector_load %arg15[%swap3A_242] {strides = array<i32>} : memref<80xi32, #tpu.memory_space<vmem>>, vector<16xi32>,
    %swap3A_244 = vector.shape_cast %swap3A_243 : vector<16xi32> to vector<16xi32>
    %swap3A_245 = vector.shape_cast %add3A_241 : vector<16xi32> to vector<16xi32>
    tpu.vector_store %arg15[%swap3A_242], %swap3A_245 {strides = array<i32>} : memref<80xi32, #tpu.memory_space<vmem>>, vector<16xi32>,
    %get3A_246 = arith.constant 0 : index
    %get3A_247 = tpu.vector_load %arg19[%get3A_246] {strides = array<i32>} : memref<80xi32, #tpu.memory_space<vmem>>, vector<16xi32>,
    %get3A_248 = vector.shape_cast %get3A_247 : vector<16xi32> to vector<16xi32>
    %mul3A_249 = arith.constant 2 : i32
    %mul3A_250 = vector.broadcast %mul3A_249 : i32 to vector<16xi32>
    %mul3A_251 = arith.muli %get3A_248, %mul3A_250 : vector<16xi32>
    %add3A_252 = vector.broadcast %arg0 : i32 to vector<16xi32>
    %add3A_253 = arith.addi %mul3A_251, %add3A_252 : vector<16xi32>
    %swap3A_254 = arith.constant 0 : index
    %swap3A_255 = tpu.vector_load %arg23[%swap3A_254] {strides = array<i32>} : memref<80xi32, #tpu.memory_space<vmem>>, vector<16xi32>,
    %swap3A_256 = vector.shape_cast %swap3A_255 : vector<16xi32> to vector<16xi32>
    %swap3A_257 = vector.shape_cast %add3A_253 : vector<16xi32> to vector<16xi32>
    tpu.vector_store %arg23[%swap3A_254], %swap3A_257 {strides = array<i32>} : memref<80xi32, #tpu.memory_space<vmem>>, vector<16xi32>,
    %get3A_258 = arith.constant 16 : index
    %get3A_259 = tpu.vector_load %arg19[%get3A_258] {strides = array<i32>} : memref<80xi32, #tpu.memory_space<vmem>>, vector<16xi32>,
    %get3A_260 = vector.shape_cast %get3A_259 : vector<16xi32> to vector<16xi32>
    %mul3A_261 = arith.constant 2 : i32
    %mul3A_262 = vector.broadcast %mul3A_261 : i32 to vector<16xi32>
    %mul3A_263 = arith.muli %get3A_260, %mul3A_262 : vector<16xi32>
    %add3A_264 = vector.broadcast %arg0 : i32 to vector<16xi32>
    %add3A_265 = arith.addi %mul3A_263, %add3A_264 : vector<16xi32>
    %swap3A_266 = arith.constant 16 : index
    %swap3A_267 = tpu.vector_load %arg23[%swap3A_266] {strides = array<i32>} : memref<80xi32, #tpu.memory_space<vmem>>, vector<16xi32>,
    %swap3A_268 = vector.shape_cast %swap3A_267 : vector<16xi32> to vector<16xi32>
    %swap3A_269 = vector.shape_cast %add3A_265 : vector<16xi32> to vector<16xi32>
    tpu.vector_store %arg23[%swap3A_266], %swap3A_269 {strides = array<i32>} : memref<80xi32, #tpu.memory_space<vmem>>, vector<16xi32>,
    %get3A_270 = arith.constant 32 : index
    %get3A_271 = tpu.vector_load %arg19[%get3A_270] {strides = array<i32>} : memref<80xi32, #tpu.memory_space<vmem>>, vector<16xi32>,
    %get3A_272 = vector.shape_cast %get3A_271 : vector<16xi32> to vector<16xi32>
    %mul3A_273 = arith.constant 2 : i32
    %mul3A_274 = vector.broadcast %mul3A_273 : i32 to vector<16xi32>
    %mul3A_275 = arith.muli %get3A_272, %mul3A_274 : vector<16xi32>
    %add3A_276 = vector.broadcast %arg0 : i32 to vector<16xi32>
    %add3A_277 = arith.addi %mul3A_275, %add3A_276 : vector<16xi32>
    %swap3A_278 = arith.constant 32 : index
    %swap3A_279 = tpu.vector_load %arg23[%swap3A_278] {strides = array<i32>} : memref<80xi32, #tpu.memory_space<vmem>>, vector<16xi32>,
    %swap3A_280 = vector.shape_cast %swap3A_279 : vector<16xi32> to vector<16xi32>
    %swap3A_281 = vector.shape_cast %add3A_277 : vector<16xi32> to vector<16xi32>
    tpu.vector_store %arg23[%swap3A_278], %swap3A_281 {strides = array<i32>} : memref<80xi32, #tpu.memory_space<vmem>>, vector<16xi32>,
    %get3A_282 = arith.constant 48 : index
    %get3A_283 = tpu.vector_load %arg19[%get3A_282] {strides = array<i32>} : memref<80xi32, #tpu.memory_space<vmem>>, vector<16xi32>,
    %get3A_284 = vector.shape_cast %get3A_283 : vector<16xi32> to vector<16xi32>
    %mul3A_285 = arith.constant 2 : i32
    %mul3A_286 = vector.broadcast %mul3A_285 : i32 to vector<16xi32>
    %mul3A_287 = arith.muli %get3A_284, %mul3A_286 : vector<16xi32>
    %add3A_288 = vector.broadcast %arg0 : i32 to vector<16xi32>
    %add3A_289 = arith.addi %mul3A_287, %add3A_288 : vector<16xi32>
    %swap3A_290 = arith.constant 48 : index
    %swap3A_291 = tpu.vector_load %arg23[%swap3A_290] {strides = array<i32>} : memref<80xi32, #tpu.memory_space<vmem>>, vector<16xi32>,
    %swap3A_292 = vector.shape_cast %swap3A_291 : vector<16xi32> to vector<16xi32>
    %swap3A_293 = vector.shape_cast %add3A_289 : vector<16xi32> to vector<16xi32>
    tpu.vector_store %arg23[%swap3A_290], %swap3A_293 {strides = array<i32>} : memref<80xi32, #tpu.memory_space<vmem>>, vector<16xi32>,
    %get3A_294 = arith.constant 64 : index
    %get3A_295 = tpu.vector_load %arg19[%get3A_294] {strides = array<i32>} : memref<80xi32, #tpu.memory_space<vmem>>, vector<16xi32>,
    %get3A_296 = vector.shape_cast %get3A_295 : vector<16xi32> to vector<16xi32>
    %mul3A_297 = arith.constant 2 : i32
    %mul3A_298 = vector.broadcast %mul3A_297 : i32 to vector<16xi32>
    %mul3A_299 = arith.muli %get3A_296, %mul3A_298 : vector<16xi32>
    %add3A_300 = vector.broadcast %arg0 : i32 to vector<16xi32>
    %add3A_301 = arith.addi %mul3A_299, %add3A_300 : vector<16xi32>
    %swap3A_302 = arith.constant 64 : index
    %swap3A_303 = tpu.vector_load %arg23[%swap3A_302] {strides = array<i32>} : memref<80xi32, #tpu.memory_space<vmem>>, vector<16xi32>,
    %swap3A_304 = vector.shape_cast %swap3A_303 : vector<16xi32> to vector<16xi32>
    %swap3A_305 = vector.shape_cast %add3A_301 : vector<16xi32> to vector<16xi32>
    tpu.vector_store %arg23[%swap3A_302], %swap3A_305 {strides = array<i32>} : memref<80xi32, #tpu.memory_space<vmem>>, vector<16xi32>,
    %dma_start3A_306 = arith.constant 0 : i32
    %dma_start3A_307 = arith.constant 0 : i32
    %dma_start3A_308 = tpu.memref_slice %arg2[%dma_start3A_306, %dma_start3A_307] : memref<20000x128xf32, #tpu.memory_space<hbm>> -> memref<20000x128xf32, #tpu.memory_space<hbm>>
    tpu.enqueue_indirect_dma source(%dma_start3A_308 : memref<20000x128xf32, #tpu.memory_space<hbm>>) target(%arg31 : memref<80x128xf32, #tpu.memory_space<vmem>>) offsets(%arg15 : memref<80xi32, #tpu.memory_space<vmem>>) semaphore(%arg47 : memref<!tpu.dma_semaphore, #tpu.memory_space<semaphore_mem>>)
    %dma_start3A_309 = arith.constant 0 : i32
    %dma_start3A_310 = arith.constant 0 : i32
    %dma_start3A_311 = tpu.memref_slice %arg3[%dma_start3A_309, %dma_start3A_310] : memref<20000x64xf32, #tpu.memory_space<hbm>> -> memref<20000x64xf32, #tpu.memory_space<hbm>>
    tpu.enqueue_indirect_dma source(%dma_start3A_311 : memref<20000x64xf32, #tpu.memory_space<hbm>>) target(%arg35 : memref<80x64xf32, #tpu.memory_space<vmem>>) offsets(%arg23 : memref<80xi32, #tpu.memory_space<vmem>>) semaphore(%arg47 : memref<!tpu.dma_semaphore, #tpu.memory_space<semaphore_mem>>)
    %add3A_312 = arith.constant 240 : i32
    %add3A_313 = arith.addi %mul3A_2, %add3A_312 : i32
    %dma_start3A_314 = tpu.memref_slice %arg5[%add3A_313] : memref<320000xi32, #tpu.memory_space<hbm>> -> memref<80xi32, #tpu.memory_space<hbm>>
    %dma_start3A_315 = tpu.memref_slice %arg5[%add3A_313] : memref<320000xi32, #tpu.memory_space<hbm>> -> memref<80xi32, #tpu.memory_space<hbm>>
    tpu.enqueue_dma source(%dma_start3A_315 : memref<80xi32, #tpu.memory_space<hbm>>) target(%arg17 : memref<80xi32, #tpu.memory_space<vmem>>) target_semaphore(%arg45 : memref<!tpu.dma_semaphore, #tpu.memory_space<semaphore_mem>>)
    %dma_start3A_316 = tpu.memref_slice %arg6[%add3A_313] : memref<320000xi32, #tpu.memory_space<hbm>> -> memref<80xi32, #tpu.memory_space<hbm>>
    %dma_start3A_317 = tpu.memref_slice %arg6[%add3A_313] : memref<320000xi32, #tpu.memory_space<hbm>> -> memref<80xi32, #tpu.memory_space<hbm>>
    tpu.enqueue_dma source(%dma_start3A_317 : memref<80xi32, #tpu.memory_space<hbm>>) target(%arg21 : memref<80xi32, #tpu.memory_space<vmem>>) target_semaphore(%arg45 : memref<!tpu.dma_semaphore, #tpu.memory_space<semaphore_mem>>)
    %dma_start3A_318 = arith.constant 0 : i32
    %dma_start3A_319 = tpu.memref_slice %arg7[%add3A_313, %dma_start3A_318] : memref<320000x16xf32, #tpu.memory_space<hbm>> -> memref<80x16xf32, #tpu.memory_space<hbm>>
    %dma_start3A_320 = arith.constant 0 : i32
    %dma_start3A_321 = tpu.memref_slice %arg7[%add3A_313, %dma_start3A_320] : memref<320000x16xf32, #tpu.memory_space<hbm>> -> memref<80x16xf32, #tpu.memory_space<hbm>>
    tpu.enqueue_dma source(%dma_start3A_321 : memref<80x16xf32, #tpu.memory_space<hbm>>) target(%arg29 : memref<80x16xf32, #tpu.memory_space<vmem>>) target_semaphore(%arg45 : memref<!tpu.dma_semaphore, #tpu.memory_space<semaphore_mem>>)
    %scan3A = arith.constant 0 : i32
    %scan3A_322 = arith.constant 0 : i32
    %scan3A_323 = arith.constant 63 : i32
    %scan3A_324 = arith.addi %scan3A_322, %scan3A_323 : i32
    %scan3A_325 = arith.constant 1 : i32
    scf.for %scan3A_561 = %scan3A_322 to %scan3A_324 step %scan3A_325  : i32 {
      %mul3A_562 = arith.constant 4 : i32
      %mul3A_563 = arith.muli %scan3A_561, %mul3A_562 : i32
      %add3A_564 = arith.constant 0 : i32
      %add3A_565 = arith.addi %mul3A_563, %add3A_564 : i32
      %add3A_566 = arith.constant 2 : i32
      %add3A_567 = arith.addi %add3A_565, %add3A_566 : i32
      %lt3A = arith.constant 250 : i32
      %lt3A_568 = arith.cmpi slt, %add3A_567, %lt3A : i32
      %convert_element_type3A_569 = arith.extui %lt3A_568 : i1 to i32
      %cond3A_570 = arith.constant 0 : i32
      %cond3A_571 = arith.cmpi ne, %convert_element_type3A_569, %cond3A_570 : i32
      scf.if %cond3A_571 {
        %dma_wait3A_647 = arith.constant 0 : i32
        %dma_wait3A_648 = tpu.memref_slice %arg5[%dma_wait3A_647] : memref<320000xi32, #tpu.memory_space<hbm>> -> memref<80xi32, #tpu.memory_space<hbm>>
        %dma_wait3A_649 = arith.constant 0 : i32
        %dma_wait3A_650 = tpu.memref_slice %arg5[%dma_wait3A_649] : memref<320000xi32, #tpu.memory_space<hbm>> -> memref<80xi32, #tpu.memory_space<hbm>>
        tpu.wait_dma2 semaphore(%arg44 : memref<!tpu.dma_semaphore, #tpu.memory_space<semaphore_mem>>) src(%dma_wait3A_650 : memref<80xi32, #tpu.memory_space<hbm>>) dst(%arg16 : memref<80xi32, #tpu.memory_space<vmem>>)
        %dma_wait3A_651 = arith.constant 0 : i32
        %dma_wait3A_652 = tpu.memref_slice %arg6[%dma_wait3A_651] : memref<320000xi32, #tpu.memory_space<hbm>> -> memref<80xi32, #tpu.memory_space<hbm>>
        %dma_wait3A_653 = arith.constant 0 : i32
        %dma_wait3A_654 = tpu.memref_slice %arg6[%dma_wait3A_653] : memref<320000xi32, #tpu.memory_space<hbm>> -> memref<80xi32, #tpu.memory_space<hbm>>
        tpu.wait_dma2 semaphore(%arg44 : memref<!tpu.dma_semaphore, #tpu.memory_space<semaphore_mem>>) src(%dma_wait3A_654 : memref<80xi32, #tpu.memory_space<hbm>>) dst(%arg20 : memref<80xi32, #tpu.memory_space<vmem>>)
        %dma_wait3A_655 = arith.constant 0 : i32
        %dma_wait3A_656 = arith.constant 0 : i32
        %dma_wait3A_657 = tpu.memref_slice %arg7[%dma_wait3A_655, %dma_wait3A_656] : memref<320000x16xf32, #tpu.memory_space<hbm>> -> memref<80x16xf32, #tpu.memory_space<hbm>>
        %dma_wait3A_658 = arith.constant 0 : i32
        %dma_wait3A_659 = arith.constant 0 : i32
        %dma_wait3A_660 = tpu.memref_slice %arg7[%dma_wait3A_658, %dma_wait3A_659] : memref<320000x16xf32, #tpu.memory_space<hbm>> -> memref<80x16xf32, #tpu.memory_space<hbm>>
        tpu.wait_dma2 semaphore(%arg44 : memref<!tpu.dma_semaphore, #tpu.memory_space<semaphore_mem>>) src(%dma_wait3A_660 : memref<80x16xf32, #tpu.memory_space<hbm>>) dst(%arg28 : memref<80x16xf32, #tpu.memory_space<vmem>>)
        %get3A_661 = arith.constant 0 : index
        %get3A_662 = tpu.vector_load %arg16[%get3A_661] {strides = array<i32>} : memref<80xi32, #tpu.memory_space<vmem>>, vector<16xi32>,
        %get3A_663 = vector.shape_cast %get3A_662 : vector<16xi32> to vector<16xi32>
        %mul3A_664 = arith.constant 2 : i32
        %mul3A_665 = vector.broadcast %mul3A_664 : i32 to vector<16xi32>
        %mul3A_666 = arith.muli %get3A_663, %mul3A_665 : vector<16xi32>
        %add3A_667 = vector.broadcast %arg0 : i32 to vector<16xi32>
        %add3A_668 = arith.addi %mul3A_666, %add3A_667 : vector<16xi32>
        %swap3A_669 = arith.constant 0 : index
        %swap3A_670 = tpu.vector_load %arg16[%swap3A_669] {strides = array<i32>} : memref<80xi32, #tpu.memory_space<vmem>>, vector<16xi32>,
        %swap3A_671 = vector.shape_cast %swap3A_670 : vector<16xi32> to vector<16xi32>
        %swap3A_672 = vector.shape_cast %add3A_668 : vector<16xi32> to vector<16xi32>
        tpu.vector_store %arg16[%swap3A_669], %swap3A_672 {strides = array<i32>} : memref<80xi32, #tpu.memory_space<vmem>>, vector<16xi32>,
        %get3A_673 = arith.constant 16 : index
        %get3A_674 = tpu.vector_load %arg16[%get3A_673] {strides = array<i32>} : memref<80xi32, #tpu.memory_space<vmem>>, vector<16xi32>,
        %get3A_675 = vector.shape_cast %get3A_674 : vector<16xi32> to vector<16xi32>
        %mul3A_676 = arith.constant 2 : i32
        %mul3A_677 = vector.broadcast %mul3A_676 : i32 to vector<16xi32>
        %mul3A_678 = arith.muli %get3A_675, %mul3A_677 : vector<16xi32>
        %add3A_679 = vector.broadcast %arg0 : i32 to vector<16xi32>
        %add3A_680 = arith.addi %mul3A_678, %add3A_679 : vector<16xi32>
        %swap3A_681 = arith.constant 16 : index
        %swap3A_682 = tpu.vector_load %arg16[%swap3A_681] {strides = array<i32>} : memref<80xi32, #tpu.memory_space<vmem>>, vector<16xi32>,
        %swap3A_683 = vector.shape_cast %swap3A_682 : vector<16xi32> to vector<16xi32>
        %swap3A_684 = vector.shape_cast %add3A_680 : vector<16xi32> to vector<16xi32>
        tpu.vector_store %arg16[%swap3A_681], %swap3A_684 {strides = array<i32>} : memref<80xi32, #tpu.memory_space<vmem>>, vector<16xi32>,
        %get3A_685 = arith.constant 32 : index
        %get3A_686 = tpu.vector_load %arg16[%get3A_685] {strides = array<i32>} : memref<80xi32, #tpu.memory_space<vmem>>, vector<16xi32>,
        %get3A_687 = vector.shape_cast %get3A_686 : vector<16xi32> to vector<16xi32>
        %mul3A_688 = arith.constant 2 : i32
        %mul3A_689 = vector.broadcast %mul3A_688 : i32 to vector<16xi32>
        %mul3A_690 = arith.muli %get3A_687, %mul3A_689 : vector<16xi32>
        %add3A_691 = vector.broadcast %arg0 : i32 to vector<16xi32>
        %add3A_692 = arith.addi %mul3A_690, %add3A_691 : vector<16xi32>
        %swap3A_693 = arith.constant 32 : index
        %swap3A_694 = tpu.vector_load %arg16[%swap3A_693] {strides = array<i32>} : memref<80xi32, #tpu.memory_space<vmem>>, vector<16xi32>,
        %swap3A_695 = vector.shape_cast %swap3A_694 : vector<16xi32> to vector<16xi32>
        %swap3A_696 = vector.shape_cast %add3A_692 : vector<16xi32> to vector<16xi32>
        tpu.vector_store %arg16[%swap3A_693], %swap3A_696 {strides = array<i32>} : memref<80xi32, #tpu.memory_space<vmem>>, vector<16xi32>,
        %get3A_697 = arith.constant 48 : index
        %get3A_698 = tpu.vector_load %arg16[%get3A_697] {strides = array<i32>} : memref<80xi32, #tpu.memory_space<vmem>>, vector<16xi32>,
        %get3A_699 = vector.shape_cast %get3A_698 : vector<16xi32> to vector<16xi32>
        %mul3A_700 = arith.constant 2 : i32
        %mul3A_701 = vector.broadcast %mul3A_700 : i32 to vector<16xi32>
        %mul3A_702 = arith.muli %get3A_699, %mul3A_701 : vector<16xi32>
        %add3A_703 = vector.broadcast %arg0 : i32 to vector<16xi32>
        %add3A_704 = arith.addi %mul3A_702, %add3A_703 : vector<16xi32>
        %swap3A_705 = arith.constant 48 : index
        %swap3A_706 = tpu.vector_load %arg16[%swap3A_705] {strides = array<i32>} : memref<80xi32, #tpu.memory_space<vmem>>, vector<16xi32>,
        %swap3A_707 = vector.shape_cast %swap3A_706 : vector<16xi32> to vector<16xi32>
        %swap3A_708 = vector.shape_cast %add3A_704 : vector<16xi32> to vector<16xi32>
        tpu.vector_store %arg16[%swap3A_705], %swap3A_708 {strides = array<i32>} : memref<80xi32, #tpu.memory_space<vmem>>, vector<16xi32>,
        %get3A_709 = arith.constant 64 : index
        %get3A_710 = tpu.vector_load %arg16[%get3A_709] {strides = array<i32>} : memref<80xi32, #tpu.memory_space<vmem>>, vector<16xi32>,
        %get3A_711 = vector.shape_cast %get3A_710 : vector<16xi32> to vector<16xi32>
        %mul3A_712 = arith.constant 2 : i32
        %mul3A_713 = vector.broadcast %mul3A_712 : i32 to vector<16xi32>
        %mul3A_714 = arith.muli %get3A_711, %mul3A_713 : vector<16xi32>
        %add3A_715 = vector.broadcast %arg0 : i32 to vector<16xi32>
        %add3A_716 = arith.addi %mul3A_714, %add3A_715 : vector<16xi32>
        %swap3A_717 = arith.constant 64 : index
        %swap3A_718 = tpu.vector_load %arg16[%swap3A_717] {strides = array<i32>} : memref<80xi32, #tpu.memory_space<vmem>>, vector<16xi32>,
        %swap3A_719 = vector.shape_cast %swap3A_718 : vector<16xi32> to vector<16xi32>
        %swap3A_720 = vector.shape_cast %add3A_716 : vector<16xi32> to vector<16xi32>
        tpu.vector_store %arg16[%swap3A_717], %swap3A_720 {strides = array<i32>} : memref<80xi32, #tpu.memory_space<vmem>>, vector<16xi32>,
        %get3A_721 = arith.constant 0 : index
        %get3A_722 = tpu.vector_load %arg20[%get3A_721] {strides = array<i32>} : memref<80xi32, #tpu.memory_space<vmem>>, vector<16xi32>,
        %get3A_723 = vector.shape_cast %get3A_722 : vector<16xi32> to vector<16xi32>
        %mul3A_724 = arith.constant 2 : i32
        %mul3A_725 = vector.broadcast %mul3A_724 : i32 to vector<16xi32>
        %mul3A_726 = arith.muli %get3A_723, %mul3A_725 : vector<16xi32>
        %add3A_727 = vector.broadcast %arg0 : i32 to vector<16xi32>
        %add3A_728 = arith.addi %mul3A_726, %add3A_727 : vector<16xi32>
        %swap3A_729 = arith.constant 0 : index
        %swap3A_730 = tpu.vector_load %arg24[%swap3A_729] {strides = array<i32>} : memref<80xi32, #tpu.memory_space<vmem>>, vector<16xi32>,
        %swap3A_731 = vector.shape_cast %swap3A_730 : vector<16xi32> to vector<16xi32>
        %swap3A_732 = vector.shape_cast %add3A_728 : vector<16xi32> to vector<16xi32>
        tpu.vector_store %arg24[%swap3A_729], %swap3A_732 {strides = array<i32>} : memref<80xi32, #tpu.memory_space<vmem>>, vector<16xi32>,
        %get3A_733 = arith.constant 16 : index
        %get3A_734 = tpu.vector_load %arg20[%get3A_733] {strides = array<i32>} : memref<80xi32, #tpu.memory_space<vmem>>, vector<16xi32>,
        %get3A_735 = vector.shape_cast %get3A_734 : vector<16xi32> to vector<16xi32>
        %mul3A_736 = arith.constant 2 : i32
        %mul3A_737 = vector.broadcast %mul3A_736 : i32 to vector<16xi32>
        %mul3A_738 = arith.muli %get3A_735, %mul3A_737 : vector<16xi32>
        %add3A_739 = vector.broadcast %arg0 : i32 to vector<16xi32>
        %add3A_740 = arith.addi %mul3A_738, %add3A_739 : vector<16xi32>
        %swap3A_741 = arith.constant 16 : index
        %swap3A_742 = tpu.vector_load %arg24[%swap3A_741] {strides = array<i32>} : memref<80xi32, #tpu.memory_space<vmem>>, vector<16xi32>,
        %swap3A_743 = vector.shape_cast %swap3A_742 : vector<16xi32> to vector<16xi32>
        %swap3A_744 = vector.shape_cast %add3A_740 : vector<16xi32> to vector<16xi32>
        tpu.vector_store %arg24[%swap3A_741], %swap3A_744 {strides = array<i32>} : memref<80xi32, #tpu.memory_space<vmem>>, vector<16xi32>,
        %get3A_745 = arith.constant 32 : index
        %get3A_746 = tpu.vector_load %arg20[%get3A_745] {strides = array<i32>} : memref<80xi32, #tpu.memory_space<vmem>>, vector<16xi32>,
        %get3A_747 = vector.shape_cast %get3A_746 : vector<16xi32> to vector<16xi32>
        %mul3A_748 = arith.constant 2 : i32
        %mul3A_749 = vector.broadcast %mul3A_748 : i32 to vector<16xi32>
        %mul3A_750 = arith.muli %get3A_747, %mul3A_749 : vector<16xi32>
        %add3A_751 = vector.broadcast %arg0 : i32 to vector<16xi32>
        %add3A_752 = arith.addi %mul3A_750, %add3A_751 : vector<16xi32>
        %swap3A_753 = arith.constant 32 : index
        %swap3A_754 = tpu.vector_load %arg24[%swap3A_753] {strides = array<i32>} : memref<80xi32, #tpu.memory_space<vmem>>, vector<16xi32>,
        %swap3A_755 = vector.shape_cast %swap3A_754 : vector<16xi32> to vector<16xi32>
        %swap3A_756 = vector.shape_cast %add3A_752 : vector<16xi32> to vector<16xi32>
        tpu.vector_store %arg24[%swap3A_753], %swap3A_756 {strides = array<i32>} : memref<80xi32, #tpu.memory_space<vmem>>, vector<16xi32>,
        %get3A_757 = arith.constant 48 : index
        %get3A_758 = tpu.vector_load %arg20[%get3A_757] {strides = array<i32>} : memref<80xi32, #tpu.memory_space<vmem>>, vector<16xi32>,
        %get3A_759 = vector.shape_cast %get3A_758 : vector<16xi32> to vector<16xi32>
        %mul3A_760 = arith.constant 2 : i32
        %mul3A_761 = vector.broadcast %mul3A_760 : i32 to vector<16xi32>
        %mul3A_762 = arith.muli %get3A_759, %mul3A_761 : vector<16xi32>
        %add3A_763 = vector.broadcast %arg0 : i32 to vector<16xi32>
        %add3A_764 = arith.addi %mul3A_762, %add3A_763 : vector<16xi32>
        %swap3A_765 = arith.constant 48 : index
        %swap3A_766 = tpu.vector_load %arg24[%swap3A_765] {strides = array<i32>} : memref<80xi32, #tpu.memory_space<vmem>>, vector<16xi32>,
        %swap3A_767 = vector.shape_cast %swap3A_766 : vector<16xi32> to vector<16xi32>
        %swap3A_768 = vector.shape_cast %add3A_764 : vector<16xi32> to vector<16xi32>
        tpu.vector_store %arg24[%swap3A_765], %swap3A_768 {strides = array<i32>} : memref<80xi32, #tpu.memory_space<vmem>>, vector<16xi32>,
        %get3A_769 = arith.constant 64 : index
        %get3A_770 = tpu.vector_load %arg20[%get3A_769] {strides = array<i32>} : memref<80xi32, #tpu.memory_space<vmem>>, vector<16xi32>,
        %get3A_771 = vector.shape_cast %get3A_770 : vector<16xi32> to vector<16xi32>
        %mul3A_772 = arith.constant 2 : i32
        %mul3A_773 = vector.broadcast %mul3A_772 : i32 to vector<16xi32>
        %mul3A_774 = arith.muli %get3A_771, %mul3A_773 : vector<16xi32>
        %add3A_775 = vector.broadcast %arg0 : i32 to vector<16xi32>
        %add3A_776 = arith.addi %mul3A_774, %add3A_775 : vector<16xi32>
        %swap3A_777 = arith.constant 64 : index
        %swap3A_778 = tpu.vector_load %arg24[%swap3A_777] {strides = array<i32>} : memref<80xi32, #tpu.memory_space<vmem>>, vector<16xi32>,
        %swap3A_779 = vector.shape_cast %swap3A_778 : vector<16xi32> to vector<16xi32>
        %swap3A_780 = vector.shape_cast %add3A_776 : vector<16xi32> to vector<16xi32>
        tpu.vector_store %arg24[%swap3A_777], %swap3A_780 {strides = array<i32>} : memref<80xi32, #tpu.memory_space<vmem>>, vector<16xi32>,
        %dma_start3A_781 = arith.constant 0 : i32
        %dma_start3A_782 = arith.constant 0 : i32
        %dma_start3A_783 = tpu.memref_slice %arg2[%dma_start3A_781, %dma_start3A_782] : memref<20000x128xf32, #tpu.memory_space<hbm>> -> memref<20000x128xf32, #tpu.memory_space<hbm>>
        tpu.enqueue_indirect_dma source(%dma_start3A_783 : memref<20000x128xf32, #tpu.memory_space<hbm>>) target(%arg32 : memref<80x128xf32, #tpu.memory_space<vmem>>) offsets(%arg16 : memref<80xi32, #tpu.memory_space<vmem>>) semaphore(%arg48 : memref<!tpu.dma_semaphore, #tpu.memory_space<semaphore_mem>>)
        %dma_start3A_784 = arith.constant 0 : i32
        %dma_start3A_785 = arith.constant 0 : i32
        %dma_start3A_786 = tpu.memref_slice %arg3[%dma_start3A_784, %dma_start3A_785] : memref<20000x64xf32, #tpu.memory_space<hbm>> -> memref<20000x64xf32, #tpu.memory_space<hbm>>
        tpu.enqueue_indirect_dma source(%dma_start3A_786 : memref<20000x64xf32, #tpu.memory_space<hbm>>) target(%arg36 : memref<80x64xf32, #tpu.memory_space<vmem>>) offsets(%arg24 : memref<80xi32, #tpu.memory_space<vmem>>) semaphore(%arg48 : memref<!tpu.dma_semaphore, #tpu.memory_space<semaphore_mem>>)
      } else {
      }
      %lt3A_572 = arith.constant 250 : i32
      %lt3A_573 = arith.cmpi slt, %add3A_565, %lt3A_572 : i32
      %convert_element_type3A_574 = arith.extui %lt3A_573 : i1 to i32
      %cond3A_575 = arith.constant 0 : i32
      %cond3A_576 = arith.cmpi ne, %convert_element_type3A_574, %cond3A_575 : i32
      scf.if %cond3A_576 {
        %dma_wait3A_647 = arith.constant 0 : i32
        %dma_wait3A_648 = arith.constant 0 : i32
        %dma_wait3A_649 = tpu.memref_slice %arg2[%dma_wait3A_647, %dma_wait3A_648] : memref<20000x128xf32, #tpu.memory_space<hbm>> -> memref<80x128xf32, #tpu.memory_space<hbm>>
        %dma_wait3A_650 = arith.constant 0 : i32
        %dma_wait3A_651 = arith.constant 0 : i32
        %dma_wait3A_652 = tpu.memref_slice %arg2[%dma_wait3A_650, %dma_wait3A_651] : memref<20000x128xf32, #tpu.memory_space<hbm>> -> memref<80x128xf32, #tpu.memory_space<hbm>>
        tpu.wait_dma2 semaphore(%arg46 : memref<!tpu.dma_semaphore, #tpu.memory_space<semaphore_mem>>) src(%dma_wait3A_652 : memref<80x128xf32, #tpu.memory_space<hbm>>) dst(%arg30 : memref<80x128xf32, #tpu.memory_space<vmem>>)
        %dma_wait3A_653 = arith.constant 0 : i32
        %dma_wait3A_654 = arith.constant 0 : i32
        %dma_wait3A_655 = tpu.memref_slice %arg3[%dma_wait3A_653, %dma_wait3A_654] : memref<20000x64xf32, #tpu.memory_space<hbm>> -> memref<80x64xf32, #tpu.memory_space<hbm>>
        %dma_wait3A_656 = arith.constant 0 : i32
        %dma_wait3A_657 = arith.constant 0 : i32
        %dma_wait3A_658 = tpu.memref_slice %arg3[%dma_wait3A_656, %dma_wait3A_657] : memref<20000x64xf32, #tpu.memory_space<hbm>> -> memref<80x64xf32, #tpu.memory_space<hbm>>
        tpu.wait_dma2 semaphore(%arg46 : memref<!tpu.dma_semaphore, #tpu.memory_space<semaphore_mem>>) src(%dma_wait3A_658 : memref<80x64xf32, #tpu.memory_space<hbm>>) dst(%arg34 : memref<80x64xf32, #tpu.memory_space<vmem>>)
        %get3A_659 = arith.constant 0 : index
        %get3A_660 = tpu.vector_load %arg39[%get3A_659] {strides = array<i32>} : memref<64xf32, #tpu.memory_space<vmem>>, vector<16xf32>,
        %get3A_661 = vector.shape_cast %get3A_660 : vector<16xf32> to vector<16xf32>
        %get3A_662 = arith.constant 16 : index
        %get3A_663 = tpu.vector_load %arg39[%get3A_662] {strides = array<i32>} : memref<64xf32, #tpu.memory_space<vmem>>, vector<16xf32>,
        %get3A_664 = vector.shape_cast %get3A_663 : vector<16xf32> to vector<16xf32>
        %get3A_665 = arith.constant 32 : index
        %get3A_666 = tpu.vector_load %arg39[%get3A_665] {strides = array<i32>} : memref<64xf32, #tpu.memory_space<vmem>>, vector<16xf32>,
        %get3A_667 = vector.shape_cast %get3A_666 : vector<16xf32> to vector<16xf32>
        %get3A_668 = arith.constant 48 : index
        %get3A_669 = tpu.vector_load %arg39[%get3A_668] {strides = array<i32>} : memref<64xf32, #tpu.memory_space<vmem>>, vector<16xf32>,
        %get3A_670 = vector.shape_cast %get3A_669 : vector<16xf32> to vector<16xf32>
        %scan3A_671 = arith.constant 0 : i32
        %scan3A_672 = arith.constant 0 : i32
        %scan3A_673 = arith.constant 40 : i32
        %scan3A_674 = arith.addi %scan3A_672, %scan3A_673 : i32
        %scan3A_675 = arith.constant 1 : i32
        scf.for %scan3A_677 = %scan3A_672 to %scan3A_674 step %scan3A_675  : i32 {
          %mul3A_678 = arith.constant 2 : i32
          %mul3A_679 = arith.muli %scan3A_677, %mul3A_678 : i32
          %add3A_680 = arith.constant 0 : i32
          %add3A_681 = arith.addi %mul3A_679, %add3A_680 : i32
          %get3A_682 = arith.index_cast %add3A_681 : i32 to index
          %get3A_683 = arith.constant 0 : index
          %get3A_684 = tpu.vector_load %arg26[%get3A_682, %get3A_683] {strides = array<i32>} : memref<80x16xf32, #tpu.memory_space<vmem>>, vector<1x16xf32>,
          %get3A_685 = vector.shape_cast %get3A_684 : vector<1x16xf32> to vector<16xf32>
          %get3A_686 = arith.index_cast %add3A_681 : i32 to index
          %get3A_687 = arith.constant 0 : index
          %get3A_688 = tpu.vector_load %arg30[%get3A_686, %get3A_687] {strides = array<i32>} : memref<80x128xf32, #tpu.memory_space<vmem>>, vector<1x16xf32>,
          %get3A_689 = vector.shape_cast %get3A_688 : vector<1x16xf32> to vector<16xf32>
          %get3A_690 = arith.index_cast %add3A_681 : i32 to index
          %get3A_691 = arith.constant 0 : index
          %get3A_692 = tpu.vector_load %arg34[%get3A_690, %get3A_691] {strides = array<i32>} : memref<80x64xf32, #tpu.memory_space<vmem>>, vector<1x16xf32>,
          %get3A_693 = vector.shape_cast %get3A_692 : vector<1x16xf32> to vector<16xf32>
          %add3A_694 = arith.addf %get3A_689, %get3A_693 : vector<16xf32>
          %mul3A_695 = arith.mulf %get3A_685, %get3A_661 : vector<16xf32>
          %add3A_696 = arith.addf %add3A_694, %mul3A_695 : vector<16xf32>
          %exp3A = math.exp %add3A_696 : vector<16xf32>
          %add3A_697 = arith.constant 1.000000e+00 : f32
          %add3A_698 = vector.broadcast %add3A_697 : f32 to vector<16xf32>
          %add3A_699 = arith.addf %add3A_698, %exp3A : vector<16xf32>
          %div3A = arith.constant 1.000000e+00 : f32
          %div3A_700 = vector.broadcast %div3A : f32 to vector<16xf32>
          %div3A_701 = arith.divf %div3A_700, %add3A_699 : vector<16xf32>
          %get3A_702 = arith.index_cast %add3A_681 : i32 to index
          %get3A_703 = arith.constant 64 : index
          %get3A_704 = tpu.vector_load %arg30[%get3A_702, %get3A_703] {strides = array<i32>} : memref<80x128xf32, #tpu.memory_space<vmem>>, vector<1x16xf32>,
          %get3A_705 = vector.shape_cast %get3A_704 : vector<1x16xf32> to vector<16xf32>
          %mul3A_706 = arith.mulf %div3A_701, %get3A_705 : vector<16xf32>
          %get3A_707 = arith.index_cast %add3A_681 : i32 to index
          %get3A_708 = arith.constant 16 : index
          %get3A_709 = tpu.vector_load %arg30[%get3A_707, %get3A_708] {strides = array<i32>} : memref<80x128xf32, #tpu.memory_space<vmem>>, vector<1x16xf32>,
          %get3A_710 = vector.shape_cast %get3A_709 : vector<1x16xf32> to vector<16xf32>
          %get3A_711 = arith.index_cast %add3A_681 : i32 to index
          %get3A_712 = arith.constant 16 : index
          %get3A_713 = tpu.vector_load %arg34[%get3A_711, %get3A_712] {strides = array<i32>} : memref<80x64xf32, #tpu.memory_space<vmem>>, vector<1x16xf32>,
          %get3A_714 = vector.shape_cast %get3A_713 : vector<1x16xf32> to vector<16xf32>
          %add3A_715 = arith.addf %get3A_710, %get3A_714 : vector<16xf32>
          %mul3A_716 = arith.mulf %get3A_685, %get3A_664 : vector<16xf32>
          %add3A_717 = arith.addf %add3A_715, %mul3A_716 : vector<16xf32>
          %exp3A_718 = math.exp %add3A_717 : vector<16xf32>
          %add3A_719 = arith.constant 1.000000e+00 : f32
          %add3A_720 = vector.broadcast %add3A_719 : f32 to vector<16xf32>
          %add3A_721 = arith.addf %add3A_720, %exp3A_718 : vector<16xf32>
          %div3A_722 = arith.constant 1.000000e+00 : f32
          %div3A_723 = vector.broadcast %div3A_722 : f32 to vector<16xf32>
          %div3A_724 = arith.divf %div3A_723, %add3A_721 : vector<16xf32>
          %get3A_725 = arith.index_cast %add3A_681 : i32 to index
          %get3A_726 = arith.constant 80 : index
          %get3A_727 = tpu.vector_load %arg30[%get3A_725, %get3A_726] {strides = array<i32>} : memref<80x128xf32, #tpu.memory_space<vmem>>, vector<1x16xf32>,
          %get3A_728 = vector.shape_cast %get3A_727 : vector<1x16xf32> to vector<16xf32>
          %mul3A_729 = arith.mulf %div3A_724, %get3A_728 : vector<16xf32>
          %get3A_730 = arith.index_cast %add3A_681 : i32 to index
          %get3A_731 = arith.constant 32 : index
          %get3A_732 = tpu.vector_load %arg30[%get3A_730, %get3A_731] {strides = array<i32>} : memref<80x128xf32, #tpu.memory_space<vmem>>, vector<1x16xf32>,
          %get3A_733 = vector.shape_cast %get3A_732 : vector<1x16xf32> to vector<16xf32>
          %get3A_734 = arith.index_cast %add3A_681 : i32 to index
          %get3A_735 = arith.constant 32 : index
          %get3A_736 = tpu.vector_load %arg34[%get3A_734, %get3A_735] {strides = array<i32>} : memref<80x64xf32, #tpu.memory_space<vmem>>, vector<1x16xf32>,
          %get3A_737 = vector.shape_cast %get3A_736 : vector<1x16xf32> to vector<16xf32>
          %add3A_738 = arith.addf %get3A_733, %get3A_737 : vector<16xf32>
          %mul3A_739 = arith.mulf %get3A_685, %get3A_667 : vector<16xf32>
          %add3A_740 = arith.addf %add3A_738, %mul3A_739 : vector<16xf32>
          %exp3A_741 = math.exp %add3A_740 : vector<16xf32>
          %add3A_742 = arith.constant 1.000000e+00 : f32
          %add3A_743 = vector.broadcast %add3A_742 : f32 to vector<16xf32>
          %add3A_744 = arith.addf %add3A_743, %exp3A_741 : vector<16xf32>
          %div3A_745 = arith.constant 1.000000e+00 : f32
          %div3A_746 = vector.broadcast %div3A_745 : f32 to vector<16xf32>
          %div3A_747 = arith.divf %div3A_746, %add3A_744 : vector<16xf32>
          %get3A_748 = arith.index_cast %add3A_681 : i32 to index
          %get3A_749 = arith.constant 96 : index
          %get3A_750 = tpu.vector_load %arg30[%get3A_748, %get3A_749] {strides = array<i32>} : memref<80x128xf32, #tpu.memory_space<vmem>>, vector<1x16xf32>,
          %get3A_751 = vector.shape_cast %get3A_750 : vector<1x16xf32> to vector<16xf32>
          %mul3A_752 = arith.mulf %div3A_747, %get3A_751 : vector<16xf32>
          %get3A_753 = arith.index_cast %add3A_681 : i32 to index
          %get3A_754 = arith.constant 48 : index
          %get3A_755 = tpu.vector_load %arg30[%get3A_753, %get3A_754] {strides = array<i32>} : memref<80x128xf32, #tpu.memory_space<vmem>>, vector<1x16xf32>,
          %get3A_756 = vector.shape_cast %get3A_755 : vector<1x16xf32> to vector<16xf32>
          %get3A_757 = arith.index_cast %add3A_681 : i32 to index
          %get3A_758 = arith.constant 48 : index
          %get3A_759 = tpu.vector_load %arg34[%get3A_757, %get3A_758] {strides = array<i32>} : memref<80x64xf32, #tpu.memory_space<vmem>>, vector<1x16xf32>,
          %get3A_760 = vector.shape_cast %get3A_759 : vector<1x16xf32> to vector<16xf32>
          %add3A_761 = arith.addf %get3A_756, %get3A_760 : vector<16xf32>
          %mul3A_762 = arith.mulf %get3A_685, %get3A_670 : vector<16xf32>
          %add3A_763 = arith.addf %add3A_761, %mul3A_762 : vector<16xf32>
          %exp3A_764 = math.exp %add3A_763 : vector<16xf32>
          %add3A_765 = arith.constant 1.000000e+00 : f32
          %add3A_766 = vector.broadcast %add3A_765 : f32 to vector<16xf32>
          %add3A_767 = arith.addf %add3A_766, %exp3A_764 : vector<16xf32>
          %div3A_768 = arith.constant 1.000000e+00 : f32
          %div3A_769 = vector.broadcast %div3A_768 : f32 to vector<16xf32>
          %div3A_770 = arith.divf %div3A_769, %add3A_767 : vector<16xf32>
          %get3A_771 = arith.index_cast %add3A_681 : i32 to index
          %get3A_772 = arith.constant 112 : index
          %get3A_773 = tpu.vector_load %arg30[%get3A_771, %get3A_772] {strides = array<i32>} : memref<80x128xf32, #tpu.memory_space<vmem>>, vector<1x16xf32>,
          %get3A_774 = vector.shape_cast %get3A_773 : vector<1x16xf32> to vector<16xf32>
          %mul3A_775 = arith.mulf %div3A_770, %get3A_774 : vector<16xf32>
          %mul3A_776 = arith.constant 2 : i32
          %mul3A_777 = arith.muli %scan3A_677, %mul3A_776 : i32
          %add3A_778 = arith.constant 1 : i32
          %add3A_779 = arith.addi %mul3A_777, %add3A_778 : i32
          %get3A_780 = arith.index_cast %add3A_779 : i32 to index
          %get3A_781 = arith.constant 0 : index
          %get3A_782 = tpu.vector_load %arg26[%get3A_780, %get3A_781] {strides = array<i32>} : memref<80x16xf32, #tpu.memory_space<vmem>>, vector<1x16xf32>,
          %get3A_783 = vector.shape_cast %get3A_782 : vector<1x16xf32> to vector<16xf32>
          %get3A_784 = arith.index_cast %add3A_779 : i32 to index
          %get3A_785 = arith.constant 0 : index
          %get3A_786 = tpu.vector_load %arg30[%get3A_784, %get3A_785] {strides = array<i32>} : memref<80x128xf32, #tpu.memory_space<vmem>>, vector<1x16xf32>,
          %get3A_787 = vector.shape_cast %get3A_786 : vector<1x16xf32> to vector<16xf32>
          %get3A_788 = arith.index_cast %add3A_779 : i32 to index
          %get3A_789 = arith.constant 0 : index
          %get3A_790 = tpu.vector_load %arg34[%get3A_788, %get3A_789] {strides = array<i32>} : memref<80x64xf32, #tpu.memory_space<vmem>>, vector<1x16xf32>,
          %get3A_791 = vector.shape_cast %get3A_790 : vector<1x16xf32> to vector<16xf32>
          %add3A_792 = arith.addf %get3A_787, %get3A_791 : vector<16xf32>
          %mul3A_793 = arith.mulf %get3A_783, %get3A_661 : vector<16xf32>
          %add3A_794 = arith.addf %add3A_792, %mul3A_793 : vector<16xf32>
          %exp3A_795 = math.exp %add3A_794 : vector<16xf32>
          %add3A_796 = arith.constant 1.000000e+00 : f32
          %add3A_797 = vector.broadcast %add3A_796 : f32 to vector<16xf32>
          %add3A_798 = arith.addf %add3A_797, %exp3A_795 : vector<16xf32>
          %div3A_799 = arith.constant 1.000000e+00 : f32
          %div3A_800 = vector.broadcast %div3A_799 : f32 to vector<16xf32>
          %div3A_801 = arith.divf %div3A_800, %add3A_798 : vector<16xf32>
          %get3A_802 = arith.index_cast %add3A_779 : i32 to index
          %get3A_803 = arith.constant 64 : index
          %get3A_804 = tpu.vector_load %arg30[%get3A_802, %get3A_803] {strides = array<i32>} : memref<80x128xf32, #tpu.memory_space<vmem>>, vector<1x16xf32>,
          %get3A_805 = vector.shape_cast %get3A_804 : vector<1x16xf32> to vector<16xf32>
          %mul3A_806 = arith.mulf %div3A_801, %get3A_805 : vector<16xf32>
          %get3A_807 = arith.index_cast %add3A_779 : i32 to index
          %get3A_808 = arith.constant 16 : index
          %get3A_809 = tpu.vector_load %arg30[%get3A_807, %get3A_808] {strides = array<i32>} : memref<80x128xf32, #tpu.memory_space<vmem>>, vector<1x16xf32>,
          %get3A_810 = vector.shape_cast %get3A_809 : vector<1x16xf32> to vector<16xf32>
          %get3A_811 = arith.index_cast %add3A_779 : i32 to index
          %get3A_812 = arith.constant 16 : index
          %get3A_813 = tpu.vector_load %arg34[%get3A_811, %get3A_812] {strides = array<i32>} : memref<80x64xf32, #tpu.memory_space<vmem>>, vector<1x16xf32>,
          %get3A_814 = vector.shape_cast %get3A_813 : vector<1x16xf32> to vector<16xf32>
          %add3A_815 = arith.addf %get3A_810, %get3A_814 : vector<16xf32>
          %mul3A_816 = arith.mulf %get3A_783, %get3A_664 : vector<16xf32>
          %add3A_817 = arith.addf %add3A_815, %mul3A_816 : vector<16xf32>
          %exp3A_818 = math.exp %add3A_817 : vector<16xf32>
          %add3A_819 = arith.constant 1.000000e+00 : f32
          %add3A_820 = vector.broadcast %add3A_819 : f32 to vector<16xf32>
          %add3A_821 = arith.addf %add3A_820, %exp3A_818 : vector<16xf32>
          %div3A_822 = arith.constant 1.000000e+00 : f32
          %div3A_823 = vector.broadcast %div3A_822 : f32 to vector<16xf32>
          %div3A_824 = arith.divf %div3A_823, %add3A_821 : vector<16xf32>
          %get3A_825 = arith.index_cast %add3A_779 : i32 to index
          %get3A_826 = arith.constant 80 : index
          %get3A_827 = tpu.vector_load %arg30[%get3A_825, %get3A_826] {strides = array<i32>} : memref<80x128xf32, #tpu.memory_space<vmem>>, vector<1x16xf32>,
          %get3A_828 = vector.shape_cast %get3A_827 : vector<1x16xf32> to vector<16xf32>
          %mul3A_829 = arith.mulf %div3A_824, %get3A_828 : vector<16xf32>
          %get3A_830 = arith.index_cast %add3A_779 : i32 to index
          %get3A_831 = arith.constant 32 : index
          %get3A_832 = tpu.vector_load %arg30[%get3A_830, %get3A_831] {strides = array<i32>} : memref<80x128xf32, #tpu.memory_space<vmem>>, vector<1x16xf32>,
          %get3A_833 = vector.shape_cast %get3A_832 : vector<1x16xf32> to vector<16xf32>
          %get3A_834 = arith.index_cast %add3A_779 : i32 to index
          %get3A_835 = arith.constant 32 : index
          %get3A_836 = tpu.vector_load %arg34[%get3A_834, %get3A_835] {strides = array<i32>} : memref<80x64xf32, #tpu.memory_space<vmem>>, vector<1x16xf32>,
          %get3A_837 = vector.shape_cast %get3A_836 : vector<1x16xf32> to vector<16xf32>
          %add3A_838 = arith.addf %get3A_833, %get3A_837 : vector<16xf32>
          %mul3A_839 = arith.mulf %get3A_783, %get3A_667 : vector<16xf32>
          %add3A_840 = arith.addf %add3A_838, %mul3A_839 : vector<16xf32>
          %exp3A_841 = math.exp %add3A_840 : vector<16xf32>
          %add3A_842 = arith.constant 1.000000e+00 : f32
          %add3A_843 = vector.broadcast %add3A_842 : f32 to vector<16xf32>
          %add3A_844 = arith.addf %add3A_843, %exp3A_841 : vector<16xf32>
          %div3A_845 = arith.constant 1.000000e+00 : f32
          %div3A_846 = vector.broadcast %div3A_845 : f32 to vector<16xf32>
          %div3A_847 = arith.divf %div3A_846, %add3A_844 : vector<16xf32>
          %get3A_848 = arith.index_cast %add3A_779 : i32 to index
          %get3A_849 = arith.constant 96 : index
          %get3A_850 = tpu.vector_load %arg30[%get3A_848, %get3A_849] {strides = array<i32>} : memref<80x128xf32, #tpu.memory_space<vmem>>, vector<1x16xf32>,
          %get3A_851 = vector.shape_cast %get3A_850 : vector<1x16xf32> to vector<16xf32>
          %mul3A_852 = arith.mulf %div3A_847, %get3A_851 : vector<16xf32>
          %get3A_853 = arith.index_cast %add3A_779 : i32 to index
          %get3A_854 = arith.constant 48 : index
          %get3A_855 = tpu.vector_load %arg30[%get3A_853, %get3A_854] {strides = array<i32>} : memref<80x128xf32, #tpu.memory_space<vmem>>, vector<1x16xf32>,
          %get3A_856 = vector.shape_cast %get3A_855 : vector<1x16xf32> to vector<16xf32>
          %get3A_857 = arith.index_cast %add3A_779 : i32 to index
          %get3A_858 = arith.constant 48 : index
          %get3A_859 = tpu.vector_load %arg34[%get3A_857, %get3A_858] {strides = array<i32>} : memref<80x64xf32, #tpu.memory_space<vmem>>, vector<1x16xf32>,
          %get3A_860 = vector.shape_cast %get3A_859 : vector<1x16xf32> to vector<16xf32>
          %add3A_861 = arith.addf %get3A_856, %get3A_860 : vector<16xf32>
          %mul3A_862 = arith.mulf %get3A_783, %get3A_670 : vector<16xf32>
          %add3A_863 = arith.addf %add3A_861, %mul3A_862 : vector<16xf32>
          %exp3A_864 = math.exp %add3A_863 : vector<16xf32>
          %add3A_865 = arith.constant 1.000000e+00 : f32
          %add3A_866 = vector.broadcast %add3A_865 : f32 to vector<16xf32>
          %add3A_867 = arith.addf %add3A_866, %exp3A_864 : vector<16xf32>
          %div3A_868 = arith.constant 1.000000e+00 : f32
          %div3A_869 = vector.broadcast %div3A_868 : f32 to vector<16xf32>
          %div3A_870 = arith.divf %div3A_869, %add3A_867 : vector<16xf32>
          %get3A_871 = arith.index_cast %add3A_779 : i32 to index
          %get3A_872 = arith.constant 112 : index
          %get3A_873 = tpu.vector_load %arg30[%get3A_871, %get3A_872] {strides = array<i32>} : memref<80x128xf32, #tpu.memory_space<vmem>>, vector<1x16xf32>,
          %get3A_874 = vector.shape_cast %get3A_873 : vector<1x16xf32> to vector<16xf32>
          %mul3A_875 = arith.mulf %div3A_870, %get3A_874 : vector<16xf32>
          %swap3A_876 = arith.index_cast %add3A_681 : i32 to index
          %swap3A_877 = arith.constant 0 : index
          %swap3A_878 = tpu.vector_load %arg38[%swap3A_876, %swap3A_877] {strides = array<i32>} : memref<80x64xf32, #tpu.memory_space<vmem>>, vector<1x16xf32>,
          %swap3A_879 = vector.shape_cast %swap3A_878 : vector<1x16xf32> to vector<16xf32>
          %swap3A_880 = vector.shape_cast %mul3A_706 : vector<16xf32> to vector<1x16xf32>
          tpu.vector_store %arg38[%swap3A_876, %swap3A_877], %swap3A_880 {strides = array<i32>} : memref<80x64xf32, #tpu.memory_space<vmem>>, vector<1x16xf32>,
          %swap3A_881 = arith.index_cast %add3A_681 : i32 to index
          %swap3A_882 = arith.constant 16 : index
          %swap3A_883 = tpu.vector_load %arg38[%swap3A_881, %swap3A_882] {strides = array<i32>} : memref<80x64xf32, #tpu.memory_space<vmem>>, vector<1x16xf32>,
          %swap3A_884 = vector.shape_cast %swap3A_883 : vector<1x16xf32> to vector<16xf32>
          %swap3A_885 = vector.shape_cast %mul3A_729 : vector<16xf32> to vector<1x16xf32>
          tpu.vector_store %arg38[%swap3A_881, %swap3A_882], %swap3A_885 {strides = array<i32>} : memref<80x64xf32, #tpu.memory_space<vmem>>, vector<1x16xf32>,
          %swap3A_886 = arith.index_cast %add3A_681 : i32 to index
          %swap3A_887 = arith.constant 32 : index
          %swap3A_888 = tpu.vector_load %arg38[%swap3A_886, %swap3A_887] {strides = array<i32>} : memref<80x64xf32, #tpu.memory_space<vmem>>, vector<1x16xf32>,
          %swap3A_889 = vector.shape_cast %swap3A_888 : vector<1x16xf32> to vector<16xf32>
          %swap3A_890 = vector.shape_cast %mul3A_752 : vector<16xf32> to vector<1x16xf32>
          tpu.vector_store %arg38[%swap3A_886, %swap3A_887], %swap3A_890 {strides = array<i32>} : memref<80x64xf32, #tpu.memory_space<vmem>>, vector<1x16xf32>,
          %swap3A_891 = arith.index_cast %add3A_681 : i32 to index
          %swap3A_892 = arith.constant 48 : index
          %swap3A_893 = tpu.vector_load %arg38[%swap3A_891, %swap3A_892] {strides = array<i32>} : memref<80x64xf32, #tpu.memory_space<vmem>>, vector<1x16xf32>,
          %swap3A_894 = vector.shape_cast %swap3A_893 : vector<1x16xf32> to vector<16xf32>
          %swap3A_895 = vector.shape_cast %mul3A_775 : vector<16xf32> to vector<1x16xf32>
          tpu.vector_store %arg38[%swap3A_891, %swap3A_892], %swap3A_895 {strides = array<i32>} : memref<80x64xf32, #tpu.memory_space<vmem>>, vector<1x16xf32>,
          %swap3A_896 = arith.index_cast %add3A_779 : i32 to index
          %swap3A_897 = arith.constant 0 : index
          %swap3A_898 = tpu.vector_load %arg38[%swap3A_896, %swap3A_897] {strides = array<i32>} : memref<80x64xf32, #tpu.memory_space<vmem>>, vector<1x16xf32>,
          %swap3A_899 = vector.shape_cast %swap3A_898 : vector<1x16xf32> to vector<16xf32>
          %swap3A_900 = vector.shape_cast %mul3A_806 : vector<16xf32> to vector<1x16xf32>
          tpu.vector_store %arg38[%swap3A_896, %swap3A_897], %swap3A_900 {strides = array<i32>} : memref<80x64xf32, #tpu.memory_space<vmem>>, vector<1x16xf32>,
          %swap3A_901 = arith.index_cast %add3A_779 : i32 to index
          %swap3A_902 = arith.constant 16 : index
          %swap3A_903 = tpu.vector_load %arg38[%swap3A_901, %swap3A_902] {strides = array<i32>} : memref<80x64xf32, #tpu.memory_space<vmem>>, vector<1x16xf32>,
          %swap3A_904 = vector.shape_cast %swap3A_903 : vector<1x16xf32> to vector<16xf32>
          %swap3A_905 = vector.shape_cast %mul3A_829 : vector<16xf32> to vector<1x16xf32>
          tpu.vector_store %arg38[%swap3A_901, %swap3A_902], %swap3A_905 {strides = array<i32>} : memref<80x64xf32, #tpu.memory_space<vmem>>, vector<1x16xf32>,
          %swap3A_906 = arith.index_cast %add3A_779 : i32 to index
          %swap3A_907 = arith.constant 32 : index
          %swap3A_908 = tpu.vector_load %arg38[%swap3A_906, %swap3A_907] {strides = array<i32>} : memref<80x64xf32, #tpu.memory_space<vmem>>, vector<1x16xf32>,
          %swap3A_909 = vector.shape_cast %swap3A_908 : vector<1x16xf32> to vector<16xf32>
          %swap3A_910 = vector.shape_cast %mul3A_852 : vector<16xf32> to vector<1x16xf32>
          tpu.vector_store %arg38[%swap3A_906, %swap3A_907], %swap3A_910 {strides = array<i32>} : memref<80x64xf32, #tpu.memory_space<vmem>>, vector<1x16xf32>,
          %swap3A_911 = arith.index_cast %add3A_779 : i32 to index
          %swap3A_912 = arith.constant 48 : index
          %swap3A_913 = tpu.vector_load %arg38[%swap3A_911, %swap3A_912] {strides = array<i32>} : memref<80x64xf32, #tpu.memory_space<vmem>>, vector<1x16xf32>,
          %swap3A_914 = vector.shape_cast %swap3A_913 : vector<1x16xf32> to vector<16xf32>
          %swap3A_915 = vector.shape_cast %mul3A_875 : vector<16xf32> to vector<1x16xf32>
          tpu.vector_store %arg38[%swap3A_911, %swap3A_912], %swap3A_915 {strides = array<i32>} : memref<80x64xf32, #tpu.memory_space<vmem>>, vector<1x16xf32>,
        }
        %scan3A_676 = arith.constant 40 : i32
        "tpu.region"() ({
          %run_scoped3A = tpu.sem_alloc : memref<!tpu.dma_semaphore, #tpu.memory_space<semaphore_mem>>
          %dma_start3A_677 = arith.constant 0 : i32
          %dma_start3A_678 = arith.constant 0 : i32
          %dma_start3A_679 = tpu.memref_slice %arg40[%dma_start3A_677, %dma_start3A_678] : memref<10000x64xf32, #tpu.memory_space<vmem_shared>> -> memref<10000x64xf32, #tpu.memory_space<vmem_shared>>
          tpu.enqueue_indirect_dma source(%arg38 : memref<80x64xf32, #tpu.memory_space<vmem>>) target(%dma_start3A_679 : memref<10000x64xf32, #tpu.memory_space<vmem_shared>>) offsets(%arg18 : memref<80xi32, #tpu.memory_space<vmem>>) semaphore(%run_scoped3A : memref<!tpu.dma_semaphore, #tpu.memory_space<semaphore_mem>>) {add = true}
          %dma_wait3A_680 = arith.constant 0 : i32
          %dma_wait3A_681 = arith.constant 0 : i32
          %dma_wait3A_682 = tpu.memref_slice %arg40[%dma_wait3A_680, %dma_wait3A_681] : memref<10000x64xf32, #tpu.memory_space<vmem_shared>> -> memref<10000x64xf32, #tpu.memory_space<vmem_shared>>
          tpu.wait_indirect_dma semaphore(%run_scoped3A : memref<!tpu.dma_semaphore, #tpu.memory_space<semaphore_mem>>) src(%arg38 : memref<80x64xf32, #tpu.memory_space<vmem>>) dst(%dma_wait3A_682 : memref<10000x64xf32, #tpu.memory_space<vmem_shared>>)
          tpu.yield
        }) : () -> ()
      } else {
      }
      %add3A_577 = arith.constant 4 : i32
      %add3A_578 = arith.addi %add3A_565, %add3A_577 : i32
      %lt3A_579 = arith.constant 250 : i32
      %lt3A_580 = arith.cmpi slt, %add3A_578, %lt3A_579 : i32
      %convert_element_type3A_581 = arith.extui %lt3A_580 : i1 to i32
      %cond3A_582 = arith.constant 0 : i32
      %cond3A_583 = arith.cmpi ne, %convert_element_type3A_581, %cond3A_582 : i32
      scf.if %cond3A_583 {
        %add3A_647 = arith.constant 4 : i32
        %add3A_648 = arith.addi %add3A_565, %add3A_647 : i32
        %mul3A_649 = arith.constant 80 : i32
        %mul3A_650 = arith.muli %add3A_648, %mul3A_649 : i32
        %add3A_651 = arith.addi %mul3A_2, %mul3A_650 : i32
        %dma_start3A_652 = tpu.memref_slice %arg5[%add3A_651] : memref<320000xi32, #tpu.memory_space<hbm>> -> memref<80xi32, #tpu.memory_space<hbm>>
        %dma_start3A_653 = tpu.memref_slice %arg5[%add3A_651] : memref<320000xi32, #tpu.memory_space<hbm>> -> memref<80xi32, #tpu.memory_space<hbm>>
        tpu.enqueue_dma source(%dma_start3A_653 : memref<80xi32, #tpu.memory_space<hbm>>) target(%arg14 : memref<80xi32, #tpu.memory_space<vmem>>) target_semaphore(%arg42 : memref<!tpu.dma_semaphore, #tpu.memory_space<semaphore_mem>>)
        %dma_start3A_654 = tpu.memref_slice %arg6[%add3A_651] : memref<320000xi32, #tpu.memory_space<hbm>> -> memref<80xi32, #tpu.memory_space<hbm>>
        %dma_start3A_655 = tpu.memref_slice %arg6[%add3A_651] : memref<320000xi32, #tpu.memory_space<hbm>> -> memref<80xi32, #tpu.memory_space<hbm>>
        tpu.enqueue_dma source(%dma_start3A_655 : memref<80xi32, #tpu.memory_space<hbm>>) target(%arg18 : memref<80xi32, #tpu.memory_space<vmem>>) target_semaphore(%arg42 : memref<!tpu.dma_semaphore, #tpu.memory_space<semaphore_mem>>)
        %dma_start3A_656 = arith.constant 0 : i32
        %dma_start3A_657 = tpu.memref_slice %arg7[%add3A_651, %dma_start3A_656] : memref<320000x16xf32, #tpu.memory_space<hbm>> -> memref<80x16xf32, #tpu.memory_space<hbm>>
        %dma_start3A_658 = arith.constant 0 : i32
        %dma_start3A_659 = tpu.memref_slice %arg7[%add3A_651, %dma_start3A_658] : memref<320000x16xf32, #tpu.memory_space<hbm>> -> memref<80x16xf32, #tpu.memory_space<hbm>>
        tpu.enqueue_dma source(%dma_start3A_659 : memref<80x16xf32, #tpu.memory_space<hbm>>) target(%arg26 : memref<80x16xf32, #tpu.memory_space<vmem>>) target_semaphore(%arg42 : memref<!tpu.dma_semaphore, #tpu.memory_space<semaphore_mem>>)
      } else {
      }
      %add3A_584 = arith.constant 1 : i32
      %add3A_585 = arith.addi %mul3A_563, %add3A_584 : i32
      %add3A_586 = arith.constant 2 : i32
      %add3A_587 = arith.addi %add3A_585, %add3A_586 : i32
      %lt3A_588 = arith.constant 250 : i32
      %lt3A_589 = arith.cmpi slt, %add3A_587, %lt3A_588 : i32
      %convert_element_type3A_590 = arith.extui %lt3A_589 : i1 to i32
      %cond3A_591 = arith.constant 0 : i32
      %cond3A_592 = arith.cmpi ne, %convert_element_type3A_590, %cond3A_591 : i32
      scf.if %cond3A_592 {
        %dma_wait3A_647 = arith.constant 0 : i32
        %dma_wait3A_648 = tpu.memref_slice %arg5[%dma_wait3A_647] : memref<320000xi32, #tpu.memory_space<hbm>> -> memref<80xi32, #tpu.memory_space<hbm>>
        %dma_wait3A_649 = arith.constant 0 : i32
        %dma_wait3A_650 = tpu.memref_slice %arg5[%dma_wait3A_649] : memref<320000xi32, #tpu.memory_space<hbm>> -> memref<80xi32, #tpu.memory_space<hbm>>
        tpu.wait_dma2 semaphore(%arg45 : memref<!tpu.dma_semaphore, #tpu.memory_space<semaphore_mem>>) src(%dma_wait3A_650 : memref<80xi32, #tpu.memory_space<hbm>>) dst(%arg17 : memref<80xi32, #tpu.memory_space<vmem>>)
        %dma_wait3A_651 = arith.constant 0 : i32
        %dma_wait3A_652 = tpu.memref_slice %arg6[%dma_wait3A_651] : memref<320000xi32, #tpu.memory_space<hbm>> -> memref<80xi32, #tpu.memory_space<hbm>>
        %dma_wait3A_653 = arith.constant 0 : i32
        %dma_wait3A_654 = tpu.memref_slice %arg6[%dma_wait3A_653] : memref<320000xi32, #tpu.memory_space<hbm>> -> memref<80xi32, #tpu.memory_space<hbm>>
        tpu.wait_dma2 semaphore(%arg45 : memref<!tpu.dma_semaphore, #tpu.memory_space<semaphore_mem>>) src(%dma_wait3A_654 : memref<80xi32, #tpu.memory_space<hbm>>) dst(%arg21 : memref<80xi32, #tpu.memory_space<vmem>>)
        %dma_wait3A_655 = arith.constant 0 : i32
        %dma_wait3A_656 = arith.constant 0 : i32
        %dma_wait3A_657 = tpu.memref_slice %arg7[%dma_wait3A_655, %dma_wait3A_656] : memref<320000x16xf32, #tpu.memory_space<hbm>> -> memref<80x16xf32, #tpu.memory_space<hbm>>
        %dma_wait3A_658 = arith.constant 0 : i32
        %dma_wait3A_659 = arith.constant 0 : i32
        %dma_wait3A_660 = tpu.memref_slice %arg7[%dma_wait3A_658, %dma_wait3A_659] : memref<320000x16xf32, #tpu.memory_space<hbm>> -> memref<80x16xf32, #tpu.memory_space<hbm>>
        tpu.wait_dma2 semaphore(%arg45 : memref<!tpu.dma_semaphore, #tpu.memory_space<semaphore_mem>>) src(%dma_wait3A_660 : memref<80x16xf32, #tpu.memory_space<hbm>>) dst(%arg29 : memref<80x16xf32, #tpu.memory_space<vmem>>)
        %get3A_661 = arith.constant 0 : index
        %get3A_662 = tpu.vector_load %arg17[%get3A_661] {strides = array<i32>} : memref<80xi32, #tpu.memory_space<vmem>>, vector<16xi32>,
        %get3A_663 = vector.shape_cast %get3A_662 : vector<16xi32> to vector<16xi32>
        %mul3A_664 = arith.constant 2 : i32
        %mul3A_665 = vector.broadcast %mul3A_664 : i32 to vector<16xi32>
        %mul3A_666 = arith.muli %get3A_663, %mul3A_665 : vector<16xi32>
        %add3A_667 = vector.broadcast %arg0 : i32 to vector<16xi32>
        %add3A_668 = arith.addi %mul3A_666, %add3A_667 : vector<16xi32>
        %swap3A_669 = arith.constant 0 : index
        %swap3A_670 = tpu.vector_load %arg17[%swap3A_669] {strides = array<i32>} : memref<80xi32, #tpu.memory_space<vmem>>, vector<16xi32>,
        %swap3A_671 = vector.shape_cast %swap3A_670 : vector<16xi32> to vector<16xi32>
        %swap3A_672 = vector.shape_cast %add3A_668 : vector<16xi32> to vector<16xi32>
        tpu.vector_store %arg17[%swap3A_669], %swap3A_672 {strides = array<i32>} : memref<80xi32, #tpu.memory_space<vmem>>, vector<16xi32>,
        %get3A_673 = arith.constant 16 : index
        %get3A_674 = tpu.vector_load %arg17[%get3A_673] {strides = array<i32>} : memref<80xi32, #tpu.memory_space<vmem>>, vector<16xi32>,
        %get3A_675 = vector.shape_cast %get3A_674 : vector<16xi32> to vector<16xi32>
        %mul3A_676 = arith.constant 2 : i32
        %mul3A_677 = vector.broadcast %mul3A_676 : i32 to vector<16xi32>
        %mul3A_678 = arith.muli %get3A_675, %mul3A_677 : vector<16xi32>
        %add3A_679 = vector.broadcast %arg0 : i32 to vector<16xi32>
        %add3A_680 = arith.addi %mul3A_678, %add3A_679 : vector<16xi32>
        %swap3A_681 = arith.constant 16 : index
        %swap3A_682 = tpu.vector_load %arg17[%swap3A_681] {strides = array<i32>} : memref<80xi32, #tpu.memory_space<vmem>>, vector<16xi32>,
        %swap3A_683 = vector.shape_cast %swap3A_682 : vector<16xi32> to vector<16xi32>
        %swap3A_684 = vector.shape_cast %add3A_680 : vector<16xi32> to vector<16xi32>
        tpu.vector_store %arg17[%swap3A_681], %swap3A_684 {strides = array<i32>} : memref<80xi32, #tpu.memory_space<vmem>>, vector<16xi32>,
        %get3A_685 = arith.constant 32 : index
        %get3A_686 = tpu.vector_load %arg17[%get3A_685] {strides = array<i32>} : memref<80xi32, #tpu.memory_space<vmem>>, vector<16xi32>,
        %get3A_687 = vector.shape_cast %get3A_686 : vector<16xi32> to vector<16xi32>
        %mul3A_688 = arith.constant 2 : i32
        %mul3A_689 = vector.broadcast %mul3A_688 : i32 to vector<16xi32>
        %mul3A_690 = arith.muli %get3A_687, %mul3A_689 : vector<16xi32>
        %add3A_691 = vector.broadcast %arg0 : i32 to vector<16xi32>
        %add3A_692 = arith.addi %mul3A_690, %add3A_691 : vector<16xi32>
        %swap3A_693 = arith.constant 32 : index
        %swap3A_694 = tpu.vector_load %arg17[%swap3A_693] {strides = array<i32>} : memref<80xi32, #tpu.memory_space<vmem>>, vector<16xi32>,
        %swap3A_695 = vector.shape_cast %swap3A_694 : vector<16xi32> to vector<16xi32>
        %swap3A_696 = vector.shape_cast %add3A_692 : vector<16xi32> to vector<16xi32>
        tpu.vector_store %arg17[%swap3A_693], %swap3A_696 {strides = array<i32>} : memref<80xi32, #tpu.memory_space<vmem>>, vector<16xi32>,
        %get3A_697 = arith.constant 48 : index
        %get3A_698 = tpu.vector_load %arg17[%get3A_697] {strides = array<i32>} : memref<80xi32, #tpu.memory_space<vmem>>, vector<16xi32>,
        %get3A_699 = vector.shape_cast %get3A_698 : vector<16xi32> to vector<16xi32>
        %mul3A_700 = arith.constant 2 : i32
        %mul3A_701 = vector.broadcast %mul3A_700 : i32 to vector<16xi32>
        %mul3A_702 = arith.muli %get3A_699, %mul3A_701 : vector<16xi32>
        %add3A_703 = vector.broadcast %arg0 : i32 to vector<16xi32>
        %add3A_704 = arith.addi %mul3A_702, %add3A_703 : vector<16xi32>
        %swap3A_705 = arith.constant 48 : index
        %swap3A_706 = tpu.vector_load %arg17[%swap3A_705] {strides = array<i32>} : memref<80xi32, #tpu.memory_space<vmem>>, vector<16xi32>,
        %swap3A_707 = vector.shape_cast %swap3A_706 : vector<16xi32> to vector<16xi32>
        %swap3A_708 = vector.shape_cast %add3A_704 : vector<16xi32> to vector<16xi32>
        tpu.vector_store %arg17[%swap3A_705], %swap3A_708 {strides = array<i32>} : memref<80xi32, #tpu.memory_space<vmem>>, vector<16xi32>,
        %get3A_709 = arith.constant 64 : index
        %get3A_710 = tpu.vector_load %arg17[%get3A_709] {strides = array<i32>} : memref<80xi32, #tpu.memory_space<vmem>>, vector<16xi32>,
        %get3A_711 = vector.shape_cast %get3A_710 : vector<16xi32> to vector<16xi32>
        %mul3A_712 = arith.constant 2 : i32
        %mul3A_713 = vector.broadcast %mul3A_712 : i32 to vector<16xi32>
        %mul3A_714 = arith.muli %get3A_711, %mul3A_713 : vector<16xi32>
        %add3A_715 = vector.broadcast %arg0 : i32 to vector<16xi32>
        %add3A_716 = arith.addi %mul3A_714, %add3A_715 : vector<16xi32>
        %swap3A_717 = arith.constant 64 : index
        %swap3A_718 = tpu.vector_load %arg17[%swap3A_717] {strides = array<i32>} : memref<80xi32, #tpu.memory_space<vmem>>, vector<16xi32>,
        %swap3A_719 = vector.shape_cast %swap3A_718 : vector<16xi32> to vector<16xi32>
        %swap3A_720 = vector.shape_cast %add3A_716 : vector<16xi32> to vector<16xi32>
        tpu.vector_store %arg17[%swap3A_717], %swap3A_720 {strides = array<i32>} : memref<80xi32, #tpu.memory_space<vmem>>, vector<16xi32>,
        %get3A_721 = arith.constant 0 : index
        %get3A_722 = tpu.vector_load %arg21[%get3A_721] {strides = array<i32>} : memref<80xi32, #tpu.memory_space<vmem>>, vector<16xi32>,
        %get3A_723 = vector.shape_cast %get3A_722 : vector<16xi32> to vector<16xi32>
        %mul3A_724 = arith.constant 2 : i32
        %mul3A_725 = vector.broadcast %mul3A_724 : i32 to vector<16xi32>
        %mul3A_726 = arith.muli %get3A_723, %mul3A_725 : vector<16xi32>
        %add3A_727 = vector.broadcast %arg0 : i32 to vector<16xi32>
        %add3A_728 = arith.addi %mul3A_726, %add3A_727 : vector<16xi32>
        %swap3A_729 = arith.constant 0 : index
        %swap3A_730 = tpu.vector_load %arg25[%swap3A_729] {strides = array<i32>} : memref<80xi32, #tpu.memory_space<vmem>>, vector<16xi32>,
        %swap3A_731 = vector.shape_cast %swap3A_730 : vector<16xi32> to vector<16xi32>
        %swap3A_732 = vector.shape_cast %add3A_728 : vector<16xi32> to vector<16xi32>
        tpu.vector_store %arg25[%swap3A_729], %swap3A_732 {strides = array<i32>} : memref<80xi32, #tpu.memory_space<vmem>>, vector<16xi32>,
        %get3A_733 = arith.constant 16 : index
        %get3A_734 = tpu.vector_load %arg21[%get3A_733] {strides = array<i32>} : memref<80xi32, #tpu.memory_space<vmem>>, vector<16xi32>,
        %get3A_735 = vector.shape_cast %get3A_734 : vector<16xi32> to vector<16xi32>
        %mul3A_736 = arith.constant 2 : i32
        %mul3A_737 = vector.broadcast %mul3A_736 : i32 to vector<16xi32>
        %mul3A_738 = arith.muli %get3A_735, %mul3A_737 : vector<16xi32>
        %add3A_739 = vector.broadcast %arg0 : i32 to vector<16xi32>
        %add3A_740 = arith.addi %mul3A_738, %add3A_739 : vector<16xi32>
        %swap3A_741 = arith.constant 16 : index
        %swap3A_742 = tpu.vector_load %arg25[%swap3A_741] {strides = array<i32>} : memref<80xi32, #tpu.memory_space<vmem>>, vector<16xi32>,
        %swap3A_743 = vector.shape_cast %swap3A_742 : vector<16xi32> to vector<16xi32>
        %swap3A_744 = vector.shape_cast %add3A_740 : vector<16xi32> to vector<16xi32>
        tpu.vector_store %arg25[%swap3A_741], %swap3A_744 {strides = array<i32>} : memref<80xi32, #tpu.memory_space<vmem>>, vector<16xi32>,
        %get3A_745 = arith.constant 32 : index
        %get3A_746 = tpu.vector_load %arg21[%get3A_745] {strides = array<i32>} : memref<80xi32, #tpu.memory_space<vmem>>, vector<16xi32>,
        %get3A_747 = vector.shape_cast %get3A_746 : vector<16xi32> to vector<16xi32>
        %mul3A_748 = arith.constant 2 : i32
        %mul3A_749 = vector.broadcast %mul3A_748 : i32 to vector<16xi32>
        %mul3A_750 = arith.muli %get3A_747, %mul3A_749 : vector<16xi32>
        %add3A_751 = vector.broadcast %arg0 : i32 to vector<16xi32>
        %add3A_752 = arith.addi %mul3A_750, %add3A_751 : vector<16xi32>
        %swap3A_753 = arith.constant 32 : index
        %swap3A_754 = tpu.vector_load %arg25[%swap3A_753] {strides = array<i32>} : memref<80xi32, #tpu.memory_space<vmem>>, vector<16xi32>,
        %swap3A_755 = vector.shape_cast %swap3A_754 : vector<16xi32> to vector<16xi32>
        %swap3A_756 = vector.shape_cast %add3A_752 : vector<16xi32> to vector<16xi32>
        tpu.vector_store %arg25[%swap3A_753], %swap3A_756 {strides = array<i32>} : memref<80xi32, #tpu.memory_space<vmem>>, vector<16xi32>,
        %get3A_757 = arith.constant 48 : index
        %get3A_758 = tpu.vector_load %arg21[%get3A_757] {strides = array<i32>} : memref<80xi32, #tpu.memory_space<vmem>>, vector<16xi32>,
        %get3A_759 = vector.shape_cast %get3A_758 : vector<16xi32> to vector<16xi32>
        %mul3A_760 = arith.constant 2 : i32
        %mul3A_761 = vector.broadcast %mul3A_760 : i32 to vector<16xi32>
        %mul3A_762 = arith.muli %get3A_759, %mul3A_761 : vector<16xi32>
        %add3A_763 = vector.broadcast %arg0 : i32 to vector<16xi32>
        %add3A_764 = arith.addi %mul3A_762, %add3A_763 : vector<16xi32>
        %swap3A_765 = arith.constant 48 : index
        %swap3A_766 = tpu.vector_load %arg25[%swap3A_765] {strides = array<i32>} : memref<80xi32, #tpu.memory_space<vmem>>, vector<16xi32>,
        %swap3A_767 = vector.shape_cast %swap3A_766 : vector<16xi32> to vector<16xi32>
        %swap3A_768 = vector.shape_cast %add3A_764 : vector<16xi32> to vector<16xi32>
        tpu.vector_store %arg25[%swap3A_765], %swap3A_768 {strides = array<i32>} : memref<80xi32, #tpu.memory_space<vmem>>, vector<16xi32>,
        %get3A_769 = arith.constant 64 : index
        %get3A_770 = tpu.vector_load %arg21[%get3A_769] {strides = array<i32>} : memref<80xi32, #tpu.memory_space<vmem>>, vector<16xi32>,
        %get3A_771 = vector.shape_cast %get3A_770 : vector<16xi32> to vector<16xi32>
        %mul3A_772 = arith.constant 2 : i32
        %mul3A_773 = vector.broadcast %mul3A_772 : i32 to vector<16xi32>
        %mul3A_774 = arith.muli %get3A_771, %mul3A_773 : vector<16xi32>
        %add3A_775 = vector.broadcast %arg0 : i32 to vector<16xi32>
        %add3A_776 = arith.addi %mul3A_774, %add3A_775 : vector<16xi32>
        %swap3A_777 = arith.constant 64 : index
        %swap3A_778 = tpu.vector_load %arg25[%swap3A_777] {strides = array<i32>} : memref<80xi32, #tpu.memory_space<vmem>>, vector<16xi32>,
        %swap3A_779 = vector.shape_cast %swap3A_778 : vector<16xi32> to vector<16xi32>
        %swap3A_780 = vector.shape_cast %add3A_776 : vector<16xi32> to vector<16xi32>
        tpu.vector_store %arg25[%swap3A_777], %swap3A_780 {strides = array<i32>} : memref<80xi32, #tpu.memory_space<vmem>>, vector<16xi32>,
        %dma_start3A_781 = arith.constant 0 : i32
        %dma_start3A_782 = arith.constant 0 : i32
        %dma_start3A_783 = tpu.memref_slice %arg2[%dma_start3A_781, %dma_start3A_782] : memref<20000x128xf32, #tpu.memory_space<hbm>> -> memref<20000x128xf32, #tpu.memory_space<hbm>>
        tpu.enqueue_indirect_dma source(%dma_start3A_783 : memref<20000x128xf32, #tpu.memory_space<hbm>>) target(%arg33 : memref<80x128xf32, #tpu.memory_space<vmem>>) offsets(%arg17 : memref<80xi32, #tpu.memory_space<vmem>>) semaphore(%arg49 : memref<!tpu.dma_semaphore, #tpu.memory_space<semaphore_mem>>)
        %dma_start3A_784 = arith.constant 0 : i32
        %dma_start3A_785 = arith.constant 0 : i32
        %dma_start3A_786 = tpu.memref_slice %arg3[%dma_start3A_784, %dma_start3A_785] : memref<20000x64xf32, #tpu.memory_space<hbm>> -> memref<20000x64xf32, #tpu.memory_space<hbm>>
        tpu.enqueue_indirect_dma source(%dma_start3A_786 : memref<20000x64xf32, #tpu.memory_space<hbm>>) target(%arg37 : memref<80x64xf32, #tpu.memory_space<vmem>>) offsets(%arg25 : memref<80xi32, #tpu.memory_space<vmem>>) semaphore(%arg49 : memref<!tpu.dma_semaphore, #tpu.memory_space<semaphore_mem>>)
      } else {
      }
      %lt3A_593 = arith.constant 250 : i32
      %lt3A_594 = arith.cmpi slt, %add3A_585, %lt3A_593 : i32
      %convert_element_type3A_595 = arith.extui %lt3A_594 : i1 to i32
      %cond3A_596 = arith.constant 0 : i32
      %cond3A_597 = arith.cmpi ne, %convert_element_type3A_595, %cond3A_596 : i32
      scf.if %cond3A_597 {
        %dma_wait3A_647 = arith.constant 0 : i32
        %dma_wait3A_648 = arith.constant 0 : i32
        %dma_wait3A_649 = tpu.memref_slice %arg2[%dma_wait3A_647, %dma_wait3A_648] : memref<20000x128xf32, #tpu.memory_space<hbm>> -> memref<80x128xf32, #tpu.memory_space<hbm>>
        %dma_wait3A_650 = arith.constant 0 : i32
        %dma_wait3A_651 = arith.constant 0 : i32
        %dma_wait3A_652 = tpu.memref_slice %arg2[%dma_wait3A_650, %dma_wait3A_651] : memref<20000x128xf32, #tpu.memory_space<hbm>> -> memref<80x128xf32, #tpu.memory_space<hbm>>
        tpu.wait_dma2 semaphore(%arg47 : memref<!tpu.dma_semaphore, #tpu.memory_space<semaphore_mem>>) src(%dma_wait3A_652 : memref<80x128xf32, #tpu.memory_space<hbm>>) dst(%arg31 : memref<80x128xf32, #tpu.memory_space<vmem>>)
        %dma_wait3A_653 = arith.constant 0 : i32
        %dma_wait3A_654 = arith.constant 0 : i32
        %dma_wait3A_655 = tpu.memref_slice %arg3[%dma_wait3A_653, %dma_wait3A_654] : memref<20000x64xf32, #tpu.memory_space<hbm>> -> memref<80x64xf32, #tpu.memory_space<hbm>>
        %dma_wait3A_656 = arith.constant 0 : i32
        %dma_wait3A_657 = arith.constant 0 : i32
        %dma_wait3A_658 = tpu.memref_slice %arg3[%dma_wait3A_656, %dma_wait3A_657] : memref<20000x64xf32, #tpu.memory_space<hbm>> -> memref<80x64xf32, #tpu.memory_space<hbm>>
        tpu.wait_dma2 semaphore(%arg47 : memref<!tpu.dma_semaphore, #tpu.memory_space<semaphore_mem>>) src(%dma_wait3A_658 : memref<80x64xf32, #tpu.memory_space<hbm>>) dst(%arg35 : memref<80x64xf32, #tpu.memory_space<vmem>>)
        %get3A_659 = arith.constant 0 : index
        %get3A_660 = tpu.vector_load %arg39[%get3A_659] {strides = array<i32>} : memref<64xf32, #tpu.memory_space<vmem>>, vector<16xf32>,
        %get3A_661 = vector.shape_cast %get3A_660 : vector<16xf32> to vector<16xf32>
        %get3A_662 = arith.constant 16 : index
        %get3A_663 = tpu.vector_load %arg39[%get3A_662] {strides = array<i32>} : memref<64xf32, #tpu.memory_space<vmem>>, vector<16xf32>,
        %get3A_664 = vector.shape_cast %get3A_663 : vector<16xf32> to vector<16xf32>
        %get3A_665 = arith.constant 32 : index
        %get3A_666 = tpu.vector_load %arg39[%get3A_665] {strides = array<i32>} : memref<64xf32, #tpu.memory_space<vmem>>, vector<16xf32>,
        %get3A_667 = vector.shape_cast %get3A_666 : vector<16xf32> to vector<16xf32>
        %get3A_668 = arith.constant 48 : index
        %get3A_669 = tpu.vector_load %arg39[%get3A_668] {strides = array<i32>} : memref<64xf32, #tpu.memory_space<vmem>>, vector<16xf32>,
        %get3A_670 = vector.shape_cast %get3A_669 : vector<16xf32> to vector<16xf32>
        %scan3A_671 = arith.constant 0 : i32
        %scan3A_672 = arith.constant 0 : i32
        %scan3A_673 = arith.constant 40 : i32
        %scan3A_674 = arith.addi %scan3A_672, %scan3A_673 : i32
        %scan3A_675 = arith.constant 1 : i32
        scf.for %scan3A_677 = %scan3A_672 to %scan3A_674 step %scan3A_675  : i32 {
          %mul3A_678 = arith.constant 2 : i32
          %mul3A_679 = arith.muli %scan3A_677, %mul3A_678 : i32
          %add3A_680 = arith.constant 0 : i32
          %add3A_681 = arith.addi %mul3A_679, %add3A_680 : i32
          %get3A_682 = arith.index_cast %add3A_681 : i32 to index
          %get3A_683 = arith.constant 0 : index
          %get3A_684 = tpu.vector_load %arg27[%get3A_682, %get3A_683] {strides = array<i32>} : memref<80x16xf32, #tpu.memory_space<vmem>>, vector<1x16xf32>,
          %get3A_685 = vector.shape_cast %get3A_684 : vector<1x16xf32> to vector<16xf32>
          %get3A_686 = arith.index_cast %add3A_681 : i32 to index
          %get3A_687 = arith.constant 0 : index
          %get3A_688 = tpu.vector_load %arg31[%get3A_686, %get3A_687] {strides = array<i32>} : memref<80x128xf32, #tpu.memory_space<vmem>>, vector<1x16xf32>,
          %get3A_689 = vector.shape_cast %get3A_688 : vector<1x16xf32> to vector<16xf32>
          %get3A_690 = arith.index_cast %add3A_681 : i32 to index
          %get3A_691 = arith.constant 0 : index
          %get3A_692 = tpu.vector_load %arg35[%get3A_690, %get3A_691] {strides = array<i32>} : memref<80x64xf32, #tpu.memory_space<vmem>>, vector<1x16xf32>,
          %get3A_693 = vector.shape_cast %get3A_692 : vector<1x16xf32> to vector<16xf32>
          %add3A_694 = arith.addf %get3A_689, %get3A_693 : vector<16xf32>
          %mul3A_695 = arith.mulf %get3A_685, %get3A_661 : vector<16xf32>
          %add3A_696 = arith.addf %add3A_694, %mul3A_695 : vector<16xf32>
          %exp3A = math.exp %add3A_696 : vector<16xf32>
          %add3A_697 = arith.constant 1.000000e+00 : f32
          %add3A_698 = vector.broadcast %add3A_697 : f32 to vector<16xf32>
          %add3A_699 = arith.addf %add3A_698, %exp3A : vector<16xf32>
          %div3A = arith.constant 1.000000e+00 : f32
          %div3A_700 = vector.broadcast %div3A : f32 to vector<16xf32>
          %div3A_701 = arith.divf %div3A_700, %add3A_699 : vector<16xf32>
          %get3A_702 = arith.index_cast %add3A_681 : i32 to index
          %get3A_703 = arith.constant 64 : index
          %get3A_704 = tpu.vector_load %arg31[%get3A_702, %get3A_703] {strides = array<i32>} : memref<80x128xf32, #tpu.memory_space<vmem>>, vector<1x16xf32>,
          %get3A_705 = vector.shape_cast %get3A_704 : vector<1x16xf32> to vector<16xf32>
          %mul3A_706 = arith.mulf %div3A_701, %get3A_705 : vector<16xf32>
          %get3A_707 = arith.index_cast %add3A_681 : i32 to index
          %get3A_708 = arith.constant 16 : index
          %get3A_709 = tpu.vector_load %arg31[%get3A_707, %get3A_708] {strides = array<i32>} : memref<80x128xf32, #tpu.memory_space<vmem>>, vector<1x16xf32>,
          %get3A_710 = vector.shape_cast %get3A_709 : vector<1x16xf32> to vector<16xf32>
          %get3A_711 = arith.index_cast %add3A_681 : i32 to index
          %get3A_712 = arith.constant 16 : index
          %get3A_713 = tpu.vector_load %arg35[%get3A_711, %get3A_712] {strides = array<i32>} : memref<80x64xf32, #tpu.memory_space<vmem>>, vector<1x16xf32>,
          %get3A_714 = vector.shape_cast %get3A_713 : vector<1x16xf32> to vector<16xf32>
          %add3A_715 = arith.addf %get3A_710, %get3A_714 : vector<16xf32>
          %mul3A_716 = arith.mulf %get3A_685, %get3A_664 : vector<16xf32>
          %add3A_717 = arith.addf %add3A_715, %mul3A_716 : vector<16xf32>
          %exp3A_718 = math.exp %add3A_717 : vector<16xf32>
          %add3A_719 = arith.constant 1.000000e+00 : f32
          %add3A_720 = vector.broadcast %add3A_719 : f32 to vector<16xf32>
          %add3A_721 = arith.addf %add3A_720, %exp3A_718 : vector<16xf32>
          %div3A_722 = arith.constant 1.000000e+00 : f32
          %div3A_723 = vector.broadcast %div3A_722 : f32 to vector<16xf32>
          %div3A_724 = arith.divf %div3A_723, %add3A_721 : vector<16xf32>
          %get3A_725 = arith.index_cast %add3A_681 : i32 to index
          %get3A_726 = arith.constant 80 : index
          %get3A_727 = tpu.vector_load %arg31[%get3A_725, %get3A_726] {strides = array<i32>} : memref<80x128xf32, #tpu.memory_space<vmem>>, vector<1x16xf32>,
          %get3A_728 = vector.shape_cast %get3A_727 : vector<1x16xf32> to vector<16xf32>
          %mul3A_729 = arith.mulf %div3A_724, %get3A_728 : vector<16xf32>
          %get3A_730 = arith.index_cast %add3A_681 : i32 to index
          %get3A_731 = arith.constant 32 : index
          %get3A_732 = tpu.vector_load %arg31[%get3A_730, %get3A_731] {strides = array<i32>} : memref<80x128xf32, #tpu.memory_space<vmem>>, vector<1x16xf32>,
          %get3A_733 = vector.shape_cast %get3A_732 : vector<1x16xf32> to vector<16xf32>
          %get3A_734 = arith.index_cast %add3A_681 : i32 to index
          %get3A_735 = arith.constant 32 : index
          %get3A_736 = tpu.vector_load %arg35[%get3A_734, %get3A_735] {strides = array<i32>} : memref<80x64xf32, #tpu.memory_space<vmem>>, vector<1x16xf32>,
          %get3A_737 = vector.shape_cast %get3A_736 : vector<1x16xf32> to vector<16xf32>
          %add3A_738 = arith.addf %get3A_733, %get3A_737 : vector<16xf32>
          %mul3A_739 = arith.mulf %get3A_685, %get3A_667 : vector<16xf32>
          %add3A_740 = arith.addf %add3A_738, %mul3A_739 : vector<16xf32>
          %exp3A_741 = math.exp %add3A_740 : vector<16xf32>
          %add3A_742 = arith.constant 1.000000e+00 : f32
          %add3A_743 = vector.broadcast %add3A_742 : f32 to vector<16xf32>
          %add3A_744 = arith.addf %add3A_743, %exp3A_741 : vector<16xf32>
          %div3A_745 = arith.constant 1.000000e+00 : f32
          %div3A_746 = vector.broadcast %div3A_745 : f32 to vector<16xf32>
          %div3A_747 = arith.divf %div3A_746, %add3A_744 : vector<16xf32>
          %get3A_748 = arith.index_cast %add3A_681 : i32 to index
          %get3A_749 = arith.constant 96 : index
          %get3A_750 = tpu.vector_load %arg31[%get3A_748, %get3A_749] {strides = array<i32>} : memref<80x128xf32, #tpu.memory_space<vmem>>, vector<1x16xf32>,
          %get3A_751 = vector.shape_cast %get3A_750 : vector<1x16xf32> to vector<16xf32>
          %mul3A_752 = arith.mulf %div3A_747, %get3A_751 : vector<16xf32>
          %get3A_753 = arith.index_cast %add3A_681 : i32 to index
          %get3A_754 = arith.constant 48 : index
          %get3A_755 = tpu.vector_load %arg31[%get3A_753, %get3A_754] {strides = array<i32>} : memref<80x128xf32, #tpu.memory_space<vmem>>, vector<1x16xf32>,
          %get3A_756 = vector.shape_cast %get3A_755 : vector<1x16xf32> to vector<16xf32>
          %get3A_757 = arith.index_cast %add3A_681 : i32 to index
          %get3A_758 = arith.constant 48 : index
          %get3A_759 = tpu.vector_load %arg35[%get3A_757, %get3A_758] {strides = array<i32>} : memref<80x64xf32, #tpu.memory_space<vmem>>, vector<1x16xf32>,
          %get3A_760 = vector.shape_cast %get3A_759 : vector<1x16xf32> to vector<16xf32>
          %add3A_761 = arith.addf %get3A_756, %get3A_760 : vector<16xf32>
          %mul3A_762 = arith.mulf %get3A_685, %get3A_670 : vector<16xf32>
          %add3A_763 = arith.addf %add3A_761, %mul3A_762 : vector<16xf32>
          %exp3A_764 = math.exp %add3A_763 : vector<16xf32>
          %add3A_765 = arith.constant 1.000000e+00 : f32
          %add3A_766 = vector.broadcast %add3A_765 : f32 to vector<16xf32>
          %add3A_767 = arith.addf %add3A_766, %exp3A_764 : vector<16xf32>
          %div3A_768 = arith.constant 1.000000e+00 : f32
          %div3A_769 = vector.broadcast %div3A_768 : f32 to vector<16xf32>
          %div3A_770 = arith.divf %div3A_769, %add3A_767 : vector<16xf32>
          %get3A_771 = arith.index_cast %add3A_681 : i32 to index
          %get3A_772 = arith.constant 112 : index
          %get3A_773 = tpu.vector_load %arg31[%get3A_771, %get3A_772] {strides = array<i32>} : memref<80x128xf32, #tpu.memory_space<vmem>>, vector<1x16xf32>,
          %get3A_774 = vector.shape_cast %get3A_773 : vector<1x16xf32> to vector<16xf32>
          %mul3A_775 = arith.mulf %div3A_770, %get3A_774 : vector<16xf32>
          %mul3A_776 = arith.constant 2 : i32
          %mul3A_777 = arith.muli %scan3A_677, %mul3A_776 : i32
          %add3A_778 = arith.constant 1 : i32
          %add3A_779 = arith.addi %mul3A_777, %add3A_778 : i32
          %get3A_780 = arith.index_cast %add3A_779 : i32 to index
          %get3A_781 = arith.constant 0 : index
          %get3A_782 = tpu.vector_load %arg27[%get3A_780, %get3A_781] {strides = array<i32>} : memref<80x16xf32, #tpu.memory_space<vmem>>, vector<1x16xf32>,
          %get3A_783 = vector.shape_cast %get3A_782 : vector<1x16xf32> to vector<16xf32>
          %get3A_784 = arith.index_cast %add3A_779 : i32 to index
          %get3A_785 = arith.constant 0 : index
          %get3A_786 = tpu.vector_load %arg31[%get3A_784, %get3A_785] {strides = array<i32>} : memref<80x128xf32, #tpu.memory_space<vmem>>, vector<1x16xf32>,
          %get3A_787 = vector.shape_cast %get3A_786 : vector<1x16xf32> to vector<16xf32>
          %get3A_788 = arith.index_cast %add3A_779 : i32 to index
          %get3A_789 = arith.constant 0 : index
          %get3A_790 = tpu.vector_load %arg35[%get3A_788, %get3A_789] {strides = array<i32>} : memref<80x64xf32, #tpu.memory_space<vmem>>, vector<1x16xf32>,
          %get3A_791 = vector.shape_cast %get3A_790 : vector<1x16xf32> to vector<16xf32>
          %add3A_792 = arith.addf %get3A_787, %get3A_791 : vector<16xf32>
          %mul3A_793 = arith.mulf %get3A_783, %get3A_661 : vector<16xf32>
          %add3A_794 = arith.addf %add3A_792, %mul3A_793 : vector<16xf32>
          %exp3A_795 = math.exp %add3A_794 : vector<16xf32>
          %add3A_796 = arith.constant 1.000000e+00 : f32
          %add3A_797 = vector.broadcast %add3A_796 : f32 to vector<16xf32>
          %add3A_798 = arith.addf %add3A_797, %exp3A_795 : vector<16xf32>
          %div3A_799 = arith.constant 1.000000e+00 : f32
          %div3A_800 = vector.broadcast %div3A_799 : f32 to vector<16xf32>
          %div3A_801 = arith.divf %div3A_800, %add3A_798 : vector<16xf32>
          %get3A_802 = arith.index_cast %add3A_779 : i32 to index
          %get3A_803 = arith.constant 64 : index
          %get3A_804 = tpu.vector_load %arg31[%get3A_802, %get3A_803] {strides = array<i32>} : memref<80x128xf32, #tpu.memory_space<vmem>>, vector<1x16xf32>,
          %get3A_805 = vector.shape_cast %get3A_804 : vector<1x16xf32> to vector<16xf32>
          %mul3A_806 = arith.mulf %div3A_801, %get3A_805 : vector<16xf32>
          %get3A_807 = arith.index_cast %add3A_779 : i32 to index
          %get3A_808 = arith.constant 16 : index
          %get3A_809 = tpu.vector_load %arg31[%get3A_807, %get3A_808] {strides = array<i32>} : memref<80x128xf32, #tpu.memory_space<vmem>>, vector<1x16xf32>,
          %get3A_810 = vector.shape_cast %get3A_809 : vector<1x16xf32> to vector<16xf32>
          %get3A_811 = arith.index_cast %add3A_779 : i32 to index
          %get3A_812 = arith.constant 16 : index
          %get3A_813 = tpu.vector_load %arg35[%get3A_811, %get3A_812] {strides = array<i32>} : memref<80x64xf32, #tpu.memory_space<vmem>>, vector<1x16xf32>,
          %get3A_814 = vector.shape_cast %get3A_813 : vector<1x16xf32> to vector<16xf32>
          %add3A_815 = arith.addf %get3A_810, %get3A_814 : vector<16xf32>
          %mul3A_816 = arith.mulf %get3A_783, %get3A_664 : vector<16xf32>
          %add3A_817 = arith.addf %add3A_815, %mul3A_816 : vector<16xf32>
          %exp3A_818 = math.exp %add3A_817 : vector<16xf32>
          %add3A_819 = arith.constant 1.000000e+00 : f32
          %add3A_820 = vector.broadcast %add3A_819 : f32 to vector<16xf32>
          %add3A_821 = arith.addf %add3A_820, %exp3A_818 : vector<16xf32>
          %div3A_822 = arith.constant 1.000000e+00 : f32
          %div3A_823 = vector.broadcast %div3A_822 : f32 to vector<16xf32>
          %div3A_824 = arith.divf %div3A_823, %add3A_821 : vector<16xf32>
          %get3A_825 = arith.index_cast %add3A_779 : i32 to index
          %get3A_826 = arith.constant 80 : index
          %get3A_827 = tpu.vector_load %arg31[%get3A_825, %get3A_826] {strides = array<i32>} : memref<80x128xf32, #tpu.memory_space<vmem>>, vector<1x16xf32>,
          %get3A_828 = vector.shape_cast %get3A_827 : vector<1x16xf32> to vector<16xf32>
          %mul3A_829 = arith.mulf %div3A_824, %get3A_828 : vector<16xf32>
          %get3A_830 = arith.index_cast %add3A_779 : i32 to index
          %get3A_831 = arith.constant 32 : index
          %get3A_832 = tpu.vector_load %arg31[%get3A_830, %get3A_831] {strides = array<i32>} : memref<80x128xf32, #tpu.memory_space<vmem>>, vector<1x16xf32>,
          %get3A_833 = vector.shape_cast %get3A_832 : vector<1x16xf32> to vector<16xf32>
          %get3A_834 = arith.index_cast %add3A_779 : i32 to index
          %get3A_835 = arith.constant 32 : index
          %get3A_836 = tpu.vector_load %arg35[%get3A_834, %get3A_835] {strides = array<i32>} : memref<80x64xf32, #tpu.memory_space<vmem>>, vector<1x16xf32>,
          %get3A_837 = vector.shape_cast %get3A_836 : vector<1x16xf32> to vector<16xf32>
          %add3A_838 = arith.addf %get3A_833, %get3A_837 : vector<16xf32>
          %mul3A_839 = arith.mulf %get3A_783, %get3A_667 : vector<16xf32>
          %add3A_840 = arith.addf %add3A_838, %mul3A_839 : vector<16xf32>
          %exp3A_841 = math.exp %add3A_840 : vector<16xf32>
          %add3A_842 = arith.constant 1.000000e+00 : f32
          %add3A_843 = vector.broadcast %add3A_842 : f32 to vector<16xf32>
          %add3A_844 = arith.addf %add3A_843, %exp3A_841 : vector<16xf32>
          %div3A_845 = arith.constant 1.000000e+00 : f32
          %div3A_846 = vector.broadcast %div3A_845 : f32 to vector<16xf32>
          %div3A_847 = arith.divf %div3A_846, %add3A_844 : vector<16xf32>
          %get3A_848 = arith.index_cast %add3A_779 : i32 to index
          %get3A_849 = arith.constant 96 : index
          %get3A_850 = tpu.vector_load %arg31[%get3A_848, %get3A_849] {strides = array<i32>} : memref<80x128xf32, #tpu.memory_space<vmem>>, vector<1x16xf32>,
          %get3A_851 = vector.shape_cast %get3A_850 : vector<1x16xf32> to vector<16xf32>
          %mul3A_852 = arith.mulf %div3A_847, %get3A_851 : vector<16xf32>
          %get3A_853 = arith.index_cast %add3A_779 : i32 to index
          %get3A_854 = arith.constant 48 : index
          %get3A_855 = tpu.vector_load %arg31[%get3A_853, %get3A_854] {strides = array<i32>} : memref<80x128xf32, #tpu.memory_space<vmem>>, vector<1x16xf32>,
          %get3A_856 = vector.shape_cast %get3A_855 : vector<1x16xf32> to vector<16xf32>
          %get3A_857 = arith.index_cast %add3A_779 : i32 to index
          %get3A_858 = arith.constant 48 : index
          %get3A_859 = tpu.vector_load %arg35[%get3A_857, %get3A_858] {strides = array<i32>} : memref<80x64xf32, #tpu.memory_space<vmem>>, vector<1x16xf32>,
          %get3A_860 = vector.shape_cast %get3A_859 : vector<1x16xf32> to vector<16xf32>
          %add3A_861 = arith.addf %get3A_856, %get3A_860 : vector<16xf32>
          %mul3A_862 = arith.mulf %get3A_783, %get3A_670 : vector<16xf32>
          %add3A_863 = arith.addf %add3A_861, %mul3A_862 : vector<16xf32>
          %exp3A_864 = math.exp %add3A_863 : vector<16xf32>
          %add3A_865 = arith.constant 1.000000e+00 : f32
          %add3A_866 = vector.broadcast %add3A_865 : f32 to vector<16xf32>
          %add3A_867 = arith.addf %add3A_866, %exp3A_864 : vector<16xf32>
          %div3A_868 = arith.constant 1.000000e+00 : f32
          %div3A_869 = vector.broadcast %div3A_868 : f32 to vector<16xf32>
          %div3A_870 = arith.divf %div3A_869, %add3A_867 : vector<16xf32>
          %get3A_871 = arith.index_cast %add3A_779 : i32 to index
          %get3A_872 = arith.constant 112 : index
          %get3A_873 = tpu.vector_load %arg31[%get3A_871, %get3A_872] {strides = array<i32>} : memref<80x128xf32, #tpu.memory_space<vmem>>, vector<1x16xf32>,
          %get3A_874 = vector.shape_cast %get3A_873 : vector<1x16xf32> to vector<16xf32>
          %mul3A_875 = arith.mulf %div3A_870, %get3A_874 : vector<16xf32>
          %swap3A_876 = arith.index_cast %add3A_681 : i32 to index
          %swap3A_877 = arith.constant 0 : index
          %swap3A_878 = tpu.vector_load %arg38[%swap3A_876, %swap3A_877] {strides = array<i32>} : memref<80x64xf32, #tpu.memory_space<vmem>>, vector<1x16xf32>,
          %swap3A_879 = vector.shape_cast %swap3A_878 : vector<1x16xf32> to vector<16xf32>
          %swap3A_880 = vector.shape_cast %mul3A_706 : vector<16xf32> to vector<1x16xf32>
          tpu.vector_store %arg38[%swap3A_876, %swap3A_877], %swap3A_880 {strides = array<i32>} : memref<80x64xf32, #tpu.memory_space<vmem>>, vector<1x16xf32>,
          %swap3A_881 = arith.index_cast %add3A_681 : i32 to index
          %swap3A_882 = arith.constant 16 : index
          %swap3A_883 = tpu.vector_load %arg38[%swap3A_881, %swap3A_882] {strides = array<i32>} : memref<80x64xf32, #tpu.memory_space<vmem>>, vector<1x16xf32>,
          %swap3A_884 = vector.shape_cast %swap3A_883 : vector<1x16xf32> to vector<16xf32>
          %swap3A_885 = vector.shape_cast %mul3A_729 : vector<16xf32> to vector<1x16xf32>
          tpu.vector_store %arg38[%swap3A_881, %swap3A_882], %swap3A_885 {strides = array<i32>} : memref<80x64xf32, #tpu.memory_space<vmem>>, vector<1x16xf32>,
          %swap3A_886 = arith.index_cast %add3A_681 : i32 to index
          %swap3A_887 = arith.constant 32 : index
          %swap3A_888 = tpu.vector_load %arg38[%swap3A_886, %swap3A_887] {strides = array<i32>} : memref<80x64xf32, #tpu.memory_space<vmem>>, vector<1x16xf32>,
          %swap3A_889 = vector.shape_cast %swap3A_888 : vector<1x16xf32> to vector<16xf32>
          %swap3A_890 = vector.shape_cast %mul3A_752 : vector<16xf32> to vector<1x16xf32>
          tpu.vector_store %arg38[%swap3A_886, %swap3A_887], %swap3A_890 {strides = array<i32>} : memref<80x64xf32, #tpu.memory_space<vmem>>, vector<1x16xf32>,
          %swap3A_891 = arith.index_cast %add3A_681 : i32 to index
          %swap3A_892 = arith.constant 48 : index
          %swap3A_893 = tpu.vector_load %arg38[%swap3A_891, %swap3A_892] {strides = array<i32>} : memref<80x64xf32, #tpu.memory_space<vmem>>, vector<1x16xf32>,
          %swap3A_894 = vector.shape_cast %swap3A_893 : vector<1x16xf32> to vector<16xf32>
          %swap3A_895 = vector.shape_cast %mul3A_775 : vector<16xf32> to vector<1x16xf32>
          tpu.vector_store %arg38[%swap3A_891, %swap3A_892], %swap3A_895 {strides = array<i32>} : memref<80x64xf32, #tpu.memory_space<vmem>>, vector<1x16xf32>,
          %swap3A_896 = arith.index_cast %add3A_779 : i32 to index
          %swap3A_897 = arith.constant 0 : index
          %swap3A_898 = tpu.vector_load %arg38[%swap3A_896, %swap3A_897] {strides = array<i32>} : memref<80x64xf32, #tpu.memory_space<vmem>>, vector<1x16xf32>,
          %swap3A_899 = vector.shape_cast %swap3A_898 : vector<1x16xf32> to vector<16xf32>
          %swap3A_900 = vector.shape_cast %mul3A_806 : vector<16xf32> to vector<1x16xf32>
          tpu.vector_store %arg38[%swap3A_896, %swap3A_897], %swap3A_900 {strides = array<i32>} : memref<80x64xf32, #tpu.memory_space<vmem>>, vector<1x16xf32>,
          %swap3A_901 = arith.index_cast %add3A_779 : i32 to index
          %swap3A_902 = arith.constant 16 : index
          %swap3A_903 = tpu.vector_load %arg38[%swap3A_901, %swap3A_902] {strides = array<i32>} : memref<80x64xf32, #tpu.memory_space<vmem>>, vector<1x16xf32>,
          %swap3A_904 = vector.shape_cast %swap3A_903 : vector<1x16xf32> to vector<16xf32>
          %swap3A_905 = vector.shape_cast %mul3A_829 : vector<16xf32> to vector<1x16xf32>
          tpu.vector_store %arg38[%swap3A_901, %swap3A_902], %swap3A_905 {strides = array<i32>} : memref<80x64xf32, #tpu.memory_space<vmem>>, vector<1x16xf32>,
          %swap3A_906 = arith.index_cast %add3A_779 : i32 to index
          %swap3A_907 = arith.constant 32 : index
          %swap3A_908 = tpu.vector_load %arg38[%swap3A_906, %swap3A_907] {strides = array<i32>} : memref<80x64xf32, #tpu.memory_space<vmem>>, vector<1x16xf32>,
          %swap3A_909 = vector.shape_cast %swap3A_908 : vector<1x16xf32> to vector<16xf32>
          %swap3A_910 = vector.shape_cast %mul3A_852 : vector<16xf32> to vector<1x16xf32>
          tpu.vector_store %arg38[%swap3A_906, %swap3A_907], %swap3A_910 {strides = array<i32>} : memref<80x64xf32, #tpu.memory_space<vmem>>, vector<1x16xf32>,
          %swap3A_911 = arith.index_cast %add3A_779 : i32 to index
          %swap3A_912 = arith.constant 48 : index
          %swap3A_913 = tpu.vector_load %arg38[%swap3A_911, %swap3A_912] {strides = array<i32>} : memref<80x64xf32, #tpu.memory_space<vmem>>, vector<1x16xf32>,
          %swap3A_914 = vector.shape_cast %swap3A_913 : vector<1x16xf32> to vector<16xf32>
          %swap3A_915 = vector.shape_cast %mul3A_875 : vector<16xf32> to vector<1x16xf32>
          tpu.vector_store %arg38[%swap3A_911, %swap3A_912], %swap3A_915 {strides = array<i32>} : memref<80x64xf32, #tpu.memory_space<vmem>>, vector<1x16xf32>,
        }
        %scan3A_676 = arith.constant 40 : i32
        "tpu.region"() ({
          %run_scoped3A = tpu.sem_alloc : memref<!tpu.dma_semaphore, #tpu.memory_space<semaphore_mem>>
          %dma_start3A_677 = arith.constant 0 : i32
          %dma_start3A_678 = arith.constant 0 : i32
          %dma_start3A_679 = tpu.memref_slice %arg40[%dma_start3A_677, %dma_start3A_678] : memref<10000x64xf32, #tpu.memory_space<vmem_shared>> -> memref<10000x64xf32, #tpu.memory_space<vmem_shared>>
          tpu.enqueue_indirect_dma source(%arg38 : memref<80x64xf32, #tpu.memory_space<vmem>>) target(%dma_start3A_679 : memref<10000x64xf32, #tpu.memory_space<vmem_shared>>) offsets(%arg19 : memref<80xi32, #tpu.memory_space<vmem>>) semaphore(%run_scoped3A : memref<!tpu.dma_semaphore, #tpu.memory_space<semaphore_mem>>) {add = true}
          %dma_wait3A_680 = arith.constant 0 : i32
          %dma_wait3A_681 = arith.constant 0 : i32
          %dma_wait3A_682 = tpu.memref_slice %arg40[%dma_wait3A_680, %dma_wait3A_681] : memref<10000x64xf32, #tpu.memory_space<vmem_shared>> -> memref<10000x64xf32, #tpu.memory_space<vmem_shared>>
          tpu.wait_indirect_dma semaphore(%run_scoped3A : memref<!tpu.dma_semaphore, #tpu.memory_space<semaphore_mem>>) src(%arg38 : memref<80x64xf32, #tpu.memory_space<vmem>>) dst(%dma_wait3A_682 : memref<10000x64xf32, #tpu.memory_space<vmem_shared>>)
          tpu.yield
        }) : () -> ()
      } else {
      }
      %add3A_598 = arith.constant 4 : i32
      %add3A_599 = arith.addi %add3A_585, %add3A_598 : i32
      %lt3A_600 = arith.constant 250 : i32
      %lt3A_601 = arith.cmpi slt, %add3A_599, %lt3A_600 : i32
      %convert_element_type3A_602 = arith.extui %lt3A_601 : i1 to i32
      %cond3A_603 = arith.constant 0 : i32
      %cond3A_604 = arith.cmpi ne, %convert_element_type3A_602, %cond3A_603 : i32
      scf.if %cond3A_604 {
        %add3A_647 = arith.constant 4 : i32
        %add3A_648 = arith.addi %add3A_585, %add3A_647 : i32
        %mul3A_649 = arith.constant 80 : i32
        %mul3A_650 = arith.muli %add3A_648, %mul3A_649 : i32
        %add3A_651 = arith.addi %mul3A_2, %mul3A_650 : i32
        %dma_start3A_652 = tpu.memref_slice %arg5[%add3A_651] : memref<320000xi32, #tpu.memory_space<hbm>> -> memref<80xi32, #tpu.memory_space<hbm>>
        %dma_start3A_653 = tpu.memref_slice %arg5[%add3A_651] : memref<320000xi32, #tpu.memory_space<hbm>> -> memref<80xi32, #tpu.memory_space<hbm>>
        tpu.enqueue_dma source(%dma_start3A_653 : memref<80xi32, #tpu.memory_space<hbm>>) target(%arg15 : memref<80xi32, #tpu.memory_space<vmem>>) target_semaphore(%arg43 : memref<!tpu.dma_semaphore, #tpu.memory_space<semaphore_mem>>)
        %dma_start3A_654 = tpu.memref_slice %arg6[%add3A_651] : memref<320000xi32, #tpu.memory_space<hbm>> -> memref<80xi32, #tpu.memory_space<hbm>>
        %dma_start3A_655 = tpu.memref_slice %arg6[%add3A_651] : memref<320000xi32, #tpu.memory_space<hbm>> -> memref<80xi32, #tpu.memory_space<hbm>>
        tpu.enqueue_dma source(%dma_start3A_655 : memref<80xi32, #tpu.memory_space<hbm>>) target(%arg19 : memref<80xi32, #tpu.memory_space<vmem>>) target_semaphore(%arg43 : memref<!tpu.dma_semaphore, #tpu.memory_space<semaphore_mem>>)
        %dma_start3A_656 = arith.constant 0 : i32
        %dma_start3A_657 = tpu.memref_slice %arg7[%add3A_651, %dma_start3A_656] : memref<320000x16xf32, #tpu.memory_space<hbm>> -> memref<80x16xf32, #tpu.memory_space<hbm>>
        %dma_start3A_658 = arith.constant 0 : i32
        %dma_start3A_659 = tpu.memref_slice %arg7[%add3A_651, %dma_start3A_658] : memref<320000x16xf32, #tpu.memory_space<hbm>> -> memref<80x16xf32, #tpu.memory_space<hbm>>
        tpu.enqueue_dma source(%dma_start3A_659 : memref<80x16xf32, #tpu.memory_space<hbm>>) target(%arg27 : memref<80x16xf32, #tpu.memory_space<vmem>>) target_semaphore(%arg43 : memref<!tpu.dma_semaphore, #tpu.memory_space<semaphore_mem>>)
      } else {
      }
      %add3A_605 = arith.constant 2 : i32
      %add3A_606 = arith.addi %mul3A_563, %add3A_605 : i32
      %add3A_607 = arith.constant 2 : i32
      %add3A_608 = arith.addi %add3A_606, %add3A_607 : i32
      %lt3A_609 = arith.constant 250 : i32
      %lt3A_610 = arith.cmpi slt, %add3A_608, %lt3A_609 : i32
      %convert_element_type3A_611 = arith.extui %lt3A_610 : i1 to i32
      %cond3A_612 = arith.constant 0 : i32
      %cond3A_613 = arith.cmpi ne, %convert_element_type3A_611, %cond3A_612 : i32
      scf.if %cond3A_613 {
        %dma_wait3A_647 = arith.constant 0 : i32
        %dma_wait3A_648 = tpu.memref_slice %arg5[%dma_wait3A_647] : memref<320000xi32, #tpu.memory_space<hbm>> -> memref<80xi32, #tpu.memory_space<hbm>>
        %dma_wait3A_649 = arith.constant 0 : i32
        %dma_wait3A_650 = tpu.memref_slice %arg5[%dma_wait3A_649] : memref<320000xi32, #tpu.memory_space<hbm>> -> memref<80xi32, #tpu.memory_space<hbm>>
        tpu.wait_dma2 semaphore(%arg42 : memref<!tpu.dma_semaphore, #tpu.memory_space<semaphore_mem>>) src(%dma_wait3A_650 : memref<80xi32, #tpu.memory_space<hbm>>) dst(%arg14 : memref<80xi32, #tpu.memory_space<vmem>>)
        %dma_wait3A_651 = arith.constant 0 : i32
        %dma_wait3A_652 = tpu.memref_slice %arg6[%dma_wait3A_651] : memref<320000xi32, #tpu.memory_space<hbm>> -> memref<80xi32, #tpu.memory_space<hbm>>
        %dma_wait3A_653 = arith.constant 0 : i32
        %dma_wait3A_654 = tpu.memref_slice %arg6[%dma_wait3A_653] : memref<320000xi32, #tpu.memory_space<hbm>> -> memref<80xi32, #tpu.memory_space<hbm>>
        tpu.wait_dma2 semaphore(%arg42 : memref<!tpu.dma_semaphore, #tpu.memory_space<semaphore_mem>>) src(%dma_wait3A_654 : memref<80xi32, #tpu.memory_space<hbm>>) dst(%arg18 : memref<80xi32, #tpu.memory_space<vmem>>)
        %dma_wait3A_655 = arith.constant 0 : i32
        %dma_wait3A_656 = arith.constant 0 : i32
        %dma_wait3A_657 = tpu.memref_slice %arg7[%dma_wait3A_655, %dma_wait3A_656] : memref<320000x16xf32, #tpu.memory_space<hbm>> -> memref<80x16xf32, #tpu.memory_space<hbm>>
        %dma_wait3A_658 = arith.constant 0 : i32
        %dma_wait3A_659 = arith.constant 0 : i32
        %dma_wait3A_660 = tpu.memref_slice %arg7[%dma_wait3A_658, %dma_wait3A_659] : memref<320000x16xf32, #tpu.memory_space<hbm>> -> memref<80x16xf32, #tpu.memory_space<hbm>>
        tpu.wait_dma2 semaphore(%arg42 : memref<!tpu.dma_semaphore, #tpu.memory_space<semaphore_mem>>) src(%dma_wait3A_660 : memref<80x16xf32, #tpu.memory_space<hbm>>) dst(%arg26 : memref<80x16xf32, #tpu.memory_space<vmem>>)
        %get3A_661 = arith.constant 0 : index
        %get3A_662 = tpu.vector_load %arg14[%get3A_661] {strides = array<i32>} : memref<80xi32, #tpu.memory_space<vmem>>, vector<16xi32>,
        %get3A_663 = vector.shape_cast %get3A_662 : vector<16xi32> to vector<16xi32>
        %mul3A_664 = arith.constant 2 : i32
        %mul3A_665 = vector.broadcast %mul3A_664 : i32 to vector<16xi32>
        %mul3A_666 = arith.muli %get3A_663, %mul3A_665 : vector<16xi32>
        %add3A_667 = vector.broadcast %arg0 : i32 to vector<16xi32>
        %add3A_668 = arith.addi %mul3A_666, %add3A_667 : vector<16xi32>
        %swap3A_669 = arith.constant 0 : index
        %swap3A_670 = tpu.vector_load %arg14[%swap3A_669] {strides = array<i32>} : memref<80xi32, #tpu.memory_space<vmem>>, vector<16xi32>,
        %swap3A_671 = vector.shape_cast %swap3A_670 : vector<16xi32> to vector<16xi32>
        %swap3A_672 = vector.shape_cast %add3A_668 : vector<16xi32> to vector<16xi32>
        tpu.vector_store %arg14[%swap3A_669], %swap3A_672 {strides = array<i32>} : memref<80xi32, #tpu.memory_space<vmem>>, vector<16xi32>,
        %get3A_673 = arith.constant 16 : index
        %get3A_674 = tpu.vector_load %arg14[%get3A_673] {strides = array<i32>} : memref<80xi32, #tpu.memory_space<vmem>>, vector<16xi32>,
        %get3A_675 = vector.shape_cast %get3A_674 : vector<16xi32> to vector<16xi32>
        %mul3A_676 = arith.constant 2 : i32
        %mul3A_677 = vector.broadcast %mul3A_676 : i32 to vector<16xi32>
        %mul3A_678 = arith.muli %get3A_675, %mul3A_677 : vector<16xi32>
        %add3A_679 = vector.broadcast %arg0 : i32 to vector<16xi32>
        %add3A_680 = arith.addi %mul3A_678, %add3A_679 : vector<16xi32>
        %swap3A_681 = arith.constant 16 : index
        %swap3A_682 = tpu.vector_load %arg14[%swap3A_681] {strides = array<i32>} : memref<80xi32, #tpu.memory_space<vmem>>, vector<16xi32>,
        %swap3A_683 = vector.shape_cast %swap3A_682 : vector<16xi32> to vector<16xi32>
        %swap3A_684 = vector.shape_cast %add3A_680 : vector<16xi32> to vector<16xi32>
        tpu.vector_store %arg14[%swap3A_681], %swap3A_684 {strides = array<i32>} : memref<80xi32, #tpu.memory_space<vmem>>, vector<16xi32>,
        %get3A_685 = arith.constant 32 : index
        %get3A_686 = tpu.vector_load %arg14[%get3A_685] {strides = array<i32>} : memref<80xi32, #tpu.memory_space<vmem>>, vector<16xi32>,
        %get3A_687 = vector.shape_cast %get3A_686 : vector<16xi32> to vector<16xi32>
        %mul3A_688 = arith.constant 2 : i32
        %mul3A_689 = vector.broadcast %mul3A_688 : i32 to vector<16xi32>
        %mul3A_690 = arith.muli %get3A_687, %mul3A_689 : vector<16xi32>
        %add3A_691 = vector.broadcast %arg0 : i32 to vector<16xi32>
        %add3A_692 = arith.addi %mul3A_690, %add3A_691 : vector<16xi32>
        %swap3A_693 = arith.constant 32 : index
        %swap3A_694 = tpu.vector_load %arg14[%swap3A_693] {strides = array<i32>} : memref<80xi32, #tpu.memory_space<vmem>>, vector<16xi32>,
        %swap3A_695 = vector.shape_cast %swap3A_694 : vector<16xi32> to vector<16xi32>
        %swap3A_696 = vector.shape_cast %add3A_692 : vector<16xi32> to vector<16xi32>
        tpu.vector_store %arg14[%swap3A_693], %swap3A_696 {strides = array<i32>} : memref<80xi32, #tpu.memory_space<vmem>>, vector<16xi32>,
        %get3A_697 = arith.constant 48 : index
        %get3A_698 = tpu.vector_load %arg14[%get3A_697] {strides = array<i32>} : memref<80xi32, #tpu.memory_space<vmem>>, vector<16xi32>,
        %get3A_699 = vector.shape_cast %get3A_698 : vector<16xi32> to vector<16xi32>
        %mul3A_700 = arith.constant 2 : i32
        %mul3A_701 = vector.broadcast %mul3A_700 : i32 to vector<16xi32>
        %mul3A_702 = arith.muli %get3A_699, %mul3A_701 : vector<16xi32>
        %add3A_703 = vector.broadcast %arg0 : i32 to vector<16xi32>
        %add3A_704 = arith.addi %mul3A_702, %add3A_703 : vector<16xi32>
        %swap3A_705 = arith.constant 48 : index
        %swap3A_706 = tpu.vector_load %arg14[%swap3A_705] {strides = array<i32>} : memref<80xi32, #tpu.memory_space<vmem>>, vector<16xi32>,
        %swap3A_707 = vector.shape_cast %swap3A_706 : vector<16xi32> to vector<16xi32>
        %swap3A_708 = vector.shape_cast %add3A_704 : vector<16xi32> to vector<16xi32>
        tpu.vector_store %arg14[%swap3A_705], %swap3A_708 {strides = array<i32>} : memref<80xi32, #tpu.memory_space<vmem>>, vector<16xi32>,
        %get3A_709 = arith.constant 64 : index
        %get3A_710 = tpu.vector_load %arg14[%get3A_709] {strides = array<i32>} : memref<80xi32, #tpu.memory_space<vmem>>, vector<16xi32>,
        %get3A_711 = vector.shape_cast %get3A_710 : vector<16xi32> to vector<16xi32>
        %mul3A_712 = arith.constant 2 : i32
        %mul3A_713 = vector.broadcast %mul3A_712 : i32 to vector<16xi32>
        %mul3A_714 = arith.muli %get3A_711, %mul3A_713 : vector<16xi32>
        %add3A_715 = vector.broadcast %arg0 : i32 to vector<16xi32>
        %add3A_716 = arith.addi %mul3A_714, %add3A_715 : vector<16xi32>
        %swap3A_717 = arith.constant 64 : index
        %swap3A_718 = tpu.vector_load %arg14[%swap3A_717] {strides = array<i32>} : memref<80xi32, #tpu.memory_space<vmem>>, vector<16xi32>,
        %swap3A_719 = vector.shape_cast %swap3A_718 : vector<16xi32> to vector<16xi32>
        %swap3A_720 = vector.shape_cast %add3A_716 : vector<16xi32> to vector<16xi32>
        tpu.vector_store %arg14[%swap3A_717], %swap3A_720 {strides = array<i32>} : memref<80xi32, #tpu.memory_space<vmem>>, vector<16xi32>,
        %get3A_721 = arith.constant 0 : index
        %get3A_722 = tpu.vector_load %arg18[%get3A_721] {strides = array<i32>} : memref<80xi32, #tpu.memory_space<vmem>>, vector<16xi32>,
        %get3A_723 = vector.shape_cast %get3A_722 : vector<16xi32> to vector<16xi32>
        %mul3A_724 = arith.constant 2 : i32
        %mul3A_725 = vector.broadcast %mul3A_724 : i32 to vector<16xi32>
        %mul3A_726 = arith.muli %get3A_723, %mul3A_725 : vector<16xi32>
        %add3A_727 = vector.broadcast %arg0 : i32 to vector<16xi32>
        %add3A_728 = arith.addi %mul3A_726, %add3A_727 : vector<16xi32>
        %swap3A_729 = arith.constant 0 : index
        %swap3A_730 = tpu.vector_load %arg22[%swap3A_729] {strides = array<i32>} : memref<80xi32, #tpu.memory_space<vmem>>, vector<16xi32>,
        %swap3A_731 = vector.shape_cast %swap3A_730 : vector<16xi32> to vector<16xi32>
        %swap3A_732 = vector.shape_cast %add3A_728 : vector<16xi32> to vector<16xi32>
        tpu.vector_store %arg22[%swap3A_729], %swap3A_732 {strides = array<i32>} : memref<80xi32, #tpu.memory_space<vmem>>, vector<16xi32>,
        %get3A_733 = arith.constant 16 : index
        %get3A_734 = tpu.vector_load %arg18[%get3A_733] {strides = array<i32>} : memref<80xi32, #tpu.memory_space<vmem>>, vector<16xi32>,
        %get3A_735 = vector.shape_cast %get3A_734 : vector<16xi32> to vector<16xi32>
        %mul3A_736 = arith.constant 2 : i32
        %mul3A_737 = vector.broadcast %mul3A_736 : i32 to vector<16xi32>
        %mul3A_738 = arith.muli %get3A_735, %mul3A_737 : vector<16xi32>
        %add3A_739 = vector.broadcast %arg0 : i32 to vector<16xi32>
        %add3A_740 = arith.addi %mul3A_738, %add3A_739 : vector<16xi32>
        %swap3A_741 = arith.constant 16 : index
        %swap3A_742 = tpu.vector_load %arg22[%swap3A_741] {strides = array<i32>} : memref<80xi32, #tpu.memory_space<vmem>>, vector<16xi32>,
        %swap3A_743 = vector.shape_cast %swap3A_742 : vector<16xi32> to vector<16xi32>
        %swap3A_744 = vector.shape_cast %add3A_740 : vector<16xi32> to vector<16xi32>
        tpu.vector_store %arg22[%swap3A_741], %swap3A_744 {strides = array<i32>} : memref<80xi32, #tpu.memory_space<vmem>>, vector<16xi32>,
        %get3A_745 = arith.constant 32 : index
        %get3A_746 = tpu.vector_load %arg18[%get3A_745] {strides = array<i32>} : memref<80xi32, #tpu.memory_space<vmem>>, vector<16xi32>,
        %get3A_747 = vector.shape_cast %get3A_746 : vector<16xi32> to vector<16xi32>
        %mul3A_748 = arith.constant 2 : i32
        %mul3A_749 = vector.broadcast %mul3A_748 : i32 to vector<16xi32>
        %mul3A_750 = arith.muli %get3A_747, %mul3A_749 : vector<16xi32>
        %add3A_751 = vector.broadcast %arg0 : i32 to vector<16xi32>
        %add3A_752 = arith.addi %mul3A_750, %add3A_751 : vector<16xi32>
        %swap3A_753 = arith.constant 32 : index
        %swap3A_754 = tpu.vector_load %arg22[%swap3A_753] {strides = array<i32>} : memref<80xi32, #tpu.memory_space<vmem>>, vector<16xi32>,
        %swap3A_755 = vector.shape_cast %swap3A_754 : vector<16xi32> to vector<16xi32>
        %swap3A_756 = vector.shape_cast %add3A_752 : vector<16xi32> to vector<16xi32>
        tpu.vector_store %arg22[%swap3A_753], %swap3A_756 {strides = array<i32>} : memref<80xi32, #tpu.memory_space<vmem>>, vector<16xi32>,
        %get3A_757 = arith.constant 48 : index
        %get3A_758 = tpu.vector_load %arg18[%get3A_757] {strides = array<i32>} : memref<80xi32, #tpu.memory_space<vmem>>, vector<16xi32>,
        %get3A_759 = vector.shape_cast %get3A_758 : vector<16xi32> to vector<16xi32>
        %mul3A_760 = arith.constant 2 : i32
        %mul3A_761 = vector.broadcast %mul3A_760 : i32 to vector<16xi32>
        %mul3A_762 = arith.muli %get3A_759, %mul3A_761 : vector<16xi32>
        %add3A_763 = vector.broadcast %arg0 : i32 to vector<16xi32>
        %add3A_764 = arith.addi %mul3A_762, %add3A_763 : vector<16xi32>
        %swap3A_765 = arith.constant 48 : index
        %swap3A_766 = tpu.vector_load %arg22[%swap3A_765] {strides = array<i32>} : memref<80xi32, #tpu.memory_space<vmem>>, vector<16xi32>,
        %swap3A_767 = vector.shape_cast %swap3A_766 : vector<16xi32> to vector<16xi32>
        %swap3A_768 = vector.shape_cast %add3A_764 : vector<16xi32> to vector<16xi32>
        tpu.vector_store %arg22[%swap3A_765], %swap3A_768 {strides = array<i32>} : memref<80xi32, #tpu.memory_space<vmem>>, vector<16xi32>,
        %get3A_769 = arith.constant 64 : index
        %get3A_770 = tpu.vector_load %arg18[%get3A_769] {strides = array<i32>} : memref<80xi32, #tpu.memory_space<vmem>>, vector<16xi32>,
        %get3A_771 = vector.shape_cast %get3A_770 : vector<16xi32> to vector<16xi32>
        %mul3A_772 = arith.constant 2 : i32
        %mul3A_773 = vector.broadcast %mul3A_772 : i32 to vector<16xi32>
        %mul3A_774 = arith.muli %get3A_771, %mul3A_773 : vector<16xi32>
        %add3A_775 = vector.broadcast %arg0 : i32 to vector<16xi32>
        %add3A_776 = arith.addi %mul3A_774, %add3A_775 : vector<16xi32>
        %swap3A_777 = arith.constant 64 : index
        %swap3A_778 = tpu.vector_load %arg22[%swap3A_777] {strides = array<i32>} : memref<80xi32, #tpu.memory_space<vmem>>, vector<16xi32>,
        %swap3A_779 = vector.shape_cast %swap3A_778 : vector<16xi32> to vector<16xi32>
        %swap3A_780 = vector.shape_cast %add3A_776 : vector<16xi32> to vector<16xi32>
        tpu.vector_store %arg22[%swap3A_777], %swap3A_780 {strides = array<i32>} : memref<80xi32, #tpu.memory_space<vmem>>, vector<16xi32>,
        %dma_start3A_781 = arith.constant 0 : i32
        %dma_start3A_782 = arith.constant 0 : i32
        %dma_start3A_783 = tpu.memref_slice %arg2[%dma_start3A_781, %dma_start3A_782] : memref<20000x128xf32, #tpu.memory_space<hbm>> -> memref<20000x128xf32, #tpu.memory_space<hbm>>
        tpu.enqueue_indirect_dma source(%dma_start3A_783 : memref<20000x128xf32, #tpu.memory_space<hbm>>) target(%arg30 : memref<80x128xf32, #tpu.memory_space<vmem>>) offsets(%arg14 : memref<80xi32, #tpu.memory_space<vmem>>) semaphore(%arg46 : memref<!tpu.dma_semaphore, #tpu.memory_space<semaphore_mem>>)
        %dma_start3A_784 = arith.constant 0 : i32
        %dma_start3A_785 = arith.constant 0 : i32
        %dma_start3A_786 = tpu.memref_slice %arg3[%dma_start3A_784, %dma_start3A_785] : memref<20000x64xf32, #tpu.memory_space<hbm>> -> memref<20000x64xf32, #tpu.memory_space<hbm>>
        tpu.enqueue_indirect_dma source(%dma_start3A_786 : memref<20000x64xf32, #tpu.memory_space<hbm>>) target(%arg34 : memref<80x64xf32, #tpu.memory_space<vmem>>) offsets(%arg22 : memref<80xi32, #tpu.memory_space<vmem>>) semaphore(%arg46 : memref<!tpu.dma_semaphore, #tpu.memory_space<semaphore_mem>>)
      } else {
      }
      %lt3A_614 = arith.constant 250 : i32
      %lt3A_615 = arith.cmpi slt, %add3A_606, %lt3A_614 : i32
      %convert_element_type3A_616 = arith.extui %lt3A_615 : i1 to i32
      %cond3A_617 = arith.constant 0 : i32
      %cond3A_618 = arith.cmpi ne, %convert_element_type3A_616, %cond3A_617 : i32
      scf.if %cond3A_618 {
        %dma_wait3A_647 = arith.constant 0 : i32
        %dma_wait3A_648 = arith.constant 0 : i32
        %dma_wait3A_649 = tpu.memref_slice %arg2[%dma_wait3A_647, %dma_wait3A_648] : memref<20000x128xf32, #tpu.memory_space<hbm>> -> memref<80x128xf32, #tpu.memory_space<hbm>>
        %dma_wait3A_650 = arith.constant 0 : i32
        %dma_wait3A_651 = arith.constant 0 : i32
        %dma_wait3A_652 = tpu.memref_slice %arg2[%dma_wait3A_650, %dma_wait3A_651] : memref<20000x128xf32, #tpu.memory_space<hbm>> -> memref<80x128xf32, #tpu.memory_space<hbm>>
        tpu.wait_dma2 semaphore(%arg48 : memref<!tpu.dma_semaphore, #tpu.memory_space<semaphore_mem>>) src(%dma_wait3A_652 : memref<80x128xf32, #tpu.memory_space<hbm>>) dst(%arg32 : memref<80x128xf32, #tpu.memory_space<vmem>>)
        %dma_wait3A_653 = arith.constant 0 : i32
        %dma_wait3A_654 = arith.constant 0 : i32
        %dma_wait3A_655 = tpu.memref_slice %arg3[%dma_wait3A_653, %dma_wait3A_654] : memref<20000x64xf32, #tpu.memory_space<hbm>> -> memref<80x64xf32, #tpu.memory_space<hbm>>
        %dma_wait3A_656 = arith.constant 0 : i32
        %dma_wait3A_657 = arith.constant 0 : i32
        %dma_wait3A_658 = tpu.memref_slice %arg3[%dma_wait3A_656, %dma_wait3A_657] : memref<20000x64xf32, #tpu.memory_space<hbm>> -> memref<80x64xf32, #tpu.memory_space<hbm>>
        tpu.wait_dma2 semaphore(%arg48 : memref<!tpu.dma_semaphore, #tpu.memory_space<semaphore_mem>>) src(%dma_wait3A_658 : memref<80x64xf32, #tpu.memory_space<hbm>>) dst(%arg36 : memref<80x64xf32, #tpu.memory_space<vmem>>)
        %get3A_659 = arith.constant 0 : index
        %get3A_660 = tpu.vector_load %arg39[%get3A_659] {strides = array<i32>} : memref<64xf32, #tpu.memory_space<vmem>>, vector<16xf32>,
        %get3A_661 = vector.shape_cast %get3A_660 : vector<16xf32> to vector<16xf32>
        %get3A_662 = arith.constant 16 : index
        %get3A_663 = tpu.vector_load %arg39[%get3A_662] {strides = array<i32>} : memref<64xf32, #tpu.memory_space<vmem>>, vector<16xf32>,
        %get3A_664 = vector.shape_cast %get3A_663 : vector<16xf32> to vector<16xf32>
        %get3A_665 = arith.constant 32 : index
        %get3A_666 = tpu.vector_load %arg39[%get3A_665] {strides = array<i32>} : memref<64xf32, #tpu.memory_space<vmem>>, vector<16xf32>,
        %get3A_667 = vector.shape_cast %get3A_666 : vector<16xf32> to vector<16xf32>
        %get3A_668 = arith.constant 48 : index
        %get3A_669 = tpu.vector_load %arg39[%get3A_668] {strides = array<i32>} : memref<64xf32, #tpu.memory_space<vmem>>, vector<16xf32>,
        %get3A_670 = vector.shape_cast %get3A_669 : vector<16xf32> to vector<16xf32>
        %scan3A_671 = arith.constant 0 : i32
        %scan3A_672 = arith.constant 0 : i32
        %scan3A_673 = arith.constant 40 : i32
        %scan3A_674 = arith.addi %scan3A_672, %scan3A_673 : i32
        %scan3A_675 = arith.constant 1 : i32
        scf.for %scan3A_677 = %scan3A_672 to %scan3A_674 step %scan3A_675  : i32 {
          %mul3A_678 = arith.constant 2 : i32
          %mul3A_679 = arith.muli %scan3A_677, %mul3A_678 : i32
          %add3A_680 = arith.constant 0 : i32
          %add3A_681 = arith.addi %mul3A_679, %add3A_680 : i32
          %get3A_682 = arith.index_cast %add3A_681 : i32 to index
          %get3A_683 = arith.constant 0 : index
          %get3A_684 = tpu.vector_load %arg28[%get3A_682, %get3A_683] {strides = array<i32>} : memref<80x16xf32, #tpu.memory_space<vmem>>, vector<1x16xf32>,
          %get3A_685 = vector.shape_cast %get3A_684 : vector<1x16xf32> to vector<16xf32>
          %get3A_686 = arith.index_cast %add3A_681 : i32 to index
          %get3A_687 = arith.constant 0 : index
          %get3A_688 = tpu.vector_load %arg32[%get3A_686, %get3A_687] {strides = array<i32>} : memref<80x128xf32, #tpu.memory_space<vmem>>, vector<1x16xf32>,
          %get3A_689 = vector.shape_cast %get3A_688 : vector<1x16xf32> to vector<16xf32>
          %get3A_690 = arith.index_cast %add3A_681 : i32 to index
          %get3A_691 = arith.constant 0 : index
          %get3A_692 = tpu.vector_load %arg36[%get3A_690, %get3A_691] {strides = array<i32>} : memref<80x64xf32, #tpu.memory_space<vmem>>, vector<1x16xf32>,
          %get3A_693 = vector.shape_cast %get3A_692 : vector<1x16xf32> to vector<16xf32>
          %add3A_694 = arith.addf %get3A_689, %get3A_693 : vector<16xf32>
          %mul3A_695 = arith.mulf %get3A_685, %get3A_661 : vector<16xf32>
          %add3A_696 = arith.addf %add3A_694, %mul3A_695 : vector<16xf32>
          %exp3A = math.exp %add3A_696 : vector<16xf32>
          %add3A_697 = arith.constant 1.000000e+00 : f32
          %add3A_698 = vector.broadcast %add3A_697 : f32 to vector<16xf32>
          %add3A_699 = arith.addf %add3A_698, %exp3A : vector<16xf32>
          %div3A = arith.constant 1.000000e+00 : f32
          %div3A_700 = vector.broadcast %div3A : f32 to vector<16xf32>
          %div3A_701 = arith.divf %div3A_700, %add3A_699 : vector<16xf32>
          %get3A_702 = arith.index_cast %add3A_681 : i32 to index
          %get3A_703 = arith.constant 64 : index
          %get3A_704 = tpu.vector_load %arg32[%get3A_702, %get3A_703] {strides = array<i32>} : memref<80x128xf32, #tpu.memory_space<vmem>>, vector<1x16xf32>,
          %get3A_705 = vector.shape_cast %get3A_704 : vector<1x16xf32> to vector<16xf32>
          %mul3A_706 = arith.mulf %div3A_701, %get3A_705 : vector<16xf32>
          %get3A_707 = arith.index_cast %add3A_681 : i32 to index
          %get3A_708 = arith.constant 16 : index
          %get3A_709 = tpu.vector_load %arg32[%get3A_707, %get3A_708] {strides = array<i32>} : memref<80x128xf32, #tpu.memory_space<vmem>>, vector<1x16xf32>,
          %get3A_710 = vector.shape_cast %get3A_709 : vector<1x16xf32> to vector<16xf32>
          %get3A_711 = arith.index_cast %add3A_681 : i32 to index
          %get3A_712 = arith.constant 16 : index
          %get3A_713 = tpu.vector_load %arg36[%get3A_711, %get3A_712] {strides = array<i32>} : memref<80x64xf32, #tpu.memory_space<vmem>>, vector<1x16xf32>,
          %get3A_714 = vector.shape_cast %get3A_713 : vector<1x16xf32> to vector<16xf32>
          %add3A_715 = arith.addf %get3A_710, %get3A_714 : vector<16xf32>
          %mul3A_716 = arith.mulf %get3A_685, %get3A_664 : vector<16xf32>
          %add3A_717 = arith.addf %add3A_715, %mul3A_716 : vector<16xf32>
          %exp3A_718 = math.exp %add3A_717 : vector<16xf32>
          %add3A_719 = arith.constant 1.000000e+00 : f32
          %add3A_720 = vector.broadcast %add3A_719 : f32 to vector<16xf32>
          %add3A_721 = arith.addf %add3A_720, %exp3A_718 : vector<16xf32>
          %div3A_722 = arith.constant 1.000000e+00 : f32
          %div3A_723 = vector.broadcast %div3A_722 : f32 to vector<16xf32>
          %div3A_724 = arith.divf %div3A_723, %add3A_721 : vector<16xf32>
          %get3A_725 = arith.index_cast %add3A_681 : i32 to index
          %get3A_726 = arith.constant 80 : index
          %get3A_727 = tpu.vector_load %arg32[%get3A_725, %get3A_726] {strides = array<i32>} : memref<80x128xf32, #tpu.memory_space<vmem>>, vector<1x16xf32>,
          %get3A_728 = vector.shape_cast %get3A_727 : vector<1x16xf32> to vector<16xf32>
          %mul3A_729 = arith.mulf %div3A_724, %get3A_728 : vector<16xf32>
          %get3A_730 = arith.index_cast %add3A_681 : i32 to index
          %get3A_731 = arith.constant 32 : index
          %get3A_732 = tpu.vector_load %arg32[%get3A_730, %get3A_731] {strides = array<i32>} : memref<80x128xf32, #tpu.memory_space<vmem>>, vector<1x16xf32>,
          %get3A_733 = vector.shape_cast %get3A_732 : vector<1x16xf32> to vector<16xf32>
          %get3A_734 = arith.index_cast %add3A_681 : i32 to index
          %get3A_735 = arith.constant 32 : index
          %get3A_736 = tpu.vector_load %arg36[%get3A_734, %get3A_735] {strides = array<i32>} : memref<80x64xf32, #tpu.memory_space<vmem>>, vector<1x16xf32>,
          %get3A_737 = vector.shape_cast %get3A_736 : vector<1x16xf32> to vector<16xf32>
          %add3A_738 = arith.addf %get3A_733, %get3A_737 : vector<16xf32>
          %mul3A_739 = arith.mulf %get3A_685, %get3A_667 : vector<16xf32>
          %add3A_740 = arith.addf %add3A_738, %mul3A_739 : vector<16xf32>
          %exp3A_741 = math.exp %add3A_740 : vector<16xf32>
          %add3A_742 = arith.constant 1.000000e+00 : f32
          %add3A_743 = vector.broadcast %add3A_742 : f32 to vector<16xf32>
          %add3A_744 = arith.addf %add3A_743, %exp3A_741 : vector<16xf32>
          %div3A_745 = arith.constant 1.000000e+00 : f32
          %div3A_746 = vector.broadcast %div3A_745 : f32 to vector<16xf32>
          %div3A_747 = arith.divf %div3A_746, %add3A_744 : vector<16xf32>
          %get3A_748 = arith.index_cast %add3A_681 : i32 to index
          %get3A_749 = arith.constant 96 : index
          %get3A_750 = tpu.vector_load %arg32[%get3A_748, %get3A_749] {strides = array<i32>} : memref<80x128xf32, #tpu.memory_space<vmem>>, vector<1x16xf32>,
          %get3A_751 = vector.shape_cast %get3A_750 : vector<1x16xf32> to vector<16xf32>
          %mul3A_752 = arith.mulf %div3A_747, %get3A_751 : vector<16xf32>
          %get3A_753 = arith.index_cast %add3A_681 : i32 to index
          %get3A_754 = arith.constant 48 : index
          %get3A_755 = tpu.vector_load %arg32[%get3A_753, %get3A_754] {strides = array<i32>} : memref<80x128xf32, #tpu.memory_space<vmem>>, vector<1x16xf32>,
          %get3A_756 = vector.shape_cast %get3A_755 : vector<1x16xf32> to vector<16xf32>
          %get3A_757 = arith.index_cast %add3A_681 : i32 to index
          %get3A_758 = arith.constant 48 : index
          %get3A_759 = tpu.vector_load %arg36[%get3A_757, %get3A_758] {strides = array<i32>} : memref<80x64xf32, #tpu.memory_space<vmem>>, vector<1x16xf32>,
          %get3A_760 = vector.shape_cast %get3A_759 : vector<1x16xf32> to vector<16xf32>
          %add3A_761 = arith.addf %get3A_756, %get3A_760 : vector<16xf32>
          %mul3A_762 = arith.mulf %get3A_685, %get3A_670 : vector<16xf32>
          %add3A_763 = arith.addf %add3A_761, %mul3A_762 : vector<16xf32>
          %exp3A_764 = math.exp %add3A_763 : vector<16xf32>
          %add3A_765 = arith.constant 1.000000e+00 : f32
          %add3A_766 = vector.broadcast %add3A_765 : f32 to vector<16xf32>
          %add3A_767 = arith.addf %add3A_766, %exp3A_764 : vector<16xf32>
          %div3A_768 = arith.constant 1.000000e+00 : f32
          %div3A_769 = vector.broadcast %div3A_768 : f32 to vector<16xf32>
          %div3A_770 = arith.divf %div3A_769, %add3A_767 : vector<16xf32>
          %get3A_771 = arith.index_cast %add3A_681 : i32 to index
          %get3A_772 = arith.constant 112 : index
          %get3A_773 = tpu.vector_load %arg32[%get3A_771, %get3A_772] {strides = array<i32>} : memref<80x128xf32, #tpu.memory_space<vmem>>, vector<1x16xf32>,
          %get3A_774 = vector.shape_cast %get3A_773 : vector<1x16xf32> to vector<16xf32>
          %mul3A_775 = arith.mulf %div3A_770, %get3A_774 : vector<16xf32>
          %mul3A_776 = arith.constant 2 : i32
          %mul3A_777 = arith.muli %scan3A_677, %mul3A_776 : i32
          %add3A_778 = arith.constant 1 : i32
          %add3A_779 = arith.addi %mul3A_777, %add3A_778 : i32
          %get3A_780 = arith.index_cast %add3A_779 : i32 to index
          %get3A_781 = arith.constant 0 : index
          %get3A_782 = tpu.vector_load %arg28[%get3A_780, %get3A_781] {strides = array<i32>} : memref<80x16xf32, #tpu.memory_space<vmem>>, vector<1x16xf32>,
          %get3A_783 = vector.shape_cast %get3A_782 : vector<1x16xf32> to vector<16xf32>
          %get3A_784 = arith.index_cast %add3A_779 : i32 to index
          %get3A_785 = arith.constant 0 : index
          %get3A_786 = tpu.vector_load %arg32[%get3A_784, %get3A_785] {strides = array<i32>} : memref<80x128xf32, #tpu.memory_space<vmem>>, vector<1x16xf32>,
          %get3A_787 = vector.shape_cast %get3A_786 : vector<1x16xf32> to vector<16xf32>
          %get3A_788 = arith.index_cast %add3A_779 : i32 to index
          %get3A_789 = arith.constant 0 : index
          %get3A_790 = tpu.vector_load %arg36[%get3A_788, %get3A_789] {strides = array<i32>} : memref<80x64xf32, #tpu.memory_space<vmem>>, vector<1x16xf32>,
          %get3A_791 = vector.shape_cast %get3A_790 : vector<1x16xf32> to vector<16xf32>
          %add3A_792 = arith.addf %get3A_787, %get3A_791 : vector<16xf32>
          %mul3A_793 = arith.mulf %get3A_783, %get3A_661 : vector<16xf32>
          %add3A_794 = arith.addf %add3A_792, %mul3A_793 : vector<16xf32>
          %exp3A_795 = math.exp %add3A_794 : vector<16xf32>
          %add3A_796 = arith.constant 1.000000e+00 : f32
          %add3A_797 = vector.broadcast %add3A_796 : f32 to vector<16xf32>
          %add3A_798 = arith.addf %add3A_797, %exp3A_795 : vector<16xf32>
          %div3A_799 = arith.constant 1.000000e+00 : f32
          %div3A_800 = vector.broadcast %div3A_799 : f32 to vector<16xf32>
          %div3A_801 = arith.divf %div3A_800, %add3A_798 : vector<16xf32>
          %get3A_802 = arith.index_cast %add3A_779 : i32 to index
          %get3A_803 = arith.constant 64 : index
          %get3A_804 = tpu.vector_load %arg32[%get3A_802, %get3A_803] {strides = array<i32>} : memref<80x128xf32, #tpu.memory_space<vmem>>, vector<1x16xf32>,
          %get3A_805 = vector.shape_cast %get3A_804 : vector<1x16xf32> to vector<16xf32>
          %mul3A_806 = arith.mulf %div3A_801, %get3A_805 : vector<16xf32>
          %get3A_807 = arith.index_cast %add3A_779 : i32 to index
          %get3A_808 = arith.constant 16 : index
          %get3A_809 = tpu.vector_load %arg32[%get3A_807, %get3A_808] {strides = array<i32>} : memref<80x128xf32, #tpu.memory_space<vmem>>, vector<1x16xf32>,
          %get3A_810 = vector.shape_cast %get3A_809 : vector<1x16xf32> to vector<16xf32>
          %get3A_811 = arith.index_cast %add3A_779 : i32 to index
          %get3A_812 = arith.constant 16 : index
          %get3A_813 = tpu.vector_load %arg36[%get3A_811, %get3A_812] {strides = array<i32>} : memref<80x64xf32, #tpu.memory_space<vmem>>, vector<1x16xf32>,
          %get3A_814 = vector.shape_cast %get3A_813 : vector<1x16xf32> to vector<16xf32>
          %add3A_815 = arith.addf %get3A_810, %get3A_814 : vector<16xf32>
          %mul3A_816 = arith.mulf %get3A_783, %get3A_664 : vector<16xf32>
          %add3A_817 = arith.addf %add3A_815, %mul3A_816 : vector<16xf32>
          %exp3A_818 = math.exp %add3A_817 : vector<16xf32>
          %add3A_819 = arith.constant 1.000000e+00 : f32
          %add3A_820 = vector.broadcast %add3A_819 : f32 to vector<16xf32>
          %add3A_821 = arith.addf %add3A_820, %exp3A_818 : vector<16xf32>
          %div3A_822 = arith.constant 1.000000e+00 : f32
          %div3A_823 = vector.broadcast %div3A_822 : f32 to vector<16xf32>
          %div3A_824 = arith.divf %div3A_823, %add3A_821 : vector<16xf32>
          %get3A_825 = arith.index_cast %add3A_779 : i32 to index
          %get3A_826 = arith.constant 80 : index
          %get3A_827 = tpu.vector_load %arg32[%get3A_825, %get3A_826] {strides = array<i32>} : memref<80x128xf32, #tpu.memory_space<vmem>>, vector<1x16xf32>,
          %get3A_828 = vector.shape_cast %get3A_827 : vector<1x16xf32> to vector<16xf32>
          %mul3A_829 = arith.mulf %div3A_824, %get3A_828 : vector<16xf32>
          %get3A_830 = arith.index_cast %add3A_779 : i32 to index
          %get3A_831 = arith.constant 32 : index
          %get3A_832 = tpu.vector_load %arg32[%get3A_830, %get3A_831] {strides = array<i32>} : memref<80x128xf32, #tpu.memory_space<vmem>>, vector<1x16xf32>,
          %get3A_833 = vector.shape_cast %get3A_832 : vector<1x16xf32> to vector<16xf32>
          %get3A_834 = arith.index_cast %add3A_779 : i32 to index
          %get3A_835 = arith.constant 32 : index
          %get3A_836 = tpu.vector_load %arg36[%get3A_834, %get3A_835] {strides = array<i32>} : memref<80x64xf32, #tpu.memory_space<vmem>>, vector<1x16xf32>,
          %get3A_837 = vector.shape_cast %get3A_836 : vector<1x16xf32> to vector<16xf32>
          %add3A_838 = arith.addf %get3A_833, %get3A_837 : vector<16xf32>
          %mul3A_839 = arith.mulf %get3A_783, %get3A_667 : vector<16xf32>
          %add3A_840 = arith.addf %add3A_838, %mul3A_839 : vector<16xf32>
          %exp3A_841 = math.exp %add3A_840 : vector<16xf32>
          %add3A_842 = arith.constant 1.000000e+00 : f32
          %add3A_843 = vector.broadcast %add3A_842 : f32 to vector<16xf32>
          %add3A_844 = arith.addf %add3A_843, %exp3A_841 : vector<16xf32>
          %div3A_845 = arith.constant 1.000000e+00 : f32
          %div3A_846 = vector.broadcast %div3A_845 : f32 to vector<16xf32>
          %div3A_847 = arith.divf %div3A_846, %add3A_844 : vector<16xf32>
          %get3A_848 = arith.index_cast %add3A_779 : i32 to index
          %get3A_849 = arith.constant 96 : index
          %get3A_850 = tpu.vector_load %arg32[%get3A_848, %get3A_849] {strides = array<i32>} : memref<80x128xf32, #tpu.memory_space<vmem>>, vector<1x16xf32>,
          %get3A_851 = vector.shape_cast %get3A_850 : vector<1x16xf32> to vector<16xf32>
          %mul3A_852 = arith.mulf %div3A_847, %get3A_851 : vector<16xf32>
          %get3A_853 = arith.index_cast %add3A_779 : i32 to index
          %get3A_854 = arith.constant 48 : index
          %get3A_855 = tpu.vector_load %arg32[%get3A_853, %get3A_854] {strides = array<i32>} : memref<80x128xf32, #tpu.memory_space<vmem>>, vector<1x16xf32>,
          %get3A_856 = vector.shape_cast %get3A_855 : vector<1x16xf32> to vector<16xf32>
          %get3A_857 = arith.index_cast %add3A_779 : i32 to index
          %get3A_858 = arith.constant 48 : index
          %get3A_859 = tpu.vector_load %arg36[%get3A_857, %get3A_858] {strides = array<i32>} : memref<80x64xf32, #tpu.memory_space<vmem>>, vector<1x16xf32>,
          %get3A_860 = vector.shape_cast %get3A_859 : vector<1x16xf32> to vector<16xf32>
          %add3A_861 = arith.addf %get3A_856, %get3A_860 : vector<16xf32>
          %mul3A_862 = arith.mulf %get3A_783, %get3A_670 : vector<16xf32>
          %add3A_863 = arith.addf %add3A_861, %mul3A_862 : vector<16xf32>
          %exp3A_864 = math.exp %add3A_863 : vector<16xf32>
          %add3A_865 = arith.constant 1.000000e+00 : f32
          %add3A_866 = vector.broadcast %add3A_865 : f32 to vector<16xf32>
          %add3A_867 = arith.addf %add3A_866, %exp3A_864 : vector<16xf32>
          %div3A_868 = arith.constant 1.000000e+00 : f32
          %div3A_869 = vector.broadcast %div3A_868 : f32 to vector<16xf32>
          %div3A_870 = arith.divf %div3A_869, %add3A_867 : vector<16xf32>
          %get3A_871 = arith.index_cast %add3A_779 : i32 to index
          %get3A_872 = arith.constant 112 : index
          %get3A_873 = tpu.vector_load %arg32[%get3A_871, %get3A_872] {strides = array<i32>} : memref<80x128xf32, #tpu.memory_space<vmem>>, vector<1x16xf32>,
          %get3A_874 = vector.shape_cast %get3A_873 : vector<1x16xf32> to vector<16xf32>
          %mul3A_875 = arith.mulf %div3A_870, %get3A_874 : vector<16xf32>
          %swap3A_876 = arith.index_cast %add3A_681 : i32 to index
          %swap3A_877 = arith.constant 0 : index
          %swap3A_878 = tpu.vector_load %arg38[%swap3A_876, %swap3A_877] {strides = array<i32>} : memref<80x64xf32, #tpu.memory_space<vmem>>, vector<1x16xf32>,
          %swap3A_879 = vector.shape_cast %swap3A_878 : vector<1x16xf32> to vector<16xf32>
          %swap3A_880 = vector.shape_cast %mul3A_706 : vector<16xf32> to vector<1x16xf32>
          tpu.vector_store %arg38[%swap3A_876, %swap3A_877], %swap3A_880 {strides = array<i32>} : memref<80x64xf32, #tpu.memory_space<vmem>>, vector<1x16xf32>,
          %swap3A_881 = arith.index_cast %add3A_681 : i32 to index
          %swap3A_882 = arith.constant 16 : index
          %swap3A_883 = tpu.vector_load %arg38[%swap3A_881, %swap3A_882] {strides = array<i32>} : memref<80x64xf32, #tpu.memory_space<vmem>>, vector<1x16xf32>,
          %swap3A_884 = vector.shape_cast %swap3A_883 : vector<1x16xf32> to vector<16xf32>
          %swap3A_885 = vector.shape_cast %mul3A_729 : vector<16xf32> to vector<1x16xf32>
          tpu.vector_store %arg38[%swap3A_881, %swap3A_882], %swap3A_885 {strides = array<i32>} : memref<80x64xf32, #tpu.memory_space<vmem>>, vector<1x16xf32>,
          %swap3A_886 = arith.index_cast %add3A_681 : i32 to index
          %swap3A_887 = arith.constant 32 : index
          %swap3A_888 = tpu.vector_load %arg38[%swap3A_886, %swap3A_887] {strides = array<i32>} : memref<80x64xf32, #tpu.memory_space<vmem>>, vector<1x16xf32>,
          %swap3A_889 = vector.shape_cast %swap3A_888 : vector<1x16xf32> to vector<16xf32>
          %swap3A_890 = vector.shape_cast %mul3A_752 : vector<16xf32> to vector<1x16xf32>
          tpu.vector_store %arg38[%swap3A_886, %swap3A_887], %swap3A_890 {strides = array<i32>} : memref<80x64xf32, #tpu.memory_space<vmem>>, vector<1x16xf32>,
          %swap3A_891 = arith.index_cast %add3A_681 : i32 to index
          %swap3A_892 = arith.constant 48 : index
          %swap3A_893 = tpu.vector_load %arg38[%swap3A_891, %swap3A_892] {strides = array<i32>} : memref<80x64xf32, #tpu.memory_space<vmem>>, vector<1x16xf32>,
          %swap3A_894 = vector.shape_cast %swap3A_893 : vector<1x16xf32> to vector<16xf32>
          %swap3A_895 = vector.shape_cast %mul3A_775 : vector<16xf32> to vector<1x16xf32>
          tpu.vector_store %arg38[%swap3A_891, %swap3A_892], %swap3A_895 {strides = array<i32>} : memref<80x64xf32, #tpu.memory_space<vmem>>, vector<1x16xf32>,
          %swap3A_896 = arith.index_cast %add3A_779 : i32 to index
          %swap3A_897 = arith.constant 0 : index
          %swap3A_898 = tpu.vector_load %arg38[%swap3A_896, %swap3A_897] {strides = array<i32>} : memref<80x64xf32, #tpu.memory_space<vmem>>, vector<1x16xf32>,
          %swap3A_899 = vector.shape_cast %swap3A_898 : vector<1x16xf32> to vector<16xf32>
          %swap3A_900 = vector.shape_cast %mul3A_806 : vector<16xf32> to vector<1x16xf32>
          tpu.vector_store %arg38[%swap3A_896, %swap3A_897], %swap3A_900 {strides = array<i32>} : memref<80x64xf32, #tpu.memory_space<vmem>>, vector<1x16xf32>,
          %swap3A_901 = arith.index_cast %add3A_779 : i32 to index
          %swap3A_902 = arith.constant 16 : index
          %swap3A_903 = tpu.vector_load %arg38[%swap3A_901, %swap3A_902] {strides = array<i32>} : memref<80x64xf32, #tpu.memory_space<vmem>>, vector<1x16xf32>,
          %swap3A_904 = vector.shape_cast %swap3A_903 : vector<1x16xf32> to vector<16xf32>
          %swap3A_905 = vector.shape_cast %mul3A_829 : vector<16xf32> to vector<1x16xf32>
          tpu.vector_store %arg38[%swap3A_901, %swap3A_902], %swap3A_905 {strides = array<i32>} : memref<80x64xf32, #tpu.memory_space<vmem>>, vector<1x16xf32>,
          %swap3A_906 = arith.index_cast %add3A_779 : i32 to index
          %swap3A_907 = arith.constant 32 : index
          %swap3A_908 = tpu.vector_load %arg38[%swap3A_906, %swap3A_907] {strides = array<i32>} : memref<80x64xf32, #tpu.memory_space<vmem>>, vector<1x16xf32>,
          %swap3A_909 = vector.shape_cast %swap3A_908 : vector<1x16xf32> to vector<16xf32>
          %swap3A_910 = vector.shape_cast %mul3A_852 : vector<16xf32> to vector<1x16xf32>
          tpu.vector_store %arg38[%swap3A_906, %swap3A_907], %swap3A_910 {strides = array<i32>} : memref<80x64xf32, #tpu.memory_space<vmem>>, vector<1x16xf32>,
          %swap3A_911 = arith.index_cast %add3A_779 : i32 to index
          %swap3A_912 = arith.constant 48 : index
          %swap3A_913 = tpu.vector_load %arg38[%swap3A_911, %swap3A_912] {strides = array<i32>} : memref<80x64xf32, #tpu.memory_space<vmem>>, vector<1x16xf32>,
          %swap3A_914 = vector.shape_cast %swap3A_913 : vector<1x16xf32> to vector<16xf32>
          %swap3A_915 = vector.shape_cast %mul3A_875 : vector<16xf32> to vector<1x16xf32>
          tpu.vector_store %arg38[%swap3A_911, %swap3A_912], %swap3A_915 {strides = array<i32>} : memref<80x64xf32, #tpu.memory_space<vmem>>, vector<1x16xf32>,
        }
        %scan3A_676 = arith.constant 40 : i32
        "tpu.region"() ({
          %run_scoped3A = tpu.sem_alloc : memref<!tpu.dma_semaphore, #tpu.memory_space<semaphore_mem>>
          %dma_start3A_677 = arith.constant 0 : i32
          %dma_start3A_678 = arith.constant 0 : i32
          %dma_start3A_679 = tpu.memref_slice %arg40[%dma_start3A_677, %dma_start3A_678] : memref<10000x64xf32, #tpu.memory_space<vmem_shared>> -> memref<10000x64xf32, #tpu.memory_space<vmem_shared>>
          tpu.enqueue_indirect_dma source(%arg38 : memref<80x64xf32, #tpu.memory_space<vmem>>) target(%dma_start3A_679 : memref<10000x64xf32, #tpu.memory_space<vmem_shared>>) offsets(%arg20 : memref<80xi32, #tpu.memory_space<vmem>>) semaphore(%run_scoped3A : memref<!tpu.dma_semaphore, #tpu.memory_space<semaphore_mem>>) {add = true}
          %dma_wait3A_680 = arith.constant 0 : i32
          %dma_wait3A_681 = arith.constant 0 : i32
          %dma_wait3A_682 = tpu.memref_slice %arg40[%dma_wait3A_680, %dma_wait3A_681] : memref<10000x64xf32, #tpu.memory_space<vmem_shared>> -> memref<10000x64xf32, #tpu.memory_space<vmem_shared>>
          tpu.wait_indirect_dma semaphore(%run_scoped3A : memref<!tpu.dma_semaphore, #tpu.memory_space<semaphore_mem>>) src(%arg38 : memref<80x64xf32, #tpu.memory_space<vmem>>) dst(%dma_wait3A_682 : memref<10000x64xf32, #tpu.memory_space<vmem_shared>>)
          tpu.yield
        }) : () -> ()
      } else {
      }
      %add3A_619 = arith.constant 4 : i32
      %add3A_620 = arith.addi %add3A_606, %add3A_619 : i32
      %lt3A_621 = arith.constant 250 : i32
      %lt3A_622 = arith.cmpi slt, %add3A_620, %lt3A_621 : i32
      %convert_element_type3A_623 = arith.extui %lt3A_622 : i1 to i32
      %cond3A_624 = arith.constant 0 : i32
      %cond3A_625 = arith.cmpi ne, %convert_element_type3A_623, %cond3A_624 : i32
      scf.if %cond3A_625 {
        %add3A_647 = arith.constant 4 : i32
        %add3A_648 = arith.addi %add3A_606, %add3A_647 : i32
        %mul3A_649 = arith.constant 80 : i32
        %mul3A_650 = arith.muli %add3A_648, %mul3A_649 : i32
        %add3A_651 = arith.addi %mul3A_2, %mul3A_650 : i32
        %dma_start3A_652 = tpu.memref_slice %arg5[%add3A_651] : memref<320000xi32, #tpu.memory_space<hbm>> -> memref<80xi32, #tpu.memory_space<hbm>>
        %dma_start3A_653 = tpu.memref_slice %arg5[%add3A_651] : memref<320000xi32, #tpu.memory_space<hbm>> -> memref<80xi32, #tpu.memory_space<hbm>>
        tpu.enqueue_dma source(%dma_start3A_653 : memref<80xi32, #tpu.memory_space<hbm>>) target(%arg16 : memref<80xi32, #tpu.memory_space<vmem>>) target_semaphore(%arg44 : memref<!tpu.dma_semaphore, #tpu.memory_space<semaphore_mem>>)
        %dma_start3A_654 = tpu.memref_slice %arg6[%add3A_651] : memref<320000xi32, #tpu.memory_space<hbm>> -> memref<80xi32, #tpu.memory_space<hbm>>
        %dma_start3A_655 = tpu.memref_slice %arg6[%add3A_651] : memref<320000xi32, #tpu.memory_space<hbm>> -> memref<80xi32, #tpu.memory_space<hbm>>
        tpu.enqueue_dma source(%dma_start3A_655 : memref<80xi32, #tpu.memory_space<hbm>>) target(%arg20 : memref<80xi32, #tpu.memory_space<vmem>>) target_semaphore(%arg44 : memref<!tpu.dma_semaphore, #tpu.memory_space<semaphore_mem>>)
        %dma_start3A_656 = arith.constant 0 : i32
        %dma_start3A_657 = tpu.memref_slice %arg7[%add3A_651, %dma_start3A_656] : memref<320000x16xf32, #tpu.memory_space<hbm>> -> memref<80x16xf32, #tpu.memory_space<hbm>>
        %dma_start3A_658 = arith.constant 0 : i32
        %dma_start3A_659 = tpu.memref_slice %arg7[%add3A_651, %dma_start3A_658] : memref<320000x16xf32, #tpu.memory_space<hbm>> -> memref<80x16xf32, #tpu.memory_space<hbm>>
        tpu.enqueue_dma source(%dma_start3A_659 : memref<80x16xf32, #tpu.memory_space<hbm>>) target(%arg28 : memref<80x16xf32, #tpu.memory_space<vmem>>) target_semaphore(%arg44 : memref<!tpu.dma_semaphore, #tpu.memory_space<semaphore_mem>>)
      } else {
      }
      %add3A_626 = arith.constant 3 : i32
      %add3A_627 = arith.addi %mul3A_563, %add3A_626 : i32
      %add3A_628 = arith.constant 2 : i32
      %add3A_629 = arith.addi %add3A_627, %add3A_628 : i32
      %lt3A_630 = arith.constant 250 : i32
      %lt3A_631 = arith.cmpi slt, %add3A_629, %lt3A_630 : i32
      %convert_element_type3A_632 = arith.extui %lt3A_631 : i1 to i32
      %cond3A_633 = arith.constant 0 : i32
      %cond3A_634 = arith.cmpi ne, %convert_element_type3A_632, %cond3A_633 : i32
      scf.if %cond3A_634 {
        %dma_wait3A_647 = arith.constant 0 : i32
        %dma_wait3A_648 = tpu.memref_slice %arg5[%dma_wait3A_647] : memref<320000xi32, #tpu.memory_space<hbm>> -> memref<80xi32, #tpu.memory_space<hbm>>
        %dma_wait3A_649 = arith.constant 0 : i32
        %dma_wait3A_650 = tpu.memref_slice %arg5[%dma_wait3A_649] : memref<320000xi32, #tpu.memory_space<hbm>> -> memref<80xi32, #tpu.memory_space<hbm>>
        tpu.wait_dma2 semaphore(%arg43 : memref<!tpu.dma_semaphore, #tpu.memory_space<semaphore_mem>>) src(%dma_wait3A_650 : memref<80xi32, #tpu.memory_space<hbm>>) dst(%arg15 : memref<80xi32, #tpu.memory_space<vmem>>)
        %dma_wait3A_651 = arith.constant 0 : i32
        %dma_wait3A_652 = tpu.memref_slice %arg6[%dma_wait3A_651] : memref<320000xi32, #tpu.memory_space<hbm>> -> memref<80xi32, #tpu.memory_space<hbm>>
        %dma_wait3A_653 = arith.constant 0 : i32
        %dma_wait3A_654 = tpu.memref_slice %arg6[%dma_wait3A_653] : memref<320000xi32, #tpu.memory_space<hbm>> -> memref<80xi32, #tpu.memory_space<hbm>>
        tpu.wait_dma2 semaphore(%arg43 : memref<!tpu.dma_semaphore, #tpu.memory_space<semaphore_mem>>) src(%dma_wait3A_654 : memref<80xi32, #tpu.memory_space<hbm>>) dst(%arg19 : memref<80xi32, #tpu.memory_space<vmem>>)
        %dma_wait3A_655 = arith.constant 0 : i32
        %dma_wait3A_656 = arith.constant 0 : i32
        %dma_wait3A_657 = tpu.memref_slice %arg7[%dma_wait3A_655, %dma_wait3A_656] : memref<320000x16xf32, #tpu.memory_space<hbm>> -> memref<80x16xf32, #tpu.memory_space<hbm>>
        %dma_wait3A_658 = arith.constant 0 : i32
        %dma_wait3A_659 = arith.constant 0 : i32
        %dma_wait3A_660 = tpu.memref_slice %arg7[%dma_wait3A_658, %dma_wait3A_659] : memref<320000x16xf32, #tpu.memory_space<hbm>> -> memref<80x16xf32, #tpu.memory_space<hbm>>
        tpu.wait_dma2 semaphore(%arg43 : memref<!tpu.dma_semaphore, #tpu.memory_space<semaphore_mem>>) src(%dma_wait3A_660 : memref<80x16xf32, #tpu.memory_space<hbm>>) dst(%arg27 : memref<80x16xf32, #tpu.memory_space<vmem>>)
        %get3A_661 = arith.constant 0 : index
        %get3A_662 = tpu.vector_load %arg15[%get3A_661] {strides = array<i32>} : memref<80xi32, #tpu.memory_space<vmem>>, vector<16xi32>,
        %get3A_663 = vector.shape_cast %get3A_662 : vector<16xi32> to vector<16xi32>
        %mul3A_664 = arith.constant 2 : i32
        %mul3A_665 = vector.broadcast %mul3A_664 : i32 to vector<16xi32>
        %mul3A_666 = arith.muli %get3A_663, %mul3A_665 : vector<16xi32>
        %add3A_667 = vector.broadcast %arg0 : i32 to vector<16xi32>
        %add3A_668 = arith.addi %mul3A_666, %add3A_667 : vector<16xi32>
        %swap3A_669 = arith.constant 0 : index
        %swap3A_670 = tpu.vector_load %arg15[%swap3A_669] {strides = array<i32>} : memref<80xi32, #tpu.memory_space<vmem>>, vector<16xi32>,
        %swap3A_671 = vector.shape_cast %swap3A_670 : vector<16xi32> to vector<16xi32>
        %swap3A_672 = vector.shape_cast %add3A_668 : vector<16xi32> to vector<16xi32>
        tpu.vector_store %arg15[%swap3A_669], %swap3A_672 {strides = array<i32>} : memref<80xi32, #tpu.memory_space<vmem>>, vector<16xi32>,
        %get3A_673 = arith.constant 16 : index
        %get3A_674 = tpu.vector_load %arg15[%get3A_673] {strides = array<i32>} : memref<80xi32, #tpu.memory_space<vmem>>, vector<16xi32>,
        %get3A_675 = vector.shape_cast %get3A_674 : vector<16xi32> to vector<16xi32>
        %mul3A_676 = arith.constant 2 : i32
        %mul3A_677 = vector.broadcast %mul3A_676 : i32 to vector<16xi32>
        %mul3A_678 = arith.muli %get3A_675, %mul3A_677 : vector<16xi32>
        %add3A_679 = vector.broadcast %arg0 : i32 to vector<16xi32>
        %add3A_680 = arith.addi %mul3A_678, %add3A_679 : vector<16xi32>
        %swap3A_681 = arith.constant 16 : index
        %swap3A_682 = tpu.vector_load %arg15[%swap3A_681] {strides = array<i32>} : memref<80xi32, #tpu.memory_space<vmem>>, vector<16xi32>,
        %swap3A_683 = vector.shape_cast %swap3A_682 : vector<16xi32> to vector<16xi32>
        %swap3A_684 = vector.shape_cast %add3A_680 : vector<16xi32> to vector<16xi32>
        tpu.vector_store %arg15[%swap3A_681], %swap3A_684 {strides = array<i32>} : memref<80xi32, #tpu.memory_space<vmem>>, vector<16xi32>,
        %get3A_685 = arith.constant 32 : index
        %get3A_686 = tpu.vector_load %arg15[%get3A_685] {strides = array<i32>} : memref<80xi32, #tpu.memory_space<vmem>>, vector<16xi32>,
        %get3A_687 = vector.shape_cast %get3A_686 : vector<16xi32> to vector<16xi32>
        %mul3A_688 = arith.constant 2 : i32
        %mul3A_689 = vector.broadcast %mul3A_688 : i32 to vector<16xi32>
        %mul3A_690 = arith.muli %get3A_687, %mul3A_689 : vector<16xi32>
        %add3A_691 = vector.broadcast %arg0 : i32 to vector<16xi32>
        %add3A_692 = arith.addi %mul3A_690, %add3A_691 : vector<16xi32>
        %swap3A_693 = arith.constant 32 : index
        %swap3A_694 = tpu.vector_load %arg15[%swap3A_693] {strides = array<i32>} : memref<80xi32, #tpu.memory_space<vmem>>, vector<16xi32>,
        %swap3A_695 = vector.shape_cast %swap3A_694 : vector<16xi32> to vector<16xi32>
        %swap3A_696 = vector.shape_cast %add3A_692 : vector<16xi32> to vector<16xi32>
        tpu.vector_store %arg15[%swap3A_693], %swap3A_696 {strides = array<i32>} : memref<80xi32, #tpu.memory_space<vmem>>, vector<16xi32>,
        %get3A_697 = arith.constant 48 : index
        %get3A_698 = tpu.vector_load %arg15[%get3A_697] {strides = array<i32>} : memref<80xi32, #tpu.memory_space<vmem>>, vector<16xi32>,
        %get3A_699 = vector.shape_cast %get3A_698 : vector<16xi32> to vector<16xi32>
        %mul3A_700 = arith.constant 2 : i32
        %mul3A_701 = vector.broadcast %mul3A_700 : i32 to vector<16xi32>
        %mul3A_702 = arith.muli %get3A_699, %mul3A_701 : vector<16xi32>
        %add3A_703 = vector.broadcast %arg0 : i32 to vector<16xi32>
        %add3A_704 = arith.addi %mul3A_702, %add3A_703 : vector<16xi32>
        %swap3A_705 = arith.constant 48 : index
        %swap3A_706 = tpu.vector_load %arg15[%swap3A_705] {strides = array<i32>} : memref<80xi32, #tpu.memory_space<vmem>>, vector<16xi32>,
        %swap3A_707 = vector.shape_cast %swap3A_706 : vector<16xi32> to vector<16xi32>
        %swap3A_708 = vector.shape_cast %add3A_704 : vector<16xi32> to vector<16xi32>
        tpu.vector_store %arg15[%swap3A_705], %swap3A_708 {strides = array<i32>} : memref<80xi32, #tpu.memory_space<vmem>>, vector<16xi32>,
        %get3A_709 = arith.constant 64 : index
        %get3A_710 = tpu.vector_load %arg15[%get3A_709] {strides = array<i32>} : memref<80xi32, #tpu.memory_space<vmem>>, vector<16xi32>,
        %get3A_711 = vector.shape_cast %get3A_710 : vector<16xi32> to vector<16xi32>
        %mul3A_712 = arith.constant 2 : i32
        %mul3A_713 = vector.broadcast %mul3A_712 : i32 to vector<16xi32>
        %mul3A_714 = arith.muli %get3A_711, %mul3A_713 : vector<16xi32>
        %add3A_715 = vector.broadcast %arg0 : i32 to vector<16xi32>
        %add3A_716 = arith.addi %mul3A_714, %add3A_715 : vector<16xi32>
        %swap3A_717 = arith.constant 64 : index
        %swap3A_718 = tpu.vector_load %arg15[%swap3A_717] {strides = array<i32>} : memref<80xi32, #tpu.memory_space<vmem>>, vector<16xi32>,
        %swap3A_719 = vector.shape_cast %swap3A_718 : vector<16xi32> to vector<16xi32>
        %swap3A_720 = vector.shape_cast %add3A_716 : vector<16xi32> to vector<16xi32>
        tpu.vector_store %arg15[%swap3A_717], %swap3A_720 {strides = array<i32>} : memref<80xi32, #tpu.memory_space<vmem>>, vector<16xi32>,
        %get3A_721 = arith.constant 0 : index
        %get3A_722 = tpu.vector_load %arg19[%get3A_721] {strides = array<i32>} : memref<80xi32, #tpu.memory_space<vmem>>, vector<16xi32>,
        %get3A_723 = vector.shape_cast %get3A_722 : vector<16xi32> to vector<16xi32>
        %mul3A_724 = arith.constant 2 : i32
        %mul3A_725 = vector.broadcast %mul3A_724 : i32 to vector<16xi32>
        %mul3A_726 = arith.muli %get3A_723, %mul3A_725 : vector<16xi32>
        %add3A_727 = vector.broadcast %arg0 : i32 to vector<16xi32>
        %add3A_728 = arith.addi %mul3A_726, %add3A_727 : vector<16xi32>
        %swap3A_729 = arith.constant 0 : index
        %swap3A_730 = tpu.vector_load %arg23[%swap3A_729] {strides = array<i32>} : memref<80xi32, #tpu.memory_space<vmem>>, vector<16xi32>,
        %swap3A_731 = vector.shape_cast %swap3A_730 : vector<16xi32> to vector<16xi32>
        %swap3A_732 = vector.shape_cast %add3A_728 : vector<16xi32> to vector<16xi32>
        tpu.vector_store %arg23[%swap3A_729], %swap3A_732 {strides = array<i32>} : memref<80xi32, #tpu.memory_space<vmem>>, vector<16xi32>,
        %get3A_733 = arith.constant 16 : index
        %get3A_734 = tpu.vector_load %arg19[%get3A_733] {strides = array<i32>} : memref<80xi32, #tpu.memory_space<vmem>>, vector<16xi32>,
        %get3A_735 = vector.shape_cast %get3A_734 : vector<16xi32> to vector<16xi32>
        %mul3A_736 = arith.constant 2 : i32
        %mul3A_737 = vector.broadcast %mul3A_736 : i32 to vector<16xi32>
        %mul3A_738 = arith.muli %get3A_735, %mul3A_737 : vector<16xi32>
        %add3A_739 = vector.broadcast %arg0 : i32 to vector<16xi32>
        %add3A_740 = arith.addi %mul3A_738, %add3A_739 : vector<16xi32>
        %swap3A_741 = arith.constant 16 : index
        %swap3A_742 = tpu.vector_load %arg23[%swap3A_741] {strides = array<i32>} : memref<80xi32, #tpu.memory_space<vmem>>, vector<16xi32>,
        %swap3A_743 = vector.shape_cast %swap3A_742 : vector<16xi32> to vector<16xi32>
        %swap3A_744 = vector.shape_cast %add3A_740 : vector<16xi32> to vector<16xi32>
        tpu.vector_store %arg23[%swap3A_741], %swap3A_744 {strides = array<i32>} : memref<80xi32, #tpu.memory_space<vmem>>, vector<16xi32>,
        %get3A_745 = arith.constant 32 : index
        %get3A_746 = tpu.vector_load %arg19[%get3A_745] {strides = array<i32>} : memref<80xi32, #tpu.memory_space<vmem>>, vector<16xi32>,
        %get3A_747 = vector.shape_cast %get3A_746 : vector<16xi32> to vector<16xi32>
        %mul3A_748 = arith.constant 2 : i32
        %mul3A_749 = vector.broadcast %mul3A_748 : i32 to vector<16xi32>
        %mul3A_750 = arith.muli %get3A_747, %mul3A_749 : vector<16xi32>
        %add3A_751 = vector.broadcast %arg0 : i32 to vector<16xi32>
        %add3A_752 = arith.addi %mul3A_750, %add3A_751 : vector<16xi32>
        %swap3A_753 = arith.constant 32 : index
        %swap3A_754 = tpu.vector_load %arg23[%swap3A_753] {strides = array<i32>} : memref<80xi32, #tpu.memory_space<vmem>>, vector<16xi32>,
        %swap3A_755 = vector.shape_cast %swap3A_754 : vector<16xi32> to vector<16xi32>
        %swap3A_756 = vector.shape_cast %add3A_752 : vector<16xi32> to vector<16xi32>
        tpu.vector_store %arg23[%swap3A_753], %swap3A_756 {strides = array<i32>} : memref<80xi32, #tpu.memory_space<vmem>>, vector<16xi32>,
        %get3A_757 = arith.constant 48 : index
        %get3A_758 = tpu.vector_load %arg19[%get3A_757] {strides = array<i32>} : memref<80xi32, #tpu.memory_space<vmem>>, vector<16xi32>,
        %get3A_759 = vector.shape_cast %get3A_758 : vector<16xi32> to vector<16xi32>
        %mul3A_760 = arith.constant 2 : i32
        %mul3A_761 = vector.broadcast %mul3A_760 : i32 to vector<16xi32>
        %mul3A_762 = arith.muli %get3A_759, %mul3A_761 : vector<16xi32>
        %add3A_763 = vector.broadcast %arg0 : i32 to vector<16xi32>
        %add3A_764 = arith.addi %mul3A_762, %add3A_763 : vector<16xi32>
        %swap3A_765 = arith.constant 48 : index
        %swap3A_766 = tpu.vector_load %arg23[%swap3A_765] {strides = array<i32>} : memref<80xi32, #tpu.memory_space<vmem>>, vector<16xi32>,
        %swap3A_767 = vector.shape_cast %swap3A_766 : vector<16xi32> to vector<16xi32>
        %swap3A_768 = vector.shape_cast %add3A_764 : vector<16xi32> to vector<16xi32>
        tpu.vector_store %arg23[%swap3A_765], %swap3A_768 {strides = array<i32>} : memref<80xi32, #tpu.memory_space<vmem>>, vector<16xi32>,
        %get3A_769 = arith.constant 64 : index
        %get3A_770 = tpu.vector_load %arg19[%get3A_769] {strides = array<i32>} : memref<80xi32, #tpu.memory_space<vmem>>, vector<16xi32>,
        %get3A_771 = vector.shape_cast %get3A_770 : vector<16xi32> to vector<16xi32>
        %mul3A_772 = arith.constant 2 : i32
        %mul3A_773 = vector.broadcast %mul3A_772 : i32 to vector<16xi32>
        %mul3A_774 = arith.muli %get3A_771, %mul3A_773 : vector<16xi32>
        %add3A_775 = vector.broadcast %arg0 : i32 to vector<16xi32>
        %add3A_776 = arith.addi %mul3A_774, %add3A_775 : vector<16xi32>
        %swap3A_777 = arith.constant 64 : index
        %swap3A_778 = tpu.vector_load %arg23[%swap3A_777] {strides = array<i32>} : memref<80xi32, #tpu.memory_space<vmem>>, vector<16xi32>,
        %swap3A_779 = vector.shape_cast %swap3A_778 : vector<16xi32> to vector<16xi32>
        %swap3A_780 = vector.shape_cast %add3A_776 : vector<16xi32> to vector<16xi32>
        tpu.vector_store %arg23[%swap3A_777], %swap3A_780 {strides = array<i32>} : memref<80xi32, #tpu.memory_space<vmem>>, vector<16xi32>,
        %dma_start3A_781 = arith.constant 0 : i32
        %dma_start3A_782 = arith.constant 0 : i32
        %dma_start3A_783 = tpu.memref_slice %arg2[%dma_start3A_781, %dma_start3A_782] : memref<20000x128xf32, #tpu.memory_space<hbm>> -> memref<20000x128xf32, #tpu.memory_space<hbm>>
        tpu.enqueue_indirect_dma source(%dma_start3A_783 : memref<20000x128xf32, #tpu.memory_space<hbm>>) target(%arg31 : memref<80x128xf32, #tpu.memory_space<vmem>>) offsets(%arg15 : memref<80xi32, #tpu.memory_space<vmem>>) semaphore(%arg47 : memref<!tpu.dma_semaphore, #tpu.memory_space<semaphore_mem>>)
        %dma_start3A_784 = arith.constant 0 : i32
        %dma_start3A_785 = arith.constant 0 : i32
        %dma_start3A_786 = tpu.memref_slice %arg3[%dma_start3A_784, %dma_start3A_785] : memref<20000x64xf32, #tpu.memory_space<hbm>> -> memref<20000x64xf32, #tpu.memory_space<hbm>>
        tpu.enqueue_indirect_dma source(%dma_start3A_786 : memref<20000x64xf32, #tpu.memory_space<hbm>>) target(%arg35 : memref<80x64xf32, #tpu.memory_space<vmem>>) offsets(%arg23 : memref<80xi32, #tpu.memory_space<vmem>>) semaphore(%arg47 : memref<!tpu.dma_semaphore, #tpu.memory_space<semaphore_mem>>)
      } else {
      }
      %lt3A_635 = arith.constant 250 : i32
      %lt3A_636 = arith.cmpi slt, %add3A_627, %lt3A_635 : i32
      %convert_element_type3A_637 = arith.extui %lt3A_636 : i1 to i32
      %cond3A_638 = arith.constant 0 : i32
      %cond3A_639 = arith.cmpi ne, %convert_element_type3A_637, %cond3A_638 : i32
      scf.if %cond3A_639 {
        %dma_wait3A_647 = arith.constant 0 : i32
        %dma_wait3A_648 = arith.constant 0 : i32
        %dma_wait3A_649 = tpu.memref_slice %arg2[%dma_wait3A_647, %dma_wait3A_648] : memref<20000x128xf32, #tpu.memory_space<hbm>> -> memref<80x128xf32, #tpu.memory_space<hbm>>
        %dma_wait3A_650 = arith.constant 0 : i32
        %dma_wait3A_651 = arith.constant 0 : i32
        %dma_wait3A_652 = tpu.memref_slice %arg2[%dma_wait3A_650, %dma_wait3A_651] : memref<20000x128xf32, #tpu.memory_space<hbm>> -> memref<80x128xf32, #tpu.memory_space<hbm>>
        tpu.wait_dma2 semaphore(%arg49 : memref<!tpu.dma_semaphore, #tpu.memory_space<semaphore_mem>>) src(%dma_wait3A_652 : memref<80x128xf32, #tpu.memory_space<hbm>>) dst(%arg33 : memref<80x128xf32, #tpu.memory_space<vmem>>)
        %dma_wait3A_653 = arith.constant 0 : i32
        %dma_wait3A_654 = arith.constant 0 : i32
        %dma_wait3A_655 = tpu.memref_slice %arg3[%dma_wait3A_653, %dma_wait3A_654] : memref<20000x64xf32, #tpu.memory_space<hbm>> -> memref<80x64xf32, #tpu.memory_space<hbm>>
        %dma_wait3A_656 = arith.constant 0 : i32
        %dma_wait3A_657 = arith.constant 0 : i32
        %dma_wait3A_658 = tpu.memref_slice %arg3[%dma_wait3A_656, %dma_wait3A_657] : memref<20000x64xf32, #tpu.memory_space<hbm>> -> memref<80x64xf32, #tpu.memory_space<hbm>>
        tpu.wait_dma2 semaphore(%arg49 : memref<!tpu.dma_semaphore, #tpu.memory_space<semaphore_mem>>) src(%dma_wait3A_658 : memref<80x64xf32, #tpu.memory_space<hbm>>) dst(%arg37 : memref<80x64xf32, #tpu.memory_space<vmem>>)
        %get3A_659 = arith.constant 0 : index
        %get3A_660 = tpu.vector_load %arg39[%get3A_659] {strides = array<i32>} : memref<64xf32, #tpu.memory_space<vmem>>, vector<16xf32>,
        %get3A_661 = vector.shape_cast %get3A_660 : vector<16xf32> to vector<16xf32>
        %get3A_662 = arith.constant 16 : index
        %get3A_663 = tpu.vector_load %arg39[%get3A_662] {strides = array<i32>} : memref<64xf32, #tpu.memory_space<vmem>>, vector<16xf32>,
        %get3A_664 = vector.shape_cast %get3A_663 : vector<16xf32> to vector<16xf32>
        %get3A_665 = arith.constant 32 : index
        %get3A_666 = tpu.vector_load %arg39[%get3A_665] {strides = array<i32>} : memref<64xf32, #tpu.memory_space<vmem>>, vector<16xf32>,
        %get3A_667 = vector.shape_cast %get3A_666 : vector<16xf32> to vector<16xf32>
        %get3A_668 = arith.constant 48 : index
        %get3A_669 = tpu.vector_load %arg39[%get3A_668] {strides = array<i32>} : memref<64xf32, #tpu.memory_space<vmem>>, vector<16xf32>,
        %get3A_670 = vector.shape_cast %get3A_669 : vector<16xf32> to vector<16xf32>
        %scan3A_671 = arith.constant 0 : i32
        %scan3A_672 = arith.constant 0 : i32
        %scan3A_673 = arith.constant 40 : i32
        %scan3A_674 = arith.addi %scan3A_672, %scan3A_673 : i32
        %scan3A_675 = arith.constant 1 : i32
        scf.for %scan3A_677 = %scan3A_672 to %scan3A_674 step %scan3A_675  : i32 {
          %mul3A_678 = arith.constant 2 : i32
          %mul3A_679 = arith.muli %scan3A_677, %mul3A_678 : i32
          %add3A_680 = arith.constant 0 : i32
          %add3A_681 = arith.addi %mul3A_679, %add3A_680 : i32
          %get3A_682 = arith.index_cast %add3A_681 : i32 to index
          %get3A_683 = arith.constant 0 : index
          %get3A_684 = tpu.vector_load %arg29[%get3A_682, %get3A_683] {strides = array<i32>} : memref<80x16xf32, #tpu.memory_space<vmem>>, vector<1x16xf32>,
          %get3A_685 = vector.shape_cast %get3A_684 : vector<1x16xf32> to vector<16xf32>
          %get3A_686 = arith.index_cast %add3A_681 : i32 to index
          %get3A_687 = arith.constant 0 : index
          %get3A_688 = tpu.vector_load %arg33[%get3A_686, %get3A_687] {strides = array<i32>} : memref<80x128xf32, #tpu.memory_space<vmem>>, vector<1x16xf32>,
          %get3A_689 = vector.shape_cast %get3A_688 : vector<1x16xf32> to vector<16xf32>
          %get3A_690 = arith.index_cast %add3A_681 : i32 to index
          %get3A_691 = arith.constant 0 : index
          %get3A_692 = tpu.vector_load %arg37[%get3A_690, %get3A_691] {strides = array<i32>} : memref<80x64xf32, #tpu.memory_space<vmem>>, vector<1x16xf32>,
          %get3A_693 = vector.shape_cast %get3A_692 : vector<1x16xf32> to vector<16xf32>
          %add3A_694 = arith.addf %get3A_689, %get3A_693 : vector<16xf32>
          %mul3A_695 = arith.mulf %get3A_685, %get3A_661 : vector<16xf32>
          %add3A_696 = arith.addf %add3A_694, %mul3A_695 : vector<16xf32>
          %exp3A = math.exp %add3A_696 : vector<16xf32>
          %add3A_697 = arith.constant 1.000000e+00 : f32
          %add3A_698 = vector.broadcast %add3A_697 : f32 to vector<16xf32>
          %add3A_699 = arith.addf %add3A_698, %exp3A : vector<16xf32>
          %div3A = arith.constant 1.000000e+00 : f32
          %div3A_700 = vector.broadcast %div3A : f32 to vector<16xf32>
          %div3A_701 = arith.divf %div3A_700, %add3A_699 : vector<16xf32>
          %get3A_702 = arith.index_cast %add3A_681 : i32 to index
          %get3A_703 = arith.constant 64 : index
          %get3A_704 = tpu.vector_load %arg33[%get3A_702, %get3A_703] {strides = array<i32>} : memref<80x128xf32, #tpu.memory_space<vmem>>, vector<1x16xf32>,
          %get3A_705 = vector.shape_cast %get3A_704 : vector<1x16xf32> to vector<16xf32>
          %mul3A_706 = arith.mulf %div3A_701, %get3A_705 : vector<16xf32>
          %get3A_707 = arith.index_cast %add3A_681 : i32 to index
          %get3A_708 = arith.constant 16 : index
          %get3A_709 = tpu.vector_load %arg33[%get3A_707, %get3A_708] {strides = array<i32>} : memref<80x128xf32, #tpu.memory_space<vmem>>, vector<1x16xf32>,
          %get3A_710 = vector.shape_cast %get3A_709 : vector<1x16xf32> to vector<16xf32>
          %get3A_711 = arith.index_cast %add3A_681 : i32 to index
          %get3A_712 = arith.constant 16 : index
          %get3A_713 = tpu.vector_load %arg37[%get3A_711, %get3A_712] {strides = array<i32>} : memref<80x64xf32, #tpu.memory_space<vmem>>, vector<1x16xf32>,
          %get3A_714 = vector.shape_cast %get3A_713 : vector<1x16xf32> to vector<16xf32>
          %add3A_715 = arith.addf %get3A_710, %get3A_714 : vector<16xf32>
          %mul3A_716 = arith.mulf %get3A_685, %get3A_664 : vector<16xf32>
          %add3A_717 = arith.addf %add3A_715, %mul3A_716 : vector<16xf32>
          %exp3A_718 = math.exp %add3A_717 : vector<16xf32>
          %add3A_719 = arith.constant 1.000000e+00 : f32
          %add3A_720 = vector.broadcast %add3A_719 : f32 to vector<16xf32>
          %add3A_721 = arith.addf %add3A_720, %exp3A_718 : vector<16xf32>
          %div3A_722 = arith.constant 1.000000e+00 : f32
          %div3A_723 = vector.broadcast %div3A_722 : f32 to vector<16xf32>
          %div3A_724 = arith.divf %div3A_723, %add3A_721 : vector<16xf32>
          %get3A_725 = arith.index_cast %add3A_681 : i32 to index
          %get3A_726 = arith.constant 80 : index
          %get3A_727 = tpu.vector_load %arg33[%get3A_725, %get3A_726] {strides = array<i32>} : memref<80x128xf32, #tpu.memory_space<vmem>>, vector<1x16xf32>,
          %get3A_728 = vector.shape_cast %get3A_727 : vector<1x16xf32> to vector<16xf32>
          %mul3A_729 = arith.mulf %div3A_724, %get3A_728 : vector<16xf32>
          %get3A_730 = arith.index_cast %add3A_681 : i32 to index
          %get3A_731 = arith.constant 32 : index
          %get3A_732 = tpu.vector_load %arg33[%get3A_730, %get3A_731] {strides = array<i32>} : memref<80x128xf32, #tpu.memory_space<vmem>>, vector<1x16xf32>,
          %get3A_733 = vector.shape_cast %get3A_732 : vector<1x16xf32> to vector<16xf32>
          %get3A_734 = arith.index_cast %add3A_681 : i32 to index
          %get3A_735 = arith.constant 32 : index
          %get3A_736 = tpu.vector_load %arg37[%get3A_734, %get3A_735] {strides = array<i32>} : memref<80x64xf32, #tpu.memory_space<vmem>>, vector<1x16xf32>,
          %get3A_737 = vector.shape_cast %get3A_736 : vector<1x16xf32> to vector<16xf32>
          %add3A_738 = arith.addf %get3A_733, %get3A_737 : vector<16xf32>
          %mul3A_739 = arith.mulf %get3A_685, %get3A_667 : vector<16xf32>
          %add3A_740 = arith.addf %add3A_738, %mul3A_739 : vector<16xf32>
          %exp3A_741 = math.exp %add3A_740 : vector<16xf32>
          %add3A_742 = arith.constant 1.000000e+00 : f32
          %add3A_743 = vector.broadcast %add3A_742 : f32 to vector<16xf32>
          %add3A_744 = arith.addf %add3A_743, %exp3A_741 : vector<16xf32>
          %div3A_745 = arith.constant 1.000000e+00 : f32
          %div3A_746 = vector.broadcast %div3A_745 : f32 to vector<16xf32>
          %div3A_747 = arith.divf %div3A_746, %add3A_744 : vector<16xf32>
          %get3A_748 = arith.index_cast %add3A_681 : i32 to index
          %get3A_749 = arith.constant 96 : index
          %get3A_750 = tpu.vector_load %arg33[%get3A_748, %get3A_749] {strides = array<i32>} : memref<80x128xf32, #tpu.memory_space<vmem>>, vector<1x16xf32>,
          %get3A_751 = vector.shape_cast %get3A_750 : vector<1x16xf32> to vector<16xf32>
          %mul3A_752 = arith.mulf %div3A_747, %get3A_751 : vector<16xf32>
          %get3A_753 = arith.index_cast %add3A_681 : i32 to index
          %get3A_754 = arith.constant 48 : index
          %get3A_755 = tpu.vector_load %arg33[%get3A_753, %get3A_754] {strides = array<i32>} : memref<80x128xf32, #tpu.memory_space<vmem>>, vector<1x16xf32>,
          %get3A_756 = vector.shape_cast %get3A_755 : vector<1x16xf32> to vector<16xf32>
          %get3A_757 = arith.index_cast %add3A_681 : i32 to index
          %get3A_758 = arith.constant 48 : index
          %get3A_759 = tpu.vector_load %arg37[%get3A_757, %get3A_758] {strides = array<i32>} : memref<80x64xf32, #tpu.memory_space<vmem>>, vector<1x16xf32>,
          %get3A_760 = vector.shape_cast %get3A_759 : vector<1x16xf32> to vector<16xf32>
          %add3A_761 = arith.addf %get3A_756, %get3A_760 : vector<16xf32>
          %mul3A_762 = arith.mulf %get3A_685, %get3A_670 : vector<16xf32>
          %add3A_763 = arith.addf %add3A_761, %mul3A_762 : vector<16xf32>
          %exp3A_764 = math.exp %add3A_763 : vector<16xf32>
          %add3A_765 = arith.constant 1.000000e+00 : f32
          %add3A_766 = vector.broadcast %add3A_765 : f32 to vector<16xf32>
          %add3A_767 = arith.addf %add3A_766, %exp3A_764 : vector<16xf32>
          %div3A_768 = arith.constant 1.000000e+00 : f32
          %div3A_769 = vector.broadcast %div3A_768 : f32 to vector<16xf32>
          %div3A_770 = arith.divf %div3A_769, %add3A_767 : vector<16xf32>
          %get3A_771 = arith.index_cast %add3A_681 : i32 to index
          %get3A_772 = arith.constant 112 : index
          %get3A_773 = tpu.vector_load %arg33[%get3A_771, %get3A_772] {strides = array<i32>} : memref<80x128xf32, #tpu.memory_space<vmem>>, vector<1x16xf32>,
          %get3A_774 = vector.shape_cast %get3A_773 : vector<1x16xf32> to vector<16xf32>
          %mul3A_775 = arith.mulf %div3A_770, %get3A_774 : vector<16xf32>
          %mul3A_776 = arith.constant 2 : i32
          %mul3A_777 = arith.muli %scan3A_677, %mul3A_776 : i32
          %add3A_778 = arith.constant 1 : i32
          %add3A_779 = arith.addi %mul3A_777, %add3A_778 : i32
          %get3A_780 = arith.index_cast %add3A_779 : i32 to index
          %get3A_781 = arith.constant 0 : index
          %get3A_782 = tpu.vector_load %arg29[%get3A_780, %get3A_781] {strides = array<i32>} : memref<80x16xf32, #tpu.memory_space<vmem>>, vector<1x16xf32>,
          %get3A_783 = vector.shape_cast %get3A_782 : vector<1x16xf32> to vector<16xf32>
          %get3A_784 = arith.index_cast %add3A_779 : i32 to index
          %get3A_785 = arith.constant 0 : index
          %get3A_786 = tpu.vector_load %arg33[%get3A_784, %get3A_785] {strides = array<i32>} : memref<80x128xf32, #tpu.memory_space<vmem>>, vector<1x16xf32>,
          %get3A_787 = vector.shape_cast %get3A_786 : vector<1x16xf32> to vector<16xf32>
          %get3A_788 = arith.index_cast %add3A_779 : i32 to index
          %get3A_789 = arith.constant 0 : index
          %get3A_790 = tpu.vector_load %arg37[%get3A_788, %get3A_789] {strides = array<i32>} : memref<80x64xf32, #tpu.memory_space<vmem>>, vector<1x16xf32>,
          %get3A_791 = vector.shape_cast %get3A_790 : vector<1x16xf32> to vector<16xf32>
          %add3A_792 = arith.addf %get3A_787, %get3A_791 : vector<16xf32>
          %mul3A_793 = arith.mulf %get3A_783, %get3A_661 : vector<16xf32>
          %add3A_794 = arith.addf %add3A_792, %mul3A_793 : vector<16xf32>
          %exp3A_795 = math.exp %add3A_794 : vector<16xf32>
          %add3A_796 = arith.constant 1.000000e+00 : f32
          %add3A_797 = vector.broadcast %add3A_796 : f32 to vector<16xf32>
          %add3A_798 = arith.addf %add3A_797, %exp3A_795 : vector<16xf32>
          %div3A_799 = arith.constant 1.000000e+00 : f32
          %div3A_800 = vector.broadcast %div3A_799 : f32 to vector<16xf32>
          %div3A_801 = arith.divf %div3A_800, %add3A_798 : vector<16xf32>
          %get3A_802 = arith.index_cast %add3A_779 : i32 to index
          %get3A_803 = arith.constant 64 : index
          %get3A_804 = tpu.vector_load %arg33[%get3A_802, %get3A_803] {strides = array<i32>} : memref<80x128xf32, #tpu.memory_space<vmem>>, vector<1x16xf32>,
          %get3A_805 = vector.shape_cast %get3A_804 : vector<1x16xf32> to vector<16xf32>
          %mul3A_806 = arith.mulf %div3A_801, %get3A_805 : vector<16xf32>
          %get3A_807 = arith.index_cast %add3A_779 : i32 to index
          %get3A_808 = arith.constant 16 : index
          %get3A_809 = tpu.vector_load %arg33[%get3A_807, %get3A_808] {strides = array<i32>} : memref<80x128xf32, #tpu.memory_space<vmem>>, vector<1x16xf32>,
          %get3A_810 = vector.shape_cast %get3A_809 : vector<1x16xf32> to vector<16xf32>
          %get3A_811 = arith.index_cast %add3A_779 : i32 to index
          %get3A_812 = arith.constant 16 : index
          %get3A_813 = tpu.vector_load %arg37[%get3A_811, %get3A_812] {strides = array<i32>} : memref<80x64xf32, #tpu.memory_space<vmem>>, vector<1x16xf32>,
          %get3A_814 = vector.shape_cast %get3A_813 : vector<1x16xf32> to vector<16xf32>
          %add3A_815 = arith.addf %get3A_810, %get3A_814 : vector<16xf32>
          %mul3A_816 = arith.mulf %get3A_783, %get3A_664 : vector<16xf32>
          %add3A_817 = arith.addf %add3A_815, %mul3A_816 : vector<16xf32>
          %exp3A_818 = math.exp %add3A_817 : vector<16xf32>
          %add3A_819 = arith.constant 1.000000e+00 : f32
          %add3A_820 = vector.broadcast %add3A_819 : f32 to vector<16xf32>
          %add3A_821 = arith.addf %add3A_820, %exp3A_818 : vector<16xf32>
          %div3A_822 = arith.constant 1.000000e+00 : f32
          %div3A_823 = vector.broadcast %div3A_822 : f32 to vector<16xf32>
          %div3A_824 = arith.divf %div3A_823, %add3A_821 : vector<16xf32>
          %get3A_825 = arith.index_cast %add3A_779 : i32 to index
          %get3A_826 = arith.constant 80 : index
          %get3A_827 = tpu.vector_load %arg33[%get3A_825, %get3A_826] {strides = array<i32>} : memref<80x128xf32, #tpu.memory_space<vmem>>, vector<1x16xf32>,
          %get3A_828 = vector.shape_cast %get3A_827 : vector<1x16xf32> to vector<16xf32>
          %mul3A_829 = arith.mulf %div3A_824, %get3A_828 : vector<16xf32>
          %get3A_830 = arith.index_cast %add3A_779 : i32 to index
          %get3A_831 = arith.constant 32 : index
          %get3A_832 = tpu.vector_load %arg33[%get3A_830, %get3A_831] {strides = array<i32>} : memref<80x128xf32, #tpu.memory_space<vmem>>, vector<1x16xf32>,
          %get3A_833 = vector.shape_cast %get3A_832 : vector<1x16xf32> to vector<16xf32>
          %get3A_834 = arith.index_cast %add3A_779 : i32 to index
          %get3A_835 = arith.constant 32 : index
          %get3A_836 = tpu.vector_load %arg37[%get3A_834, %get3A_835] {strides = array<i32>} : memref<80x64xf32, #tpu.memory_space<vmem>>, vector<1x16xf32>,
          %get3A_837 = vector.shape_cast %get3A_836 : vector<1x16xf32> to vector<16xf32>
          %add3A_838 = arith.addf %get3A_833, %get3A_837 : vector<16xf32>
          %mul3A_839 = arith.mulf %get3A_783, %get3A_667 : vector<16xf32>
          %add3A_840 = arith.addf %add3A_838, %mul3A_839 : vector<16xf32>
          %exp3A_841 = math.exp %add3A_840 : vector<16xf32>
          %add3A_842 = arith.constant 1.000000e+00 : f32
          %add3A_843 = vector.broadcast %add3A_842 : f32 to vector<16xf32>
          %add3A_844 = arith.addf %add3A_843, %exp3A_841 : vector<16xf32>
          %div3A_845 = arith.constant 1.000000e+00 : f32
          %div3A_846 = vector.broadcast %div3A_845 : f32 to vector<16xf32>
          %div3A_847 = arith.divf %div3A_846, %add3A_844 : vector<16xf32>
          %get3A_848 = arith.index_cast %add3A_779 : i32 to index
          %get3A_849 = arith.constant 96 : index
          %get3A_850 = tpu.vector_load %arg33[%get3A_848, %get3A_849] {strides = array<i32>} : memref<80x128xf32, #tpu.memory_space<vmem>>, vector<1x16xf32>,
          %get3A_851 = vector.shape_cast %get3A_850 : vector<1x16xf32> to vector<16xf32>
          %mul3A_852 = arith.mulf %div3A_847, %get3A_851 : vector<16xf32>
          %get3A_853 = arith.index_cast %add3A_779 : i32 to index
          %get3A_854 = arith.constant 48 : index
          %get3A_855 = tpu.vector_load %arg33[%get3A_853, %get3A_854] {strides = array<i32>} : memref<80x128xf32, #tpu.memory_space<vmem>>, vector<1x16xf32>,
          %get3A_856 = vector.shape_cast %get3A_855 : vector<1x16xf32> to vector<16xf32>
          %get3A_857 = arith.index_cast %add3A_779 : i32 to index
          %get3A_858 = arith.constant 48 : index
          %get3A_859 = tpu.vector_load %arg37[%get3A_857, %get3A_858] {strides = array<i32>} : memref<80x64xf32, #tpu.memory_space<vmem>>, vector<1x16xf32>,
          %get3A_860 = vector.shape_cast %get3A_859 : vector<1x16xf32> to vector<16xf32>
          %add3A_861 = arith.addf %get3A_856, %get3A_860 : vector<16xf32>
          %mul3A_862 = arith.mulf %get3A_783, %get3A_670 : vector<16xf32>
          %add3A_863 = arith.addf %add3A_861, %mul3A_862 : vector<16xf32>
          %exp3A_864 = math.exp %add3A_863 : vector<16xf32>
          %add3A_865 = arith.constant 1.000000e+00 : f32
          %add3A_866 = vector.broadcast %add3A_865 : f32 to vector<16xf32>
          %add3A_867 = arith.addf %add3A_866, %exp3A_864 : vector<16xf32>
          %div3A_868 = arith.constant 1.000000e+00 : f32
          %div3A_869 = vector.broadcast %div3A_868 : f32 to vector<16xf32>
          %div3A_870 = arith.divf %div3A_869, %add3A_867 : vector<16xf32>
          %get3A_871 = arith.index_cast %add3A_779 : i32 to index
          %get3A_872 = arith.constant 112 : index
          %get3A_873 = tpu.vector_load %arg33[%get3A_871, %get3A_872] {strides = array<i32>} : memref<80x128xf32, #tpu.memory_space<vmem>>, vector<1x16xf32>,
          %get3A_874 = vector.shape_cast %get3A_873 : vector<1x16xf32> to vector<16xf32>
          %mul3A_875 = arith.mulf %div3A_870, %get3A_874 : vector<16xf32>
          %swap3A_876 = arith.index_cast %add3A_681 : i32 to index
          %swap3A_877 = arith.constant 0 : index
          %swap3A_878 = tpu.vector_load %arg38[%swap3A_876, %swap3A_877] {strides = array<i32>} : memref<80x64xf32, #tpu.memory_space<vmem>>, vector<1x16xf32>,
          %swap3A_879 = vector.shape_cast %swap3A_878 : vector<1x16xf32> to vector<16xf32>
          %swap3A_880 = vector.shape_cast %mul3A_706 : vector<16xf32> to vector<1x16xf32>
          tpu.vector_store %arg38[%swap3A_876, %swap3A_877], %swap3A_880 {strides = array<i32>} : memref<80x64xf32, #tpu.memory_space<vmem>>, vector<1x16xf32>,
          %swap3A_881 = arith.index_cast %add3A_681 : i32 to index
          %swap3A_882 = arith.constant 16 : index
          %swap3A_883 = tpu.vector_load %arg38[%swap3A_881, %swap3A_882] {strides = array<i32>} : memref<80x64xf32, #tpu.memory_space<vmem>>, vector<1x16xf32>,
          %swap3A_884 = vector.shape_cast %swap3A_883 : vector<1x16xf32> to vector<16xf32>
          %swap3A_885 = vector.shape_cast %mul3A_729 : vector<16xf32> to vector<1x16xf32>
          tpu.vector_store %arg38[%swap3A_881, %swap3A_882], %swap3A_885 {strides = array<i32>} : memref<80x64xf32, #tpu.memory_space<vmem>>, vector<1x16xf32>,
          %swap3A_886 = arith.index_cast %add3A_681 : i32 to index
          %swap3A_887 = arith.constant 32 : index
          %swap3A_888 = tpu.vector_load %arg38[%swap3A_886, %swap3A_887] {strides = array<i32>} : memref<80x64xf32, #tpu.memory_space<vmem>>, vector<1x16xf32>,
          %swap3A_889 = vector.shape_cast %swap3A_888 : vector<1x16xf32> to vector<16xf32>
          %swap3A_890 = vector.shape_cast %mul3A_752 : vector<16xf32> to vector<1x16xf32>
          tpu.vector_store %arg38[%swap3A_886, %swap3A_887], %swap3A_890 {strides = array<i32>} : memref<80x64xf32, #tpu.memory_space<vmem>>, vector<1x16xf32>,
          %swap3A_891 = arith.index_cast %add3A_681 : i32 to index
          %swap3A_892 = arith.constant 48 : index
          %swap3A_893 = tpu.vector_load %arg38[%swap3A_891, %swap3A_892] {strides = array<i32>} : memref<80x64xf32, #tpu.memory_space<vmem>>, vector<1x16xf32>,
          %swap3A_894 = vector.shape_cast %swap3A_893 : vector<1x16xf32> to vector<16xf32>
          %swap3A_895 = vector.shape_cast %mul3A_775 : vector<16xf32> to vector<1x16xf32>
          tpu.vector_store %arg38[%swap3A_891, %swap3A_892], %swap3A_895 {strides = array<i32>} : memref<80x64xf32, #tpu.memory_space<vmem>>, vector<1x16xf32>,
          %swap3A_896 = arith.index_cast %add3A_779 : i32 to index
          %swap3A_897 = arith.constant 0 : index
          %swap3A_898 = tpu.vector_load %arg38[%swap3A_896, %swap3A_897] {strides = array<i32>} : memref<80x64xf32, #tpu.memory_space<vmem>>, vector<1x16xf32>,
          %swap3A_899 = vector.shape_cast %swap3A_898 : vector<1x16xf32> to vector<16xf32>
          %swap3A_900 = vector.shape_cast %mul3A_806 : vector<16xf32> to vector<1x16xf32>
          tpu.vector_store %arg38[%swap3A_896, %swap3A_897], %swap3A_900 {strides = array<i32>} : memref<80x64xf32, #tpu.memory_space<vmem>>, vector<1x16xf32>,
          %swap3A_901 = arith.index_cast %add3A_779 : i32 to index
          %swap3A_902 = arith.constant 16 : index
          %swap3A_903 = tpu.vector_load %arg38[%swap3A_901, %swap3A_902] {strides = array<i32>} : memref<80x64xf32, #tpu.memory_space<vmem>>, vector<1x16xf32>,
          %swap3A_904 = vector.shape_cast %swap3A_903 : vector<1x16xf32> to vector<16xf32>
          %swap3A_905 = vector.shape_cast %mul3A_829 : vector<16xf32> to vector<1x16xf32>
          tpu.vector_store %arg38[%swap3A_901, %swap3A_902], %swap3A_905 {strides = array<i32>} : memref<80x64xf32, #tpu.memory_space<vmem>>, vector<1x16xf32>,
          %swap3A_906 = arith.index_cast %add3A_779 : i32 to index
          %swap3A_907 = arith.constant 32 : index
          %swap3A_908 = tpu.vector_load %arg38[%swap3A_906, %swap3A_907] {strides = array<i32>} : memref<80x64xf32, #tpu.memory_space<vmem>>, vector<1x16xf32>,
          %swap3A_909 = vector.shape_cast %swap3A_908 : vector<1x16xf32> to vector<16xf32>
          %swap3A_910 = vector.shape_cast %mul3A_852 : vector<16xf32> to vector<1x16xf32>
          tpu.vector_store %arg38[%swap3A_906, %swap3A_907], %swap3A_910 {strides = array<i32>} : memref<80x64xf32, #tpu.memory_space<vmem>>, vector<1x16xf32>,
          %swap3A_911 = arith.index_cast %add3A_779 : i32 to index
          %swap3A_912 = arith.constant 48 : index
          %swap3A_913 = tpu.vector_load %arg38[%swap3A_911, %swap3A_912] {strides = array<i32>} : memref<80x64xf32, #tpu.memory_space<vmem>>, vector<1x16xf32>,
          %swap3A_914 = vector.shape_cast %swap3A_913 : vector<1x16xf32> to vector<16xf32>
          %swap3A_915 = vector.shape_cast %mul3A_875 : vector<16xf32> to vector<1x16xf32>
          tpu.vector_store %arg38[%swap3A_911, %swap3A_912], %swap3A_915 {strides = array<i32>} : memref<80x64xf32, #tpu.memory_space<vmem>>, vector<1x16xf32>,
        }
        %scan3A_676 = arith.constant 40 : i32
        "tpu.region"() ({
          %run_scoped3A = tpu.sem_alloc : memref<!tpu.dma_semaphore, #tpu.memory_space<semaphore_mem>>
          %dma_start3A_677 = arith.constant 0 : i32
          %dma_start3A_678 = arith.constant 0 : i32
          %dma_start3A_679 = tpu.memref_slice %arg40[%dma_start3A_677, %dma_start3A_678] : memref<10000x64xf32, #tpu.memory_space<vmem_shared>> -> memref<10000x64xf32, #tpu.memory_space<vmem_shared>>
          tpu.enqueue_indirect_dma source(%arg38 : memref<80x64xf32, #tpu.memory_space<vmem>>) target(%dma_start3A_679 : memref<10000x64xf32, #tpu.memory_space<vmem_shared>>) offsets(%arg21 : memref<80xi32, #tpu.memory_space<vmem>>) semaphore(%run_scoped3A : memref<!tpu.dma_semaphore, #tpu.memory_space<semaphore_mem>>) {add = true}
          %dma_wait3A_680 = arith.constant 0 : i32
          %dma_wait3A_681 = arith.constant 0 : i32
          %dma_wait3A_682 = tpu.memref_slice %arg40[%dma_wait3A_680, %dma_wait3A_681] : memref<10000x64xf32, #tpu.memory_space<vmem_shared>> -> memref<10000x64xf32, #tpu.memory_space<vmem_shared>>
          tpu.wait_indirect_dma semaphore(%run_scoped3A : memref<!tpu.dma_semaphore, #tpu.memory_space<semaphore_mem>>) src(%arg38 : memref<80x64xf32, #tpu.memory_space<vmem>>) dst(%dma_wait3A_682 : memref<10000x64xf32, #tpu.memory_space<vmem_shared>>)
          tpu.yield
        }) : () -> ()
      } else {
      }
      %add3A_640 = arith.constant 4 : i32
      %add3A_641 = arith.addi %add3A_627, %add3A_640 : i32
      %lt3A_642 = arith.constant 250 : i32
      %lt3A_643 = arith.cmpi slt, %add3A_641, %lt3A_642 : i32
      %convert_element_type3A_644 = arith.extui %lt3A_643 : i1 to i32
      %cond3A_645 = arith.constant 0 : i32
      %cond3A_646 = arith.cmpi ne, %convert_element_type3A_644, %cond3A_645 : i32
      scf.if %cond3A_646 {
        %add3A_647 = arith.constant 4 : i32
        %add3A_648 = arith.addi %add3A_627, %add3A_647 : i32
        %mul3A_649 = arith.constant 80 : i32
        %mul3A_650 = arith.muli %add3A_648, %mul3A_649 : i32
        %add3A_651 = arith.addi %mul3A_2, %mul3A_650 : i32
        %dma_start3A_652 = tpu.memref_slice %arg5[%add3A_651] : memref<320000xi32, #tpu.memory_space<hbm>> -> memref<80xi32, #tpu.memory_space<hbm>>
        %dma_start3A_653 = tpu.memref_slice %arg5[%add3A_651] : memref<320000xi32, #tpu.memory_space<hbm>> -> memref<80xi32, #tpu.memory_space<hbm>>
        tpu.enqueue_dma source(%dma_start3A_653 : memref<80xi32, #tpu.memory_space<hbm>>) target(%arg17 : memref<80xi32, #tpu.memory_space<vmem>>) target_semaphore(%arg45 : memref<!tpu.dma_semaphore, #tpu.memory_space<semaphore_mem>>)
        %dma_start3A_654 = tpu.memref_slice %arg6[%add3A_651] : memref<320000xi32, #tpu.memory_space<hbm>> -> memref<80xi32, #tpu.memory_space<hbm>>
        %dma_start3A_655 = tpu.memref_slice %arg6[%add3A_651] : memref<320000xi32, #tpu.memory_space<hbm>> -> memref<80xi32, #tpu.memory_space<hbm>>
        tpu.enqueue_dma source(%dma_start3A_655 : memref<80xi32, #tpu.memory_space<hbm>>) target(%arg21 : memref<80xi32, #tpu.memory_space<vmem>>) target_semaphore(%arg45 : memref<!tpu.dma_semaphore, #tpu.memory_space<semaphore_mem>>)
        %dma_start3A_656 = arith.constant 0 : i32
        %dma_start3A_657 = tpu.memref_slice %arg7[%add3A_651, %dma_start3A_656] : memref<320000x16xf32, #tpu.memory_space<hbm>> -> memref<80x16xf32, #tpu.memory_space<hbm>>
        %dma_start3A_658 = arith.constant 0 : i32
        %dma_start3A_659 = tpu.memref_slice %arg7[%add3A_651, %dma_start3A_658] : memref<320000x16xf32, #tpu.memory_space<hbm>> -> memref<80x16xf32, #tpu.memory_space<hbm>>
        tpu.enqueue_dma source(%dma_start3A_659 : memref<80x16xf32, #tpu.memory_space<hbm>>) target(%arg29 : memref<80x16xf32, #tpu.memory_space<vmem>>) target_semaphore(%arg45 : memref<!tpu.dma_semaphore, #tpu.memory_space<semaphore_mem>>)
      } else {
      }
    }
    %scan3A_326 = arith.constant 63 : i32
    %barrier3A_327 = arith.constant 0 : index
    tpu.barrier barrier_id(%barrier3A_327)
    %mul3A_328 = arith.constant 10000 : i32
    %mul3A_329 = arith.muli %arg0, %mul3A_328 : i32
    %add3A_330 = arith.addi %mul3A_329, %mul3A_0 : i32
    "tpu.region"() ({
      %run_scoped3A = tpu.sem_alloc : memref<!tpu.dma_semaphore, #tpu.memory_space<semaphore_mem>>
      %dma_start3A_561 = arith.constant 0 : i32
      %dma_start3A_562 = tpu.memref_slice %arg11[%add3A_330, %dma_start3A_561] : memref<20000x64xf32, #tpu.memory_space<hbm>> -> memref<624x64xf32, #tpu.memory_space<hbm>>
      %dma_start3A_563 = arith.constant 0 : i32
      %dma_start3A_564 = tpu.memref_slice %arg40[%mul3A_0, %dma_start3A_563] : memref<10000x64xf32, #tpu.memory_space<vmem_shared>> -> memref<624x64xf32, #tpu.memory_space<vmem_shared>>
      tpu.enqueue_dma source(%dma_start3A_564 : memref<624x64xf32, #tpu.memory_space<vmem_shared>>) target(%dma_start3A_562 : memref<624x64xf32, #tpu.memory_space<hbm>>) target_semaphore(%run_scoped3A : memref<!tpu.dma_semaphore, #tpu.memory_space<semaphore_mem>>)
      %dma_wait3A_565 = arith.constant 0 : i32
      %dma_wait3A_566 = tpu.memref_slice %arg11[%add3A_330, %dma_wait3A_565] : memref<20000x64xf32, #tpu.memory_space<hbm>> -> memref<624x64xf32, #tpu.memory_space<hbm>>
      %dma_wait3A_567 = arith.constant 0 : i32
      %dma_wait3A_568 = tpu.memref_slice %arg40[%mul3A_0, %dma_wait3A_567] : memref<10000x64xf32, #tpu.memory_space<vmem_shared>> -> memref<624x64xf32, #tpu.memory_space<vmem_shared>>
      tpu.wait_dma2 semaphore(%run_scoped3A : memref<!tpu.dma_semaphore, #tpu.memory_space<semaphore_mem>>) src(%dma_wait3A_568 : memref<624x64xf32, #tpu.memory_space<vmem_shared>>) dst(%dma_wait3A_566 : memref<624x64xf32, #tpu.memory_space<hbm>>)
      tpu.yield
    }) : () -> ()
    %eq3A_331 = arith.constant 15 : i32
    %eq3A_332 = arith.cmpi eq, %arg1, %eq3A_331 : i32
    %convert_element_type3A_333 = arith.extui %eq3A_332 : i1 to i32
    %cond3A_334 = arith.constant 0 : i32
    %cond3A_335 = arith.cmpi ne, %convert_element_type3A_333, %cond3A_334 : i32
    scf.if %cond3A_335 {
      %mul3A_561 = arith.constant 10000 : i32
      %mul3A_562 = arith.muli %arg0, %mul3A_561 : i32
      %add3A_563 = arith.constant 9984 : i32
      %add3A_564 = arith.addi %mul3A_562, %add3A_563 : i32
      "tpu.region"() ({
        %run_scoped3A = tpu.sem_alloc : memref<!tpu.dma_semaphore, #tpu.memory_space<semaphore_mem>>
        %dma_start3A_565 = arith.constant 0 : i32
        %dma_start3A_566 = tpu.memref_slice %arg11[%add3A_564, %dma_start3A_565] : memref<20000x64xf32, #tpu.memory_space<hbm>> -> memref<16x64xf32, #tpu.memory_space<hbm>>
        %dma_start3A_567 = arith.constant 9984 : i32
        %dma_start3A_568 = arith.constant 0 : i32
        %dma_start3A_569 = tpu.memref_slice %arg40[%dma_start3A_567, %dma_start3A_568] : memref<10000x64xf32, #tpu.memory_space<vmem_shared>> -> memref<16x64xf32, #tpu.memory_space<vmem_shared>>
        tpu.enqueue_dma source(%dma_start3A_569 : memref<16x64xf32, #tpu.memory_space<vmem_shared>>) target(%dma_start3A_566 : memref<16x64xf32, #tpu.memory_space<hbm>>) target_semaphore(%run_scoped3A : memref<!tpu.dma_semaphore, #tpu.memory_space<semaphore_mem>>)
        %dma_wait3A_570 = arith.constant 0 : i32
        %dma_wait3A_571 = tpu.memref_slice %arg11[%add3A_564, %dma_wait3A_570] : memref<20000x64xf32, #tpu.memory_space<hbm>> -> memref<16x64xf32, #tpu.memory_space<hbm>>
        %dma_wait3A_572 = arith.constant 9984 : i32
        %dma_wait3A_573 = arith.constant 0 : i32
        %dma_wait3A_574 = tpu.memref_slice %arg40[%dma_wait3A_572, %dma_wait3A_573] : memref<10000x64xf32, #tpu.memory_space<vmem_shared>> -> memref<16x64xf32, #tpu.memory_space<vmem_shared>>
        tpu.wait_dma2 semaphore(%run_scoped3A : memref<!tpu.dma_semaphore, #tpu.memory_space<semaphore_mem>>) src(%dma_wait3A_574 : memref<16x64xf32, #tpu.memory_space<vmem_shared>>) dst(%dma_wait3A_571 : memref<16x64xf32, #tpu.memory_space<hbm>>)
        tpu.yield
      }) : () -> ()
    } else {
    }
    "tpu.region"() ({
      %run_scoped3A = tpu.sem_alloc : memref<!tpu.dma_semaphore, #tpu.memory_space<semaphore_mem>>
      %dma_start3A_561 = arith.constant 0 : i32
      %dma_start3A_562 = tpu.memref_slice %arg40[%mul3A_0, %dma_start3A_561] : memref<10000x64xf32, #tpu.memory_space<vmem_shared>> -> memref<624x64xf32, #tpu.memory_space<vmem_shared>>
      %dma_start3A_563 = arith.constant 0 : i32
      %dma_start3A_564 = tpu.memref_slice %arg9[%mul3A_0, %dma_start3A_563] : memref<10000x64xf32, #tpu.memory_space<hbm>> -> memref<624x64xf32, #tpu.memory_space<hbm>>
      tpu.enqueue_dma source(%dma_start3A_564 : memref<624x64xf32, #tpu.memory_space<hbm>>) target(%dma_start3A_562 : memref<624x64xf32, #tpu.memory_space<vmem_shared>>) target_semaphore(%run_scoped3A : memref<!tpu.dma_semaphore, #tpu.memory_space<semaphore_mem>>)
      %dma_wait3A_565 = arith.constant 0 : i32
      %dma_wait3A_566 = tpu.memref_slice %arg40[%mul3A_0, %dma_wait3A_565] : memref<10000x64xf32, #tpu.memory_space<vmem_shared>> -> memref<624x64xf32, #tpu.memory_space<vmem_shared>>
      %dma_wait3A_567 = arith.constant 0 : i32
      %dma_wait3A_568 = tpu.memref_slice %arg9[%mul3A_0, %dma_wait3A_567] : memref<10000x64xf32, #tpu.memory_space<hbm>> -> memref<624x64xf32, #tpu.memory_space<hbm>>
      tpu.wait_dma2 semaphore(%run_scoped3A : memref<!tpu.dma_semaphore, #tpu.memory_space<semaphore_mem>>) src(%dma_wait3A_568 : memref<624x64xf32, #tpu.memory_space<hbm>>) dst(%dma_wait3A_566 : memref<624x64xf32, #tpu.memory_space<vmem_shared>>)
      tpu.yield
    }) : () -> ()
    %eq3A_336 = arith.constant 15 : i32
    %eq3A_337 = arith.cmpi eq, %arg1, %eq3A_336 : i32
    %convert_element_type3A_338 = arith.extui %eq3A_337 : i1 to i32
    %cond3A_339 = arith.constant 0 : i32
    %cond3A_340 = arith.cmpi ne, %convert_element_type3A_338, %cond3A_339 : i32
    scf.if %cond3A_340 {
      "tpu.region"() ({
        %run_scoped3A = tpu.sem_alloc : memref<!tpu.dma_semaphore, #tpu.memory_space<semaphore_mem>>
        %dma_start3A_561 = arith.constant 9984 : i32
        %dma_start3A_562 = arith.constant 0 : i32
        %dma_start3A_563 = tpu.memref_slice %arg40[%dma_start3A_561, %dma_start3A_562] : memref<10000x64xf32, #tpu.memory_space<vmem_shared>> -> memref<16x64xf32, #tpu.memory_space<vmem_shared>>
        %dma_start3A_564 = arith.constant 9984 : i32
        %dma_start3A_565 = arith.constant 0 : i32
        %dma_start3A_566 = tpu.memref_slice %arg9[%dma_start3A_564, %dma_start3A_565] : memref<10000x64xf32, #tpu.memory_space<hbm>> -> memref<16x64xf32, #tpu.memory_space<hbm>>
        tpu.enqueue_dma source(%dma_start3A_566 : memref<16x64xf32, #tpu.memory_space<hbm>>) target(%dma_start3A_563 : memref<16x64xf32, #tpu.memory_space<vmem_shared>>) target_semaphore(%run_scoped3A : memref<!tpu.dma_semaphore, #tpu.memory_space<semaphore_mem>>)
        %dma_wait3A_567 = arith.constant 9984 : i32
        %dma_wait3A_568 = arith.constant 0 : i32
        %dma_wait3A_569 = tpu.memref_slice %arg40[%dma_wait3A_567, %dma_wait3A_568] : memref<10000x64xf32, #tpu.memory_space<vmem_shared>> -> memref<16x64xf32, #tpu.memory_space<vmem_shared>>
        %dma_wait3A_570 = arith.constant 9984 : i32
        %dma_wait3A_571 = arith.constant 0 : i32
        %dma_wait3A_572 = tpu.memref_slice %arg9[%dma_wait3A_570, %dma_wait3A_571] : memref<10000x64xf32, #tpu.memory_space<hbm>> -> memref<16x64xf32, #tpu.memory_space<hbm>>
        tpu.wait_dma2 semaphore(%run_scoped3A : memref<!tpu.dma_semaphore, #tpu.memory_space<semaphore_mem>>) src(%dma_wait3A_572 : memref<16x64xf32, #tpu.memory_space<hbm>>) dst(%dma_wait3A_569 : memref<16x64xf32, #tpu.memory_space<vmem_shared>>)
        tpu.yield
      }) : () -> ()
    } else {
    }
    "tpu.region"() ({
      %run_scoped3A = tpu.sem_alloc : memref<!tpu.dma_semaphore, #tpu.memory_space<semaphore_mem>>
      %dma_start3A_561 = arith.constant 0 : i32
      %dma_start3A_562 = tpu.memref_slice %arg41[%mul3A_0, %dma_start3A_561] : memref<10000x16xf32, #tpu.memory_space<vmem_shared>> -> memref<624x16xf32, #tpu.memory_space<vmem_shared>>
      %dma_start3A_563 = arith.constant 0 : i32
      %dma_start3A_564 = tpu.memref_slice %arg10[%mul3A_0, %dma_start3A_563] : memref<10000x16xf32, #tpu.memory_space<hbm>> -> memref<624x16xf32, #tpu.memory_space<hbm>>
      tpu.enqueue_dma source(%dma_start3A_564 : memref<624x16xf32, #tpu.memory_space<hbm>>) target(%dma_start3A_562 : memref<624x16xf32, #tpu.memory_space<vmem_shared>>) target_semaphore(%run_scoped3A : memref<!tpu.dma_semaphore, #tpu.memory_space<semaphore_mem>>)
      %dma_wait3A_565 = arith.constant 0 : i32
      %dma_wait3A_566 = tpu.memref_slice %arg41[%mul3A_0, %dma_wait3A_565] : memref<10000x16xf32, #tpu.memory_space<vmem_shared>> -> memref<624x16xf32, #tpu.memory_space<vmem_shared>>
      %dma_wait3A_567 = arith.constant 0 : i32
      %dma_wait3A_568 = tpu.memref_slice %arg10[%mul3A_0, %dma_wait3A_567] : memref<10000x16xf32, #tpu.memory_space<hbm>> -> memref<624x16xf32, #tpu.memory_space<hbm>>
      tpu.wait_dma2 semaphore(%run_scoped3A : memref<!tpu.dma_semaphore, #tpu.memory_space<semaphore_mem>>) src(%dma_wait3A_568 : memref<624x16xf32, #tpu.memory_space<hbm>>) dst(%dma_wait3A_566 : memref<624x16xf32, #tpu.memory_space<vmem_shared>>)
      tpu.yield
    }) : () -> ()
    %eq3A_341 = arith.constant 15 : i32
    %eq3A_342 = arith.cmpi eq, %arg1, %eq3A_341 : i32
    %convert_element_type3A_343 = arith.extui %eq3A_342 : i1 to i32
    %cond3A_344 = arith.constant 0 : i32
    %cond3A_345 = arith.cmpi ne, %convert_element_type3A_343, %cond3A_344 : i32
    scf.if %cond3A_345 {
      "tpu.region"() ({
        %run_scoped3A = tpu.sem_alloc : memref<!tpu.dma_semaphore, #tpu.memory_space<semaphore_mem>>
        %dma_start3A_561 = arith.constant 9984 : i32
        %dma_start3A_562 = arith.constant 0 : i32
        %dma_start3A_563 = tpu.memref_slice %arg41[%dma_start3A_561, %dma_start3A_562] : memref<10000x16xf32, #tpu.memory_space<vmem_shared>> -> memref<16x16xf32, #tpu.memory_space<vmem_shared>>
        %dma_start3A_564 = arith.constant 9984 : i32
        %dma_start3A_565 = arith.constant 0 : i32
        %dma_start3A_566 = tpu.memref_slice %arg10[%dma_start3A_564, %dma_start3A_565] : memref<10000x16xf32, #tpu.memory_space<hbm>> -> memref<16x16xf32, #tpu.memory_space<hbm>>
        tpu.enqueue_dma source(%dma_start3A_566 : memref<16x16xf32, #tpu.memory_space<hbm>>) target(%dma_start3A_563 : memref<16x16xf32, #tpu.memory_space<vmem_shared>>) target_semaphore(%run_scoped3A : memref<!tpu.dma_semaphore, #tpu.memory_space<semaphore_mem>>)
        %dma_wait3A_567 = arith.constant 9984 : i32
        %dma_wait3A_568 = arith.constant 0 : i32
        %dma_wait3A_569 = tpu.memref_slice %arg41[%dma_wait3A_567, %dma_wait3A_568] : memref<10000x16xf32, #tpu.memory_space<vmem_shared>> -> memref<16x16xf32, #tpu.memory_space<vmem_shared>>
        %dma_wait3A_570 = arith.constant 9984 : i32
        %dma_wait3A_571 = arith.constant 0 : i32
        %dma_wait3A_572 = tpu.memref_slice %arg10[%dma_wait3A_570, %dma_wait3A_571] : memref<10000x16xf32, #tpu.memory_space<hbm>> -> memref<16x16xf32, #tpu.memory_space<hbm>>
        tpu.wait_dma2 semaphore(%run_scoped3A : memref<!tpu.dma_semaphore, #tpu.memory_space<semaphore_mem>>) src(%dma_wait3A_572 : memref<16x16xf32, #tpu.memory_space<hbm>>) dst(%dma_wait3A_569 : memref<16x16xf32, #tpu.memory_space<vmem_shared>>)
        tpu.yield
      }) : () -> ()
    } else {
    }
    %barrier3A_346 = arith.constant 0 : index
    tpu.barrier barrier_id(%barrier3A_346)
    %add3A_347 = arith.constant 0 : i32
    %add3A_348 = arith.addi %mul3A_2, %add3A_347 : i32
    %dma_start3A_349 = tpu.memref_slice %arg5[%add3A_348] : memref<320000xi32, #tpu.memory_space<hbm>> -> memref<80xi32, #tpu.memory_space<hbm>>
    %dma_start3A_350 = tpu.memref_slice %arg5[%add3A_348] : memref<320000xi32, #tpu.memory_space<hbm>> -> memref<80xi32, #tpu.memory_space<hbm>>
    tpu.enqueue_dma source(%dma_start3A_350 : memref<80xi32, #tpu.memory_space<hbm>>) target(%arg14 : memref<80xi32, #tpu.memory_space<vmem>>) target_semaphore(%arg42 : memref<!tpu.dma_semaphore, #tpu.memory_space<semaphore_mem>>)
    %dma_start3A_351 = tpu.memref_slice %arg6[%add3A_348] : memref<320000xi32, #tpu.memory_space<hbm>> -> memref<80xi32, #tpu.memory_space<hbm>>
    %dma_start3A_352 = tpu.memref_slice %arg6[%add3A_348] : memref<320000xi32, #tpu.memory_space<hbm>> -> memref<80xi32, #tpu.memory_space<hbm>>
    tpu.enqueue_dma source(%dma_start3A_352 : memref<80xi32, #tpu.memory_space<hbm>>) target(%arg18 : memref<80xi32, #tpu.memory_space<vmem>>) target_semaphore(%arg42 : memref<!tpu.dma_semaphore, #tpu.memory_space<semaphore_mem>>)
    %dma_start3A_353 = arith.constant 0 : i32
    %dma_start3A_354 = tpu.memref_slice %arg7[%add3A_348, %dma_start3A_353] : memref<320000x16xf32, #tpu.memory_space<hbm>> -> memref<80x16xf32, #tpu.memory_space<hbm>>
    %dma_start3A_355 = arith.constant 0 : i32
    %dma_start3A_356 = tpu.memref_slice %arg7[%add3A_348, %dma_start3A_355] : memref<320000x16xf32, #tpu.memory_space<hbm>> -> memref<80x16xf32, #tpu.memory_space<hbm>>
    tpu.enqueue_dma source(%dma_start3A_356 : memref<80x16xf32, #tpu.memory_space<hbm>>) target(%arg26 : memref<80x16xf32, #tpu.memory_space<vmem>>) target_semaphore(%arg42 : memref<!tpu.dma_semaphore, #tpu.memory_space<semaphore_mem>>)
    %add3A_357 = arith.constant 80 : i32
    %add3A_358 = arith.addi %mul3A_2, %add3A_357 : i32
    %dma_start3A_359 = tpu.memref_slice %arg5[%add3A_358] : memref<320000xi32, #tpu.memory_space<hbm>> -> memref<80xi32, #tpu.memory_space<hbm>>
    %dma_start3A_360 = tpu.memref_slice %arg5[%add3A_358] : memref<320000xi32, #tpu.memory_space<hbm>> -> memref<80xi32, #tpu.memory_space<hbm>>
    tpu.enqueue_dma source(%dma_start3A_360 : memref<80xi32, #tpu.memory_space<hbm>>) target(%arg15 : memref<80xi32, #tpu.memory_space<vmem>>) target_semaphore(%arg43 : memref<!tpu.dma_semaphore, #tpu.memory_space<semaphore_mem>>)
    %dma_start3A_361 = tpu.memref_slice %arg6[%add3A_358] : memref<320000xi32, #tpu.memory_space<hbm>> -> memref<80xi32, #tpu.memory_space<hbm>>
    %dma_start3A_362 = tpu.memref_slice %arg6[%add3A_358] : memref<320000xi32, #tpu.memory_space<hbm>> -> memref<80xi32, #tpu.memory_space<hbm>>
    tpu.enqueue_dma source(%dma_start3A_362 : memref<80xi32, #tpu.memory_space<hbm>>) target(%arg19 : memref<80xi32, #tpu.memory_space<vmem>>) target_semaphore(%arg43 : memref<!tpu.dma_semaphore, #tpu.memory_space<semaphore_mem>>)
    %dma_start3A_363 = arith.constant 0 : i32
    %dma_start3A_364 = tpu.memref_slice %arg7[%add3A_358, %dma_start3A_363] : memref<320000x16xf32, #tpu.memory_space<hbm>> -> memref<80x16xf32, #tpu.memory_space<hbm>>
    %dma_start3A_365 = arith.constant 0 : i32
    %dma_start3A_366 = tpu.memref_slice %arg7[%add3A_358, %dma_start3A_365] : memref<320000x16xf32, #tpu.memory_space<hbm>> -> memref<80x16xf32, #tpu.memory_space<hbm>>
    tpu.enqueue_dma source(%dma_start3A_366 : memref<80x16xf32, #tpu.memory_space<hbm>>) target(%arg27 : memref<80x16xf32, #tpu.memory_space<vmem>>) target_semaphore(%arg43 : memref<!tpu.dma_semaphore, #tpu.memory_space<semaphore_mem>>)
    %dma_wait3A_367 = arith.constant 0 : i32
    %dma_wait3A_368 = tpu.memref_slice %arg5[%dma_wait3A_367] : memref<320000xi32, #tpu.memory_space<hbm>> -> memref<80xi32, #tpu.memory_space<hbm>>
    %dma_wait3A_369 = arith.constant 0 : i32
    %dma_wait3A_370 = tpu.memref_slice %arg5[%dma_wait3A_369] : memref<320000xi32, #tpu.memory_space<hbm>> -> memref<80xi32, #tpu.memory_space<hbm>>
    tpu.wait_dma2 semaphore(%arg42 : memref<!tpu.dma_semaphore, #tpu.memory_space<semaphore_mem>>) src(%dma_wait3A_370 : memref<80xi32, #tpu.memory_space<hbm>>) dst(%arg14 : memref<80xi32, #tpu.memory_space<vmem>>)
    %dma_wait3A_371 = arith.constant 0 : i32
    %dma_wait3A_372 = tpu.memref_slice %arg6[%dma_wait3A_371] : memref<320000xi32, #tpu.memory_space<hbm>> -> memref<80xi32, #tpu.memory_space<hbm>>
    %dma_wait3A_373 = arith.constant 0 : i32
    %dma_wait3A_374 = tpu.memref_slice %arg6[%dma_wait3A_373] : memref<320000xi32, #tpu.memory_space<hbm>> -> memref<80xi32, #tpu.memory_space<hbm>>
    tpu.wait_dma2 semaphore(%arg42 : memref<!tpu.dma_semaphore, #tpu.memory_space<semaphore_mem>>) src(%dma_wait3A_374 : memref<80xi32, #tpu.memory_space<hbm>>) dst(%arg18 : memref<80xi32, #tpu.memory_space<vmem>>)
    %dma_wait3A_375 = arith.constant 0 : i32
    %dma_wait3A_376 = arith.constant 0 : i32
    %dma_wait3A_377 = tpu.memref_slice %arg7[%dma_wait3A_375, %dma_wait3A_376] : memref<320000x16xf32, #tpu.memory_space<hbm>> -> memref<80x16xf32, #tpu.memory_space<hbm>>
    %dma_wait3A_378 = arith.constant 0 : i32
    %dma_wait3A_379 = arith.constant 0 : i32
    %dma_wait3A_380 = tpu.memref_slice %arg7[%dma_wait3A_378, %dma_wait3A_379] : memref<320000x16xf32, #tpu.memory_space<hbm>> -> memref<80x16xf32, #tpu.memory_space<hbm>>
    tpu.wait_dma2 semaphore(%arg42 : memref<!tpu.dma_semaphore, #tpu.memory_space<semaphore_mem>>) src(%dma_wait3A_380 : memref<80x16xf32, #tpu.memory_space<hbm>>) dst(%arg26 : memref<80x16xf32, #tpu.memory_space<vmem>>)
    %get3A_381 = arith.constant 0 : index
    %get3A_382 = tpu.vector_load %arg14[%get3A_381] {strides = array<i32>} : memref<80xi32, #tpu.memory_space<vmem>>, vector<16xi32>,
    %get3A_383 = vector.shape_cast %get3A_382 : vector<16xi32> to vector<16xi32>
    %mul3A_384 = arith.constant 2 : i32
    %mul3A_385 = vector.broadcast %mul3A_384 : i32 to vector<16xi32>
    %mul3A_386 = arith.muli %get3A_383, %mul3A_385 : vector<16xi32>
    %add3A_387 = vector.broadcast %arg0 : i32 to vector<16xi32>
    %add3A_388 = arith.addi %mul3A_386, %add3A_387 : vector<16xi32>
    %swap3A_389 = arith.constant 0 : index
    %swap3A_390 = tpu.vector_load %arg14[%swap3A_389] {strides = array<i32>} : memref<80xi32, #tpu.memory_space<vmem>>, vector<16xi32>,
    %swap3A_391 = vector.shape_cast %swap3A_390 : vector<16xi32> to vector<16xi32>
    %swap3A_392 = vector.shape_cast %add3A_388 : vector<16xi32> to vector<16xi32>
    tpu.vector_store %arg14[%swap3A_389], %swap3A_392 {strides = array<i32>} : memref<80xi32, #tpu.memory_space<vmem>>, vector<16xi32>,
    %get3A_393 = arith.constant 16 : index
    %get3A_394 = tpu.vector_load %arg14[%get3A_393] {strides = array<i32>} : memref<80xi32, #tpu.memory_space<vmem>>, vector<16xi32>,
    %get3A_395 = vector.shape_cast %get3A_394 : vector<16xi32> to vector<16xi32>
    %mul3A_396 = arith.constant 2 : i32
    %mul3A_397 = vector.broadcast %mul3A_396 : i32 to vector<16xi32>
    %mul3A_398 = arith.muli %get3A_395, %mul3A_397 : vector<16xi32>
    %add3A_399 = vector.broadcast %arg0 : i32 to vector<16xi32>
    %add3A_400 = arith.addi %mul3A_398, %add3A_399 : vector<16xi32>
    %swap3A_401 = arith.constant 16 : index
    %swap3A_402 = tpu.vector_load %arg14[%swap3A_401] {strides = array<i32>} : memref<80xi32, #tpu.memory_space<vmem>>, vector<16xi32>,
    %swap3A_403 = vector.shape_cast %swap3A_402 : vector<16xi32> to vector<16xi32>
    %swap3A_404 = vector.shape_cast %add3A_400 : vector<16xi32> to vector<16xi32>
    tpu.vector_store %arg14[%swap3A_401], %swap3A_404 {strides = array<i32>} : memref<80xi32, #tpu.memory_space<vmem>>, vector<16xi32>,
    %get3A_405 = arith.constant 32 : index
    %get3A_406 = tpu.vector_load %arg14[%get3A_405] {strides = array<i32>} : memref<80xi32, #tpu.memory_space<vmem>>, vector<16xi32>,
    %get3A_407 = vector.shape_cast %get3A_406 : vector<16xi32> to vector<16xi32>
    %mul3A_408 = arith.constant 2 : i32
    %mul3A_409 = vector.broadcast %mul3A_408 : i32 to vector<16xi32>
    %mul3A_410 = arith.muli %get3A_407, %mul3A_409 : vector<16xi32>
    %add3A_411 = vector.broadcast %arg0 : i32 to vector<16xi32>
    %add3A_412 = arith.addi %mul3A_410, %add3A_411 : vector<16xi32>
    %swap3A_413 = arith.constant 32 : index
    %swap3A_414 = tpu.vector_load %arg14[%swap3A_413] {strides = array<i32>} : memref<80xi32, #tpu.memory_space<vmem>>, vector<16xi32>,
    %swap3A_415 = vector.shape_cast %swap3A_414 : vector<16xi32> to vector<16xi32>
    %swap3A_416 = vector.shape_cast %add3A_412 : vector<16xi32> to vector<16xi32>
    tpu.vector_store %arg14[%swap3A_413], %swap3A_416 {strides = array<i32>} : memref<80xi32, #tpu.memory_space<vmem>>, vector<16xi32>,
    %get3A_417 = arith.constant 48 : index
    %get3A_418 = tpu.vector_load %arg14[%get3A_417] {strides = array<i32>} : memref<80xi32, #tpu.memory_space<vmem>>, vector<16xi32>,
    %get3A_419 = vector.shape_cast %get3A_418 : vector<16xi32> to vector<16xi32>
    %mul3A_420 = arith.constant 2 : i32
    %mul3A_421 = vector.broadcast %mul3A_420 : i32 to vector<16xi32>
    %mul3A_422 = arith.muli %get3A_419, %mul3A_421 : vector<16xi32>
    %add3A_423 = vector.broadcast %arg0 : i32 to vector<16xi32>
    %add3A_424 = arith.addi %mul3A_422, %add3A_423 : vector<16xi32>
    %swap3A_425 = arith.constant 48 : index
    %swap3A_426 = tpu.vector_load %arg14[%swap3A_425] {strides = array<i32>} : memref<80xi32, #tpu.memory_space<vmem>>, vector<16xi32>,
    %swap3A_427 = vector.shape_cast %swap3A_426 : vector<16xi32> to vector<16xi32>
    %swap3A_428 = vector.shape_cast %add3A_424 : vector<16xi32> to vector<16xi32>
    tpu.vector_store %arg14[%swap3A_425], %swap3A_428 {strides = array<i32>} : memref<80xi32, #tpu.memory_space<vmem>>, vector<16xi32>,
    %get3A_429 = arith.constant 64 : index
    %get3A_430 = tpu.vector_load %arg14[%get3A_429] {strides = array<i32>} : memref<80xi32, #tpu.memory_space<vmem>>, vector<16xi32>,
    %get3A_431 = vector.shape_cast %get3A_430 : vector<16xi32> to vector<16xi32>
    %mul3A_432 = arith.constant 2 : i32
    %mul3A_433 = vector.broadcast %mul3A_432 : i32 to vector<16xi32>
    %mul3A_434 = arith.muli %get3A_431, %mul3A_433 : vector<16xi32>
    %add3A_435 = vector.broadcast %arg0 : i32 to vector<16xi32>
    %add3A_436 = arith.addi %mul3A_434, %add3A_435 : vector<16xi32>
    %swap3A_437 = arith.constant 64 : index
    %swap3A_438 = tpu.vector_load %arg14[%swap3A_437] {strides = array<i32>} : memref<80xi32, #tpu.memory_space<vmem>>, vector<16xi32>,
    %swap3A_439 = vector.shape_cast %swap3A_438 : vector<16xi32> to vector<16xi32>
    %swap3A_440 = vector.shape_cast %add3A_436 : vector<16xi32> to vector<16xi32>
    tpu.vector_store %arg14[%swap3A_437], %swap3A_440 {strides = array<i32>} : memref<80xi32, #tpu.memory_space<vmem>>, vector<16xi32>,
    %dma_start3A_441 = arith.constant 0 : i32
    %dma_start3A_442 = arith.constant 0 : i32
    %dma_start3A_443 = tpu.memref_slice %arg4[%dma_start3A_441, %dma_start3A_442] : memref<20000x64xf32, #tpu.memory_space<hbm>> -> memref<20000x64xf32, #tpu.memory_space<hbm>>
    tpu.enqueue_indirect_dma source(%dma_start3A_443 : memref<20000x64xf32, #tpu.memory_space<hbm>>) target(%arg34 : memref<80x64xf32, #tpu.memory_space<vmem>>) offsets(%arg14 : memref<80xi32, #tpu.memory_space<vmem>>) semaphore(%arg46 : memref<!tpu.dma_semaphore, #tpu.memory_space<semaphore_mem>>)
    %add3A_444 = arith.constant 160 : i32
    %add3A_445 = arith.addi %mul3A_2, %add3A_444 : i32
    %dma_start3A_446 = tpu.memref_slice %arg5[%add3A_445] : memref<320000xi32, #tpu.memory_space<hbm>> -> memref<80xi32, #tpu.memory_space<hbm>>
    %dma_start3A_447 = tpu.memref_slice %arg5[%add3A_445] : memref<320000xi32, #tpu.memory_space<hbm>> -> memref<80xi32, #tpu.memory_space<hbm>>
    tpu.enqueue_dma source(%dma_start3A_447 : memref<80xi32, #tpu.memory_space<hbm>>) target(%arg16 : memref<80xi32, #tpu.memory_space<vmem>>) target_semaphore(%arg44 : memref<!tpu.dma_semaphore, #tpu.memory_space<semaphore_mem>>)
    %dma_start3A_448 = tpu.memref_slice %arg6[%add3A_445] : memref<320000xi32, #tpu.memory_space<hbm>> -> memref<80xi32, #tpu.memory_space<hbm>>
    %dma_start3A_449 = tpu.memref_slice %arg6[%add3A_445] : memref<320000xi32, #tpu.memory_space<hbm>> -> memref<80xi32, #tpu.memory_space<hbm>>
    tpu.enqueue_dma source(%dma_start3A_449 : memref<80xi32, #tpu.memory_space<hbm>>) target(%arg20 : memref<80xi32, #tpu.memory_space<vmem>>) target_semaphore(%arg44 : memref<!tpu.dma_semaphore, #tpu.memory_space<semaphore_mem>>)
    %dma_start3A_450 = arith.constant 0 : i32
    %dma_start3A_451 = tpu.memref_slice %arg7[%add3A_445, %dma_start3A_450] : memref<320000x16xf32, #tpu.memory_space<hbm>> -> memref<80x16xf32, #tpu.memory_space<hbm>>
    %dma_start3A_452 = arith.constant 0 : i32
    %dma_start3A_453 = tpu.memref_slice %arg7[%add3A_445, %dma_start3A_452] : memref<320000x16xf32, #tpu.memory_space<hbm>> -> memref<80x16xf32, #tpu.memory_space<hbm>>
    tpu.enqueue_dma source(%dma_start3A_453 : memref<80x16xf32, #tpu.memory_space<hbm>>) target(%arg28 : memref<80x16xf32, #tpu.memory_space<vmem>>) target_semaphore(%arg44 : memref<!tpu.dma_semaphore, #tpu.memory_space<semaphore_mem>>)
    %dma_wait3A_454 = arith.constant 0 : i32
    %dma_wait3A_455 = tpu.memref_slice %arg5[%dma_wait3A_454] : memref<320000xi32, #tpu.memory_space<hbm>> -> memref<80xi32, #tpu.memory_space<hbm>>
    %dma_wait3A_456 = arith.constant 0 : i32
    %dma_wait3A_457 = tpu.memref_slice %arg5[%dma_wait3A_456] : memref<320000xi32, #tpu.memory_space<hbm>> -> memref<80xi32, #tpu.memory_space<hbm>>
    tpu.wait_dma2 semaphore(%arg43 : memref<!tpu.dma_semaphore, #tpu.memory_space<semaphore_mem>>) src(%dma_wait3A_457 : memref<80xi32, #tpu.memory_space<hbm>>) dst(%arg15 : memref<80xi32, #tpu.memory_space<vmem>>)
    %dma_wait3A_458 = arith.constant 0 : i32
    %dma_wait3A_459 = tpu.memref_slice %arg6[%dma_wait3A_458] : memref<320000xi32, #tpu.memory_space<hbm>> -> memref<80xi32, #tpu.memory_space<hbm>>
    %dma_wait3A_460 = arith.constant 0 : i32
    %dma_wait3A_461 = tpu.memref_slice %arg6[%dma_wait3A_460] : memref<320000xi32, #tpu.memory_space<hbm>> -> memref<80xi32, #tpu.memory_space<hbm>>
    tpu.wait_dma2 semaphore(%arg43 : memref<!tpu.dma_semaphore, #tpu.memory_space<semaphore_mem>>) src(%dma_wait3A_461 : memref<80xi32, #tpu.memory_space<hbm>>) dst(%arg19 : memref<80xi32, #tpu.memory_space<vmem>>)
    %dma_wait3A_462 = arith.constant 0 : i32
    %dma_wait3A_463 = arith.constant 0 : i32
    %dma_wait3A_464 = tpu.memref_slice %arg7[%dma_wait3A_462, %dma_wait3A_463] : memref<320000x16xf32, #tpu.memory_space<hbm>> -> memref<80x16xf32, #tpu.memory_space<hbm>>
    %dma_wait3A_465 = arith.constant 0 : i32
    %dma_wait3A_466 = arith.constant 0 : i32
    %dma_wait3A_467 = tpu.memref_slice %arg7[%dma_wait3A_465, %dma_wait3A_466] : memref<320000x16xf32, #tpu.memory_space<hbm>> -> memref<80x16xf32, #tpu.memory_space<hbm>>
    tpu.wait_dma2 semaphore(%arg43 : memref<!tpu.dma_semaphore, #tpu.memory_space<semaphore_mem>>) src(%dma_wait3A_467 : memref<80x16xf32, #tpu.memory_space<hbm>>) dst(%arg27 : memref<80x16xf32, #tpu.memory_space<vmem>>)
    %get3A_468 = arith.constant 0 : index
    %get3A_469 = tpu.vector_load %arg15[%get3A_468] {strides = array<i32>} : memref<80xi32, #tpu.memory_space<vmem>>, vector<16xi32>,
    %get3A_470 = vector.shape_cast %get3A_469 : vector<16xi32> to vector<16xi32>
    %mul3A_471 = arith.constant 2 : i32
    %mul3A_472 = vector.broadcast %mul3A_471 : i32 to vector<16xi32>
    %mul3A_473 = arith.muli %get3A_470, %mul3A_472 : vector<16xi32>
    %add3A_474 = vector.broadcast %arg0 : i32 to vector<16xi32>
    %add3A_475 = arith.addi %mul3A_473, %add3A_474 : vector<16xi32>
    %swap3A_476 = arith.constant 0 : index
    %swap3A_477 = tpu.vector_load %arg15[%swap3A_476] {strides = array<i32>} : memref<80xi32, #tpu.memory_space<vmem>>, vector<16xi32>,
    %swap3A_478 = vector.shape_cast %swap3A_477 : vector<16xi32> to vector<16xi32>
    %swap3A_479 = vector.shape_cast %add3A_475 : vector<16xi32> to vector<16xi32>
    tpu.vector_store %arg15[%swap3A_476], %swap3A_479 {strides = array<i32>} : memref<80xi32, #tpu.memory_space<vmem>>, vector<16xi32>,
    %get3A_480 = arith.constant 16 : index
    %get3A_481 = tpu.vector_load %arg15[%get3A_480] {strides = array<i32>} : memref<80xi32, #tpu.memory_space<vmem>>, vector<16xi32>,
    %get3A_482 = vector.shape_cast %get3A_481 : vector<16xi32> to vector<16xi32>
    %mul3A_483 = arith.constant 2 : i32
    %mul3A_484 = vector.broadcast %mul3A_483 : i32 to vector<16xi32>
    %mul3A_485 = arith.muli %get3A_482, %mul3A_484 : vector<16xi32>
    %add3A_486 = vector.broadcast %arg0 : i32 to vector<16xi32>
    %add3A_487 = arith.addi %mul3A_485, %add3A_486 : vector<16xi32>
    %swap3A_488 = arith.constant 16 : index
    %swap3A_489 = tpu.vector_load %arg15[%swap3A_488] {strides = array<i32>} : memref<80xi32, #tpu.memory_space<vmem>>, vector<16xi32>,
    %swap3A_490 = vector.shape_cast %swap3A_489 : vector<16xi32> to vector<16xi32>
    %swap3A_491 = vector.shape_cast %add3A_487 : vector<16xi32> to vector<16xi32>
    tpu.vector_store %arg15[%swap3A_488], %swap3A_491 {strides = array<i32>} : memref<80xi32, #tpu.memory_space<vmem>>, vector<16xi32>,
    %get3A_492 = arith.constant 32 : index
    %get3A_493 = tpu.vector_load %arg15[%get3A_492] {strides = array<i32>} : memref<80xi32, #tpu.memory_space<vmem>>, vector<16xi32>,
    %get3A_494 = vector.shape_cast %get3A_493 : vector<16xi32> to vector<16xi32>
    %mul3A_495 = arith.constant 2 : i32
    %mul3A_496 = vector.broadcast %mul3A_495 : i32 to vector<16xi32>
    %mul3A_497 = arith.muli %get3A_494, %mul3A_496 : vector<16xi32>
    %add3A_498 = vector.broadcast %arg0 : i32 to vector<16xi32>
    %add3A_499 = arith.addi %mul3A_497, %add3A_498 : vector<16xi32>
    %swap3A_500 = arith.constant 32 : index
    %swap3A_501 = tpu.vector_load %arg15[%swap3A_500] {strides = array<i32>} : memref<80xi32, #tpu.memory_space<vmem>>, vector<16xi32>,
    %swap3A_502 = vector.shape_cast %swap3A_501 : vector<16xi32> to vector<16xi32>
    %swap3A_503 = vector.shape_cast %add3A_499 : vector<16xi32> to vector<16xi32>
    tpu.vector_store %arg15[%swap3A_500], %swap3A_503 {strides = array<i32>} : memref<80xi32, #tpu.memory_space<vmem>>, vector<16xi32>,
    %get3A_504 = arith.constant 48 : index
    %get3A_505 = tpu.vector_load %arg15[%get3A_504] {strides = array<i32>} : memref<80xi32, #tpu.memory_space<vmem>>, vector<16xi32>,
    %get3A_506 = vector.shape_cast %get3A_505 : vector<16xi32> to vector<16xi32>
    %mul3A_507 = arith.constant 2 : i32
    %mul3A_508 = vector.broadcast %mul3A_507 : i32 to vector<16xi32>
    %mul3A_509 = arith.muli %get3A_506, %mul3A_508 : vector<16xi32>
    %add3A_510 = vector.broadcast %arg0 : i32 to vector<16xi32>
    %add3A_511 = arith.addi %mul3A_509, %add3A_510 : vector<16xi32>
    %swap3A_512 = arith.constant 48 : index
    %swap3A_513 = tpu.vector_load %arg15[%swap3A_512] {strides = array<i32>} : memref<80xi32, #tpu.memory_space<vmem>>, vector<16xi32>,
    %swap3A_514 = vector.shape_cast %swap3A_513 : vector<16xi32> to vector<16xi32>
    %swap3A_515 = vector.shape_cast %add3A_511 : vector<16xi32> to vector<16xi32>
    tpu.vector_store %arg15[%swap3A_512], %swap3A_515 {strides = array<i32>} : memref<80xi32, #tpu.memory_space<vmem>>, vector<16xi32>,
    %get3A_516 = arith.constant 64 : index
    %get3A_517 = tpu.vector_load %arg15[%get3A_516] {strides = array<i32>} : memref<80xi32, #tpu.memory_space<vmem>>, vector<16xi32>,
    %get3A_518 = vector.shape_cast %get3A_517 : vector<16xi32> to vector<16xi32>
    %mul3A_519 = arith.constant 2 : i32
    %mul3A_520 = vector.broadcast %mul3A_519 : i32 to vector<16xi32>
    %mul3A_521 = arith.muli %get3A_518, %mul3A_520 : vector<16xi32>
    %add3A_522 = vector.broadcast %arg0 : i32 to vector<16xi32>
    %add3A_523 = arith.addi %mul3A_521, %add3A_522 : vector<16xi32>
    %swap3A_524 = arith.constant 64 : index
    %swap3A_525 = tpu.vector_load %arg15[%swap3A_524] {strides = array<i32>} : memref<80xi32, #tpu.memory_space<vmem>>, vector<16xi32>,
    %swap3A_526 = vector.shape_cast %swap3A_525 : vector<16xi32> to vector<16xi32>
    %swap3A_527 = vector.shape_cast %add3A_523 : vector<16xi32> to vector<16xi32>
    tpu.vector_store %arg15[%swap3A_524], %swap3A_527 {strides = array<i32>} : memref<80xi32, #tpu.memory_space<vmem>>, vector<16xi32>,
    %dma_start3A_528 = arith.constant 0 : i32
    %dma_start3A_529 = arith.constant 0 : i32
    %dma_start3A_530 = tpu.memref_slice %arg4[%dma_start3A_528, %dma_start3A_529] : memref<20000x64xf32, #tpu.memory_space<hbm>> -> memref<20000x64xf32, #tpu.memory_space<hbm>>
    tpu.enqueue_indirect_dma source(%dma_start3A_530 : memref<20000x64xf32, #tpu.memory_space<hbm>>) target(%arg35 : memref<80x64xf32, #tpu.memory_space<vmem>>) offsets(%arg15 : memref<80xi32, #tpu.memory_space<vmem>>) semaphore(%arg47 : memref<!tpu.dma_semaphore, #tpu.memory_space<semaphore_mem>>)
    %add3A_531 = arith.constant 240 : i32
    %add3A_532 = arith.addi %mul3A_2, %add3A_531 : i32
    %dma_start3A_533 = tpu.memref_slice %arg5[%add3A_532] : memref<320000xi32, #tpu.memory_space<hbm>> -> memref<80xi32, #tpu.memory_space<hbm>>
    %dma_start3A_534 = tpu.memref_slice %arg5[%add3A_532] : memref<320000xi32, #tpu.memory_space<hbm>> -> memref<80xi32, #tpu.memory_space<hbm>>
    tpu.enqueue_dma source(%dma_start3A_534 : memref<80xi32, #tpu.memory_space<hbm>>) target(%arg17 : memref<80xi32, #tpu.memory_space<vmem>>) target_semaphore(%arg45 : memref<!tpu.dma_semaphore, #tpu.memory_space<semaphore_mem>>)
    %dma_start3A_535 = tpu.memref_slice %arg6[%add3A_532] : memref<320000xi32, #tpu.memory_space<hbm>> -> memref<80xi32, #tpu.memory_space<hbm>>
    %dma_start3A_536 = tpu.memref_slice %arg6[%add3A_532] : memref<320000xi32, #tpu.memory_space<hbm>> -> memref<80xi32, #tpu.memory_space<hbm>>
    tpu.enqueue_dma source(%dma_start3A_536 : memref<80xi32, #tpu.memory_space<hbm>>) target(%arg21 : memref<80xi32, #tpu.memory_space<vmem>>) target_semaphore(%arg45 : memref<!tpu.dma_semaphore, #tpu.memory_space<semaphore_mem>>)
    %dma_start3A_537 = arith.constant 0 : i32
    %dma_start3A_538 = tpu.memref_slice %arg7[%add3A_532, %dma_start3A_537] : memref<320000x16xf32, #tpu.memory_space<hbm>> -> memref<80x16xf32, #tpu.memory_space<hbm>>
    %dma_start3A_539 = arith.constant 0 : i32
    %dma_start3A_540 = tpu.memref_slice %arg7[%add3A_532, %dma_start3A_539] : memref<320000x16xf32, #tpu.memory_space<hbm>> -> memref<80x16xf32, #tpu.memory_space<hbm>>
    tpu.enqueue_dma source(%dma_start3A_540 : memref<80x16xf32, #tpu.memory_space<hbm>>) target(%arg29 : memref<80x16xf32, #tpu.memory_space<vmem>>) target_semaphore(%arg45 : memref<!tpu.dma_semaphore, #tpu.memory_space<semaphore_mem>>)
    %scan3A_541 = arith.constant 0 : i32
    %scan3A_542 = arith.constant 0 : i32
    %scan3A_543 = arith.constant 63 : i32
    %scan3A_544 = arith.addi %scan3A_542, %scan3A_543 : i32
    %scan3A_545 = arith.constant 1 : i32
    scf.for %scan3A_561 = %scan3A_542 to %scan3A_544 step %scan3A_545  : i32 {
      %mul3A_562 = arith.constant 4 : i32
      %mul3A_563 = arith.muli %scan3A_561, %mul3A_562 : i32
      %add3A_564 = arith.constant 0 : i32
      %add3A_565 = arith.addi %mul3A_563, %add3A_564 : i32
      %add3A_566 = arith.constant 2 : i32
      %add3A_567 = arith.addi %add3A_565, %add3A_566 : i32
      %lt3A = arith.constant 250 : i32
      %lt3A_568 = arith.cmpi slt, %add3A_567, %lt3A : i32
      %convert_element_type3A_569 = arith.extui %lt3A_568 : i1 to i32
      %cond3A_570 = arith.constant 0 : i32
      %cond3A_571 = arith.cmpi ne, %convert_element_type3A_569, %cond3A_570 : i32
      scf.if %cond3A_571 {
        %dma_wait3A_647 = arith.constant 0 : i32
        %dma_wait3A_648 = tpu.memref_slice %arg5[%dma_wait3A_647] : memref<320000xi32, #tpu.memory_space<hbm>> -> memref<80xi32, #tpu.memory_space<hbm>>
        %dma_wait3A_649 = arith.constant 0 : i32
        %dma_wait3A_650 = tpu.memref_slice %arg5[%dma_wait3A_649] : memref<320000xi32, #tpu.memory_space<hbm>> -> memref<80xi32, #tpu.memory_space<hbm>>
        tpu.wait_dma2 semaphore(%arg44 : memref<!tpu.dma_semaphore, #tpu.memory_space<semaphore_mem>>) src(%dma_wait3A_650 : memref<80xi32, #tpu.memory_space<hbm>>) dst(%arg16 : memref<80xi32, #tpu.memory_space<vmem>>)
        %dma_wait3A_651 = arith.constant 0 : i32
        %dma_wait3A_652 = tpu.memref_slice %arg6[%dma_wait3A_651] : memref<320000xi32, #tpu.memory_space<hbm>> -> memref<80xi32, #tpu.memory_space<hbm>>
        %dma_wait3A_653 = arith.constant 0 : i32
        %dma_wait3A_654 = tpu.memref_slice %arg6[%dma_wait3A_653] : memref<320000xi32, #tpu.memory_space<hbm>> -> memref<80xi32, #tpu.memory_space<hbm>>
        tpu.wait_dma2 semaphore(%arg44 : memref<!tpu.dma_semaphore, #tpu.memory_space<semaphore_mem>>) src(%dma_wait3A_654 : memref<80xi32, #tpu.memory_space<hbm>>) dst(%arg20 : memref<80xi32, #tpu.memory_space<vmem>>)
        %dma_wait3A_655 = arith.constant 0 : i32
        %dma_wait3A_656 = arith.constant 0 : i32
        %dma_wait3A_657 = tpu.memref_slice %arg7[%dma_wait3A_655, %dma_wait3A_656] : memref<320000x16xf32, #tpu.memory_space<hbm>> -> memref<80x16xf32, #tpu.memory_space<hbm>>
        %dma_wait3A_658 = arith.constant 0 : i32
        %dma_wait3A_659 = arith.constant 0 : i32
        %dma_wait3A_660 = tpu.memref_slice %arg7[%dma_wait3A_658, %dma_wait3A_659] : memref<320000x16xf32, #tpu.memory_space<hbm>> -> memref<80x16xf32, #tpu.memory_space<hbm>>
        tpu.wait_dma2 semaphore(%arg44 : memref<!tpu.dma_semaphore, #tpu.memory_space<semaphore_mem>>) src(%dma_wait3A_660 : memref<80x16xf32, #tpu.memory_space<hbm>>) dst(%arg28 : memref<80x16xf32, #tpu.memory_space<vmem>>)
        %get3A_661 = arith.constant 0 : index
        %get3A_662 = tpu.vector_load %arg16[%get3A_661] {strides = array<i32>} : memref<80xi32, #tpu.memory_space<vmem>>, vector<16xi32>,
        %get3A_663 = vector.shape_cast %get3A_662 : vector<16xi32> to vector<16xi32>
        %mul3A_664 = arith.constant 2 : i32
        %mul3A_665 = vector.broadcast %mul3A_664 : i32 to vector<16xi32>
        %mul3A_666 = arith.muli %get3A_663, %mul3A_665 : vector<16xi32>
        %add3A_667 = vector.broadcast %arg0 : i32 to vector<16xi32>
        %add3A_668 = arith.addi %mul3A_666, %add3A_667 : vector<16xi32>
        %swap3A_669 = arith.constant 0 : index
        %swap3A_670 = tpu.vector_load %arg16[%swap3A_669] {strides = array<i32>} : memref<80xi32, #tpu.memory_space<vmem>>, vector<16xi32>,
        %swap3A_671 = vector.shape_cast %swap3A_670 : vector<16xi32> to vector<16xi32>
        %swap3A_672 = vector.shape_cast %add3A_668 : vector<16xi32> to vector<16xi32>
        tpu.vector_store %arg16[%swap3A_669], %swap3A_672 {strides = array<i32>} : memref<80xi32, #tpu.memory_space<vmem>>, vector<16xi32>,
        %get3A_673 = arith.constant 16 : index
        %get3A_674 = tpu.vector_load %arg16[%get3A_673] {strides = array<i32>} : memref<80xi32, #tpu.memory_space<vmem>>, vector<16xi32>,
        %get3A_675 = vector.shape_cast %get3A_674 : vector<16xi32> to vector<16xi32>
        %mul3A_676 = arith.constant 2 : i32
        %mul3A_677 = vector.broadcast %mul3A_676 : i32 to vector<16xi32>
        %mul3A_678 = arith.muli %get3A_675, %mul3A_677 : vector<16xi32>
        %add3A_679 = vector.broadcast %arg0 : i32 to vector<16xi32>
        %add3A_680 = arith.addi %mul3A_678, %add3A_679 : vector<16xi32>
        %swap3A_681 = arith.constant 16 : index
        %swap3A_682 = tpu.vector_load %arg16[%swap3A_681] {strides = array<i32>} : memref<80xi32, #tpu.memory_space<vmem>>, vector<16xi32>,
        %swap3A_683 = vector.shape_cast %swap3A_682 : vector<16xi32> to vector<16xi32>
        %swap3A_684 = vector.shape_cast %add3A_680 : vector<16xi32> to vector<16xi32>
        tpu.vector_store %arg16[%swap3A_681], %swap3A_684 {strides = array<i32>} : memref<80xi32, #tpu.memory_space<vmem>>, vector<16xi32>,
        %get3A_685 = arith.constant 32 : index
        %get3A_686 = tpu.vector_load %arg16[%get3A_685] {strides = array<i32>} : memref<80xi32, #tpu.memory_space<vmem>>, vector<16xi32>,
        %get3A_687 = vector.shape_cast %get3A_686 : vector<16xi32> to vector<16xi32>
        %mul3A_688 = arith.constant 2 : i32
        %mul3A_689 = vector.broadcast %mul3A_688 : i32 to vector<16xi32>
        %mul3A_690 = arith.muli %get3A_687, %mul3A_689 : vector<16xi32>
        %add3A_691 = vector.broadcast %arg0 : i32 to vector<16xi32>
        %add3A_692 = arith.addi %mul3A_690, %add3A_691 : vector<16xi32>
        %swap3A_693 = arith.constant 32 : index
        %swap3A_694 = tpu.vector_load %arg16[%swap3A_693] {strides = array<i32>} : memref<80xi32, #tpu.memory_space<vmem>>, vector<16xi32>,
        %swap3A_695 = vector.shape_cast %swap3A_694 : vector<16xi32> to vector<16xi32>
        %swap3A_696 = vector.shape_cast %add3A_692 : vector<16xi32> to vector<16xi32>
        tpu.vector_store %arg16[%swap3A_693], %swap3A_696 {strides = array<i32>} : memref<80xi32, #tpu.memory_space<vmem>>, vector<16xi32>,
        %get3A_697 = arith.constant 48 : index
        %get3A_698 = tpu.vector_load %arg16[%get3A_697] {strides = array<i32>} : memref<80xi32, #tpu.memory_space<vmem>>, vector<16xi32>,
        %get3A_699 = vector.shape_cast %get3A_698 : vector<16xi32> to vector<16xi32>
        %mul3A_700 = arith.constant 2 : i32
        %mul3A_701 = vector.broadcast %mul3A_700 : i32 to vector<16xi32>
        %mul3A_702 = arith.muli %get3A_699, %mul3A_701 : vector<16xi32>
        %add3A_703 = vector.broadcast %arg0 : i32 to vector<16xi32>
        %add3A_704 = arith.addi %mul3A_702, %add3A_703 : vector<16xi32>
        %swap3A_705 = arith.constant 48 : index
        %swap3A_706 = tpu.vector_load %arg16[%swap3A_705] {strides = array<i32>} : memref<80xi32, #tpu.memory_space<vmem>>, vector<16xi32>,
        %swap3A_707 = vector.shape_cast %swap3A_706 : vector<16xi32> to vector<16xi32>
        %swap3A_708 = vector.shape_cast %add3A_704 : vector<16xi32> to vector<16xi32>
        tpu.vector_store %arg16[%swap3A_705], %swap3A_708 {strides = array<i32>} : memref<80xi32, #tpu.memory_space<vmem>>, vector<16xi32>,
        %get3A_709 = arith.constant 64 : index
        %get3A_710 = tpu.vector_load %arg16[%get3A_709] {strides = array<i32>} : memref<80xi32, #tpu.memory_space<vmem>>, vector<16xi32>,
        %get3A_711 = vector.shape_cast %get3A_710 : vector<16xi32> to vector<16xi32>
        %mul3A_712 = arith.constant 2 : i32
        %mul3A_713 = vector.broadcast %mul3A_712 : i32 to vector<16xi32>
        %mul3A_714 = arith.muli %get3A_711, %mul3A_713 : vector<16xi32>
        %add3A_715 = vector.broadcast %arg0 : i32 to vector<16xi32>
        %add3A_716 = arith.addi %mul3A_714, %add3A_715 : vector<16xi32>
        %swap3A_717 = arith.constant 64 : index
        %swap3A_718 = tpu.vector_load %arg16[%swap3A_717] {strides = array<i32>} : memref<80xi32, #tpu.memory_space<vmem>>, vector<16xi32>,
        %swap3A_719 = vector.shape_cast %swap3A_718 : vector<16xi32> to vector<16xi32>
        %swap3A_720 = vector.shape_cast %add3A_716 : vector<16xi32> to vector<16xi32>
        tpu.vector_store %arg16[%swap3A_717], %swap3A_720 {strides = array<i32>} : memref<80xi32, #tpu.memory_space<vmem>>, vector<16xi32>,
        %dma_start3A_721 = arith.constant 0 : i32
        %dma_start3A_722 = arith.constant 0 : i32
        %dma_start3A_723 = tpu.memref_slice %arg4[%dma_start3A_721, %dma_start3A_722] : memref<20000x64xf32, #tpu.memory_space<hbm>> -> memref<20000x64xf32, #tpu.memory_space<hbm>>
        tpu.enqueue_indirect_dma source(%dma_start3A_723 : memref<20000x64xf32, #tpu.memory_space<hbm>>) target(%arg36 : memref<80x64xf32, #tpu.memory_space<vmem>>) offsets(%arg16 : memref<80xi32, #tpu.memory_space<vmem>>) semaphore(%arg48 : memref<!tpu.dma_semaphore, #tpu.memory_space<semaphore_mem>>)
      } else {
      }
      %lt3A_572 = arith.constant 250 : i32
      %lt3A_573 = arith.cmpi slt, %add3A_565, %lt3A_572 : i32
      %convert_element_type3A_574 = arith.extui %lt3A_573 : i1 to i32
      %cond3A_575 = arith.constant 0 : i32
      %cond3A_576 = arith.cmpi ne, %convert_element_type3A_574, %cond3A_575 : i32
      scf.if %cond3A_576 {
        %dma_wait3A_647 = arith.constant 0 : i32
        %dma_wait3A_648 = arith.constant 0 : i32
        %dma_wait3A_649 = tpu.memref_slice %arg4[%dma_wait3A_647, %dma_wait3A_648] : memref<20000x64xf32, #tpu.memory_space<hbm>> -> memref<80x64xf32, #tpu.memory_space<hbm>>
        %dma_wait3A_650 = arith.constant 0 : i32
        %dma_wait3A_651 = arith.constant 0 : i32
        %dma_wait3A_652 = tpu.memref_slice %arg4[%dma_wait3A_650, %dma_wait3A_651] : memref<20000x64xf32, #tpu.memory_space<hbm>> -> memref<80x64xf32, #tpu.memory_space<hbm>>
        tpu.wait_dma2 semaphore(%arg46 : memref<!tpu.dma_semaphore, #tpu.memory_space<semaphore_mem>>) src(%dma_wait3A_652 : memref<80x64xf32, #tpu.memory_space<hbm>>) dst(%arg34 : memref<80x64xf32, #tpu.memory_space<vmem>>)
        "tpu.region"() ({
          %run_scoped3A = tpu.sem_alloc : memref<!tpu.dma_semaphore, #tpu.memory_space<semaphore_mem>>
          %dma_start3A_653 = arith.constant 0 : i32
          %dma_start3A_654 = arith.constant 0 : i32
          %dma_start3A_655 = tpu.memref_slice %arg40[%dma_start3A_653, %dma_start3A_654] : memref<10000x64xf32, #tpu.memory_space<vmem_shared>> -> memref<10000x64xf32, #tpu.memory_space<vmem_shared>>
          tpu.enqueue_indirect_dma source(%arg34 : memref<80x64xf32, #tpu.memory_space<vmem>>) target(%dma_start3A_655 : memref<10000x64xf32, #tpu.memory_space<vmem_shared>>) offsets(%arg18 : memref<80xi32, #tpu.memory_space<vmem>>) semaphore(%run_scoped3A : memref<!tpu.dma_semaphore, #tpu.memory_space<semaphore_mem>>) {add = true}
          %dma_wait3A_656 = arith.constant 0 : i32
          %dma_wait3A_657 = arith.constant 0 : i32
          %dma_wait3A_658 = tpu.memref_slice %arg40[%dma_wait3A_656, %dma_wait3A_657] : memref<10000x64xf32, #tpu.memory_space<vmem_shared>> -> memref<10000x64xf32, #tpu.memory_space<vmem_shared>>
          tpu.wait_indirect_dma semaphore(%run_scoped3A : memref<!tpu.dma_semaphore, #tpu.memory_space<semaphore_mem>>) src(%arg34 : memref<80x64xf32, #tpu.memory_space<vmem>>) dst(%dma_wait3A_658 : memref<10000x64xf32, #tpu.memory_space<vmem_shared>>)
          tpu.yield
        }) : () -> ()
        "tpu.region"() ({
          %run_scoped3A = tpu.sem_alloc : memref<!tpu.dma_semaphore, #tpu.memory_space<semaphore_mem>>
          %dma_start3A_653 = arith.constant 0 : i32
          %dma_start3A_654 = arith.constant 0 : i32
          %dma_start3A_655 = tpu.memref_slice %arg41[%dma_start3A_653, %dma_start3A_654] : memref<10000x16xf32, #tpu.memory_space<vmem_shared>> -> memref<10000x16xf32, #tpu.memory_space<vmem_shared>>
          tpu.enqueue_indirect_dma source(%arg26 : memref<80x16xf32, #tpu.memory_space<vmem>>) target(%dma_start3A_655 : memref<10000x16xf32, #tpu.memory_space<vmem_shared>>) offsets(%arg18 : memref<80xi32, #tpu.memory_space<vmem>>) semaphore(%run_scoped3A : memref<!tpu.dma_semaphore, #tpu.memory_space<semaphore_mem>>) {add = true}
          %dma_wait3A_656 = arith.constant 0 : i32
          %dma_wait3A_657 = arith.constant 0 : i32
          %dma_wait3A_658 = tpu.memref_slice %arg41[%dma_wait3A_656, %dma_wait3A_657] : memref<10000x16xf32, #tpu.memory_space<vmem_shared>> -> memref<10000x16xf32, #tpu.memory_space<vmem_shared>>
          tpu.wait_indirect_dma semaphore(%run_scoped3A : memref<!tpu.dma_semaphore, #tpu.memory_space<semaphore_mem>>) src(%arg26 : memref<80x16xf32, #tpu.memory_space<vmem>>) dst(%dma_wait3A_658 : memref<10000x16xf32, #tpu.memory_space<vmem_shared>>)
          tpu.yield
        }) : () -> ()
      } else {
      }
      %add3A_577 = arith.constant 4 : i32
      %add3A_578 = arith.addi %add3A_565, %add3A_577 : i32
      %lt3A_579 = arith.constant 250 : i32
      %lt3A_580 = arith.cmpi slt, %add3A_578, %lt3A_579 : i32
      %convert_element_type3A_581 = arith.extui %lt3A_580 : i1 to i32
      %cond3A_582 = arith.constant 0 : i32
      %cond3A_583 = arith.cmpi ne, %convert_element_type3A_581, %cond3A_582 : i32
      scf.if %cond3A_583 {
        %add3A_647 = arith.constant 4 : i32
        %add3A_648 = arith.addi %add3A_565, %add3A_647 : i32
        %mul3A_649 = arith.constant 80 : i32
        %mul3A_650 = arith.muli %add3A_648, %mul3A_649 : i32
        %add3A_651 = arith.addi %mul3A_2, %mul3A_650 : i32
        %dma_start3A_652 = tpu.memref_slice %arg5[%add3A_651] : memref<320000xi32, #tpu.memory_space<hbm>> -> memref<80xi32, #tpu.memory_space<hbm>>
        %dma_start3A_653 = tpu.memref_slice %arg5[%add3A_651] : memref<320000xi32, #tpu.memory_space<hbm>> -> memref<80xi32, #tpu.memory_space<hbm>>
        tpu.enqueue_dma source(%dma_start3A_653 : memref<80xi32, #tpu.memory_space<hbm>>) target(%arg14 : memref<80xi32, #tpu.memory_space<vmem>>) target_semaphore(%arg42 : memref<!tpu.dma_semaphore, #tpu.memory_space<semaphore_mem>>)
        %dma_start3A_654 = tpu.memref_slice %arg6[%add3A_651] : memref<320000xi32, #tpu.memory_space<hbm>> -> memref<80xi32, #tpu.memory_space<hbm>>
        %dma_start3A_655 = tpu.memref_slice %arg6[%add3A_651] : memref<320000xi32, #tpu.memory_space<hbm>> -> memref<80xi32, #tpu.memory_space<hbm>>
        tpu.enqueue_dma source(%dma_start3A_655 : memref<80xi32, #tpu.memory_space<hbm>>) target(%arg18 : memref<80xi32, #tpu.memory_space<vmem>>) target_semaphore(%arg42 : memref<!tpu.dma_semaphore, #tpu.memory_space<semaphore_mem>>)
        %dma_start3A_656 = arith.constant 0 : i32
        %dma_start3A_657 = tpu.memref_slice %arg7[%add3A_651, %dma_start3A_656] : memref<320000x16xf32, #tpu.memory_space<hbm>> -> memref<80x16xf32, #tpu.memory_space<hbm>>
        %dma_start3A_658 = arith.constant 0 : i32
        %dma_start3A_659 = tpu.memref_slice %arg7[%add3A_651, %dma_start3A_658] : memref<320000x16xf32, #tpu.memory_space<hbm>> -> memref<80x16xf32, #tpu.memory_space<hbm>>
        tpu.enqueue_dma source(%dma_start3A_659 : memref<80x16xf32, #tpu.memory_space<hbm>>) target(%arg26 : memref<80x16xf32, #tpu.memory_space<vmem>>) target_semaphore(%arg42 : memref<!tpu.dma_semaphore, #tpu.memory_space<semaphore_mem>>)
      } else {
      }
      %add3A_584 = arith.constant 1 : i32
      %add3A_585 = arith.addi %mul3A_563, %add3A_584 : i32
      %add3A_586 = arith.constant 2 : i32
      %add3A_587 = arith.addi %add3A_585, %add3A_586 : i32
      %lt3A_588 = arith.constant 250 : i32
      %lt3A_589 = arith.cmpi slt, %add3A_587, %lt3A_588 : i32
      %convert_element_type3A_590 = arith.extui %lt3A_589 : i1 to i32
      %cond3A_591 = arith.constant 0 : i32
      %cond3A_592 = arith.cmpi ne, %convert_element_type3A_590, %cond3A_591 : i32
      scf.if %cond3A_592 {
        %dma_wait3A_647 = arith.constant 0 : i32
        %dma_wait3A_648 = tpu.memref_slice %arg5[%dma_wait3A_647] : memref<320000xi32, #tpu.memory_space<hbm>> -> memref<80xi32, #tpu.memory_space<hbm>>
        %dma_wait3A_649 = arith.constant 0 : i32
        %dma_wait3A_650 = tpu.memref_slice %arg5[%dma_wait3A_649] : memref<320000xi32, #tpu.memory_space<hbm>> -> memref<80xi32, #tpu.memory_space<hbm>>
        tpu.wait_dma2 semaphore(%arg45 : memref<!tpu.dma_semaphore, #tpu.memory_space<semaphore_mem>>) src(%dma_wait3A_650 : memref<80xi32, #tpu.memory_space<hbm>>) dst(%arg17 : memref<80xi32, #tpu.memory_space<vmem>>)
        %dma_wait3A_651 = arith.constant 0 : i32
        %dma_wait3A_652 = tpu.memref_slice %arg6[%dma_wait3A_651] : memref<320000xi32, #tpu.memory_space<hbm>> -> memref<80xi32, #tpu.memory_space<hbm>>
        %dma_wait3A_653 = arith.constant 0 : i32
        %dma_wait3A_654 = tpu.memref_slice %arg6[%dma_wait3A_653] : memref<320000xi32, #tpu.memory_space<hbm>> -> memref<80xi32, #tpu.memory_space<hbm>>
        tpu.wait_dma2 semaphore(%arg45 : memref<!tpu.dma_semaphore, #tpu.memory_space<semaphore_mem>>) src(%dma_wait3A_654 : memref<80xi32, #tpu.memory_space<hbm>>) dst(%arg21 : memref<80xi32, #tpu.memory_space<vmem>>)
        %dma_wait3A_655 = arith.constant 0 : i32
        %dma_wait3A_656 = arith.constant 0 : i32
        %dma_wait3A_657 = tpu.memref_slice %arg7[%dma_wait3A_655, %dma_wait3A_656] : memref<320000x16xf32, #tpu.memory_space<hbm>> -> memref<80x16xf32, #tpu.memory_space<hbm>>
        %dma_wait3A_658 = arith.constant 0 : i32
        %dma_wait3A_659 = arith.constant 0 : i32
        %dma_wait3A_660 = tpu.memref_slice %arg7[%dma_wait3A_658, %dma_wait3A_659] : memref<320000x16xf32, #tpu.memory_space<hbm>> -> memref<80x16xf32, #tpu.memory_space<hbm>>
        tpu.wait_dma2 semaphore(%arg45 : memref<!tpu.dma_semaphore, #tpu.memory_space<semaphore_mem>>) src(%dma_wait3A_660 : memref<80x16xf32, #tpu.memory_space<hbm>>) dst(%arg29 : memref<80x16xf32, #tpu.memory_space<vmem>>)
        %get3A_661 = arith.constant 0 : index
        %get3A_662 = tpu.vector_load %arg17[%get3A_661] {strides = array<i32>} : memref<80xi32, #tpu.memory_space<vmem>>, vector<16xi32>,
        %get3A_663 = vector.shape_cast %get3A_662 : vector<16xi32> to vector<16xi32>
        %mul3A_664 = arith.constant 2 : i32
        %mul3A_665 = vector.broadcast %mul3A_664 : i32 to vector<16xi32>
        %mul3A_666 = arith.muli %get3A_663, %mul3A_665 : vector<16xi32>
        %add3A_667 = vector.broadcast %arg0 : i32 to vector<16xi32>
        %add3A_668 = arith.addi %mul3A_666, %add3A_667 : vector<16xi32>
        %swap3A_669 = arith.constant 0 : index
        %swap3A_670 = tpu.vector_load %arg17[%swap3A_669] {strides = array<i32>} : memref<80xi32, #tpu.memory_space<vmem>>, vector<16xi32>,
        %swap3A_671 = vector.shape_cast %swap3A_670 : vector<16xi32> to vector<16xi32>
        %swap3A_672 = vector.shape_cast %add3A_668 : vector<16xi32> to vector<16xi32>
        tpu.vector_store %arg17[%swap3A_669], %swap3A_672 {strides = array<i32>} : memref<80xi32, #tpu.memory_space<vmem>>, vector<16xi32>,
        %get3A_673 = arith.constant 16 : index
        %get3A_674 = tpu.vector_load %arg17[%get3A_673] {strides = array<i32>} : memref<80xi32, #tpu.memory_space<vmem>>, vector<16xi32>,
        %get3A_675 = vector.shape_cast %get3A_674 : vector<16xi32> to vector<16xi32>
        %mul3A_676 = arith.constant 2 : i32
        %mul3A_677 = vector.broadcast %mul3A_676 : i32 to vector<16xi32>
        %mul3A_678 = arith.muli %get3A_675, %mul3A_677 : vector<16xi32>
        %add3A_679 = vector.broadcast %arg0 : i32 to vector<16xi32>
        %add3A_680 = arith.addi %mul3A_678, %add3A_679 : vector<16xi32>
        %swap3A_681 = arith.constant 16 : index
        %swap3A_682 = tpu.vector_load %arg17[%swap3A_681] {strides = array<i32>} : memref<80xi32, #tpu.memory_space<vmem>>, vector<16xi32>,
        %swap3A_683 = vector.shape_cast %swap3A_682 : vector<16xi32> to vector<16xi32>
        %swap3A_684 = vector.shape_cast %add3A_680 : vector<16xi32> to vector<16xi32>
        tpu.vector_store %arg17[%swap3A_681], %swap3A_684 {strides = array<i32>} : memref<80xi32, #tpu.memory_space<vmem>>, vector<16xi32>,
        %get3A_685 = arith.constant 32 : index
        %get3A_686 = tpu.vector_load %arg17[%get3A_685] {strides = array<i32>} : memref<80xi32, #tpu.memory_space<vmem>>, vector<16xi32>,
        %get3A_687 = vector.shape_cast %get3A_686 : vector<16xi32> to vector<16xi32>
        %mul3A_688 = arith.constant 2 : i32
        %mul3A_689 = vector.broadcast %mul3A_688 : i32 to vector<16xi32>
        %mul3A_690 = arith.muli %get3A_687, %mul3A_689 : vector<16xi32>
        %add3A_691 = vector.broadcast %arg0 : i32 to vector<16xi32>
        %add3A_692 = arith.addi %mul3A_690, %add3A_691 : vector<16xi32>
        %swap3A_693 = arith.constant 32 : index
        %swap3A_694 = tpu.vector_load %arg17[%swap3A_693] {strides = array<i32>} : memref<80xi32, #tpu.memory_space<vmem>>, vector<16xi32>,
        %swap3A_695 = vector.shape_cast %swap3A_694 : vector<16xi32> to vector<16xi32>
        %swap3A_696 = vector.shape_cast %add3A_692 : vector<16xi32> to vector<16xi32>
        tpu.vector_store %arg17[%swap3A_693], %swap3A_696 {strides = array<i32>} : memref<80xi32, #tpu.memory_space<vmem>>, vector<16xi32>,
        %get3A_697 = arith.constant 48 : index
        %get3A_698 = tpu.vector_load %arg17[%get3A_697] {strides = array<i32>} : memref<80xi32, #tpu.memory_space<vmem>>, vector<16xi32>,
        %get3A_699 = vector.shape_cast %get3A_698 : vector<16xi32> to vector<16xi32>
        %mul3A_700 = arith.constant 2 : i32
        %mul3A_701 = vector.broadcast %mul3A_700 : i32 to vector<16xi32>
        %mul3A_702 = arith.muli %get3A_699, %mul3A_701 : vector<16xi32>
        %add3A_703 = vector.broadcast %arg0 : i32 to vector<16xi32>
        %add3A_704 = arith.addi %mul3A_702, %add3A_703 : vector<16xi32>
        %swap3A_705 = arith.constant 48 : index
        %swap3A_706 = tpu.vector_load %arg17[%swap3A_705] {strides = array<i32>} : memref<80xi32, #tpu.memory_space<vmem>>, vector<16xi32>,
        %swap3A_707 = vector.shape_cast %swap3A_706 : vector<16xi32> to vector<16xi32>
        %swap3A_708 = vector.shape_cast %add3A_704 : vector<16xi32> to vector<16xi32>
        tpu.vector_store %arg17[%swap3A_705], %swap3A_708 {strides = array<i32>} : memref<80xi32, #tpu.memory_space<vmem>>, vector<16xi32>,
        %get3A_709 = arith.constant 64 : index
        %get3A_710 = tpu.vector_load %arg17[%get3A_709] {strides = array<i32>} : memref<80xi32, #tpu.memory_space<vmem>>, vector<16xi32>,
        %get3A_711 = vector.shape_cast %get3A_710 : vector<16xi32> to vector<16xi32>
        %mul3A_712 = arith.constant 2 : i32
        %mul3A_713 = vector.broadcast %mul3A_712 : i32 to vector<16xi32>
        %mul3A_714 = arith.muli %get3A_711, %mul3A_713 : vector<16xi32>
        %add3A_715 = vector.broadcast %arg0 : i32 to vector<16xi32>
        %add3A_716 = arith.addi %mul3A_714, %add3A_715 : vector<16xi32>
        %swap3A_717 = arith.constant 64 : index
        %swap3A_718 = tpu.vector_load %arg17[%swap3A_717] {strides = array<i32>} : memref<80xi32, #tpu.memory_space<vmem>>, vector<16xi32>,
        %swap3A_719 = vector.shape_cast %swap3A_718 : vector<16xi32> to vector<16xi32>
        %swap3A_720 = vector.shape_cast %add3A_716 : vector<16xi32> to vector<16xi32>
        tpu.vector_store %arg17[%swap3A_717], %swap3A_720 {strides = array<i32>} : memref<80xi32, #tpu.memory_space<vmem>>, vector<16xi32>,
        %dma_start3A_721 = arith.constant 0 : i32
        %dma_start3A_722 = arith.constant 0 : i32
        %dma_start3A_723 = tpu.memref_slice %arg4[%dma_start3A_721, %dma_start3A_722] : memref<20000x64xf32, #tpu.memory_space<hbm>> -> memref<20000x64xf32, #tpu.memory_space<hbm>>
        tpu.enqueue_indirect_dma source(%dma_start3A_723 : memref<20000x64xf32, #tpu.memory_space<hbm>>) target(%arg37 : memref<80x64xf32, #tpu.memory_space<vmem>>) offsets(%arg17 : memref<80xi32, #tpu.memory_space<vmem>>) semaphore(%arg49 : memref<!tpu.dma_semaphore, #tpu.memory_space<semaphore_mem>>)
      } else {
      }
      %lt3A_593 = arith.constant 250 : i32
      %lt3A_594 = arith.cmpi slt, %add3A_585, %lt3A_593 : i32
      %convert_element_type3A_595 = arith.extui %lt3A_594 : i1 to i32
      %cond3A_596 = arith.constant 0 : i32
      %cond3A_597 = arith.cmpi ne, %convert_element_type3A_595, %cond3A_596 : i32
      scf.if %cond3A_597 {
        %dma_wait3A_647 = arith.constant 0 : i32
        %dma_wait3A_648 = arith.constant 0 : i32
        %dma_wait3A_649 = tpu.memref_slice %arg4[%dma_wait3A_647, %dma_wait3A_648] : memref<20000x64xf32, #tpu.memory_space<hbm>> -> memref<80x64xf32, #tpu.memory_space<hbm>>
        %dma_wait3A_650 = arith.constant 0 : i32
        %dma_wait3A_651 = arith.constant 0 : i32
        %dma_wait3A_652 = tpu.memref_slice %arg4[%dma_wait3A_650, %dma_wait3A_651] : memref<20000x64xf32, #tpu.memory_space<hbm>> -> memref<80x64xf32, #tpu.memory_space<hbm>>
        tpu.wait_dma2 semaphore(%arg47 : memref<!tpu.dma_semaphore, #tpu.memory_space<semaphore_mem>>) src(%dma_wait3A_652 : memref<80x64xf32, #tpu.memory_space<hbm>>) dst(%arg35 : memref<80x64xf32, #tpu.memory_space<vmem>>)
        "tpu.region"() ({
          %run_scoped3A = tpu.sem_alloc : memref<!tpu.dma_semaphore, #tpu.memory_space<semaphore_mem>>
          %dma_start3A_653 = arith.constant 0 : i32
          %dma_start3A_654 = arith.constant 0 : i32
          %dma_start3A_655 = tpu.memref_slice %arg40[%dma_start3A_653, %dma_start3A_654] : memref<10000x64xf32, #tpu.memory_space<vmem_shared>> -> memref<10000x64xf32, #tpu.memory_space<vmem_shared>>
          tpu.enqueue_indirect_dma source(%arg35 : memref<80x64xf32, #tpu.memory_space<vmem>>) target(%dma_start3A_655 : memref<10000x64xf32, #tpu.memory_space<vmem_shared>>) offsets(%arg19 : memref<80xi32, #tpu.memory_space<vmem>>) semaphore(%run_scoped3A : memref<!tpu.dma_semaphore, #tpu.memory_space<semaphore_mem>>) {add = true}
          %dma_wait3A_656 = arith.constant 0 : i32
          %dma_wait3A_657 = arith.constant 0 : i32
          %dma_wait3A_658 = tpu.memref_slice %arg40[%dma_wait3A_656, %dma_wait3A_657] : memref<10000x64xf32, #tpu.memory_space<vmem_shared>> -> memref<10000x64xf32, #tpu.memory_space<vmem_shared>>
          tpu.wait_indirect_dma semaphore(%run_scoped3A : memref<!tpu.dma_semaphore, #tpu.memory_space<semaphore_mem>>) src(%arg35 : memref<80x64xf32, #tpu.memory_space<vmem>>) dst(%dma_wait3A_658 : memref<10000x64xf32, #tpu.memory_space<vmem_shared>>)
          tpu.yield
        }) : () -> ()
        "tpu.region"() ({
          %run_scoped3A = tpu.sem_alloc : memref<!tpu.dma_semaphore, #tpu.memory_space<semaphore_mem>>
          %dma_start3A_653 = arith.constant 0 : i32
          %dma_start3A_654 = arith.constant 0 : i32
          %dma_start3A_655 = tpu.memref_slice %arg41[%dma_start3A_653, %dma_start3A_654] : memref<10000x16xf32, #tpu.memory_space<vmem_shared>> -> memref<10000x16xf32, #tpu.memory_space<vmem_shared>>
          tpu.enqueue_indirect_dma source(%arg27 : memref<80x16xf32, #tpu.memory_space<vmem>>) target(%dma_start3A_655 : memref<10000x16xf32, #tpu.memory_space<vmem_shared>>) offsets(%arg19 : memref<80xi32, #tpu.memory_space<vmem>>) semaphore(%run_scoped3A : memref<!tpu.dma_semaphore, #tpu.memory_space<semaphore_mem>>) {add = true}
          %dma_wait3A_656 = arith.constant 0 : i32
          %dma_wait3A_657 = arith.constant 0 : i32
          %dma_wait3A_658 = tpu.memref_slice %arg41[%dma_wait3A_656, %dma_wait3A_657] : memref<10000x16xf32, #tpu.memory_space<vmem_shared>> -> memref<10000x16xf32, #tpu.memory_space<vmem_shared>>
          tpu.wait_indirect_dma semaphore(%run_scoped3A : memref<!tpu.dma_semaphore, #tpu.memory_space<semaphore_mem>>) src(%arg27 : memref<80x16xf32, #tpu.memory_space<vmem>>) dst(%dma_wait3A_658 : memref<10000x16xf32, #tpu.memory_space<vmem_shared>>)
          tpu.yield
        }) : () -> ()
      } else {
      }
      %add3A_598 = arith.constant 4 : i32
      %add3A_599 = arith.addi %add3A_585, %add3A_598 : i32
      %lt3A_600 = arith.constant 250 : i32
      %lt3A_601 = arith.cmpi slt, %add3A_599, %lt3A_600 : i32
      %convert_element_type3A_602 = arith.extui %lt3A_601 : i1 to i32
      %cond3A_603 = arith.constant 0 : i32
      %cond3A_604 = arith.cmpi ne, %convert_element_type3A_602, %cond3A_603 : i32
      scf.if %cond3A_604 {
        %add3A_647 = arith.constant 4 : i32
        %add3A_648 = arith.addi %add3A_585, %add3A_647 : i32
        %mul3A_649 = arith.constant 80 : i32
        %mul3A_650 = arith.muli %add3A_648, %mul3A_649 : i32
        %add3A_651 = arith.addi %mul3A_2, %mul3A_650 : i32
        %dma_start3A_652 = tpu.memref_slice %arg5[%add3A_651] : memref<320000xi32, #tpu.memory_space<hbm>> -> memref<80xi32, #tpu.memory_space<hbm>>
        %dma_start3A_653 = tpu.memref_slice %arg5[%add3A_651] : memref<320000xi32, #tpu.memory_space<hbm>> -> memref<80xi32, #tpu.memory_space<hbm>>
        tpu.enqueue_dma source(%dma_start3A_653 : memref<80xi32, #tpu.memory_space<hbm>>) target(%arg15 : memref<80xi32, #tpu.memory_space<vmem>>) target_semaphore(%arg43 : memref<!tpu.dma_semaphore, #tpu.memory_space<semaphore_mem>>)
        %dma_start3A_654 = tpu.memref_slice %arg6[%add3A_651] : memref<320000xi32, #tpu.memory_space<hbm>> -> memref<80xi32, #tpu.memory_space<hbm>>
        %dma_start3A_655 = tpu.memref_slice %arg6[%add3A_651] : memref<320000xi32, #tpu.memory_space<hbm>> -> memref<80xi32, #tpu.memory_space<hbm>>
        tpu.enqueue_dma source(%dma_start3A_655 : memref<80xi32, #tpu.memory_space<hbm>>) target(%arg19 : memref<80xi32, #tpu.memory_space<vmem>>) target_semaphore(%arg43 : memref<!tpu.dma_semaphore, #tpu.memory_space<semaphore_mem>>)
        %dma_start3A_656 = arith.constant 0 : i32
        %dma_start3A_657 = tpu.memref_slice %arg7[%add3A_651, %dma_start3A_656] : memref<320000x16xf32, #tpu.memory_space<hbm>> -> memref<80x16xf32, #tpu.memory_space<hbm>>
        %dma_start3A_658 = arith.constant 0 : i32
        %dma_start3A_659 = tpu.memref_slice %arg7[%add3A_651, %dma_start3A_658] : memref<320000x16xf32, #tpu.memory_space<hbm>> -> memref<80x16xf32, #tpu.memory_space<hbm>>
        tpu.enqueue_dma source(%dma_start3A_659 : memref<80x16xf32, #tpu.memory_space<hbm>>) target(%arg27 : memref<80x16xf32, #tpu.memory_space<vmem>>) target_semaphore(%arg43 : memref<!tpu.dma_semaphore, #tpu.memory_space<semaphore_mem>>)
      } else {
      }
      %add3A_605 = arith.constant 2 : i32
      %add3A_606 = arith.addi %mul3A_563, %add3A_605 : i32
      %add3A_607 = arith.constant 2 : i32
      %add3A_608 = arith.addi %add3A_606, %add3A_607 : i32
      %lt3A_609 = arith.constant 250 : i32
      %lt3A_610 = arith.cmpi slt, %add3A_608, %lt3A_609 : i32
      %convert_element_type3A_611 = arith.extui %lt3A_610 : i1 to i32
      %cond3A_612 = arith.constant 0 : i32
      %cond3A_613 = arith.cmpi ne, %convert_element_type3A_611, %cond3A_612 : i32
      scf.if %cond3A_613 {
        %dma_wait3A_647 = arith.constant 0 : i32
        %dma_wait3A_648 = tpu.memref_slice %arg5[%dma_wait3A_647] : memref<320000xi32, #tpu.memory_space<hbm>> -> memref<80xi32, #tpu.memory_space<hbm>>
        %dma_wait3A_649 = arith.constant 0 : i32
        %dma_wait3A_650 = tpu.memref_slice %arg5[%dma_wait3A_649] : memref<320000xi32, #tpu.memory_space<hbm>> -> memref<80xi32, #tpu.memory_space<hbm>>
        tpu.wait_dma2 semaphore(%arg42 : memref<!tpu.dma_semaphore, #tpu.memory_space<semaphore_mem>>) src(%dma_wait3A_650 : memref<80xi32, #tpu.memory_space<hbm>>) dst(%arg14 : memref<80xi32, #tpu.memory_space<vmem>>)
        %dma_wait3A_651 = arith.constant 0 : i32
        %dma_wait3A_652 = tpu.memref_slice %arg6[%dma_wait3A_651] : memref<320000xi32, #tpu.memory_space<hbm>> -> memref<80xi32, #tpu.memory_space<hbm>>
        %dma_wait3A_653 = arith.constant 0 : i32
        %dma_wait3A_654 = tpu.memref_slice %arg6[%dma_wait3A_653] : memref<320000xi32, #tpu.memory_space<hbm>> -> memref<80xi32, #tpu.memory_space<hbm>>
        tpu.wait_dma2 semaphore(%arg42 : memref<!tpu.dma_semaphore, #tpu.memory_space<semaphore_mem>>) src(%dma_wait3A_654 : memref<80xi32, #tpu.memory_space<hbm>>) dst(%arg18 : memref<80xi32, #tpu.memory_space<vmem>>)
        %dma_wait3A_655 = arith.constant 0 : i32
        %dma_wait3A_656 = arith.constant 0 : i32
        %dma_wait3A_657 = tpu.memref_slice %arg7[%dma_wait3A_655, %dma_wait3A_656] : memref<320000x16xf32, #tpu.memory_space<hbm>> -> memref<80x16xf32, #tpu.memory_space<hbm>>
        %dma_wait3A_658 = arith.constant 0 : i32
        %dma_wait3A_659 = arith.constant 0 : i32
        %dma_wait3A_660 = tpu.memref_slice %arg7[%dma_wait3A_658, %dma_wait3A_659] : memref<320000x16xf32, #tpu.memory_space<hbm>> -> memref<80x16xf32, #tpu.memory_space<hbm>>
        tpu.wait_dma2 semaphore(%arg42 : memref<!tpu.dma_semaphore, #tpu.memory_space<semaphore_mem>>) src(%dma_wait3A_660 : memref<80x16xf32, #tpu.memory_space<hbm>>) dst(%arg26 : memref<80x16xf32, #tpu.memory_space<vmem>>)
        %get3A_661 = arith.constant 0 : index
        %get3A_662 = tpu.vector_load %arg14[%get3A_661] {strides = array<i32>} : memref<80xi32, #tpu.memory_space<vmem>>, vector<16xi32>,
        %get3A_663 = vector.shape_cast %get3A_662 : vector<16xi32> to vector<16xi32>
        %mul3A_664 = arith.constant 2 : i32
        %mul3A_665 = vector.broadcast %mul3A_664 : i32 to vector<16xi32>
        %mul3A_666 = arith.muli %get3A_663, %mul3A_665 : vector<16xi32>
        %add3A_667 = vector.broadcast %arg0 : i32 to vector<16xi32>
        %add3A_668 = arith.addi %mul3A_666, %add3A_667 : vector<16xi32>
        %swap3A_669 = arith.constant 0 : index
        %swap3A_670 = tpu.vector_load %arg14[%swap3A_669] {strides = array<i32>} : memref<80xi32, #tpu.memory_space<vmem>>, vector<16xi32>,
        %swap3A_671 = vector.shape_cast %swap3A_670 : vector<16xi32> to vector<16xi32>
        %swap3A_672 = vector.shape_cast %add3A_668 : vector<16xi32> to vector<16xi32>
        tpu.vector_store %arg14[%swap3A_669], %swap3A_672 {strides = array<i32>} : memref<80xi32, #tpu.memory_space<vmem>>, vector<16xi32>,
        %get3A_673 = arith.constant 16 : index
        %get3A_674 = tpu.vector_load %arg14[%get3A_673] {strides = array<i32>} : memref<80xi32, #tpu.memory_space<vmem>>, vector<16xi32>,
        %get3A_675 = vector.shape_cast %get3A_674 : vector<16xi32> to vector<16xi32>
        %mul3A_676 = arith.constant 2 : i32
        %mul3A_677 = vector.broadcast %mul3A_676 : i32 to vector<16xi32>
        %mul3A_678 = arith.muli %get3A_675, %mul3A_677 : vector<16xi32>
        %add3A_679 = vector.broadcast %arg0 : i32 to vector<16xi32>
        %add3A_680 = arith.addi %mul3A_678, %add3A_679 : vector<16xi32>
        %swap3A_681 = arith.constant 16 : index
        %swap3A_682 = tpu.vector_load %arg14[%swap3A_681] {strides = array<i32>} : memref<80xi32, #tpu.memory_space<vmem>>, vector<16xi32>,
        %swap3A_683 = vector.shape_cast %swap3A_682 : vector<16xi32> to vector<16xi32>
        %swap3A_684 = vector.shape_cast %add3A_680 : vector<16xi32> to vector<16xi32>
        tpu.vector_store %arg14[%swap3A_681], %swap3A_684 {strides = array<i32>} : memref<80xi32, #tpu.memory_space<vmem>>, vector<16xi32>,
        %get3A_685 = arith.constant 32 : index
        %get3A_686 = tpu.vector_load %arg14[%get3A_685] {strides = array<i32>} : memref<80xi32, #tpu.memory_space<vmem>>, vector<16xi32>,
        %get3A_687 = vector.shape_cast %get3A_686 : vector<16xi32> to vector<16xi32>
        %mul3A_688 = arith.constant 2 : i32
        %mul3A_689 = vector.broadcast %mul3A_688 : i32 to vector<16xi32>
        %mul3A_690 = arith.muli %get3A_687, %mul3A_689 : vector<16xi32>
        %add3A_691 = vector.broadcast %arg0 : i32 to vector<16xi32>
        %add3A_692 = arith.addi %mul3A_690, %add3A_691 : vector<16xi32>
        %swap3A_693 = arith.constant 32 : index
        %swap3A_694 = tpu.vector_load %arg14[%swap3A_693] {strides = array<i32>} : memref<80xi32, #tpu.memory_space<vmem>>, vector<16xi32>,
        %swap3A_695 = vector.shape_cast %swap3A_694 : vector<16xi32> to vector<16xi32>
        %swap3A_696 = vector.shape_cast %add3A_692 : vector<16xi32> to vector<16xi32>
        tpu.vector_store %arg14[%swap3A_693], %swap3A_696 {strides = array<i32>} : memref<80xi32, #tpu.memory_space<vmem>>, vector<16xi32>,
        %get3A_697 = arith.constant 48 : index
        %get3A_698 = tpu.vector_load %arg14[%get3A_697] {strides = array<i32>} : memref<80xi32, #tpu.memory_space<vmem>>, vector<16xi32>,
        %get3A_699 = vector.shape_cast %get3A_698 : vector<16xi32> to vector<16xi32>
        %mul3A_700 = arith.constant 2 : i32
        %mul3A_701 = vector.broadcast %mul3A_700 : i32 to vector<16xi32>
        %mul3A_702 = arith.muli %get3A_699, %mul3A_701 : vector<16xi32>
        %add3A_703 = vector.broadcast %arg0 : i32 to vector<16xi32>
        %add3A_704 = arith.addi %mul3A_702, %add3A_703 : vector<16xi32>
        %swap3A_705 = arith.constant 48 : index
        %swap3A_706 = tpu.vector_load %arg14[%swap3A_705] {strides = array<i32>} : memref<80xi32, #tpu.memory_space<vmem>>, vector<16xi32>,
        %swap3A_707 = vector.shape_cast %swap3A_706 : vector<16xi32> to vector<16xi32>
        %swap3A_708 = vector.shape_cast %add3A_704 : vector<16xi32> to vector<16xi32>
        tpu.vector_store %arg14[%swap3A_705], %swap3A_708 {strides = array<i32>} : memref<80xi32, #tpu.memory_space<vmem>>, vector<16xi32>,
        %get3A_709 = arith.constant 64 : index
        %get3A_710 = tpu.vector_load %arg14[%get3A_709] {strides = array<i32>} : memref<80xi32, #tpu.memory_space<vmem>>, vector<16xi32>,
        %get3A_711 = vector.shape_cast %get3A_710 : vector<16xi32> to vector<16xi32>
        %mul3A_712 = arith.constant 2 : i32
        %mul3A_713 = vector.broadcast %mul3A_712 : i32 to vector<16xi32>
        %mul3A_714 = arith.muli %get3A_711, %mul3A_713 : vector<16xi32>
        %add3A_715 = vector.broadcast %arg0 : i32 to vector<16xi32>
        %add3A_716 = arith.addi %mul3A_714, %add3A_715 : vector<16xi32>
        %swap3A_717 = arith.constant 64 : index
        %swap3A_718 = tpu.vector_load %arg14[%swap3A_717] {strides = array<i32>} : memref<80xi32, #tpu.memory_space<vmem>>, vector<16xi32>,
        %swap3A_719 = vector.shape_cast %swap3A_718 : vector<16xi32> to vector<16xi32>
        %swap3A_720 = vector.shape_cast %add3A_716 : vector<16xi32> to vector<16xi32>
        tpu.vector_store %arg14[%swap3A_717], %swap3A_720 {strides = array<i32>} : memref<80xi32, #tpu.memory_space<vmem>>, vector<16xi32>,
        %dma_start3A_721 = arith.constant 0 : i32
        %dma_start3A_722 = arith.constant 0 : i32
        %dma_start3A_723 = tpu.memref_slice %arg4[%dma_start3A_721, %dma_start3A_722] : memref<20000x64xf32, #tpu.memory_space<hbm>> -> memref<20000x64xf32, #tpu.memory_space<hbm>>
        tpu.enqueue_indirect_dma source(%dma_start3A_723 : memref<20000x64xf32, #tpu.memory_space<hbm>>) target(%arg34 : memref<80x64xf32, #tpu.memory_space<vmem>>) offsets(%arg14 : memref<80xi32, #tpu.memory_space<vmem>>) semaphore(%arg46 : memref<!tpu.dma_semaphore, #tpu.memory_space<semaphore_mem>>)
      } else {
      }
      %lt3A_614 = arith.constant 250 : i32
      %lt3A_615 = arith.cmpi slt, %add3A_606, %lt3A_614 : i32
      %convert_element_type3A_616 = arith.extui %lt3A_615 : i1 to i32
      %cond3A_617 = arith.constant 0 : i32
      %cond3A_618 = arith.cmpi ne, %convert_element_type3A_616, %cond3A_617 : i32
      scf.if %cond3A_618 {
        %dma_wait3A_647 = arith.constant 0 : i32
        %dma_wait3A_648 = arith.constant 0 : i32
        %dma_wait3A_649 = tpu.memref_slice %arg4[%dma_wait3A_647, %dma_wait3A_648] : memref<20000x64xf32, #tpu.memory_space<hbm>> -> memref<80x64xf32, #tpu.memory_space<hbm>>
        %dma_wait3A_650 = arith.constant 0 : i32
        %dma_wait3A_651 = arith.constant 0 : i32
        %dma_wait3A_652 = tpu.memref_slice %arg4[%dma_wait3A_650, %dma_wait3A_651] : memref<20000x64xf32, #tpu.memory_space<hbm>> -> memref<80x64xf32, #tpu.memory_space<hbm>>
        tpu.wait_dma2 semaphore(%arg48 : memref<!tpu.dma_semaphore, #tpu.memory_space<semaphore_mem>>) src(%dma_wait3A_652 : memref<80x64xf32, #tpu.memory_space<hbm>>) dst(%arg36 : memref<80x64xf32, #tpu.memory_space<vmem>>)
        "tpu.region"() ({
          %run_scoped3A = tpu.sem_alloc : memref<!tpu.dma_semaphore, #tpu.memory_space<semaphore_mem>>
          %dma_start3A_653 = arith.constant 0 : i32
          %dma_start3A_654 = arith.constant 0 : i32
          %dma_start3A_655 = tpu.memref_slice %arg40[%dma_start3A_653, %dma_start3A_654] : memref<10000x64xf32, #tpu.memory_space<vmem_shared>> -> memref<10000x64xf32, #tpu.memory_space<vmem_shared>>
          tpu.enqueue_indirect_dma source(%arg36 : memref<80x64xf32, #tpu.memory_space<vmem>>) target(%dma_start3A_655 : memref<10000x64xf32, #tpu.memory_space<vmem_shared>>) offsets(%arg20 : memref<80xi32, #tpu.memory_space<vmem>>) semaphore(%run_scoped3A : memref<!tpu.dma_semaphore, #tpu.memory_space<semaphore_mem>>) {add = true}
          %dma_wait3A_656 = arith.constant 0 : i32
          %dma_wait3A_657 = arith.constant 0 : i32
          %dma_wait3A_658 = tpu.memref_slice %arg40[%dma_wait3A_656, %dma_wait3A_657] : memref<10000x64xf32, #tpu.memory_space<vmem_shared>> -> memref<10000x64xf32, #tpu.memory_space<vmem_shared>>
          tpu.wait_indirect_dma semaphore(%run_scoped3A : memref<!tpu.dma_semaphore, #tpu.memory_space<semaphore_mem>>) src(%arg36 : memref<80x64xf32, #tpu.memory_space<vmem>>) dst(%dma_wait3A_658 : memref<10000x64xf32, #tpu.memory_space<vmem_shared>>)
          tpu.yield
        }) : () -> ()
        "tpu.region"() ({
          %run_scoped3A = tpu.sem_alloc : memref<!tpu.dma_semaphore, #tpu.memory_space<semaphore_mem>>
          %dma_start3A_653 = arith.constant 0 : i32
          %dma_start3A_654 = arith.constant 0 : i32
          %dma_start3A_655 = tpu.memref_slice %arg41[%dma_start3A_653, %dma_start3A_654] : memref<10000x16xf32, #tpu.memory_space<vmem_shared>> -> memref<10000x16xf32, #tpu.memory_space<vmem_shared>>
          tpu.enqueue_indirect_dma source(%arg28 : memref<80x16xf32, #tpu.memory_space<vmem>>) target(%dma_start3A_655 : memref<10000x16xf32, #tpu.memory_space<vmem_shared>>) offsets(%arg20 : memref<80xi32, #tpu.memory_space<vmem>>) semaphore(%run_scoped3A : memref<!tpu.dma_semaphore, #tpu.memory_space<semaphore_mem>>) {add = true}
          %dma_wait3A_656 = arith.constant 0 : i32
          %dma_wait3A_657 = arith.constant 0 : i32
          %dma_wait3A_658 = tpu.memref_slice %arg41[%dma_wait3A_656, %dma_wait3A_657] : memref<10000x16xf32, #tpu.memory_space<vmem_shared>> -> memref<10000x16xf32, #tpu.memory_space<vmem_shared>>
          tpu.wait_indirect_dma semaphore(%run_scoped3A : memref<!tpu.dma_semaphore, #tpu.memory_space<semaphore_mem>>) src(%arg28 : memref<80x16xf32, #tpu.memory_space<vmem>>) dst(%dma_wait3A_658 : memref<10000x16xf32, #tpu.memory_space<vmem_shared>>)
          tpu.yield
        }) : () -> ()
      } else {
      }
      %add3A_619 = arith.constant 4 : i32
      %add3A_620 = arith.addi %add3A_606, %add3A_619 : i32
      %lt3A_621 = arith.constant 250 : i32
      %lt3A_622 = arith.cmpi slt, %add3A_620, %lt3A_621 : i32
      %convert_element_type3A_623 = arith.extui %lt3A_622 : i1 to i32
      %cond3A_624 = arith.constant 0 : i32
      %cond3A_625 = arith.cmpi ne, %convert_element_type3A_623, %cond3A_624 : i32
      scf.if %cond3A_625 {
        %add3A_647 = arith.constant 4 : i32
        %add3A_648 = arith.addi %add3A_606, %add3A_647 : i32
        %mul3A_649 = arith.constant 80 : i32
        %mul3A_650 = arith.muli %add3A_648, %mul3A_649 : i32
        %add3A_651 = arith.addi %mul3A_2, %mul3A_650 : i32
        %dma_start3A_652 = tpu.memref_slice %arg5[%add3A_651] : memref<320000xi32, #tpu.memory_space<hbm>> -> memref<80xi32, #tpu.memory_space<hbm>>
        %dma_start3A_653 = tpu.memref_slice %arg5[%add3A_651] : memref<320000xi32, #tpu.memory_space<hbm>> -> memref<80xi32, #tpu.memory_space<hbm>>
        tpu.enqueue_dma source(%dma_start3A_653 : memref<80xi32, #tpu.memory_space<hbm>>) target(%arg16 : memref<80xi32, #tpu.memory_space<vmem>>) target_semaphore(%arg44 : memref<!tpu.dma_semaphore, #tpu.memory_space<semaphore_mem>>)
        %dma_start3A_654 = tpu.memref_slice %arg6[%add3A_651] : memref<320000xi32, #tpu.memory_space<hbm>> -> memref<80xi32, #tpu.memory_space<hbm>>
        %dma_start3A_655 = tpu.memref_slice %arg6[%add3A_651] : memref<320000xi32, #tpu.memory_space<hbm>> -> memref<80xi32, #tpu.memory_space<hbm>>
        tpu.enqueue_dma source(%dma_start3A_655 : memref<80xi32, #tpu.memory_space<hbm>>) target(%arg20 : memref<80xi32, #tpu.memory_space<vmem>>) target_semaphore(%arg44 : memref<!tpu.dma_semaphore, #tpu.memory_space<semaphore_mem>>)
        %dma_start3A_656 = arith.constant 0 : i32
        %dma_start3A_657 = tpu.memref_slice %arg7[%add3A_651, %dma_start3A_656] : memref<320000x16xf32, #tpu.memory_space<hbm>> -> memref<80x16xf32, #tpu.memory_space<hbm>>
        %dma_start3A_658 = arith.constant 0 : i32
        %dma_start3A_659 = tpu.memref_slice %arg7[%add3A_651, %dma_start3A_658] : memref<320000x16xf32, #tpu.memory_space<hbm>> -> memref<80x16xf32, #tpu.memory_space<hbm>>
        tpu.enqueue_dma source(%dma_start3A_659 : memref<80x16xf32, #tpu.memory_space<hbm>>) target(%arg28 : memref<80x16xf32, #tpu.memory_space<vmem>>) target_semaphore(%arg44 : memref<!tpu.dma_semaphore, #tpu.memory_space<semaphore_mem>>)
      } else {
      }
      %add3A_626 = arith.constant 3 : i32
      %add3A_627 = arith.addi %mul3A_563, %add3A_626 : i32
      %add3A_628 = arith.constant 2 : i32
      %add3A_629 = arith.addi %add3A_627, %add3A_628 : i32
      %lt3A_630 = arith.constant 250 : i32
      %lt3A_631 = arith.cmpi slt, %add3A_629, %lt3A_630 : i32
      %convert_element_type3A_632 = arith.extui %lt3A_631 : i1 to i32
      %cond3A_633 = arith.constant 0 : i32
      %cond3A_634 = arith.cmpi ne, %convert_element_type3A_632, %cond3A_633 : i32
      scf.if %cond3A_634 {
        %dma_wait3A_647 = arith.constant 0 : i32
        %dma_wait3A_648 = tpu.memref_slice %arg5[%dma_wait3A_647] : memref<320000xi32, #tpu.memory_space<hbm>> -> memref<80xi32, #tpu.memory_space<hbm>>
        %dma_wait3A_649 = arith.constant 0 : i32
        %dma_wait3A_650 = tpu.memref_slice %arg5[%dma_wait3A_649] : memref<320000xi32, #tpu.memory_space<hbm>> -> memref<80xi32, #tpu.memory_space<hbm>>
        tpu.wait_dma2 semaphore(%arg43 : memref<!tpu.dma_semaphore, #tpu.memory_space<semaphore_mem>>) src(%dma_wait3A_650 : memref<80xi32, #tpu.memory_space<hbm>>) dst(%arg15 : memref<80xi32, #tpu.memory_space<vmem>>)
        %dma_wait3A_651 = arith.constant 0 : i32
        %dma_wait3A_652 = tpu.memref_slice %arg6[%dma_wait3A_651] : memref<320000xi32, #tpu.memory_space<hbm>> -> memref<80xi32, #tpu.memory_space<hbm>>
        %dma_wait3A_653 = arith.constant 0 : i32
        %dma_wait3A_654 = tpu.memref_slice %arg6[%dma_wait3A_653] : memref<320000xi32, #tpu.memory_space<hbm>> -> memref<80xi32, #tpu.memory_space<hbm>>
        tpu.wait_dma2 semaphore(%arg43 : memref<!tpu.dma_semaphore, #tpu.memory_space<semaphore_mem>>) src(%dma_wait3A_654 : memref<80xi32, #tpu.memory_space<hbm>>) dst(%arg19 : memref<80xi32, #tpu.memory_space<vmem>>)
        %dma_wait3A_655 = arith.constant 0 : i32
        %dma_wait3A_656 = arith.constant 0 : i32
        %dma_wait3A_657 = tpu.memref_slice %arg7[%dma_wait3A_655, %dma_wait3A_656] : memref<320000x16xf32, #tpu.memory_space<hbm>> -> memref<80x16xf32, #tpu.memory_space<hbm>>
        %dma_wait3A_658 = arith.constant 0 : i32
        %dma_wait3A_659 = arith.constant 0 : i32
        %dma_wait3A_660 = tpu.memref_slice %arg7[%dma_wait3A_658, %dma_wait3A_659] : memref<320000x16xf32, #tpu.memory_space<hbm>> -> memref<80x16xf32, #tpu.memory_space<hbm>>
        tpu.wait_dma2 semaphore(%arg43 : memref<!tpu.dma_semaphore, #tpu.memory_space<semaphore_mem>>) src(%dma_wait3A_660 : memref<80x16xf32, #tpu.memory_space<hbm>>) dst(%arg27 : memref<80x16xf32, #tpu.memory_space<vmem>>)
        %get3A_661 = arith.constant 0 : index
        %get3A_662 = tpu.vector_load %arg15[%get3A_661] {strides = array<i32>} : memref<80xi32, #tpu.memory_space<vmem>>, vector<16xi32>,
        %get3A_663 = vector.shape_cast %get3A_662 : vector<16xi32> to vector<16xi32>
        %mul3A_664 = arith.constant 2 : i32
        %mul3A_665 = vector.broadcast %mul3A_664 : i32 to vector<16xi32>
        %mul3A_666 = arith.muli %get3A_663, %mul3A_665 : vector<16xi32>
        %add3A_667 = vector.broadcast %arg0 : i32 to vector<16xi32>
        %add3A_668 = arith.addi %mul3A_666, %add3A_667 : vector<16xi32>
        %swap3A_669 = arith.constant 0 : index
        %swap3A_670 = tpu.vector_load %arg15[%swap3A_669] {strides = array<i32>} : memref<80xi32, #tpu.memory_space<vmem>>, vector<16xi32>,
        %swap3A_671 = vector.shape_cast %swap3A_670 : vector<16xi32> to vector<16xi32>
        %swap3A_672 = vector.shape_cast %add3A_668 : vector<16xi32> to vector<16xi32>
        tpu.vector_store %arg15[%swap3A_669], %swap3A_672 {strides = array<i32>} : memref<80xi32, #tpu.memory_space<vmem>>, vector<16xi32>,
        %get3A_673 = arith.constant 16 : index
        %get3A_674 = tpu.vector_load %arg15[%get3A_673] {strides = array<i32>} : memref<80xi32, #tpu.memory_space<vmem>>, vector<16xi32>,
        %get3A_675 = vector.shape_cast %get3A_674 : vector<16xi32> to vector<16xi32>
        %mul3A_676 = arith.constant 2 : i32
        %mul3A_677 = vector.broadcast %mul3A_676 : i32 to vector<16xi32>
        %mul3A_678 = arith.muli %get3A_675, %mul3A_677 : vector<16xi32>
        %add3A_679 = vector.broadcast %arg0 : i32 to vector<16xi32>
        %add3A_680 = arith.addi %mul3A_678, %add3A_679 : vector<16xi32>
        %swap3A_681 = arith.constant 16 : index
        %swap3A_682 = tpu.vector_load %arg15[%swap3A_681] {strides = array<i32>} : memref<80xi32, #tpu.memory_space<vmem>>, vector<16xi32>,
        %swap3A_683 = vector.shape_cast %swap3A_682 : vector<16xi32> to vector<16xi32>
        %swap3A_684 = vector.shape_cast %add3A_680 : vector<16xi32> to vector<16xi32>
        tpu.vector_store %arg15[%swap3A_681], %swap3A_684 {strides = array<i32>} : memref<80xi32, #tpu.memory_space<vmem>>, vector<16xi32>,
        %get3A_685 = arith.constant 32 : index
        %get3A_686 = tpu.vector_load %arg15[%get3A_685] {strides = array<i32>} : memref<80xi32, #tpu.memory_space<vmem>>, vector<16xi32>,
        %get3A_687 = vector.shape_cast %get3A_686 : vector<16xi32> to vector<16xi32>
        %mul3A_688 = arith.constant 2 : i32
        %mul3A_689 = vector.broadcast %mul3A_688 : i32 to vector<16xi32>
        %mul3A_690 = arith.muli %get3A_687, %mul3A_689 : vector<16xi32>
        %add3A_691 = vector.broadcast %arg0 : i32 to vector<16xi32>
        %add3A_692 = arith.addi %mul3A_690, %add3A_691 : vector<16xi32>
        %swap3A_693 = arith.constant 32 : index
        %swap3A_694 = tpu.vector_load %arg15[%swap3A_693] {strides = array<i32>} : memref<80xi32, #tpu.memory_space<vmem>>, vector<16xi32>,
        %swap3A_695 = vector.shape_cast %swap3A_694 : vector<16xi32> to vector<16xi32>
        %swap3A_696 = vector.shape_cast %add3A_692 : vector<16xi32> to vector<16xi32>
        tpu.vector_store %arg15[%swap3A_693], %swap3A_696 {strides = array<i32>} : memref<80xi32, #tpu.memory_space<vmem>>, vector<16xi32>,
        %get3A_697 = arith.constant 48 : index
        %get3A_698 = tpu.vector_load %arg15[%get3A_697] {strides = array<i32>} : memref<80xi32, #tpu.memory_space<vmem>>, vector<16xi32>,
        %get3A_699 = vector.shape_cast %get3A_698 : vector<16xi32> to vector<16xi32>
        %mul3A_700 = arith.constant 2 : i32
        %mul3A_701 = vector.broadcast %mul3A_700 : i32 to vector<16xi32>
        %mul3A_702 = arith.muli %get3A_699, %mul3A_701 : vector<16xi32>
        %add3A_703 = vector.broadcast %arg0 : i32 to vector<16xi32>
        %add3A_704 = arith.addi %mul3A_702, %add3A_703 : vector<16xi32>
        %swap3A_705 = arith.constant 48 : index
        %swap3A_706 = tpu.vector_load %arg15[%swap3A_705] {strides = array<i32>} : memref<80xi32, #tpu.memory_space<vmem>>, vector<16xi32>,
        %swap3A_707 = vector.shape_cast %swap3A_706 : vector<16xi32> to vector<16xi32>
        %swap3A_708 = vector.shape_cast %add3A_704 : vector<16xi32> to vector<16xi32>
        tpu.vector_store %arg15[%swap3A_705], %swap3A_708 {strides = array<i32>} : memref<80xi32, #tpu.memory_space<vmem>>, vector<16xi32>,
        %get3A_709 = arith.constant 64 : index
        %get3A_710 = tpu.vector_load %arg15[%get3A_709] {strides = array<i32>} : memref<80xi32, #tpu.memory_space<vmem>>, vector<16xi32>,
        %get3A_711 = vector.shape_cast %get3A_710 : vector<16xi32> to vector<16xi32>
        %mul3A_712 = arith.constant 2 : i32
        %mul3A_713 = vector.broadcast %mul3A_712 : i32 to vector<16xi32>
        %mul3A_714 = arith.muli %get3A_711, %mul3A_713 : vector<16xi32>
        %add3A_715 = vector.broadcast %arg0 : i32 to vector<16xi32>
        %add3A_716 = arith.addi %mul3A_714, %add3A_715 : vector<16xi32>
        %swap3A_717 = arith.constant 64 : index
        %swap3A_718 = tpu.vector_load %arg15[%swap3A_717] {strides = array<i32>} : memref<80xi32, #tpu.memory_space<vmem>>, vector<16xi32>,
        %swap3A_719 = vector.shape_cast %swap3A_718 : vector<16xi32> to vector<16xi32>
        %swap3A_720 = vector.shape_cast %add3A_716 : vector<16xi32> to vector<16xi32>
        tpu.vector_store %arg15[%swap3A_717], %swap3A_720 {strides = array<i32>} : memref<80xi32, #tpu.memory_space<vmem>>, vector<16xi32>,
        %dma_start3A_721 = arith.constant 0 : i32
        %dma_start3A_722 = arith.constant 0 : i32
        %dma_start3A_723 = tpu.memref_slice %arg4[%dma_start3A_721, %dma_start3A_722] : memref<20000x64xf32, #tpu.memory_space<hbm>> -> memref<20000x64xf32, #tpu.memory_space<hbm>>
        tpu.enqueue_indirect_dma source(%dma_start3A_723 : memref<20000x64xf32, #tpu.memory_space<hbm>>) target(%arg35 : memref<80x64xf32, #tpu.memory_space<vmem>>) offsets(%arg15 : memref<80xi32, #tpu.memory_space<vmem>>) semaphore(%arg47 : memref<!tpu.dma_semaphore, #tpu.memory_space<semaphore_mem>>)
      } else {
      }
      %lt3A_635 = arith.constant 250 : i32
      %lt3A_636 = arith.cmpi slt, %add3A_627, %lt3A_635 : i32
      %convert_element_type3A_637 = arith.extui %lt3A_636 : i1 to i32
      %cond3A_638 = arith.constant 0 : i32
      %cond3A_639 = arith.cmpi ne, %convert_element_type3A_637, %cond3A_638 : i32
      scf.if %cond3A_639 {
        %dma_wait3A_647 = arith.constant 0 : i32
        %dma_wait3A_648 = arith.constant 0 : i32
        %dma_wait3A_649 = tpu.memref_slice %arg4[%dma_wait3A_647, %dma_wait3A_648] : memref<20000x64xf32, #tpu.memory_space<hbm>> -> memref<80x64xf32, #tpu.memory_space<hbm>>
        %dma_wait3A_650 = arith.constant 0 : i32
        %dma_wait3A_651 = arith.constant 0 : i32
        %dma_wait3A_652 = tpu.memref_slice %arg4[%dma_wait3A_650, %dma_wait3A_651] : memref<20000x64xf32, #tpu.memory_space<hbm>> -> memref<80x64xf32, #tpu.memory_space<hbm>>
        tpu.wait_dma2 semaphore(%arg49 : memref<!tpu.dma_semaphore, #tpu.memory_space<semaphore_mem>>) src(%dma_wait3A_652 : memref<80x64xf32, #tpu.memory_space<hbm>>) dst(%arg37 : memref<80x64xf32, #tpu.memory_space<vmem>>)
        "tpu.region"() ({
          %run_scoped3A = tpu.sem_alloc : memref<!tpu.dma_semaphore, #tpu.memory_space<semaphore_mem>>
          %dma_start3A_653 = arith.constant 0 : i32
          %dma_start3A_654 = arith.constant 0 : i32
          %dma_start3A_655 = tpu.memref_slice %arg40[%dma_start3A_653, %dma_start3A_654] : memref<10000x64xf32, #tpu.memory_space<vmem_shared>> -> memref<10000x64xf32, #tpu.memory_space<vmem_shared>>
          tpu.enqueue_indirect_dma source(%arg37 : memref<80x64xf32, #tpu.memory_space<vmem>>) target(%dma_start3A_655 : memref<10000x64xf32, #tpu.memory_space<vmem_shared>>) offsets(%arg21 : memref<80xi32, #tpu.memory_space<vmem>>) semaphore(%run_scoped3A : memref<!tpu.dma_semaphore, #tpu.memory_space<semaphore_mem>>) {add = true}
          %dma_wait3A_656 = arith.constant 0 : i32
          %dma_wait3A_657 = arith.constant 0 : i32
          %dma_wait3A_658 = tpu.memref_slice %arg40[%dma_wait3A_656, %dma_wait3A_657] : memref<10000x64xf32, #tpu.memory_space<vmem_shared>> -> memref<10000x64xf32, #tpu.memory_space<vmem_shared>>
          tpu.wait_indirect_dma semaphore(%run_scoped3A : memref<!tpu.dma_semaphore, #tpu.memory_space<semaphore_mem>>) src(%arg37 : memref<80x64xf32, #tpu.memory_space<vmem>>) dst(%dma_wait3A_658 : memref<10000x64xf32, #tpu.memory_space<vmem_shared>>)
          tpu.yield
        }) : () -> ()
        "tpu.region"() ({
          %run_scoped3A = tpu.sem_alloc : memref<!tpu.dma_semaphore, #tpu.memory_space<semaphore_mem>>
          %dma_start3A_653 = arith.constant 0 : i32
          %dma_start3A_654 = arith.constant 0 : i32
          %dma_start3A_655 = tpu.memref_slice %arg41[%dma_start3A_653, %dma_start3A_654] : memref<10000x16xf32, #tpu.memory_space<vmem_shared>> -> memref<10000x16xf32, #tpu.memory_space<vmem_shared>>
          tpu.enqueue_indirect_dma source(%arg29 : memref<80x16xf32, #tpu.memory_space<vmem>>) target(%dma_start3A_655 : memref<10000x16xf32, #tpu.memory_space<vmem_shared>>) offsets(%arg21 : memref<80xi32, #tpu.memory_space<vmem>>) semaphore(%run_scoped3A : memref<!tpu.dma_semaphore, #tpu.memory_space<semaphore_mem>>) {add = true}
          %dma_wait3A_656 = arith.constant 0 : i32
          %dma_wait3A_657 = arith.constant 0 : i32
          %dma_wait3A_658 = tpu.memref_slice %arg41[%dma_wait3A_656, %dma_wait3A_657] : memref<10000x16xf32, #tpu.memory_space<vmem_shared>> -> memref<10000x16xf32, #tpu.memory_space<vmem_shared>>
          tpu.wait_indirect_dma semaphore(%run_scoped3A : memref<!tpu.dma_semaphore, #tpu.memory_space<semaphore_mem>>) src(%arg29 : memref<80x16xf32, #tpu.memory_space<vmem>>) dst(%dma_wait3A_658 : memref<10000x16xf32, #tpu.memory_space<vmem_shared>>)
          tpu.yield
        }) : () -> ()
      } else {
      }
      %add3A_640 = arith.constant 4 : i32
      %add3A_641 = arith.addi %add3A_627, %add3A_640 : i32
      %lt3A_642 = arith.constant 250 : i32
      %lt3A_643 = arith.cmpi slt, %add3A_641, %lt3A_642 : i32
      %convert_element_type3A_644 = arith.extui %lt3A_643 : i1 to i32
      %cond3A_645 = arith.constant 0 : i32
      %cond3A_646 = arith.cmpi ne, %convert_element_type3A_644, %cond3A_645 : i32
      scf.if %cond3A_646 {
        %add3A_647 = arith.constant 4 : i32
        %add3A_648 = arith.addi %add3A_627, %add3A_647 : i32
        %mul3A_649 = arith.constant 80 : i32
        %mul3A_650 = arith.muli %add3A_648, %mul3A_649 : i32
        %add3A_651 = arith.addi %mul3A_2, %mul3A_650 : i32
        %dma_start3A_652 = tpu.memref_slice %arg5[%add3A_651] : memref<320000xi32, #tpu.memory_space<hbm>> -> memref<80xi32, #tpu.memory_space<hbm>>
        %dma_start3A_653 = tpu.memref_slice %arg5[%add3A_651] : memref<320000xi32, #tpu.memory_space<hbm>> -> memref<80xi32, #tpu.memory_space<hbm>>
        tpu.enqueue_dma source(%dma_start3A_653 : memref<80xi32, #tpu.memory_space<hbm>>) target(%arg17 : memref<80xi32, #tpu.memory_space<vmem>>) target_semaphore(%arg45 : memref<!tpu.dma_semaphore, #tpu.memory_space<semaphore_mem>>)
        %dma_start3A_654 = tpu.memref_slice %arg6[%add3A_651] : memref<320000xi32, #tpu.memory_space<hbm>> -> memref<80xi32, #tpu.memory_space<hbm>>
        %dma_start3A_655 = tpu.memref_slice %arg6[%add3A_651] : memref<320000xi32, #tpu.memory_space<hbm>> -> memref<80xi32, #tpu.memory_space<hbm>>
        tpu.enqueue_dma source(%dma_start3A_655 : memref<80xi32, #tpu.memory_space<hbm>>) target(%arg21 : memref<80xi32, #tpu.memory_space<vmem>>) target_semaphore(%arg45 : memref<!tpu.dma_semaphore, #tpu.memory_space<semaphore_mem>>)
        %dma_start3A_656 = arith.constant 0 : i32
        %dma_start3A_657 = tpu.memref_slice %arg7[%add3A_651, %dma_start3A_656] : memref<320000x16xf32, #tpu.memory_space<hbm>> -> memref<80x16xf32, #tpu.memory_space<hbm>>
        %dma_start3A_658 = arith.constant 0 : i32
        %dma_start3A_659 = tpu.memref_slice %arg7[%add3A_651, %dma_start3A_658] : memref<320000x16xf32, #tpu.memory_space<hbm>> -> memref<80x16xf32, #tpu.memory_space<hbm>>
        tpu.enqueue_dma source(%dma_start3A_659 : memref<80x16xf32, #tpu.memory_space<hbm>>) target(%arg29 : memref<80x16xf32, #tpu.memory_space<vmem>>) target_semaphore(%arg45 : memref<!tpu.dma_semaphore, #tpu.memory_space<semaphore_mem>>)
      } else {
      }
    }
    %scan3A_546 = arith.constant 63 : i32
    %barrier3A_547 = arith.constant 0 : index
    tpu.barrier barrier_id(%barrier3A_547)
    %mul3A_548 = arith.constant 10000 : i32
    %mul3A_549 = arith.muli %arg0, %mul3A_548 : i32
    %add3A_550 = arith.addi %mul3A_549, %mul3A_0 : i32
    "tpu.region"() ({
      %run_scoped3A = tpu.sem_alloc : memref<!tpu.dma_semaphore, #tpu.memory_space<semaphore_mem>>
      %dma_start3A_561 = arith.constant 0 : i32
      %dma_start3A_562 = tpu.memref_slice %arg12[%add3A_550, %dma_start3A_561] : memref<20000x64xf32, #tpu.memory_space<hbm>> -> memref<624x64xf32, #tpu.memory_space<hbm>>
      %dma_start3A_563 = arith.constant 0 : i32
      %dma_start3A_564 = tpu.memref_slice %arg40[%mul3A_0, %dma_start3A_563] : memref<10000x64xf32, #tpu.memory_space<vmem_shared>> -> memref<624x64xf32, #tpu.memory_space<vmem_shared>>
      tpu.enqueue_dma source(%dma_start3A_564 : memref<624x64xf32, #tpu.memory_space<vmem_shared>>) target(%dma_start3A_562 : memref<624x64xf32, #tpu.memory_space<hbm>>) target_semaphore(%run_scoped3A : memref<!tpu.dma_semaphore, #tpu.memory_space<semaphore_mem>>)
      %dma_wait3A_565 = arith.constant 0 : i32
      %dma_wait3A_566 = tpu.memref_slice %arg12[%add3A_550, %dma_wait3A_565] : memref<20000x64xf32, #tpu.memory_space<hbm>> -> memref<624x64xf32, #tpu.memory_space<hbm>>
      %dma_wait3A_567 = arith.constant 0 : i32
      %dma_wait3A_568 = tpu.memref_slice %arg40[%mul3A_0, %dma_wait3A_567] : memref<10000x64xf32, #tpu.memory_space<vmem_shared>> -> memref<624x64xf32, #tpu.memory_space<vmem_shared>>
      tpu.wait_dma2 semaphore(%run_scoped3A : memref<!tpu.dma_semaphore, #tpu.memory_space<semaphore_mem>>) src(%dma_wait3A_568 : memref<624x64xf32, #tpu.memory_space<vmem_shared>>) dst(%dma_wait3A_566 : memref<624x64xf32, #tpu.memory_space<hbm>>)
      tpu.yield
    }) : () -> ()
    %eq3A_551 = arith.constant 15 : i32
    %eq3A_552 = arith.cmpi eq, %arg1, %eq3A_551 : i32
    %convert_element_type3A_553 = arith.extui %eq3A_552 : i1 to i32
    %cond3A_554 = arith.constant 0 : i32
    %cond3A_555 = arith.cmpi ne, %convert_element_type3A_553, %cond3A_554 : i32
    scf.if %cond3A_555 {
      %mul3A_561 = arith.constant 10000 : i32
      %mul3A_562 = arith.muli %arg0, %mul3A_561 : i32
      %add3A_563 = arith.constant 9984 : i32
      %add3A_564 = arith.addi %mul3A_562, %add3A_563 : i32
      "tpu.region"() ({
        %run_scoped3A = tpu.sem_alloc : memref<!tpu.dma_semaphore, #tpu.memory_space<semaphore_mem>>
        %dma_start3A_565 = arith.constant 0 : i32
        %dma_start3A_566 = tpu.memref_slice %arg12[%add3A_564, %dma_start3A_565] : memref<20000x64xf32, #tpu.memory_space<hbm>> -> memref<16x64xf32, #tpu.memory_space<hbm>>
        %dma_start3A_567 = arith.constant 9984 : i32
        %dma_start3A_568 = arith.constant 0 : i32
        %dma_start3A_569 = tpu.memref_slice %arg40[%dma_start3A_567, %dma_start3A_568] : memref<10000x64xf32, #tpu.memory_space<vmem_shared>> -> memref<16x64xf32, #tpu.memory_space<vmem_shared>>
        tpu.enqueue_dma source(%dma_start3A_569 : memref<16x64xf32, #tpu.memory_space<vmem_shared>>) target(%dma_start3A_566 : memref<16x64xf32, #tpu.memory_space<hbm>>) target_semaphore(%run_scoped3A : memref<!tpu.dma_semaphore, #tpu.memory_space<semaphore_mem>>)
        %dma_wait3A_570 = arith.constant 0 : i32
        %dma_wait3A_571 = tpu.memref_slice %arg12[%add3A_564, %dma_wait3A_570] : memref<20000x64xf32, #tpu.memory_space<hbm>> -> memref<16x64xf32, #tpu.memory_space<hbm>>
        %dma_wait3A_572 = arith.constant 9984 : i32
        %dma_wait3A_573 = arith.constant 0 : i32
        %dma_wait3A_574 = tpu.memref_slice %arg40[%dma_wait3A_572, %dma_wait3A_573] : memref<10000x64xf32, #tpu.memory_space<vmem_shared>> -> memref<16x64xf32, #tpu.memory_space<vmem_shared>>
        tpu.wait_dma2 semaphore(%run_scoped3A : memref<!tpu.dma_semaphore, #tpu.memory_space<semaphore_mem>>) src(%dma_wait3A_574 : memref<16x64xf32, #tpu.memory_space<vmem_shared>>) dst(%dma_wait3A_571 : memref<16x64xf32, #tpu.memory_space<hbm>>)
        tpu.yield
      }) : () -> ()
    } else {
    }
    %eq3A_556 = arith.constant 0 : i32
    %eq3A_557 = arith.cmpi eq, %arg0, %eq3A_556 : i32
    %convert_element_type3A_558 = arith.extui %eq3A_557 : i1 to i32
    %cond3A_559 = arith.constant 0 : i32
    %cond3A_560 = arith.cmpi ne, %convert_element_type3A_558, %cond3A_559 : i32
    scf.if %cond3A_560 {
      "tpu.region"() ({
        %run_scoped3A = tpu.sem_alloc : memref<!tpu.dma_semaphore, #tpu.memory_space<semaphore_mem>>
        %dma_start3A_566 = arith.constant 0 : i32
        %dma_start3A_567 = tpu.memref_slice %arg13[%mul3A_0, %dma_start3A_566] : memref<10000x16xf32, #tpu.memory_space<hbm>> -> memref<624x16xf32, #tpu.memory_space<hbm>>
        %dma_start3A_568 = arith.constant 0 : i32
        %dma_start3A_569 = tpu.memref_slice %arg41[%mul3A_0, %dma_start3A_568] : memref<10000x16xf32, #tpu.memory_space<vmem_shared>> -> memref<624x16xf32, #tpu.memory_space<vmem_shared>>
        tpu.enqueue_dma source(%dma_start3A_569 : memref<624x16xf32, #tpu.memory_space<vmem_shared>>) target(%dma_start3A_567 : memref<624x16xf32, #tpu.memory_space<hbm>>) target_semaphore(%run_scoped3A : memref<!tpu.dma_semaphore, #tpu.memory_space<semaphore_mem>>)
        %dma_wait3A_570 = arith.constant 0 : i32
        %dma_wait3A_571 = tpu.memref_slice %arg13[%mul3A_0, %dma_wait3A_570] : memref<10000x16xf32, #tpu.memory_space<hbm>> -> memref<624x16xf32, #tpu.memory_space<hbm>>
        %dma_wait3A_572 = arith.constant 0 : i32
        %dma_wait3A_573 = tpu.memref_slice %arg41[%mul3A_0, %dma_wait3A_572] : memref<10000x16xf32, #tpu.memory_space<vmem_shared>> -> memref<624x16xf32, #tpu.memory_space<vmem_shared>>
        tpu.wait_dma2 semaphore(%run_scoped3A : memref<!tpu.dma_semaphore, #tpu.memory_space<semaphore_mem>>) src(%dma_wait3A_573 : memref<624x16xf32, #tpu.memory_space<vmem_shared>>) dst(%dma_wait3A_571 : memref<624x16xf32, #tpu.memory_space<hbm>>)
        tpu.yield
      }) : () -> ()
      %eq3A_561 = arith.constant 15 : i32
      %eq3A_562 = arith.cmpi eq, %arg1, %eq3A_561 : i32
      %convert_element_type3A_563 = arith.extui %eq3A_562 : i1 to i32
      %cond3A_564 = arith.constant 0 : i32
      %cond3A_565 = arith.cmpi ne, %convert_element_type3A_563, %cond3A_564 : i32
      scf.if %cond3A_565 {
        "tpu.region"() ({
          %run_scoped3A = tpu.sem_alloc : memref<!tpu.dma_semaphore, #tpu.memory_space<semaphore_mem>>
          %dma_start3A_566 = arith.constant 9984 : i32
          %dma_start3A_567 = arith.constant 0 : i32
          %dma_start3A_568 = tpu.memref_slice %arg13[%dma_start3A_566, %dma_start3A_567] : memref<10000x16xf32, #tpu.memory_space<hbm>> -> memref<16x16xf32, #tpu.memory_space<hbm>>
          %dma_start3A_569 = arith.constant 9984 : i32
          %dma_start3A_570 = arith.constant 0 : i32
          %dma_start3A_571 = tpu.memref_slice %arg41[%dma_start3A_569, %dma_start3A_570] : memref<10000x16xf32, #tpu.memory_space<vmem_shared>> -> memref<16x16xf32, #tpu.memory_space<vmem_shared>>
          tpu.enqueue_dma source(%dma_start3A_571 : memref<16x16xf32, #tpu.memory_space<vmem_shared>>) target(%dma_start3A_568 : memref<16x16xf32, #tpu.memory_space<hbm>>) target_semaphore(%run_scoped3A : memref<!tpu.dma_semaphore, #tpu.memory_space<semaphore_mem>>)
          %dma_wait3A_572 = arith.constant 9984 : i32
          %dma_wait3A_573 = arith.constant 0 : i32
          %dma_wait3A_574 = tpu.memref_slice %arg13[%dma_wait3A_572, %dma_wait3A_573] : memref<10000x16xf32, #tpu.memory_space<hbm>> -> memref<16x16xf32, #tpu.memory_space<hbm>>
          %dma_wait3A_575 = arith.constant 9984 : i32
          %dma_wait3A_576 = arith.constant 0 : i32
          %dma_wait3A_577 = tpu.memref_slice %arg41[%dma_wait3A_575, %dma_wait3A_576] : memref<10000x16xf32, #tpu.memory_space<vmem_shared>> -> memref<16x16xf32, #tpu.memory_space<vmem_shared>>
          tpu.wait_dma2 semaphore(%run_scoped3A : memref<!tpu.dma_semaphore, #tpu.memory_space<semaphore_mem>>) src(%dma_wait3A_577 : memref<16x16xf32, #tpu.memory_space<vmem_shared>>) dst(%dma_wait3A_574 : memref<16x16xf32, #tpu.memory_space<hbm>>)
          tpu.yield
        }) : () -> ()
      } else {
      }
    } else {
    }
    return
  }
}

module attributes {stable_mosaic.version = 14 : i64} {
  func.func @_tc1_body(%arg0: i32, %arg1: memref<1000x128xf32, #tpu.memory_space<vmem>>, %arg2: memref<1000x128xf32, #tpu.memory_space<vmem>>, %arg3: memref<1000x128xf32, #tpu.memory_space<vmem>>, %arg4: memref<128x128xf32, #tpu.memory_space<vmem>>, %arg5: memref<128x128xf32, #tpu.memory_space<vmem>>, %arg6: memref<128x384xf32, #tpu.memory_space<vmem>>, %arg7: memref<1x128xf32, #tpu.memory_space<vmem>>, %arg8: memref<1x384xf32, #tpu.memory_space<vmem>>, %arg9: memref<1000x128xf32, #tpu.memory_space<vmem>>, %arg10: memref<1000x256xf32, #tpu.memory_space<vmem>>, %arg11: memref<1000x384xf32, #tpu.memory_space<vmem>>, %arg12: memref<1x128xf32, #tpu.memory_space<vmem>>) attributes {dimension_semantics = [#tpu.dimension_semantics<arbitrary>], iteration_bounds = array<i64: 10>, scalar_prefetch = 0 : i64, scratch_operands = 0 : i64, tpu.core_type = #tpu.core_type<tc>, window_params = [{transform_indices = @transform_0, window_bounds = array<i64: 1000, 128>}, {transform_indices = @transform_1, window_bounds = array<i64: 1000, 128>}, {transform_indices = @transform_2, window_bounds = array<i64: 1000, 128>}, {pipeline_mode = #tpu.pipeline_mode<synchronous>, transform_indices = @transform_3, window_bounds = array<i64: 128, 128>}, {pipeline_mode = #tpu.pipeline_mode<synchronous>, transform_indices = @transform_4, window_bounds = array<i64: 128, 128>}, {pipeline_mode = #tpu.pipeline_mode<synchronous>, transform_indices = @transform_5, window_bounds = array<i64: 128, 384>}, {pipeline_mode = #tpu.pipeline_mode<synchronous>, transform_indices = @transform_6, window_bounds = array<i64: 1, 128>}, {pipeline_mode = #tpu.pipeline_mode<synchronous>, transform_indices = @transform_7, window_bounds = array<i64: 1, 384>}, {transform_indices = @transform_8, window_bounds = array<i64: 1000, 128>}, {transform_indices = @transform_9, window_bounds = array<i64: 1000, 256>}, {transform_indices = @transform_10, window_bounds = array<i64: 1000, 384>}, {pipeline_mode = #tpu.pipeline_mode<synchronous>, transform_indices = @transform_11, window_bounds = array<i64: 1, 128>}]} {
    %get3A = arith.constant 0 : index
    %get3A_0 = arith.constant 0 : index
    %get3A_1 = vector.load %arg1[%get3A, %get3A_0] : memref<1000x128xf32, #tpu.memory_space<vmem>>, vector<1000x128xf32>
    %get3A_2 = arith.constant 0 : index
    %get3A_3 = arith.constant 0 : index
    %get3A_4 = vector.load %arg2[%get3A_2, %get3A_3] : memref<1000x128xf32, #tpu.memory_space<vmem>>, vector<1000x128xf32>
    %get3A_5 = arith.constant 0 : index
    %get3A_6 = arith.constant 0 : index
    %get3A_7 = vector.load %arg3[%get3A_5, %get3A_6] : memref<1000x128xf32, #tpu.memory_space<vmem>>, vector<1000x128xf32>
    %get3A_8 = arith.constant 0 : index
    %get3A_9 = arith.constant 0 : index
    %get3A_10 = vector.load %arg4[%get3A_8, %get3A_9] : memref<128x128xf32, #tpu.memory_space<vmem>>, vector<128x128xf32>
    %dot_general3A = arith.constant dense<0.000000e+00> : vector<1000x128xf32>
    %dot_general3A_11 = tpu.matmul %get3A_1, %get3A_10, %dot_general3A {dimension_numbers = #tpu.dot_dimension_numbers<[1], [0], [0], [1], [0, 0, 1, 1], [], []>, transpose_lhs_hint = false} : vector<1000x128xf32>, vector<128x128xf32>, vector<1000x128xf32> -> vector<1000x128xf32>
    %get3A_12 = arith.constant 0 : index
    %get3A_13 = arith.constant 0 : index
    %get3A_14 = vector.load %arg7[%get3A_12, %get3A_13] : memref<1x128xf32, #tpu.memory_space<vmem>>, vector<1x128xf32>
    %add3A = vector.broadcast %get3A_14 : vector<1x128xf32> to vector<1000x128xf32>
    %add3A_15 = arith.addf %dot_general3A_11, %add3A : vector<1000x128xf32>
    %neg3A = arith.constant 0.000000e+00 : f32
    %neg3A_16 = vector.broadcast %neg3A : f32 to vector<1000x128xf32>
    %neg3A_17 = arith.subf %neg3A_16, %add3A_15 : vector<1000x128xf32>
    %swap3A = arith.constant 0 : index
    %swap3A_18 = arith.constant 0 : index
    %swap3A_19 = vector.load %arg9[%swap3A, %swap3A_18] : memref<1000x128xf32, #tpu.memory_space<vmem>>, vector<1000x128xf32>
    tpu.vector_store %arg9[%swap3A, %swap3A_18], %neg3A_17 {strides = array<i32>} : memref<1000x128xf32, #tpu.memory_space<vmem>>, vector<1000x128xf32>,
    %get3A_20 = arith.constant 0 : index
    %get3A_21 = arith.constant 0 : index
    %get3A_22 = vector.load %arg5[%get3A_20, %get3A_21] : memref<128x128xf32, #tpu.memory_space<vmem>>, vector<128x128xf32>
    %dot_general3A_23 = arith.constant dense<0.000000e+00> : vector<1000x128xf32>
    %dot_general3A_24 = tpu.matmul %get3A_4, %get3A_22, %dot_general3A_23 {dimension_numbers = #tpu.dot_dimension_numbers<[1], [0], [0], [1], [0, 0, 1, 1], [], []>, transpose_lhs_hint = false} : vector<1000x128xf32>, vector<128x128xf32>, vector<1000x128xf32> -> vector<1000x128xf32>
    %neg3A_25 = arith.constant 0.000000e+00 : f32
    %neg3A_26 = vector.broadcast %neg3A_25 : f32 to vector<1000x128xf32>
    %neg3A_27 = arith.subf %neg3A_26, %dot_general3A_24 : vector<1000x128xf32>
    %slice3A = vector.extract_strided_slice %neg3A_27 {offsets = [0, 0], sizes = [1000, 64], strides = [1, 1]} : vector<1000x128xf32> to vector<1000x64xf32>
    %slice3A_28 = vector.extract_strided_slice %get3A_7 {offsets = [0, 0], sizes = [1000, 64], strides = [1, 1]} : vector<1000x128xf32> to vector<1000x64xf32>
    %slice3A_29 = vector.extract_strided_slice %neg3A_27 {offsets = [0, 64], sizes = [1000, 64], strides = [1, 1]} : vector<1000x128xf32> to vector<1000x64xf32>
    %slice3A_30 = vector.extract_strided_slice %get3A_7 {offsets = [0, 64], sizes = [1000, 64], strides = [1, 1]} : vector<1000x128xf32> to vector<1000x64xf32>
    %concatenate3A = tpu.concatenate %slice3A, %slice3A_28, %slice3A_29, %slice3A_30 in 1 : vector<1000x64xf32>, vector<1000x64xf32>, vector<1000x64xf32>, vector<1000x64xf32> -> vector<1000x256xf32>
    %swap3A_31 = arith.constant 0 : index
    %swap3A_32 = arith.constant 0 : index
    %swap3A_33 = vector.load %arg10[%swap3A_31, %swap3A_32] : memref<1000x256xf32, #tpu.memory_space<vmem>>, vector<1000x256xf32>
    tpu.vector_store %arg10[%swap3A_31, %swap3A_32], %concatenate3A {strides = array<i32>} : memref<1000x256xf32, #tpu.memory_space<vmem>>, vector<1000x256xf32>,
    %get3A_34 = arith.constant 0 : index
    %get3A_35 = arith.constant 0 : index
    %get3A_36 = vector.load %arg6[%get3A_34, %get3A_35] : memref<128x384xf32, #tpu.memory_space<vmem>>, vector<128x384xf32>
    %dot_general3A_37 = arith.constant dense<0.000000e+00> : vector<1000x384xf32>
    %dot_general3A_38 = tpu.matmul %get3A_1, %get3A_36, %dot_general3A_37 {dimension_numbers = #tpu.dot_dimension_numbers<[1], [0], [0], [1], [0, 0, 1, 1], [], []>, transpose_lhs_hint = false} : vector<1000x128xf32>, vector<128x384xf32>, vector<1000x384xf32> -> vector<1000x384xf32>
    %get3A_39 = arith.constant 0 : index
    %get3A_40 = arith.constant 0 : index
    %get3A_41 = vector.load %arg8[%get3A_39, %get3A_40] : memref<1x384xf32, #tpu.memory_space<vmem>>, vector<1x384xf32>
    %add3A_42 = vector.broadcast %get3A_41 : vector<1x384xf32> to vector<1000x384xf32>
    %add3A_43 = arith.addf %dot_general3A_38, %add3A_42 : vector<1000x384xf32>
    %swap3A_44 = arith.constant 0 : index
    %swap3A_45 = arith.constant 0 : index
    %swap3A_46 = vector.load %arg11[%swap3A_44, %swap3A_45] : memref<1000x384xf32, #tpu.memory_space<vmem>>, vector<1000x384xf32>
    tpu.vector_store %arg11[%swap3A_44, %swap3A_45], %add3A_43 {strides = array<i32>} : memref<1000x384xf32, #tpu.memory_space<vmem>>, vector<1000x384xf32>,
    %get3A_47 = arith.constant 0 : index
    %get3A_48 = arith.constant 0 : index
    %get3A_49 = vector.load %arg5[%get3A_47, %get3A_48] : memref<128x128xf32, #tpu.memory_space<vmem>>, vector<128x128xf32>
    %reduce_sum3A = arith.constant dense<0.000000e+00> : vector<128xf32>
    %reduce_sum3A_50 = vector.multi_reduction <add>, %get3A_49, %reduce_sum3A [0] : vector<128x128xf32> to vector<128xf32>
    %broadcast_in_dim3A = vector.shape_cast %reduce_sum3A_50 : vector<128xf32> to vector<1x128xf32>
    %neg3A_51 = arith.constant 0.000000e+00 : f32
    %neg3A_52 = vector.broadcast %neg3A_51 : f32 to vector<1x128xf32>
    %neg3A_53 = arith.subf %neg3A_52, %broadcast_in_dim3A : vector<1x128xf32>
    %swap3A_54 = arith.constant 0 : index
    %swap3A_55 = arith.constant 0 : index
    %swap3A_56 = vector.load %arg12[%swap3A_54, %swap3A_55] : memref<1x128xf32, #tpu.memory_space<vmem>>, vector<1x128xf32>
    tpu.vector_store %arg12[%swap3A_54, %swap3A_55], %neg3A_53 {strides = array<i32>} : memref<1x128xf32, #tpu.memory_space<vmem>>, vector<1x128xf32>,
    return
  }
  func.func @transform_0(%arg0: i32) -> (i32, i32) {
    %c0_i32 = arith.constant 0 : i32
    %c0_i32_0 = arith.constant 0 : i32
    return %arg0, %c0_i32 : i32, i32
  }
  func.func @transform_1(%arg0: i32) -> (i32, i32) {
    %c0_i32 = arith.constant 0 : i32
    %c0_i32_0 = arith.constant 0 : i32
    return %arg0, %c0_i32 : i32, i32
  }
  func.func @transform_2(%arg0: i32) -> (i32, i32) {
    %c0_i32 = arith.constant 0 : i32
    %c0_i32_0 = arith.constant 0 : i32
    return %arg0, %c0_i32 : i32, i32
  }
  func.func @transform_3(%arg0: i32) -> (i32, i32) {
    %c0_i32 = arith.constant 0 : i32
    %c0_i32_0 = arith.constant 0 : i32
    %c0_i32_1 = arith.constant 0 : i32
    return %c0_i32, %c0_i32_0 : i32, i32
  }
  func.func @transform_4(%arg0: i32) -> (i32, i32) {
    %c0_i32 = arith.constant 0 : i32
    %c0_i32_0 = arith.constant 0 : i32
    %c0_i32_1 = arith.constant 0 : i32
    return %c0_i32, %c0_i32_0 : i32, i32
  }
  func.func @transform_5(%arg0: i32) -> (i32, i32) {
    %c0_i32 = arith.constant 0 : i32
    %c0_i32_0 = arith.constant 0 : i32
    %c0_i32_1 = arith.constant 0 : i32
    return %c0_i32, %c0_i32_0 : i32, i32
  }
  func.func @transform_6(%arg0: i32) -> (i32, i32) {
    %c0_i32 = arith.constant 0 : i32
    %c0_i32_0 = arith.constant 0 : i32
    %c0_i32_1 = arith.constant 0 : i32
    return %c0_i32, %c0_i32_0 : i32, i32
  }
  func.func @transform_7(%arg0: i32) -> (i32, i32) {
    %c0_i32 = arith.constant 0 : i32
    %c0_i32_0 = arith.constant 0 : i32
    %c0_i32_1 = arith.constant 0 : i32
    return %c0_i32, %c0_i32_0 : i32, i32
  }
  func.func @transform_8(%arg0: i32) -> (i32, i32) {
    %c0_i32 = arith.constant 0 : i32
    %c0_i32_0 = arith.constant 0 : i32
    return %arg0, %c0_i32 : i32, i32
  }
  func.func @transform_9(%arg0: i32) -> (i32, i32) {
    %c0_i32 = arith.constant 0 : i32
    %c0_i32_0 = arith.constant 0 : i32
    return %arg0, %c0_i32 : i32, i32
  }
  func.func @transform_10(%arg0: i32) -> (i32, i32) {
    %c0_i32 = arith.constant 0 : i32
    %c0_i32_0 = arith.constant 0 : i32
    return %arg0, %c0_i32 : i32, i32
  }
  func.func @transform_11(%arg0: i32) -> (i32, i32) {
    %c0_i32 = arith.constant 0 : i32
    %c0_i32_0 = arith.constant 0 : i32
    %c0_i32_1 = arith.constant 0 : i32
    return %c0_i32, %c0_i32_0 : i32, i32
  }
}

module attributes {stable_mosaic.version = 14 : i64} {
  func.func @_tc2_body(%arg0: i32, %arg1: memref<1000x128xf32, #tpu.memory_space<vmem>>, %arg2: memref<1000x16xf32, #tpu.memory_space<vmem>>, %arg3: memref<1000x128xf32, #tpu.memory_space<vmem>>, %arg4: memref<1000x384xf32, #tpu.memory_space<vmem>>, %arg5: memref<128x384xf32, #tpu.memory_space<vmem>>, %arg6: memref<1000x128xf32, #tpu.memory_space<vmem>>, %arg7: memref<1000x128xf32, #tpu.memory_space<vmem>>) attributes {dimension_semantics = [#tpu.dimension_semantics<arbitrary>], iteration_bounds = array<i64: 10>, scalar_prefetch = 0 : i64, scratch_operands = 0 : i64, tpu.core_type = #tpu.core_type<tc>, window_params = [{transform_indices = @transform_0, window_bounds = array<i64: 1000, 128>}, {transform_indices = @transform_1, window_bounds = array<i64: 1000, 16>}, {transform_indices = @transform_2, window_bounds = array<i64: 1000, 128>}, {transform_indices = @transform_3, window_bounds = array<i64: 1000, 384>}, {pipeline_mode = #tpu.pipeline_mode<synchronous>, transform_indices = @transform_4, window_bounds = array<i64: 128, 384>}, {transform_indices = @transform_5, window_bounds = array<i64: 1000, 128>}, {transform_indices = @transform_6, window_bounds = array<i64: 1000, 128>}]} {
    %get3A = arith.constant 0 : index
    %get3A_0 = arith.constant 0 : index
    %get3A_1 = vector.load %arg1[%get3A, %get3A_0] : memref<1000x128xf32, #tpu.memory_space<vmem>>, vector<1000x128xf32>
    %get3A_2 = arith.constant 0 : index
    %get3A_3 = arith.constant 0 : index
    %get3A_4 = vector.load %arg2[%get3A_2, %get3A_3] : memref<1000x16xf32, #tpu.memory_space<vmem>>, vector<1000x1xf32>
    %add3A = vector.broadcast %get3A_4 : vector<1000x1xf32> to vector<1000x128xf32>
    %add3A_5 = arith.addf %get3A_1, %add3A : vector<1000x128xf32>
    %get3A_6 = arith.constant 0 : index
    %get3A_7 = arith.constant 0 : index
    %get3A_8 = vector.load %arg5[%get3A_6, %get3A_7] : memref<128x384xf32, #tpu.memory_space<vmem>>, vector<128x384xf32>
    %dot_general3A = arith.constant dense<0.000000e+00> : vector<1000x384xf32>
    %dot_general3A_9 = tpu.matmul %add3A_5, %get3A_8, %dot_general3A {dimension_numbers = #tpu.dot_dimension_numbers<[1], [0], [0], [1], [0, 0, 1, 1], [], []>, transpose_lhs_hint = false} : vector<1000x128xf32>, vector<128x384xf32>, vector<1000x384xf32> -> vector<1000x384xf32>
    %get3A_10 = arith.constant 0 : index
    %get3A_11 = arith.constant 0 : index
    %get3A_12 = vector.load %arg4[%get3A_10, %get3A_11] : memref<1000x384xf32, #tpu.memory_space<vmem>>, vector<1000x384xf32>
    %add3A_13 = arith.addf %dot_general3A_9, %get3A_12 : vector<1000x384xf32>
    %slice3A = vector.extract_strided_slice %add3A_13 {offsets = [0, 0], sizes = [1000, 128], strides = [1, 1]} : vector<1000x384xf32> to vector<1000x128xf32>
    %logistic3A = arith.negf %slice3A : vector<1000x128xf32>
    %logistic3A_14 = math.exp %logistic3A : vector<1000x128xf32>
    %logistic3A_15 = arith.constant 1.000000e+00 : f32
    %logistic3A_16 = vector.broadcast %logistic3A_15 : f32 to vector<1000x128xf32>
    %logistic3A_17 = arith.addf %logistic3A_16, %logistic3A_14 : vector<1000x128xf32>
    %logistic3A_18 = arith.divf %logistic3A_16, %logistic3A_17 : vector<1000x128xf32>
    %slice3A_19 = vector.extract_strided_slice %add3A_13 {offsets = [0, 128], sizes = [1000, 128], strides = [1, 1]} : vector<1000x384xf32> to vector<1000x128xf32>
    %logistic3A_20 = arith.negf %slice3A_19 : vector<1000x128xf32>
    %logistic3A_21 = math.exp %logistic3A_20 : vector<1000x128xf32>
    %logistic3A_22 = arith.constant 1.000000e+00 : f32
    %logistic3A_23 = vector.broadcast %logistic3A_22 : f32 to vector<1000x128xf32>
    %logistic3A_24 = arith.addf %logistic3A_23, %logistic3A_21 : vector<1000x128xf32>
    %logistic3A_25 = arith.divf %logistic3A_23, %logistic3A_24 : vector<1000x128xf32>
    %slice3A_26 = vector.extract_strided_slice %add3A_13 {offsets = [0, 256], sizes = [1000, 128], strides = [1, 1]} : vector<1000x384xf32> to vector<1000x128xf32>
    %tanh3A = math.tanh %slice3A_26 : vector<1000x128xf32>
    %mul3A = arith.mulf %logistic3A_18, %tanh3A : vector<1000x128xf32>
    %get3A_27 = arith.constant 0 : index
    %get3A_28 = arith.constant 0 : index
    %get3A_29 = vector.load %arg3[%get3A_27, %get3A_28] : memref<1000x128xf32, #tpu.memory_space<vmem>>, vector<1000x128xf32>
    %add3A_30 = arith.addf %mul3A, %get3A_29 : vector<1000x128xf32>
    %swap3A = arith.constant 0 : index
    %swap3A_31 = arith.constant 0 : index
    %swap3A_32 = vector.load %arg7[%swap3A, %swap3A_31] : memref<1000x128xf32, #tpu.memory_space<vmem>>, vector<1000x128xf32>
    tpu.vector_store %arg7[%swap3A, %swap3A_31], %add3A_30 {strides = array<i32>} : memref<1000x128xf32, #tpu.memory_space<vmem>>, vector<1000x128xf32>,
    %tanh3A_33 = math.tanh %add3A_30 : vector<1000x128xf32>
    %mul3A_34 = arith.mulf %logistic3A_25, %tanh3A_33 : vector<1000x128xf32>
    %swap3A_35 = arith.constant 0 : index
    %swap3A_36 = arith.constant 0 : index
    %swap3A_37 = vector.load %arg6[%swap3A_35, %swap3A_36] : memref<1000x128xf32, #tpu.memory_space<vmem>>, vector<1000x128xf32>
    tpu.vector_store %arg6[%swap3A_35, %swap3A_36], %mul3A_34 {strides = array<i32>} : memref<1000x128xf32, #tpu.memory_space<vmem>>, vector<1000x128xf32>,
    return
  }
  func.func @transform_0(%arg0: i32) -> (i32, i32) {
    %c0_i32 = arith.constant 0 : i32
    %c0_i32_0 = arith.constant 0 : i32
    return %arg0, %c0_i32 : i32, i32
  }
  func.func @transform_1(%arg0: i32) -> (i32, i32) {
    %c0_i32 = arith.constant 0 : i32
    %c0_i32_0 = arith.constant 0 : i32
    return %arg0, %c0_i32 : i32, i32
  }
  func.func @transform_2(%arg0: i32) -> (i32, i32) {
    %c0_i32 = arith.constant 0 : i32
    %c0_i32_0 = arith.constant 0 : i32
    return %arg0, %c0_i32 : i32, i32
  }
  func.func @transform_3(%arg0: i32) -> (i32, i32) {
    %c0_i32 = arith.constant 0 : i32
    %c0_i32_0 = arith.constant 0 : i32
    return %arg0, %c0_i32 : i32, i32
  }
  func.func @transform_4(%arg0: i32) -> (i32, i32) {
    %c0_i32 = arith.constant 0 : i32
    %c0_i32_0 = arith.constant 0 : i32
    %c0_i32_1 = arith.constant 0 : i32
    return %c0_i32, %c0_i32_0 : i32, i32
  }
  func.func @transform_5(%arg0: i32) -> (i32, i32) {
    %c0_i32 = arith.constant 0 : i32
    %c0_i32_0 = arith.constant 0 : i32
    return %arg0, %c0_i32 : i32, i32
  }
  func.func @transform_6(%arg0: i32) -> (i32, i32) {
    %c0_i32 = arith.constant 0 : i32
    %c0_i32_0 = arith.constant 0 : i32
    return %arg0, %c0_i32 : i32, i32
  }
}

</mosaic_0001>

<sc_bundles>
// kernel: kernel.5.cloned.1.call-start
scs
__scs_entry_jumppad:
0x0: {  	(pc) =	sbr.rel $0x88, $3  }
0x1: {  	(tag) =	ssettag $0x0;
	lr =	simm.s32 $0x1  }
0x2: {  	[smem:$0x3F96] =	sst lr;
	_ =	strace $0xD0000000  }
0x3: {  	_ = 	snop  }
0x4: {  	_ = 	snop  }
0x5: {  	_ = 	snop  }
0x6: {  	_ = 	snop  }
0x7: {  	_ = 	snop  }
__scs_overlays_trampoline_lowered:
0x8: {  	[smem:$0x3FA5] =	sst s0  }
0x9: {  	[smem:$0x3FA6] =	sst s1  }
0xa: {  	[smem:$0x3FA7] =	sst s2  }
0xb: {  	[smem:$0x3FA8] =	sst s3  }
0xc: {  	[smem:$0x3FA9] =	sst s4  }
0xd: {  	[smem:$0x3FAA] =	sst s5  }
0xe: {  	[smem:$0x3FAB] =	sst s6  }
0xf: {  	[smem:$0x3FAC] =	sst s7  }
0x10: {  	[smem:$0x3FAD] =	sst s8  }
0x11: {  	[smem:$0x3FAE] =	sst s9;
	s0 =	simm.s32 @!p0 $0x0  }
0x12: {  	s1 =	sld [smem:$0x3F94];
	s0 =	simm.s32 @p0 $0x1  }
0x13: {  	[smem:$0x3FAF] =	sst s0;
	s0 =	simm.s32 @!p1 $0x0  }
0x14: {  	s2 =	sld [smem:$0x3F93];
	s0 =	simm.s32 @p1 $0x1  }
0x15: {  	[smem:$0x3FB0] =	sst s0;
	s0 =	simm.s32 @!p2 $0x0  }
0x16: {  	s3 =	sld [smem:$0x3FDB];
	s0 =	simm.s32 @p2 $0x1  }
0x17: {  	s4 =	simm.s32 $0x1BF5;
	[smem:$0x3FB2] =	sst s0  }
0x18: {  	s0 =	sld [smem:$0x3F95];
	_ =	swait.ge [sflag:s4], $0x0  }
0x19: {  	s7 =	sld [smem:$0x3F96]  }
0x1a: {  	s8 =	sadd.s32 $0xFFFFE003, lr  }
0x1b: {  	s9 =	sadd.s32 $0xFFFFFEF7, lr;
	s5 =	simm.s32 $0xFFFFFFFF;
	p2 =	slt.u32 s8, $0xFFFFF086  }
0x1c: {  	p1 =	slt.u32 s9, $0xF7A;
	s5 =	simm.s32 @!p2 $0x0  }
0x1d: {  	s5 =	simm.s32 @p1 $0x1;
	p0 =	seq.s32 s7, s2  }
0x1e: {  	s7 =	smul.u32 @!p0 $0xF7A, s2;
	p2 =	seq.s32 @!p0 s5, $0x0  }
0x1f: {  	s9 =	smul.u32 $0xF7A, s1;
	s8 =	simm.s32 @!p0 $0x1BF5;
	p2 =	por !p2, p0  }
0x20: {  	[sflag:s8] =	ssyncset.s32 @!p0 $0xFFFFF086;
	s6 =	sadd.s32 @!p0 s3, s7;
	s7 =	simm.s32 @!p0 $0x108  }
0x21: {  	s3 =	sadd.s32 s3, s9;
	s6 =	sadd.s32 @!p0 $0x88, s6;
	s7 =	simm.s32 @p2 $0x1082  }
0x22: {  	[simem:s7], [sflag:s8] =	dma.local @!p0 [hbm:s6], $0xF7A  }
0x23: {  	s9 =	sor.u32 $0xD0000000, s2;
	s6 =	simm.s32 $0x108;
	_ =	swait.ge @!p0 [sflag:s8], $0x0  }
0x24: {  	s3 =	sadd.s32 $0x88, s3;
	s6 =	simm.s32 @!p1 $0x1082;
	[sflag:s4] =	ssyncset.s32 $0xFFFFF086  }
0x25: {  	[simem:s6], [sflag:s4] =	dma.local [hbm:s3], $0xF7A  }
0x26: {  	[smem:$0x3F96] =	sst s1;
	(tag) =	ssettag s2;
	_ =	strace s9  }
0x27: {  	s1 =	sld [smem:$0x3FA6]  }
0x28: {  	s2 =	sld [smem:$0x3FA7]  }
0x29: {  	s4 =	sld [smem:$0x3FA9]  }
0x2a: {  	p0 =	seq.s32 s5, $0x0;
	s5 =	sld [smem:$0x3FAA]  }
0x2b: {  	s6 =	sld [smem:$0x3FAB]  }
0x2c: {  	s7 =	sld [smem:$0x3FAC]  }
0x2d: {  	s3 =	simm.s32 $0x108;
	s8 =	sld [smem:$0x3FAD]  }
0x2e: {  	s3 =	simm.s32 @!p0 $0x1082;
	s9 =	sld [smem:$0x3FAE]  }
0x2f: {  	lr =	sadd.s32 s0, s3;
	s0 =	sld [smem:$0x3FA5]  }
0x30: {  	s3 =	sld [smem:$0x3FA8]  }
0x31: {  	[smem:$0x3FB1] =	sst s10  }
0x32: {  	s10 =	sld [smem:$0x3FAF];
	_ =	sdelay $0x3  }
0x33: {  	p0 =	seq.s32 s10, $0x1;
	s10 =	sld [smem:$0x3FB1];
	_ =	sdelay $0x3  }
0x34: {  	[smem:$0x3FB1] =	sst s10  }
0x35: {  	s10 =	sld [smem:$0x3FB0];
	_ =	sdelay $0x3  }
0x36: {  	p1 =	seq.s32 s10, $0x1;
	s10 =	sld [smem:$0x3FB1];
	_ =	sdelay $0x3  }
0x37: {  	[smem:$0x3FB1] =	sst s10  }
0x38: {  	s10 =	sld [smem:$0x3FB2]  }
0x39: {  	_ = 	snop;
	(pc) =	sbr.ind lr, $3  }
0x3a: {  	_ = 	snop  }
0x3b: {  	_ = 	snop  }
0x3c: {  	p2 =	seq.s32 s10, $0x1;
	s10 =	sld [smem:$0x3FB1]  }
0x3d: {  	_ =	shalt  }
0x3e: {  	_ =	shalt  }
0x3f: {  	_ =	shalt  }
0x40: {  	_ =	shalt  }
0x41: {  	_ =	shalt  }
0x42: {  	_ =	shalt  }
0x43: {  	_ =	shalt  }
0x44: {  	_ =	shalt  }
0x45: {  	_ =	shalt  }
0x46: {  	_ =	shalt  }
0x47: {  	_ =	shalt  }
0x48: {  	_ =	shalt  }
0x49: {  	_ =	shalt  }
0x4a: {  	_ =	shalt  }
0x4b: {  	_ =	shalt  }
0x4c: {  	_ =	shalt  }
0x4d: {  	_ =	shalt  }
0x4e: {  	_ =	shalt  }
0x4f: {  	_ =	shalt  }
0x50: {  	_ =	shalt  }
0x51: {  	_ =	shalt  }
0x52: {  	_ =	shalt  }
0x53: {  	_ =	shalt  }
0x54: {  	_ =	shalt  }
0x55: {  	_ =	shalt  }
0x56: {  	_ =	shalt  }
0x57: {  	_ =	shalt  }
0x58: {  	_ =	shalt  }
0x59: {  	_ =	shalt  }
0x5a: {  	_ =	shalt  }
0x5b: {  	_ =	shalt  }
0x5c: {  	_ =	shalt  }
0x5d: {  	_ =	shalt  }
0x5e: {  	_ =	shalt  }
0x5f: {  	_ =	shalt  }
0x60: {  	_ =	shalt  }
0x61: {  	_ =	shalt  }
0x62: {  	_ =	shalt  }
0x63: {  	_ =	shalt  }
0x64: {  	_ =	shalt  }
0x65: {  	_ =	shalt  }
0x66: {  	_ =	shalt  }
0x67: {  	_ =	shalt  }
0x68: {  	_ =	shalt  }
0x69: {  	_ =	shalt  }
0x6a: {  	_ =	shalt  }
0x6b: {  	_ =	shalt  }
0x6c: {  	_ =	shalt  }
0x6d: {  	_ =	shalt  }
0x6e: {  	_ =	shalt  }
0x6f: {  	_ =	shalt  }
0x70: {  	_ =	shalt  }
0x71: {  	_ =	shalt  }
0x72: {  	_ =	shalt  }
0x73: {  	_ =	shalt  }
0x74: {  	_ =	shalt  }
0x75: {  	_ =	shalt  }
0x76: {  	_ =	shalt  }
0x77: {  	_ =	shalt  }
0x78: {  	_ =	shalt  }
0x79: {  	_ =	shalt  }
0x7a: {  	_ =	shalt  }
0x7b: {  	_ =	shalt  }
0x7c: {  	_ =	shalt  }
0x7d: {  	_ =	shalt  }
0x7e: {  	_ =	shalt  }
0x7f: {  	_ =	shalt  }
0x80: {  	_ =	shalt  }
0x81: {  	_ =	shalt  }
0x82: {  	_ =	shalt  }
0x83: {  	_ =	shalt  }
0x84: {  	_ =	shalt  }
0x85: {  	_ =	shalt  }
0x86: {  	_ =	shalt  }
0x87: {  	_ =	shalt  }
.Lfunc_end0:
.L_simem_size_0:
called_computation_lowered:
.L_overlay_start_0:
0x88: {  	s2 =	sld [smem:$0x3FD9]  }
0x89: {  	s3 =	sld [smem:$0x3FFE];
	_ =	sdelay $0x1  }
0x8a: {  	s1 =	srdreg.scid  }
0x8b: {  	s0 =	sand.u32 $0x1, s1  }
0x8c: {  	s14 =	sshll.u32 s0, $0xA;
	s2 =	sadd.s32 s3, s2  }
0x8d: {  	s2 =	sadd.s32 s2, s14  }
0x8e: {  	[smem:$0x3FBD] =	sst s2  }
0x8f: {  	_ = 	snop  }
0x90: {  	s2 =	sld [smem:$0x3FD0];
	_ =	sdelay $0x2  }
0x91: {  	s4 =	simm.s32 $0xA;
	s5 =	simm.s32 $0x10;
	s15 =	sld [smem:$0x3FC8]  }
0x92: {  	[smem:s5], [sflag:s4] =	dma.local [hbm:s2], $0x1  }
0x93: {  	_ =	swait.eq [sflag:s4], $0x1  }
0x94: {  	[sflag:s4] =	ssyncset.done $0x0  }
0x95: {  	s16 =	sld [smem:$0x10];
	[sflag:s4] =	ssyncadd.s32 $0xFFFFFFFF  }
0x96: {  	s17 =	sld [smem:$0x11];
	(tm) =	ssettm $0x1  }
0x97: {  	s18 =	sld [smem:$0x3FFB];
	_ =	sdelay $0x3  }
0x98: {  	_ =	strace s18  }
0x99: {  	s5 =	sld [smem:$0x3FFC];
	_ =	sdelay $0x3  }
0x9a: {  	_ =	strace s5  }
0x9b: {  	s5 =	sld [smem:$0x3FFD];
	_ =	sdelay $0x3  }
0x9c: {  	_ =	strace s5  }
0x9d: {  	_ =	strace $0x8FFFFFFF  }
0x9e: {  	s19 =	sld [smem:$0x3FDB];
	_ =	sdelay $0x1  }
0x9f: {  	s6 =	simm.s32 $_scs_section_size  }
0xa0: {  	s7 =	simm.s32 $_size__tile_overlayer_lowered;
	s8 =	simm.s32 $_tile_overlayer_lowered  }
0xa1: {  	s22 =	simm.s32 $0x1BFF;
	s21 =	sshll.u32 s8, $0x1;
	s5 =	sadd.s32 s6, s19  }
0xa2: {  	s9 =	simm.s32 $0x0;
	s20 =	sshll.u32 s7, $0x1;
	s7 =	sadd.s32 s21, s5  }
0xa3: {  	[timem:s9], [sflag:s22] =	dma.local [hbm:s7], s20  }
0xa4: {  	_ =	swait.ge [sflag:s22], s20  }
0xa5: {  	s6 =	ssub.s32 $0x0, s20;
	[sflag:s22] =	ssyncset.done $0x0  }
0xa6: {  	[sflag:s22] =	ssyncadd.s32 s6;
	_ =	sdelay $0x1  }
0xa7: {  	s23 =	simm.s32 $0x1B8B  }
0xa8: {  	_ =	swait.ge [sflag:s23], $0x1  }
0xa9: {  	[sflag:s23] =	ssyncset.done $0x0  }
0xaa: {  	s25 =	simm.s32 $0x1B8E;
	s24 =	sld [smem:$0x3FFE];
	[sflag:s23] =	ssyncadd.s32 $0xFFFFFFFF  }
0xab: {  	s26 =	simm.s32 $execute0_lowered;
	[smem:$0x3FD2] =	sst s25  }
0xac: {  	s7 =	sshll.u32 s26, $0x1;
	_ =	strace $0x80000046;
	[dreg:$0x1] =	wrdreg $0xFFFFFFFF  }
0xad: {  	s28 =	simm.s32 $_size_execute0_lowered;
	s5 =	sadd.s32 s5, s7;
	[dreg:$0x0] =	wrdreg $0x0  }
0xae: {  	s7 =	sshll.u32 s28, $0x1;
	[dreg:$0x2] =	wrdreg s5  }
0xaf: {  	[dreg:$0x3] =	wrdreg s7  }
0xb0: {  	[dreg:$0x4] =	wrdreg $0xC0  }
0xb1: {  	_ =	task [dreg:s9], $0x5FFFF  }
0xb2: {  	[dreg:$0x1] =	wrdreg $0xFFFFFFFF  }
0xb3: {  	[dreg:$0x0] =	wrdreg $0x60  }
0xb4: {  	[dreg:$0x2] =	wrdreg s24  }
0xb5: {  	[dreg:$0x3] =	wrdreg s17  }
0xb6: {  	[dreg:$0x4] =	wrdreg s15  }
0xb7: {  	[dreg:$0x5] =	wrdreg s16  }
0xb8: {  	[dreg:$0x6] =	wrdreg $0x11C000  }
0xb9: {  	[dreg:$0x7] =	wrdreg $0x1B8400  }
0xba: {  	[dreg:$0x8] =	wrdreg $0x9  }
0xbb: {  	_ =	task.clear_ibuf [dreg:s9], $0x9FFFF;
	_ =	strace $0x90000046  }
0xbc: {  	s29 =	simm.s32 $0x9;
	_ =	strace $0x80000048  }
0xbd: {  	_ =	swait.ge [sflag:s29], $0x1  }
0xbe: {  	[sflag:s29] =	ssyncadd.s32 $0xFFFFFFFF  }
0xbf: {  	_ =	strace $0x90000048  }
0xc0: {  	_ =	sfence  }
0xc1: {  	s30 =	sld [smem:$0x0];
	_ =	sdelay $0x2  }
0xc2: {  	s31 =	sshll.u32 s1, $0xD;
	s1 =	sshrl.u32 s1, $0x2  }
0xc3: {  	s3 =	sand.u32 $0x4000, s31;
	s1 =	sadd.s32 s1, s30  }
0xc4: {  	s0 =	sor.u32 s3, s0;
	s1 =	sshll.u32 s1, $0x11  }
0xc5: {  	s0 =	sor.u32 s1, s0  }
0xc6: {  	s0 =	sadd.s32 $0x8F2B, s0  }
0xc7: {  	[sflag:s0] =	ssyncadd.remote.s32 $0x1  }
0xc8: {  	_ =	sfence.sel $0xFFFF  }
0xc9: {  	[dreg:$0x0] =	wrdreg $0xFFFFFFFF;
	(pc) =	sbr.abs _section_cstart, $3  }
0xca: {  	[dreg:$0x1] =	wrdreg $0xFFFFFFFF  }
0xcb: {  	_ =	task.clear_ibuf [dreg:s9], $0x2FFFF;
	_ =	strace $0x9FFFFFFF  }
0xcc: {  	(tm) =	ssettm $0x7FFFFFFF  }
0xcd: {  	_ =	shalt  }
tec
execute0_lowered:
.L_overlay_start_1:
0x0: {  	(tag) =	ssettag $0x1  }
0x1: {  	s5 =	rddreg [dreg:$0x0]  }
0x2: {  	s4 =	rddreg [dreg:$0x1]  }
0x3: {  	s2 =	rddreg [dreg:$0x2]  }
0x4: {  	s10 =	rddreg [dreg:$0x3]  }
0x5: {  	s3 =	rddreg [dreg:$0x4]  }
0x6: {  	s1 =	rddreg [dreg:$0x5];
	s22 =	stileid.u32  }
0x7: {  	s6 =	simm.s32 $0x0;
	s0 =	srdreg.scid;
	s11 =	smul.u32 $0x9C00, s22  }
0x8: {  	s30 =	simm.s32 $0xB7C0;
	s29 =	simm.s32 $0x230;
	s14 =	smul.u32 $0x2700, s22  }
0x9: {  	[smem:$0x7FF] =	sst s6;
	s7 =	sadd.s32 $0xB600, s5;
	s15 =	smul.u32 $0x270, s22  }
0xa: {  	s8 =	sadd.s32 $0x1800, s5;
	s9 =	sadd.s32 $0x5F5200, s5;
	s18 =	smul.u32 $0x4E20, s22  }
0xb: {  	s0 =	sand.u32 $0x1, s0;
	s16 =	sadd.s32 $0x113200, s5;
	s26 =	smul.u32 $0x9C40, s22  }
0xc: {  	_ =	strace $0x80000047;
	s12 =	sshll.u32 s0, $0x3;
	s21 =	smul.u32 $0x2710, s0  }
0xd: {  	s17 =	ssub.s32 $0x2, s0;
	s31 =	smul.u32 $0x9C400, s0;
	s13 =	sshrl.u32 s11, $0x3  }
0xe: {  	s12 =	sadd.s32 s12, s5;
	s19 =	sshrl.u32 s14, $0x3;
	s20 =	sshrl.u32 s17, $0x1  }
0xf: {  	s23 =	sadd.s32 s11, s3;
	s11 =	sshrl.u32 s18, $0x3;
	s14 =	sadd.s32 s14, s1  }
0x10: {  	s13 =	sadd.s32 s13, s5;
	s12 =	sadd.s32 $0xC4E00, s12;
	[dreg:$0x1e] =	wrdreg s14  }
0x11: {  	s24 =	sadd.s32 s15, s21;
	s21 =	sadd.s32 s7, s11;
	[dreg:$0x7] =	wrdreg s12  }
0x12: {  	s17 =	ssub.s32 s17, s20;
	s11 =	sadd.s32 s8, s11;
	[dreg:$0xe] =	wrdreg s21  }
0x13: {  	s13 =	sadd.s32 $0x15400, s13;
	s12 =	sshll.u32 s24, $0x3;
	[dreg:$0xf] =	wrdreg s11  }
0x14: {  	s25 =	sshrl.u32 s31, $0x3;
	[dreg:$0x9] =	wrdreg s13;
	s31 =	sadd.s32 s10, s12  }
0x15: {  	s13 =	sadd.s32 $0x13800, s25;
	s12 =	sadd.s32 s16, s12;
	[dreg:$0xa] =	wrdreg s31  }
0x16: {  	s24 =	sadd.s32 $0x50, s18;
	s10 =	sadd.s32 s10, s13;
	[dreg:$0xc] =	wrdreg s12  }
0x17: {  	s25 =	sshrl.u32 s24, $0x3;
	s20 =	sadd.s32 s16, s13;
	[dreg:$0xb] =	wrdreg s10  }
0x18: {  	s16 =	sadd.s32 s9, s26;
	s26 =	sadd.s32 s7, s25;
	[dreg:$0xd] =	wrdreg s20  }
0x19: {  	s28 =	simm.s32 $0x8;
	s11 =	sadd.s32 s8, s25;
	[dreg:$0x11] =	wrdreg s26  }
0x1a: {  	s31 =	sadd.s32 $0xA0, s18;
	s12 =	sadd.s32 $0x1E0, s18;
	[dreg:$0x12] =	wrdreg s11  }
0x1b: {  	p1 =	sne.s32 s22, $0xF;
	s11 =	sshrl.u32 s31, $0x3;
	[dreg:$0x1c] =	wrdreg s12  }
0x1c: {  	s13 =	sshll.u32 s31, $0x1;
	s31 =	sadd.s32 $0x140, s18;
	[dreg:$0x10] =	wrdreg s16  }
0x1d: {  	s10 =	sshll.u32 s24, $0x1;
	s12 =	smov.u32 s23;
	[dreg:$0x1a] =	wrdreg s31  }
0x1e: {  	p0 =	sne.s32 s0, $0x0;
	s10 =	sadd.s32 s9, s10;
	[dreg:$0x8] =	wrdreg s12  }
0x1f: {  	p2 =	sne.s32 @!p0 s22, $0xF;
	s15 =	sadd.s32 s7, s11;
	[dreg:$0x13] =	wrdreg s10  }
0x20: {  	s20 =	sadd.s32 $0xF0, s18;
	s21 =	sadd.s32 s9, s13;
	[dreg:$0x14] =	wrdreg s15  }
0x21: {  	s24 =	sshrl.u32 s20, $0x3;
	s13 =	sadd.s32 $0x230, s18;
	[dreg:$0x16] =	wrdreg s21  }
0x22: {  	s26 =	sshll.u32 s20, $0x1;
	s20 =	sadd.s32 $0x2DC00, s5;
	[dreg:$0x1d] =	wrdreg s13  }
0x23: {  	s19 =	sadd.s32 s19, s5;
	s31 =	sadd.s32 $0x460, s16;
	[smem:$0x7F8] =	sst s20  }
0x24: {  	p2 =	por p2, p0;
	s10 =	sadd.s32 s8, s11;
	[smem:$0x7FD] =	sst s31  }
0x25: {  	s23 =	simm.s32 $0x190;
	s25 =	sadd.s32 s7, s24;
	[dreg:$0x15] =	wrdreg s10  }
0x26: {  	s16 =	simm.s32 $0x2;
	s11 =	sadd.s32 $0x190, s18;
	[dreg:$0x17] =	wrdreg s25  }
0x27: {  	s15 =	sadd.s32 $0x28E00, s19;
	s18 =	sadd.s32 $0x2DE00, s19;
	[dreg:$0x1b] =	wrdreg s11  }
0x28: {  	s19 =	sadd.s32 $0x28C00, s5;
	s21 =	smul.u32 $0x9C4, s22;
	[dreg:$0x1f] =	wrdreg s15  }
0x29: {  	s20 =	simm.s32 $0x140;
	s22 =	simm.s32 $0x50;
	[smem:$0x7F6] =	sst s18  }
0x2a: {  	s10 =	sadd.s32 s8, s24;
	s15 =	sadd.s32 $0xC5000, s5;
	[smem:$0x7F7] =	sst s19  }
0x2b: {  	s5 =	sadd.s32 $0x32C00, s5;
	s24 =	smax.u32 s17, $0x1;
	s25 =	sadd.s32 $0x9C000, s3  }
0x2c: {  	s18 =	simm.s32 $0x9;
	s11 =	simm.s32 $0xCBC0;
	[dreg:$0x18] =	wrdreg s10  }
.Ltmp0:
0x2d: {  	s10 =	sadd.s32 s9, s26;
	[smem:$0x7F9] =	sst s5;
	(pc) =	sbr.rel .LBB2_1-.Ltmp0, $4  }
0x2e: {  	[smem:$0x7FA] =	sst s24;
	s14 =	sadd.s32 s21, s8;
	s13 =	sadd.s32 s21, s7  }
0x2f: {  	[smem:$0x7FB] =	sst s25;
	s26 =	sadd.s32 $0x27000, s1;
	s24 =	simm.s32 $0x8C0  }
0x30: {  	s25 =	simm.s32 $0x1;
	s5 =	simm.s32 $0x5;
	[dreg:$0x19] =	wrdreg s10  }
0x31: {  	v0 =	vmov s0;
	s1 =	simm.s32 $0x0;
	[smem:$0x7FC] =	sst s26;
	s26 =	simm.s32 $0x6  }
.LBB2_27:
0x32: {  	[bflag:$0x0] =	sbarrier.arrive $0xFFFF  }
0x33: {  	s1 =	sld [smem:$0x7F4]  }
0x34: {  	s4 =	sld [smem:$0x7F3];
	_ =	sdelay $0x1  }
0x35: {  	s0 =	rddreg [dreg:$0xc]  }
0x36: {  	[hbm:s0], [sflag:s1] =	dma.local [spmem:s4], $0x1380  }
0x37: {  	_ =	swait.ge [sflag:s18], $0x1380  }
0x38: {  	s4 =	sld [smem:$0x7F5]  }
0x39: {  	[sflag:s18] =	ssyncset.done $0x0  }
0x3a: {  	s0 =	rddreg [dreg:$0xd];
	[sflag:s18] =	ssyncadd.s32 $0xFFFFEC80  }
0x3b: {  	[hbm:s0], [sflag:s1] =	dma.local @!p1 [spmem:s4], $0x80  }
0x3c: {  	s0 =	simm.s32 @!p1 $0x9  }
0x3d: {  	_ =	swait.ge @!p1 [sflag:s0], $0x80  }
0x3e: {  	[sflag:s0] =	ssyncset.done @!p1 $0x0;
	s10 =	sld [smem:$0x7F6]  }
0x3f: {  	[sflag:s0] =	ssyncadd.s32 @!p1 $0xFFFFFF80;
	s0 =	rddreg [dreg:$0x1e]  }
0x40: {  	s0 =	sshrl.u32 @!p0 s0, $0x3  }
0x41: {  	[hbm:s10], [sflag:s1] =	dma.local @!p0 [spmem:s0], $0x4E0  }
0x42: {  	s0 =	simm.s32 @!p0 $0x9  }
0x43: {  	_ =	swait.ge @!p0 [sflag:s0], $0x4E0  }
0x44: {  	[sflag:s0] =	ssyncset.done @!p0 $0x0  }
0x45: {  	[sflag:s0] =	ssyncadd.s32 @!p0 $0xFFFFFB20;
	s0 =	sld [smem:$0x7FC]  }
0x46: {  	s10 =	sld [smem:$0x7F9];
	_ =	sdelay $0x1  }
0x47: {  	s0 =	sshrl.u32 @!p2 s0, $0x3  }
0x48: {  	[hbm:s10], [sflag:s1] =	dma.local @!p2 [spmem:s0], $0x20  }
0x49: {  	s0 =	simm.s32 @!p2 $0x9  }
0x4a: {  	_ =	swait.ge @!p2 [sflag:s0], $0x20  }
0x4b: {  	s21 =	sld [smem:$0x7F2]  }
0x4c: {  	s31 =	sld [smem:$0x7FA];
	_ =	sdelay $0x1  }
0x4d: {  	s1 =	sadd.s32 $0x1, s21  }
0x4e: {  	p3 =	sne.s32 s1, s31  }
.Ltmp1:
0x4f: {  	_ = 	snop;
	(pc) =	sbr.rel @!p3 .LBB2_28-.Ltmp1, $4  }
0x50: {  	_ = 	snop  }
0x51: {  	[sflag:s0] =	ssyncset.done @!p2 $0x0  }
0x52: {  	s24 =	simm.s32 $0x8C0;
	s12 =	rddreg [dreg:$0x8];
	[sflag:s0] =	ssyncadd.s32 @!p2 $0xFFFFFFE0  }
0x53: {  	s30 =	simm.s32 $0xB7C0;
	s11 =	simm.s32 $0xCBC0;
	s4 =	rddreg [dreg:$0x1]  }
.LBB2_1:
0x54: {  	[smem:$0x7F2] =	sst s1  }
0x55: {  	s0 =	rddreg [dreg:$0x7];
	s10 =	simm.s32 $0x11BC0  }
0x56: {  	[tilespmem:s10], [sflag:$0x9] =	stream.linear.gather [hbm4b:s0+s6], $0x40, $0x38;
	[tilespmem:$0x1DF50] =	vst v63  }
0x57: {  	s17 =	stileid.u32;
	s19 =	sshrl.u32 s12, $0x3;
	_ =	swait.ge [sflag:s18], $0x40  }
0x58: {  	s0 =	sshll.u32 s17, $0x6;
	[sflag:s18] =	ssyncset.done $0x0;
	s21 =	rddreg [dreg:$0x9]  }
0x59: {  	s1 =	sor.u32 $0x1C09, s0;
	[smem:$0x7F3] =	sst s19;
	[sflag:s18] =	ssyncadd.s32 $0xFFFFFFC0  }
0x5a: {  	[spmem:s19], [sflag:s1] =	dma.local [hbm:s21], $0x1380  }
0x5b: {  	_ =	swait.ge [sflag:s18], $0x1380  }
0x5c: {  	s0 =	sld [smem:$0x7FB];
	_ =	sdelay $0x2  }
0x5d: {  	s10 =	sshrl.u32 @!p1 s0, $0x3;
	s0 =	sld [smem:$0x7F7]  }
0x5e: {  	[sflag:s18] =	ssyncset.done $0x0;
	[smem:$0x7F4] =	sst s1  }
0x5f: {  	[sflag:s18] =	ssyncadd.s32 $0xFFFFEC80;
	[smem:$0x7F5] =	sst s10  }
0x60: {  	[spmem:s10], [sflag:s1] =	dma.local @!p1 [hbm:s0], $0x80  }
0x61: {  	s0 =	simm.s32 @!p1 $0x9  }
0x62: {  	_ =	swait.ge @!p1 [sflag:s0], $0x80  }
0x63: {  	[sflag:s0] =	ssyncset.done @!p1 $0x0  }
0x64: {  	[sflag:s0] =	ssyncadd.s32 @!p1 $0xFFFFFF80  }
0x65: {  	[bflag:$0x0] =	sbarrier.arrive $0xFFFF  }
0x66: {  	s31 =	rddreg [dreg:$0xe]  }
0x67: {  	[tilespmem:s6], [sflag:$0x1] =	stream.linear.gather [hbm4b:s31+s6], $0x50, $0x38;
	[tilespmem:$0x1DF50] =	vst v63  }
0x68: {  	s1 =	rddreg [dreg:$0xf]  }
0x69: {  	[tilespmem:s20], [sflag:$0x1] =	stream.linear.gather [hbm4b:s1+s6], $0x50, $0x38;
	[tilespmem:$0x1DF50] =	vst v63  }
0x6a: {  	s12 =	simm.s32 $0x3C0;
	s10 =	rddreg [dreg:$0x10]  }
0x6b: {  	[tilespmem:s12], [sflag:$0x1] =	stream.linear.gather [hbm4b:s10+s6], $0x500, $0x38;
	[tilespmem:$0x1DF50] =	vst v63  }
0x6c: {  	s17 =	rddreg [dreg:$0x11]  }
0x6d: {  	[tilespmem:s22], [sflag:$0x2] =	stream.linear.gather [hbm4b:s17+s6], $0x50, $0x38;
	[tilespmem:$0x1DF50] =	vst v63  }
0x6e: {  	s19 =	rddreg [dreg:$0x12]  }
0x6f: {  	[tilespmem:s23], [sflag:$0x2] =	stream.linear.gather [hbm4b:s19+s6], $0x50, $0x38;
	[tilespmem:$0x1DF50] =	vst v63  }
0x70: {  	s21 =	rddreg [dreg:$0x13]  }
0x71: {  	[tilespmem:s24], [sflag:$0x2] =	stream.linear.gather [hbm4b:s21+s6], $0x500, $0x38;
	[tilespmem:$0x1DF50] =	vst v63  }
0x72: {  	_ =	swait.ge [sflag:s25], $0x50  }
0x73: {  	[sflag:s25] =	ssyncset.done $0x0  }
0x74: {  	[sflag:s25] =	ssyncadd.s32 $0xFFFFFFB0  }
0x75: {  	_ =	swait.ge [sflag:s25], $0x50  }
0x76: {  	[sflag:s25] =	ssyncset.done $0x0  }
0x77: {  	[sflag:s25] =	ssyncadd.s32 $0xFFFFFFB0  }
0x78: {  	_ =	swait.ge [sflag:s25], $0x500  }
0x79: {  	[sflag:s25] =	ssyncset.done $0x0  }
0x7a: {  	[sflag:s25] =	ssyncadd.s32 $0xFFFFFB00  }
0x7b: {  	v1 =	vld [tilespmem:$0x0]  }
0x7c: {  	v2 =	vld [tilespmem:$0x10]  }
0x7d: {  	v3 =	vld [tilespmem:$0x20]  }
0x7e: {  	v4 =	vld [tilespmem:$0x30]  }
0x7f: {  	v5 =	vld [tilespmem:$0x40]  }
0x80: {  	v6 =	vld [tilespmem:$0x140];
	v1 =	vshll.u32 v1, $0x1  }
0x81: {  	v7 =	vld [tilespmem:$0x150];
	v2 =	vshll.u32 v2, $0x1;
	v1 =	vor.u32 v0, v1  }
0x82: {  	[tilespmem:$0x0] =	vst v1;
	v1 =	vor.u32 v0, v2;
	v2 =	vshll.u32 v3, $0x1;
	v3 =	vld [tilespmem:$0x160]  }
0x83: {  	v56 =	vld [tilespmem:$0x170];
	[tilespmem:$0x10] =	vst v1;
	v1 =	vor.u32 v0, v2;
	v2 =	vshll.u32 v4, $0x1  }
0x84: {  	v57 =	vld [tilespmem:$0x180];
	[tilespmem:$0x20] =	vst v1;
	v1 =	vor.u32 v0, v2;
	v2 =	vshll.u32 v5, $0x1  }
0x85: {  	[tilespmem:$0x30] =	vst v1;
	v1 =	vor.u32 v0, v2;
	v2 =	vshll.u32 v6, $0x1  }
0x86: {  	[tilespmem:$0x40] =	vst v1;
	v1 =	vor.u32 v0, v2;
	v2 =	vshll.u32 v7, $0x1  }
0x87: {  	[tilespmem:$0x280] =	vst v1;
	v1 =	vor.u32 v0, v2;
	v2 =	vshll.u32 v3, $0x1  }
0x88: {  	[tilespmem:$0x290] =	vst v1;
	v1 =	vor.u32 v0, v2;
	v2 =	vshll.u32 v56, $0x1  }
0x89: {  	[tilespmem:$0x2A0] =	vst v1;
	v1 =	vor.u32 v0, v2;
	v2 =	vshll.u32 v57, $0x1  }
0x8a: {  	[tilespmem:$0x2B0] =	vst v1;
	v1 =	vor.u32 v0, v2  }
0x8b: {  	s31 =	simm.s32 $0x17C0;
	[tilespmem:$0x2C0] =	vst v1  }
0x8c: {  	[tilespmem:s31], [sflag:$0x5] =	stream.indirect.gather [hbm4b:s15+s22], $0x80, s6, s22, $0xb8;
	[tilespmem:$0x1DF50] =	vst v63  }
0x8d: {  	s1 =	simm.s32 $0x280  }
0x8e: {  	[tilespmem:s30], [sflag:$0x5] =	stream.indirect.gather [hbm4b:s4+s22], $0x40, s1, s22, $0xb8;
	[tilespmem:$0x1DF50] =	vst v63  }
0x8f: {  	s12 =	simm.s32 $0xA0;
	s10 =	rddreg [dreg:$0x14]  }
0x90: {  	[tilespmem:s12], [sflag:$0x3] =	stream.linear.gather [hbm4b:s10+s6], $0x50, $0x38;
	[tilespmem:$0x1DF50] =	vst v63  }
0x91: {  	s19 =	simm.s32 $0x1E0;
	s17 =	rddreg [dreg:$0x15]  }
0x92: {  	[tilespmem:s19], [sflag:$0x3] =	stream.linear.gather [hbm4b:s17+s6], $0x50, $0x38;
	[tilespmem:$0x1DF50] =	vst v63  }
0x93: {  	s21 =	rddreg [dreg:$0x16];
	s31 =	simm.s32 $0xDC0  }
0x94: {  	[tilespmem:s31], [sflag:$0x3] =	stream.linear.gather [hbm4b:s21+s6], $0x500, $0x38;
	[tilespmem:$0x1DF50] =	vst v63  }
0x95: {  	_ =	swait.ge [sflag:s16], $0x50  }
0x96: {  	[sflag:s16] =	ssyncset.done $0x0  }
0x97: {  	[sflag:s16] =	ssyncadd.s32 $0xFFFFFFB0  }
0x98: {  	_ =	swait.ge [sflag:s16], $0x50  }
0x99: {  	[sflag:s16] =	ssyncset.done $0x0  }
0x9a: {  	[sflag:s16] =	ssyncadd.s32 $0xFFFFFFB0  }
0x9b: {  	_ =	swait.ge [sflag:s16], $0x500  }
0x9c: {  	[sflag:s16] =	ssyncset.done $0x0  }
0x9d: {  	[sflag:s16] =	ssyncadd.s32 $0xFFFFFB00  }
0x9e: {  	v1 =	vld [tilespmem:$0x50]  }
0x9f: {  	v2 =	vld [tilespmem:$0x60]  }
0xa0: {  	v3 =	vld [tilespmem:$0x70]  }
0xa1: {  	v58 =	vld [tilespmem:$0x80]  }
0xa2: {  	v59 =	vld [tilespmem:$0x90]  }
0xa3: {  	v60 =	vld [tilespmem:$0x190];
	v1 =	vshll.u32 v1, $0x1  }
0xa4: {  	v61 =	vld [tilespmem:$0x1A0];
	v2 =	vshll.u32 v2, $0x1;
	v1 =	vor.u32 v0, v1  }
0xa5: {  	[tilespmem:$0x50] =	vst v1;
	v1 =	vor.u32 v0, v2;
	v2 =	vshll.u32 v3, $0x1;
	v3 =	vld [tilespmem:$0x1B0]  }
0xa6: {  	v62 =	vld [tilespmem:$0x1C0];
	[tilespmem:$0x60] =	vst v1;
	v1 =	vor.u32 v0, v2;
	v2 =	vshll.u32 v58, $0x1  }
0xa7: {  	v63 =	vld [tilespmem:$0x1D0];
	[tilespmem:$0x70] =	vst v1;
	v1 =	vor.u32 v0, v2;
	v2 =	vshll.u32 v59, $0x1  }
0xa8: {  	[tilespmem:$0x80] =	vst v1;
	v1 =	vor.u32 v0, v2;
	v2 =	vshll.u32 v60, $0x1  }
0xa9: {  	[tilespmem:$0x90] =	vst v1;
	v1 =	vor.u32 v0, v2;
	v2 =	vshll.u32 v61, $0x1  }
0xaa: {  	[tilespmem:$0x2D0] =	vst v1;
	v1 =	vor.u32 v0, v2;
	v2 =	vshll.u32 v3, $0x1  }
0xab: {  	[tilespmem:$0x2E0] =	vst v1;
	v1 =	vor.u32 v0, v2;
	v2 =	vshll.u32 v62, $0x1  }
0xac: {  	[tilespmem:$0x2F0] =	vst v1;
	v1 =	vor.u32 v0, v2;
	v2 =	vshll.u32 v63, $0x1  }
0xad: {  	[tilespmem:$0x300] =	vst v1;
	v1 =	vor.u32 v0, v2  }
0xae: {  	s1 =	simm.s32 $0x3FC0;
	[tilespmem:$0x310] =	vst v1  }
0xaf: {  	[tilespmem:s1], [sflag:$0x6] =	stream.indirect.gather [hbm4b:s15+s22], $0x80, s22, s22, $0xb8;
	[tilespmem:$0x1DF50] =	vst v63  }
0xb0: {  	s10 =	simm.s32 $0x2D0  }
0xb1: {  	[tilespmem:s11], [sflag:$0x6] =	stream.indirect.gather [hbm4b:s4+s22], $0x40, s10, s22, $0xb8;
	[tilespmem:$0x1DF50] =	vst v63  }
0xb2: {  	s17 =	simm.s32 $0xF0;
	s12 =	rddreg [dreg:$0x17]  }
0xb3: {  	[tilespmem:s17], [sflag:$0x4] =	stream.linear.gather [hbm4b:s12+s6], $0x50, $0x38;
	[tilespmem:$0x1DF50] =	vst v63  }
.Ltmp2:
0xb4: {  	_ = 	snop;
	(pc) =	sbr.rel .LBB2_2-.Ltmp2, $4  }
0xb5: {  	s31 =	simm.s32 $0x12C0;
	s19 =	rddreg [dreg:$0x18]  }
0xb6: {  	[tilespmem:s29], [sflag:$0x4] =	stream.linear.gather [hbm4b:s19+s6], $0x50, $0x38;
	[tilespmem:$0x1DF50] =	vst v63  }
0xb7: {  	s21 =	rddreg [dreg:$0x19];
	s1 =	simm.s32 $0x107C0;
	s12 =	simm.s32 $0x0  }
0xb8: {  	[tilespmem:s31], [sflag:$0x4] =	stream.linear.gather [hbm4b:s21+s6], $0x500, $0x38;
	[tilespmem:$0x1DF50] =	vst v63  }
.LBB2_18:
0xb9: {  	s10 =	rddreg [dreg:$0x1d]  }
0xba: {  	s0 =	sadd.s32 s0, s10  }
0xbb: {  	s10 =	sshrl.u32 s0, $0x3  }
0xbc: {  	s19 =	simm.s32 $0xF0;
	s17 =	sadd.s32 s7, s10  }
0xbd: {  	[tilespmem:s19], [sflag:$0x4] =	stream.linear.gather [hbm4b:s17+s6], $0x50, $0x38;
	[tilespmem:$0x1DF50] =	vst v63  }
0xbe: {  	s0 =	sshll.u32 s0, $0x1;
	s10 =	sadd.s32 s8, s10  }
0xbf: {  	[tilespmem:s29], [sflag:$0x4] =	stream.linear.gather [hbm4b:s10+s6], $0x50, $0x38;
	[tilespmem:$0x1DF50] =	vst v63  }
0xc0: {  	s1 =	simm.s32 $0x12C0;
	s0 =	sadd.s32 s9, s0  }
0xc1: {  	[tilespmem:s1], [sflag:$0x4] =	stream.linear.gather [hbm4b:s0+s6], $0x500, $0x38;
	[tilespmem:$0x1DF50] =	vst v63  }
0xc2: {  	s1 =	simm.s32 $0x107C0  }
.LBB2_19:
0xc3: {  	s12 =	sadd.s32 $0x1, s12  }
0xc4: {  	p3 =	sne.s32 s12, $0x3F  }
.Ltmp3:
0xc5: {  	_ = 	snop;
	(pc) =	sbr.rel @!p3 .LBB2_20-.Ltmp3, $1  }
0xc6: {  	_ =	sdelay $0x3  }
.LBB2_2:
0xc7: {  	p3 =	sgt.u32 s12, $0x3D  }
0xc8: {  	s0 =	simm.s32 @!p3 $0x3  }
0xc9: {  	_ =	swait.ge @!p3 [sflag:s0], $0x50  }
0xca: {  	[sflag:s0] =	ssyncset.done @!p3 $0x0  }
0xcb: {  	[sflag:s0] =	ssyncadd.s32 @!p3 $0xFFFFFFB0  }
0xcc: {  	_ =	swait.ge @!p3 [sflag:s0], $0x50  }
0xcd: {  	[sflag:s0] =	ssyncset.done @!p3 $0x0  }
0xce: {  	[sflag:s0] =	ssyncadd.s32 @!p3 $0xFFFFFFB0  }
0xcf: {  	_ =	swait.ge @!p3 [sflag:s0], $0x500  }
0xd0: {  	[sflag:s0] =	ssyncset.done @!p3 $0x0  }
0xd1: {  	[sflag:s0] =	ssyncadd.s32 @!p3 $0xFFFFFB00  }
0xd2: {  	v1 =	vld @!p3 [tilespmem:$0xA0]  }
0xd3: {  	v2 =	vld @!p3 [tilespmem:$0xB0]  }
0xd4: {  	v3 =	vld @!p3 [tilespmem:$0xC0]  }
0xd5: {  	v4 =	vld @!p3 [tilespmem:$0xD0]  }
0xd6: {  	v5 =	vld @!p3 [tilespmem:$0xE0]  }
0xd7: {  	v6 =	vld @!p3 [tilespmem:$0x1E0];
	v1 =	vshll.u32 @!p3 v1, $0x1  }
0xd8: {  	v7 =	vld @!p3 [tilespmem:$0x1F0];
	v2 =	vshll.u32 @!p3 v2, $0x1;
	v1 =	vor.u32 @!p3 v0, v1  }
0xd9: {  	[tilespmem:$0xA0] =	vst @!p3 v1;
	v1 =	vor.u32 @!p3 v0, v2;
	v2 =	vshll.u32 @!p3 v3, $0x1;
	v3 =	vld @!p3 [tilespmem:$0x200]  }
0xda: {  	[tilespmem:$0xB0] =	vst @!p3 v1;
	v1 =	vor.u32 @!p3 v0, v2;
	v2 =	vshll.u32 @!p3 v4, $0x1;
	v4 =	vld @!p3 [tilespmem:$0x210]  }
0xdb: {  	[tilespmem:$0xC0] =	vst @!p3 v1;
	v1 =	vor.u32 @!p3 v0, v2;
	v2 =	vshll.u32 @!p3 v5, $0x1;
	v5 =	vld @!p3 [tilespmem:$0x220]  }
0xdc: {  	[tilespmem:$0xD0] =	vst @!p3 v1;
	v1 =	vor.u32 @!p3 v0, v2;
	v2 =	vshll.u32 @!p3 v6, $0x1  }
0xdd: {  	[tilespmem:$0xE0] =	vst @!p3 v1;
	v1 =	vor.u32 @!p3 v0, v2;
	v2 =	vshll.u32 @!p3 v7, $0x1  }
0xde: {  	[tilespmem:$0x320] =	vst @!p3 v1;
	v1 =	vor.u32 @!p3 v0, v2;
	v2 =	vshll.u32 @!p3 v3, $0x1  }
0xdf: {  	[tilespmem:$0x330] =	vst @!p3 v1;
	v1 =	vor.u32 @!p3 v0, v2;
	v2 =	vshll.u32 @!p3 v4, $0x1  }
0xe0: {  	[tilespmem:$0x340] =	vst @!p3 v1;
	v1 =	vor.u32 @!p3 v0, v2;
	v2 =	vshll.u32 @!p3 v5, $0x1  }
0xe1: {  	[tilespmem:$0x350] =	vst @!p3 v1;
	v1 =	vor.u32 @!p3 v0, v2  }
0xe2: {  	s10 =	simm.s32 @!p3 $0xA0;
	s17 =	simm.s32 @!p3 $0x67C0;
	s0 =	simm.s32 @!p3 $0x50;
	[tilespmem:$0x360] =	vst @!p3 v1  }
0xe3: {  	[tilespmem:s17], [sflag:$0x7] =	stream.indirect.gather @!p3 [hbm4b:s15+s0], $0x80, s10, s0, $0xb8;
	[tilespmem:$0x1DF50] =	vst v63  }
0xe4: {  	s10 =	simm.s32 @!p3 $0x320;
	s17 =	simm.s32 @!p3 $0xDFC0  }
0xe5: {  	[tilespmem:s17], [sflag:$0x7] =	stream.indirect.gather @!p3 [hbm4b:s4+s0], $0x40, s10, s0, $0xb8;
	[tilespmem:$0x1DF50] =	vst v63  }
0xe6: {  	_ =	swait.ge [sflag:s5], $0x2800  }
0xe7: {  	[sflag:s5] =	ssyncset.done $0x0  }
0xe8: {  	[sflag:s5] =	ssyncadd.s32 $0xFFFFD800  }
0xe9: {  	_ =	swait.ge [sflag:s5], $0x1400  }
0xea: {  	[sflag:s5] =	ssyncset.done $0x0  }
0xeb: {  	[sflag:s5] =	ssyncadd.s32 $0xFFFFEC00  }
0xec: {  	v2 =	vld [tilespmem:$0x11BC0]  }
0xed: {  	v3 =	vld [tilespmem:$0x11BD0]  }
0xee: {  	v1 =	vld [tilespmem:$0x11BE0]  }
0xef: {  	s0 =	simm.s32 $0x0;
	v4 =	vld [tilespmem:$0x11BF0]  }
0xf0: {  	v7 =	vld [tilespmem:s0+$0xB830]  }
0xf1: {  	v8 =	vld [tilespmem:s0+$0xB7D0]  }
0xf2: {  	v9 =	vld [tilespmem:s0+$0xB800]  }
0xf3: {  	v11 =	vld [tilespmem:s0+$0xB820]  }
0xf4: {  	v12 =	vld [tilespmem:s0+$0xB810]  }
0xf5: {  	s17 =	simm.s32 $0x3D0;
	v5 =	vld [tilespmem:s0+$0xB7E0]  }
0xf6: {  	s31 =	simm.s32 $0x1840;
	v13 =	vld [tilespmem:s17+$0x0]  }
0xf7: {  	v14 =	vld [tilespmem:s31+$0x30]  }
0xf8: {  	v6 =	vld [tilespmem:s31+$0xFFFFFFA0]  }
0xf9: {  	v15 =	vld [tilespmem:s31+$0x0]  }
0xfa: {  	v16 =	vld [tilespmem:s31+$0x10]  }
0xfb: {  	v17 =	vld [tilespmem:s31+$0xFFFFFF90]  }
0xfc: {  	v18 =	vld [tilespmem:s31+$0x20]  }
0xfd: {  	v10 =	vld [tilespmem:s0+$0xB7F0]  }
0xfe: {  	v19 =	vld [tilespmem:s0+$0xB7C0]  }
0xff: {  	v5 =	vadd.f32 v5, v6;
	v6 =	vld [tilespmem:s17+$0xFFFFFFF0];
	v9 =	vadd.f32 v9, v15  }
0x100: {  	v15 =	vld [tilespmem:s31+$0xFFFFFFB0];
	v14 =	vadd.f32 v7, v14;
	v7 =	vadd.f32 v8, v17;
	v8 =	vmul.f32 v13, v2  }
0x101: {  	v21 =	vld [tilespmem:s31+$0xFFFFFF80];
	v20 =	vmul.f32 v13, v3;
	v12 =	vadd.f32 v12, v16;
	v11 =	vadd.f32 v11, v18  }
0x102: {  	v60 =	vmul.f32 v13, v1;
	v13 =	vmul.f32 v13, v4;
	v61 =	vadd.f32 v9, v8  }
0x103: {  	v62 =	vadd.f32 v12, v20  }
0x104: {  	v12 =	vadd.f32 v11, v60;
	v8 =	vadd.f32 v14, v13;
	v63 =	vmul.f32 $1.442695020e+00, v61  }
0x105: {  	v9 =	vmul.f32 v6, v3;
	v13 =	vadd.f32 v10, v15;
	v15 =	vmul.f32 v6, v4  }
0x106: {  	v11 =	vadd.f32 v19, v21;
	v14 =	vmul.f32 v6, v2;
	v10 =	vmul.f32 $1.442695020e+00, v12  }
0x107: {  	s21 =	simm.s32 $0x1840;
	s10 =	simm.s32 $0x200;
	(erf) = vpow2.f32 v63;
	v12 =	vadd.f32 v13, v15;
	v13 =	vmul.f32 $1.442695020e+00, v62  }
.LBB2_3:
0x108: {  	p4 =	sne.s32 s10, $0x4E00;
	v11 =	vadd.f32 v11, v14;
	v7 =	vadd.f32 v7, v9;
	v6 =	vmul.f32 v6, v1;
	s31 =	sadd.s32 $0x100, s31;
	s17 =	sadd.s32 $0x20, s17  }
0x109: {  	s19 =	smov.u32 s10;
	s10 =	sadd.s32 $0x200, s10;
	v9 =	vmul.f32 $1.442695020e+00, v12;
	(erf) = vpow2.f32 v13  }
0x10a: {  	v11 =	vmul.f32 $1.442695020e+00, v11;
	v5 =	vadd.f32 v5, v6;
	(erf) = vpow2.f32 v10  }
0x10b: {  	v6 =	vmul.f32 $1.442695020e+00, v8;
	(erf) = vpow2.f32 v9  }
0x10c: {  	v7 =	vmul.f32 $1.442695020e+00, v7;
	(erf) = vpow2.f32 v11  }
0x10d: {  	v8 =	vmul.f32 $1.442695020e+00, v5;
	(erf) = vpow2.f32 v6  }
0x10e: {  	(erf) = vpow2.f32 v7  }
0x10f: {  	(erf) = vpow2.f32 v8  }
0x110: {  	v5 =	vpop (erf)  }
0x111: {  	v8 =	vadd.f32 $1.000000000e+00, v5  }
0x112: {  	v6 =	vpop (erf)  }
0x113: {  	v6 =	vadd.f32 $1.000000000e+00, v6;
	v7 =	vld [tilespmem:s21+$0x70];
	(erf) = vrcp.f32 v8;
	v5 =	vpop (erf)  }
0x114: {  	v8 =	vld [tilespmem:s21+$0xFFFFFFE0];
	v15 =	vadd.f32 $1.000000000e+00, v5;
	v9 =	vpop (erf)  }
0x115: {  	s19 =	sshra.s32 s19, $0x2;
	v10 =	vld [tilespmem:s21+$0xFFFFFFC0];
	v9 =	vadd.f32 $1.000000000e+00, v9;
	v11 =	vpop (erf);
	(erf) = vrcp.f32 v6  }
0x116: {  	v12 =	vld [tilespmem:s19+$0xB7F0];
	v14 =	vadd.f32 $1.000000000e+00, v11;
	(erf) = vrcp.f32 v15;
	v5 =	vpop (erf)  }
0x117: {  	v11 =	vld [tilespmem:s21+$0x40];
	v5 =	vadd.f32 $1.000000000e+00, v5;
	v13 =	vpop (erf);
	(erf) = vrcp.f32 v9  }
0x118: {  	v9 =	vld [tilespmem:s19+$0xB830];
	v13 =	vadd.f32 $1.000000000e+00, v13;
	(erf) = vrcp.f32 v14;
	v6 =	vpop (erf)  }
0x119: {  	v16 =	vadd.f32 $1.000000000e+00, v6;
	v14 =	vld [tilespmem:s21+$0xFFFFFFF0];
	(erf) = vrcp.f32 v5  }
0x11a: {  	v5 =	vld [tilespmem:s21+$0x50];
	(erf) = vrcp.f32 v13  }
0x11b: {  	v13 =	vld [tilespmem:s21+$0x60];
	(erf) = vrcp.f32 v16  }
0x11c: {  	v15 =	vld [tilespmem:s19+$0xB7D0];
	v6 =	vpop (erf)  }
0x11d: {  	v16 =	vld [tilespmem:s19+$0xB800];
	v18 =	vmul.f32 v6, v11  }
0x11e: {  	v11 =	vld [tilespmem:s21+$0xFFFFFFD0];
	v17 =	vpop (erf);
	s21 =	smov.u32 s31  }
0x11f: {  	v17 =	vmul.f32 v17, v5;
	[tilespmem:s0+$0x10800] =	vst v18;
	v6 =	vpop (erf)  }
0x120: {  	v18 =	vmul.f32 v6, v13;
	v13 =	vpop (erf)  }
0x121: {  	v13 =	vmul.f32 v13, v14;
	[tilespmem:s0+$0x10810] =	vst v17;
	v5 =	vpop (erf)  }
0x122: {  	v10 =	vmul.f32 v5, v10;
	[tilespmem:s0+$0x10820] =	vst v18;
	v6 =	vpop (erf)  }
0x123: {  	v6 =	vmul.f32 v6, v7;
	[tilespmem:s0+$0x107F0] =	vst v13;
	v7 =	vpop (erf)  }
0x124: {  	v7 =	vmul.f32 v7, v11;
	[tilespmem:s0+$0x107C0] =	vst v10;
	v5 =	vpop (erf)  }
0x125: {  	v10 =	vld [tilespmem:s19+$0xB820];
	v5 =	vmul.f32 v5, v8;
	[tilespmem:s0+$0x10830] =	vst v6  }
0x126: {  	v8 =	vld [tilespmem:s19+$0xB810];
	[tilespmem:s0+$0x107D0] =	vst v7  }
0x127: {  	v6 =	vld [tilespmem:s19+$0xB7E0];
	[tilespmem:s0+$0x107E0] =	vst v5;
	s0 =	smov.u32 s19  }
0x128: {  	v11 =	vld [tilespmem:s17+$0x0]  }
0x129: {  	v7 =	vld [tilespmem:s31+$0x30]  }
0x12a: {  	v5 =	vld [tilespmem:s31+$0xFFFFFFA0]  }
0x12b: {  	v13 =	vld [tilespmem:s31+$0x0]  }
0x12c: {  	v14 =	vld [tilespmem:s31+$0x10]  }
0x12d: {  	v17 =	vld [tilespmem:s31+$0xFFFFFF90]  }
0x12e: {  	v18 =	vld [tilespmem:s31+$0x20]  }
0x12f: {  	v19 =	vld [tilespmem:s0+$0xB7C0];
	v5 =	vadd.f32 v6, v5  }
0x130: {  	v6 =	vld [tilespmem:s17+$0xFFFFFFF0];
	v13 =	vadd.f32 v16, v13  }
0x131: {  	v20 =	vmul.f32 v11, v3;
	v21 =	vadd.f32 v9, v7;
	v16 =	vld [tilespmem:s31+$0xFFFFFFB0]  }
0x132: {  	v9 =	vmul.f32 v11, v2;
	v8 =	vadd.f32 v8, v14;
	v22 =	vld [tilespmem:s31+$0xFFFFFF80];
	v7 =	vadd.f32 v15, v17  }
0x133: {  	v14 =	vmul.f32 v11, v1;
	v11 =	vmul.f32 v11, v4;
	v10 =	vadd.f32 v10, v18  }
.Ltmp4:
0x134: {  	v13 =	vadd.f32 v13, v9;
	v15 =	vadd.f32 v8, v20;
	(pc) =	sbr.rel @p4 .LBB2_3-.Ltmp4, $4  }
0x135: {  	v8 =	vadd.f32 v21, v11;
	v9 =	vmul.f32 v6, v3;
	v10 =	vadd.f32 v10, v14  }
0x136: {  	v17 =	vmul.f32 $1.442695020e+00, v13;
	v12 =	vadd.f32 v12, v16;
	v16 =	vmul.f32 v6, v4  }
0x137: {  	v14 =	vmul.f32 v6, v2;
	v11 =	vadd.f32 v19, v22;
	v10 =	vmul.f32 $1.442695020e+00, v10  }
0x138: {  	v13 =	vmul.f32 $1.442695020e+00, v15;
	v12 =	vadd.f32 v12, v16;
	(erf) = vpow2.f32 v17  }
0x139: {  	_ = 	snop  }
0x13a: {  	v1 =	vmul.f32 v6, v1;
	(erf) = vpow2.f32 v13  }
0x13b: {  	v2 =	vadd.f32 v11, v14;
	(erf) = vpow2.f32 v10  }
0x13c: {  	v3 =	vmul.f32 $1.442695020e+00, v12;
	v1 =	vadd.f32 v5, v1  }
0x13d: {  	v4 =	vadd.f32 v7, v9;
	v51 =	vmul.f32 $1.442695020e+00, v8;
	v2 =	vmul.f32 $1.442695020e+00, v2  }
0x13e: {  	(erf) = vpow2.f32 v3;
	v1 =	vmul.f32 $1.442695020e+00, v1  }
0x13f: {  	v3 =	vmul.f32 $1.442695020e+00, v4;
	(erf) = vpow2.f32 v2  }
0x140: {  	(erf) = vpow2.f32 v51  }
0x141: {  	(erf) = vpow2.f32 v3  }
0x142: {  	(erf) = vpow2.f32 v1;
	v1 =	vpop (erf)  }
0x143: {  	v1 =	vadd.f32 $1.000000000e+00, v1;
	v2 =	vpop (erf)  }
0x144: {  	v3 =	vpop (erf)  }
0x145: {  	v2 =	vadd.f32 $1.000000000e+00, v2;
	(erf) = vrcp.f32 v1;
	v1 =	vadd.f32 $1.000000000e+00, v3;
	_ =	sdelay $0x1  }
0x146: {  	v3 =	vpop (erf);
	(erf) = vrcp.f32 v2  }
0x147: {  	v3 =	vadd.f32 $1.000000000e+00, v3;
	v52 =	vpop (erf)  }
0x148: {  	v2 =	vadd.f32 $1.000000000e+00, v52;
	(erf) = vrcp.f32 v1;
	v1 =	vpop (erf)  }
0x149: {  	(erf) = vrcp.f32 v3;
	v1 =	vadd.f32 $1.000000000e+00, v1  }
0x14a: {  	(erf) = vrcp.f32 v2  }
0x14b: {  	v53 =	vpop (erf);
	(erf) = vrcp.f32 v1;
	v1 =	vld [tilespmem:s21+$0x50]  }
0x14c: {  	v4 =	vadd.f32 $1.000000000e+00, v53;
	v2 =	vpop (erf)  }
0x14d: {  	v54 =	vld [tilespmem:s21+$0x40];
	v2 =	vadd.f32 $1.000000000e+00, v2  }
0x14e: {  	v55 =	vld [tilespmem:s21+$0x60];
	(erf) = vrcp.f32 v4;
	v57 =	vpop (erf)  }
0x14f: {  	(erf) = vrcp.f32 v2;
	v2 =	vld [tilespmem:s21+$0xFFFFFFF0];
	v59 =	vpop (erf)  }
0x150: {  	v56 =	vld [tilespmem:s21+$0xFFFFFFC0];
	v1 =	vmul.f32 v59, v1;
	_ =	sdelay $0x1  }
0x151: {  	v58 =	vld [tilespmem:s21+$0xFFFFFFE0];
	v61 =	vpop (erf)  }
0x152: {  	v3 =	vld [tilespmem:s21+$0x70];
	v62 =	vpop (erf)  }
0x153: {  	v60 =	vld [tilespmem:s21+$0xFFFFFFD0];
	v5 =	vmul.f32 v57, v54;
	v2 =	vmul.f32 v62, v2;
	[tilespmem:s0+$0x10810] =	vst v1;
	v1 =	vpop (erf)  }
0x154: {  	v4 =	vmul.f32 v61, v55;
	v1 =	vmul.f32 v1, v56  }
0x155: {  	[tilespmem:s0+$0x10800] =	vst v5  }
0x156: {  	[tilespmem:s0+$0x10820] =	vst v4;
	v63 =	vpop (erf)  }
0x157: {  	[tilespmem:s0+$0x107F0] =	vst v2;
	v3 =	vmul.f32 v63, v3;
	v2 =	vpop (erf)  }
0x158: {  	v2 =	vmul.f32 v2, v60;
	[tilespmem:s0+$0x107C0] =	vst v1;
	v1 =	vpop (erf)  }
0x159: {  	[tilespmem:s0+$0x10830] =	vst v3;
	v1 =	vmul.f32 v1, v58  }
0x15a: {  	p4 =	seq.s32 s12, $0x3E;
	[tilespmem:s0+$0x107D0] =	vst v2  }
.Ltmp5:
0x15b: {  	[tilespmem:s0+$0x107E0] =	vst v1;
	(pc) =	sbr.rel @p4 .LBB2_6-.Ltmp5, $4  }
0x15c: {  	[spmem:s3] =	stream.indirect.scatter.add.f32 [tilespmem:s1], [sflag:$0x9], $0x40, s20, s22, $0xb8;
	[tilespmem:$0x1DF50] =	vst v63  }
0x15d: {  	_ =	swait.ge [sflag:s18], $0x1400  }
0x15e: {  	[sflag:s18] =	ssyncset.done $0x0  }
0x15f: {  	[sflag:s18] =	ssyncadd.s32 $0xFFFFEC00  }
0x160: {  	s0 =	smul.u32 $0x140, s12  }
0x161: {  	s10 =	rddreg [dreg:$0x1a]  }
0x162: {  	s0 =	sadd.s32 s0, s10  }
0x163: {  	s10 =	sshrl.u32 s0, $0x3  }
0x164: {  	s17 =	sadd.s32 s7, s10  }
0x165: {  	[tilespmem:s6], [sflag:$0x1] =	stream.linear.gather [hbm4b:s17+s6], $0x50, $0x38;
	[tilespmem:$0x1DF50] =	vst v63  }
0x166: {  	s0 =	sshll.u32 s0, $0x1;
	s10 =	sadd.s32 s8, s10  }
0x167: {  	[tilespmem:s20], [sflag:$0x1] =	stream.linear.gather [hbm4b:s10+s6], $0x50, $0x38;
	[tilespmem:$0x1DF50] =	vst v63  }
0x168: {  	s31 =	simm.s32 $0x3C0;
	s0 =	sadd.s32 s9, s0  }
0x169: {  	[tilespmem:s31], [sflag:$0x1] =	stream.linear.gather [hbm4b:s0+s6], $0x500, $0x38;
	[tilespmem:$0x1DF50] =	vst v63  }
0x16a: {  	s0 =	simm.s32 @!p3 $0x4  }
0x16b: {  	_ =	swait.ge @!p3 [sflag:s0], $0x50  }
0x16c: {  	[sflag:s0] =	ssyncset.done @!p3 $0x0  }
0x16d: {  	[sflag:s0] =	ssyncadd.s32 @!p3 $0xFFFFFFB0  }
0x16e: {  	_ =	swait.ge @!p3 [sflag:s0], $0x50  }
0x16f: {  	[sflag:s0] =	ssyncset.done @!p3 $0x0  }
0x170: {  	[sflag:s0] =	ssyncadd.s32 @!p3 $0xFFFFFFB0  }
0x171: {  	_ =	swait.ge @!p3 [sflag:s0], $0x500  }
0x172: {  	[sflag:s0] =	ssyncset.done @!p3 $0x0  }
0x173: {  	[sflag:s0] =	ssyncadd.s32 @!p3 $0xFFFFFB00  }
0x174: {  	v1 =	vld @!p3 [tilespmem:$0xF0]  }
0x175: {  	v2 =	vld @!p3 [tilespmem:$0x100]  }
0x176: {  	v3 =	vld @!p3 [tilespmem:$0x110]  }
0x177: {  	v4 =	vld @!p3 [tilespmem:$0x120]  }
0x178: {  	v5 =	vld @!p3 [tilespmem:$0x130]  }
0x179: {  	v6 =	vld @!p3 [tilespmem:$0x230];
	v1 =	vshll.u32 @!p3 v1, $0x1  }
0x17a: {  	v7 =	vld @!p3 [tilespmem:$0x240];
	v2 =	vshll.u32 @!p3 v2, $0x1;
	v1 =	vor.u32 @!p3 v0, v1  }
0x17b: {  	[tilespmem:$0xF0] =	vst @!p3 v1;
	v1 =	vor.u32 @!p3 v0, v2;
	v2 =	vshll.u32 @!p3 v3, $0x1;
	v3 =	vld @!p3 [tilespmem:$0x250]  }
0x17c: {  	[tilespmem:$0x100] =	vst @!p3 v1;
	v1 =	vor.u32 @!p3 v0, v2;
	v2 =	vshll.u32 @!p3 v4, $0x1;
	v4 =	vld @!p3 [tilespmem:$0x260]  }
0x17d: {  	[tilespmem:$0x110] =	vst @!p3 v1;
	v1 =	vor.u32 @!p3 v0, v2;
	v2 =	vshll.u32 @!p3 v5, $0x1;
	v5 =	vld @!p3 [tilespmem:$0x270]  }
0x17e: {  	[tilespmem:$0x120] =	vst @!p3 v1;
	v1 =	vor.u32 @!p3 v0, v2;
	v2 =	vshll.u32 @!p3 v6, $0x1  }
0x17f: {  	[tilespmem:$0x130] =	vst @!p3 v1;
	v1 =	vor.u32 @!p3 v0, v2;
	v2 =	vshll.u32 @!p3 v7, $0x1  }
0x180: {  	[tilespmem:$0x370] =	vst @!p3 v1;
	v1 =	vor.u32 @!p3 v0, v2;
	v2 =	vshll.u32 @!p3 v3, $0x1  }
0x181: {  	[tilespmem:$0x380] =	vst @!p3 v1;
	v1 =	vor.u32 @!p3 v0, v2;
	v2 =	vshll.u32 @!p3 v4, $0x1  }
0x182: {  	[tilespmem:$0x390] =	vst @!p3 v1;
	v1 =	vor.u32 @!p3 v0, v2;
	v2 =	vshll.u32 @!p3 v5, $0x1  }
0x183: {  	[tilespmem:$0x3A0] =	vst @!p3 v1;
	v1 =	vor.u32 @!p3 v0, v2  }
0x184: {  	s17 =	simm.s32 @!p3 $0x8FC0;
	s10 =	simm.s32 @!p3 $0xF0;
	s0 =	simm.s32 @!p3 $0x50;
	[tilespmem:$0x3B0] =	vst @!p3 v1  }
0x185: {  	[tilespmem:s17], [sflag:$0x8] =	stream.indirect.gather @!p3 [hbm4b:s15+s0], $0x80, s10, s0, $0xb8;
	[tilespmem:$0x1DF50] =	vst v63  }
0x186: {  	s10 =	simm.s32 @!p3 $0x370;
	s17 =	simm.s32 @!p3 $0xF3C0  }
0x187: {  	[tilespmem:s17], [sflag:$0x8] =	stream.indirect.gather @!p3 [hbm4b:s4+s0], $0x40, s10, s0, $0xb8;
	[tilespmem:$0x1DF50] =	vst v63  }
.LBB2_6:
0x188: {  	_ =	swait.ge [sflag:s26], $0x2800  }
0x189: {  	[sflag:s26] =	ssyncset.done $0x0  }
0x18a: {  	[sflag:s26] =	ssyncadd.s32 $0xFFFFD800  }
0x18b: {  	_ =	swait.ge [sflag:s26], $0x1400  }
0x18c: {  	[sflag:s26] =	ssyncset.done $0x0  }
0x18d: {  	[sflag:s26] =	ssyncadd.s32 $0xFFFFEC00  }
0x18e: {  	v2 =	vld [tilespmem:$0x11BC0]  }
0x18f: {  	v3 =	vld [tilespmem:$0x11BD0]  }
0x190: {  	v1 =	vld [tilespmem:$0x11BE0]  }
0x191: {  	s0 =	simm.s32 $0x0;
	v4 =	vld [tilespmem:$0x11BF0]  }
0x192: {  	v7 =	vld [tilespmem:s0+$0xCC30]  }
0x193: {  	v8 =	vld [tilespmem:s0+$0xCBD0]  }
0x194: {  	v9 =	vld [tilespmem:s0+$0xCC00]  }
0x195: {  	v11 =	vld [tilespmem:s0+$0xCC20]  }
0x196: {  	v12 =	vld [tilespmem:s0+$0xCC10]  }
0x197: {  	s17 =	simm.s32 $0x8D0;
	v5 =	vld [tilespmem:s0+$0xCBE0]  }
0x198: {  	s31 =	simm.s32 $0x4040;
	v13 =	vld [tilespmem:s17+$0x0]  }
0x199: {  	v14 =	vld [tilespmem:s31+$0x30]  }
0x19a: {  	v6 =	vld [tilespmem:s31+$0xFFFFFFA0]  }
0x19b: {  	v15 =	vld [tilespmem:s31+$0x0]  }
0x19c: {  	v16 =	vld [tilespmem:s31+$0x10]  }
0x19d: {  	v17 =	vld [tilespmem:s31+$0xFFFFFF90]  }
0x19e: {  	v18 =	vld [tilespmem:s31+$0x20]  }
0x19f: {  	v10 =	vld [tilespmem:s0+$0xCBF0]  }
0x1a0: {  	v19 =	vld [tilespmem:s0+$0xCBC0]  }
0x1a1: {  	v5 =	vadd.f32 v5, v6;
	v6 =	vld [tilespmem:s17+$0xFFFFFFF0];
	v9 =	vadd.f32 v9, v15  }
0x1a2: {  	v15 =	vld [tilespmem:s31+$0xFFFFFFB0];
	v14 =	vadd.f32 v7, v14;
	v7 =	vadd.f32 v8, v17;
	v8 =	vmul.f32 v13, v2  }
0x1a3: {  	v21 =	vld [tilespmem:s31+$0xFFFFFF80];
	v20 =	vmul.f32 v13, v3;
	v12 =	vadd.f32 v12, v16;
	v11 =	vadd.f32 v11, v18  }
0x1a4: {  	v60 =	vmul.f32 v13, v1;
	v13 =	vmul.f32 v13, v4;
	v61 =	vadd.f32 v9, v8  }
0x1a5: {  	v62 =	vadd.f32 v12, v20  }
0x1a6: {  	v12 =	vadd.f32 v11, v60;
	v8 =	vadd.f32 v14, v13;
	v63 =	vmul.f32 $1.442695020e+00, v61  }
0x1a7: {  	v9 =	vmul.f32 v6, v3;
	v13 =	vadd.f32 v10, v15;
	v15 =	vmul.f32 v6, v4  }
0x1a8: {  	v11 =	vadd.f32 v19, v21;
	v14 =	vmul.f32 v6, v2;
	v10 =	vmul.f32 $1.442695020e+00, v12  }
0x1a9: {  	s10 =	simm.s32 $0x200;
	s21 =	simm.s32 $0x4040;
	(erf) = vpow2.f32 v63;
	v12 =	vadd.f32 v13, v15;
	v13 =	vmul.f32 $1.442695020e+00, v62  }
.LBB2_7:
0x1aa: {  	p5 =	sne.s32 s10, $0x4E00;
	v11 =	vadd.f32 v11, v14;
	v7 =	vadd.f32 v7, v9;
	v6 =	vmul.f32 v6, v1;
	s31 =	sadd.s32 $0x100, s31;
	s17 =	sadd.s32 $0x20, s17  }
0x1ab: {  	s19 =	smov.u32 s10;
	s10 =	sadd.s32 $0x200, s10;
	v9 =	vmul.f32 $1.442695020e+00, v12;
	(erf) = vpow2.f32 v13  }
0x1ac: {  	v11 =	vmul.f32 $1.442695020e+00, v11;
	v5 =	vadd.f32 v5, v6;
	(erf) = vpow2.f32 v10  }
0x1ad: {  	v6 =	vmul.f32 $1.442695020e+00, v8;
	(erf) = vpow2.f32 v9  }
0x1ae: {  	v7 =	vmul.f32 $1.442695020e+00, v7;
	(erf) = vpow2.f32 v11  }
0x1af: {  	v8 =	vmul.f32 $1.442695020e+00, v5;
	(erf) = vpow2.f32 v6  }
0x1b0: {  	(erf) = vpow2.f32 v7  }
0x1b1: {  	(erf) = vpow2.f32 v8  }
0x1b2: {  	v5 =	vpop (erf)  }
0x1b3: {  	v8 =	vadd.f32 $1.000000000e+00, v5  }
0x1b4: {  	v6 =	vpop (erf)  }
0x1b5: {  	v6 =	vadd.f32 $1.000000000e+00, v6;
	v7 =	vld [tilespmem:s21+$0x70];
	(erf) = vrcp.f32 v8;
	v5 =	vpop (erf)  }
0x1b6: {  	v8 =	vld [tilespmem:s21+$0xFFFFFFE0];
	v15 =	vadd.f32 $1.000000000e+00, v5;
	v9 =	vpop (erf)  }
0x1b7: {  	s19 =	sshra.s32 s19, $0x2;
	v10 =	vld [tilespmem:s21+$0xFFFFFFC0];
	v9 =	vadd.f32 $1.000000000e+00, v9;
	v11 =	vpop (erf);
	(erf) = vrcp.f32 v6  }
0x1b8: {  	v12 =	vld [tilespmem:s19+$0xCBF0];
	v14 =	vadd.f32 $1.000000000e+00, v11;
	(erf) = vrcp.f32 v15;
	v5 =	vpop (erf)  }
0x1b9: {  	v11 =	vld [tilespmem:s21+$0x40];
	v5 =	vadd.f32 $1.000000000e+00, v5;
	v13 =	vpop (erf);
	(erf) = vrcp.f32 v9  }
0x1ba: {  	v9 =	vld [tilespmem:s19+$0xCC30];
	v13 =	vadd.f32 $1.000000000e+00, v13;
	(erf) = vrcp.f32 v14;
	v6 =	vpop (erf)  }
0x1bb: {  	v16 =	vadd.f32 $1.000000000e+00, v6;
	v14 =	vld [tilespmem:s21+$0xFFFFFFF0];
	(erf) = vrcp.f32 v5  }
0x1bc: {  	v5 =	vld [tilespmem:s21+$0x50];
	(erf) = vrcp.f32 v13  }
0x1bd: {  	v13 =	vld [tilespmem:s21+$0x60];
	(erf) = vrcp.f32 v16  }
0x1be: {  	v15 =	vld [tilespmem:s19+$0xCBD0];
	v6 =	vpop (erf)  }
0x1bf: {  	v16 =	vld [tilespmem:s19+$0xCC00];
	v18 =	vmul.f32 v6, v11  }
0x1c0: {  	v11 =	vld [tilespmem:s21+$0xFFFFFFD0];
	v17 =	vpop (erf);
	s21 =	smov.u32 s31  }
0x1c1: {  	v17 =	vmul.f32 v17, v5;
	[tilespmem:s0+$0x10800] =	vst v18;
	v6 =	vpop (erf)  }
0x1c2: {  	v18 =	vmul.f32 v6, v13;
	v13 =	vpop (erf)  }
0x1c3: {  	v13 =	vmul.f32 v13, v14;
	[tilespmem:s0+$0x10810] =	vst v17;
	v5 =	vpop (erf)  }
0x1c4: {  	v10 =	vmul.f32 v5, v10;
	[tilespmem:s0+$0x10820] =	vst v18;
	v6 =	vpop (erf)  }
0x1c5: {  	v6 =	vmul.f32 v6, v7;
	[tilespmem:s0+$0x107F0] =	vst v13;
	v7 =	vpop (erf)  }
0x1c6: {  	v7 =	vmul.f32 v7, v11;
	[tilespmem:s0+$0x107C0] =	vst v10;
	v5 =	vpop (erf)  }
0x1c7: {  	v10 =	vld [tilespmem:s19+$0xCC20];
	v5 =	vmul.f32 v5, v8;
	[tilespmem:s0+$0x10830] =	vst v6  }
0x1c8: {  	v8 =	vld [tilespmem:s19+$0xCC10];
	[tilespmem:s0+$0x107D0] =	vst v7  }
0x1c9: {  	v6 =	vld [tilespmem:s19+$0xCBE0];
	[tilespmem:s0+$0x107E0] =	vst v5;
	s0 =	smov.u32 s19  }
0x1ca: {  	v11 =	vld [tilespmem:s17+$0x0]  }
0x1cb: {  	v7 =	vld [tilespmem:s31+$0x30]  }
0x1cc: {  	v5 =	vld [tilespmem:s31+$0xFFFFFFA0]  }
0x1cd: {  	v13 =	vld [tilespmem:s31+$0x0]  }
0x1ce: {  	v14 =	vld [tilespmem:s31+$0x10]  }
0x1cf: {  	v17 =	vld [tilespmem:s31+$0xFFFFFF90]  }
0x1d0: {  	v18 =	vld [tilespmem:s31+$0x20]  }
0x1d1: {  	v19 =	vld [tilespmem:s0+$0xCBC0];
	v5 =	vadd.f32 v6, v5  }
0x1d2: {  	v6 =	vld [tilespmem:s17+$0xFFFFFFF0];
	v13 =	vadd.f32 v16, v13  }
0x1d3: {  	v20 =	vmul.f32 v11, v3;
	v21 =	vadd.f32 v9, v7;
	v16 =	vld [tilespmem:s31+$0xFFFFFFB0]  }
0x1d4: {  	v9 =	vmul.f32 v11, v2;
	v8 =	vadd.f32 v8, v14;
	v22 =	vld [tilespmem:s31+$0xFFFFFF80];
	v7 =	vadd.f32 v15, v17  }
0x1d5: {  	v14 =	vmul.f32 v11, v1;
	v11 =	vmul.f32 v11, v4;
	v10 =	vadd.f32 v10, v18  }
.Ltmp6:
0x1d6: {  	v13 =	vadd.f32 v13, v9;
	v15 =	vadd.f32 v8, v20;
	(pc) =	sbr.rel @p5 .LBB2_7-.Ltmp6, $4  }
0x1d7: {  	v8 =	vadd.f32 v21, v11;
	v9 =	vmul.f32 v6, v3;
	v10 =	vadd.f32 v10, v14  }
0x1d8: {  	v17 =	vmul.f32 $1.442695020e+00, v13;
	v12 =	vadd.f32 v12, v16;
	v16 =	vmul.f32 v6, v4  }
0x1d9: {  	v14 =	vmul.f32 v6, v2;
	v11 =	vadd.f32 v19, v22;
	v10 =	vmul.f32 $1.442695020e+00, v10  }
0x1da: {  	v13 =	vmul.f32 $1.442695020e+00, v15;
	v12 =	vadd.f32 v12, v16;
	(erf) = vpow2.f32 v17  }
0x1db: {  	_ = 	snop  }
0x1dc: {  	v1 =	vmul.f32 v6, v1;
	(erf) = vpow2.f32 v13  }
0x1dd: {  	v2 =	vadd.f32 v11, v14;
	(erf) = vpow2.f32 v10  }
0x1de: {  	v3 =	vmul.f32 $1.442695020e+00, v12;
	v1 =	vadd.f32 v5, v1  }
0x1df: {  	v4 =	vadd.f32 v7, v9;
	v51 =	vmul.f32 $1.442695020e+00, v8;
	v2 =	vmul.f32 $1.442695020e+00, v2  }
0x1e0: {  	(erf) = vpow2.f32 v3;
	v1 =	vmul.f32 $1.442695020e+00, v1  }
0x1e1: {  	v3 =	vmul.f32 $1.442695020e+00, v4;
	(erf) = vpow2.f32 v2  }
0x1e2: {  	(erf) = vpow2.f32 v51  }
0x1e3: {  	(erf) = vpow2.f32 v3  }
0x1e4: {  	(erf) = vpow2.f32 v1;
	v1 =	vpop (erf)  }
0x1e5: {  	v1 =	vadd.f32 $1.000000000e+00, v1;
	v2 =	vpop (erf)  }
0x1e6: {  	v3 =	vpop (erf)  }
0x1e7: {  	v2 =	vadd.f32 $1.000000000e+00, v2;
	(erf) = vrcp.f32 v1;
	v1 =	vadd.f32 $1.000000000e+00, v3;
	_ =	sdelay $0x1  }
0x1e8: {  	v3 =	vpop (erf);
	(erf) = vrcp.f32 v2  }
0x1e9: {  	v3 =	vadd.f32 $1.000000000e+00, v3;
	v52 =	vpop (erf)  }
0x1ea: {  	v2 =	vadd.f32 $1.000000000e+00, v52;
	(erf) = vrcp.f32 v1;
	v1 =	vpop (erf)  }
0x1eb: {  	(erf) = vrcp.f32 v3;
	v1 =	vadd.f32 $1.000000000e+00, v1  }
0x1ec: {  	(erf) = vrcp.f32 v2  }
0x1ed: {  	v53 =	vpop (erf);
	(erf) = vrcp.f32 v1;
	v1 =	vld [tilespmem:s21+$0x50]  }
0x1ee: {  	v4 =	vadd.f32 $1.000000000e+00, v53;
	v2 =	vpop (erf)  }
0x1ef: {  	v54 =	vld [tilespmem:s21+$0x40];
	v2 =	vadd.f32 $1.000000000e+00, v2  }
0x1f0: {  	v55 =	vld [tilespmem:s21+$0x60];
	(erf) = vrcp.f32 v4;
	v57 =	vpop (erf)  }
0x1f1: {  	(erf) = vrcp.f32 v2;
	v2 =	vld [tilespmem:s21+$0xFFFFFFF0];
	v59 =	vpop (erf)  }
0x1f2: {  	v56 =	vld [tilespmem:s21+$0xFFFFFFC0];
	v1 =	vmul.f32 v59, v1;
	_ =	sdelay $0x1  }
0x1f3: {  	v58 =	vld [tilespmem:s21+$0xFFFFFFE0];
	v61 =	vpop (erf)  }
0x1f4: {  	v3 =	vld [tilespmem:s21+$0x70];
	v62 =	vpop (erf)  }
0x1f5: {  	v60 =	vld [tilespmem:s21+$0xFFFFFFD0];
	v5 =	vmul.f32 v57, v54;
	v2 =	vmul.f32 v62, v2;
	[tilespmem:s0+$0x10810] =	vst v1;
	v1 =	vpop (erf)  }
0x1f6: {  	v4 =	vmul.f32 v61, v55;
	v1 =	vmul.f32 v1, v56  }
0x1f7: {  	[tilespmem:s0+$0x10800] =	vst v5  }
0x1f8: {  	[tilespmem:s0+$0x10820] =	vst v4;
	v63 =	vpop (erf)  }
0x1f9: {  	[tilespmem:s0+$0x107F0] =	vst v2;
	v3 =	vmul.f32 v63, v3;
	v2 =	vpop (erf)  }
0x1fa: {  	v2 =	vmul.f32 v2, v60;
	[tilespmem:s0+$0x107C0] =	vst v1;
	v1 =	vpop (erf)  }
0x1fb: {  	[tilespmem:s0+$0x10830] =	vst v3;
	v1 =	vmul.f32 v1, v58  }
0x1fc: {  	[tilespmem:s0+$0x107D0] =	vst v2  }
.Ltmp7:
0x1fd: {  	[tilespmem:s0+$0x107E0] =	vst v1;
	(pc) =	sbr.rel @p4 .LBB2_20-.Ltmp7, $4  }
0x1fe: {  	[spmem:s3] =	stream.indirect.scatter.add.f32 [tilespmem:s1], [sflag:$0x9], $0x40, s23, s22, $0xb8;
	[tilespmem:$0x1DF50] =	vst v63  }
0x1ff: {  	_ =	swait.ge [sflag:s18], $0x1400  }
0x200: {  	[sflag:s18] =	ssyncset.done $0x0  }
0x201: {  	[sflag:s18] =	ssyncadd.s32 $0xFFFFEC00  }
0x202: {  	s0 =	smul.u32 $0x140, s12  }
0x203: {  	s10 =	rddreg [dreg:$0x1b]  }
0x204: {  	s10 =	sadd.s32 s0, s10  }
0x205: {  	s17 =	sshrl.u32 s10, $0x3  }
0x206: {  	s19 =	sadd.s32 s7, s17  }
0x207: {  	[tilespmem:s22], [sflag:$0x2] =	stream.linear.gather [hbm4b:s19+s6], $0x50, $0x38;
	[tilespmem:$0x1DF50] =	vst v63  }
0x208: {  	s10 =	sshll.u32 s10, $0x1;
	s17 =	sadd.s32 s8, s17  }
0x209: {  	[tilespmem:s23], [sflag:$0x2] =	stream.linear.gather [hbm4b:s17+s6], $0x50, $0x38;
	[tilespmem:$0x1DF50] =	vst v63  }
0x20a: {  	s10 =	sadd.s32 s9, s10  }
0x20b: {  	[tilespmem:s24], [sflag:$0x2] =	stream.linear.gather [hbm4b:s10+s6], $0x500, $0x38;
	[tilespmem:$0x1DF50] =	vst v63  }
0x20c: {  	_ =	swait.ge [sflag:s25], $0x50  }
0x20d: {  	[sflag:s25] =	ssyncset.done $0x0  }
0x20e: {  	[sflag:s25] =	ssyncadd.s32 $0xFFFFFFB0  }
0x20f: {  	_ =	swait.ge [sflag:s25], $0x50  }
0x210: {  	[sflag:s25] =	ssyncset.done $0x0  }
0x211: {  	[sflag:s25] =	ssyncadd.s32 $0xFFFFFFB0  }
0x212: {  	_ =	swait.ge [sflag:s25], $0x500  }
0x213: {  	[sflag:s25] =	ssyncset.done $0x0  }
0x214: {  	[sflag:s25] =	ssyncadd.s32 $0xFFFFFB00  }
0x215: {  	v1 =	vld [tilespmem:$0x0]  }
0x216: {  	v2 =	vld [tilespmem:$0x10]  }
0x217: {  	v3 =	vld [tilespmem:$0x20]  }
0x218: {  	v4 =	vld [tilespmem:$0x30]  }
0x219: {  	v5 =	vld [tilespmem:$0x40]  }
0x21a: {  	v6 =	vld [tilespmem:$0x140];
	v1 =	vshll.u32 v1, $0x1  }
0x21b: {  	v7 =	vld [tilespmem:$0x150];
	v2 =	vshll.u32 v2, $0x1;
	v1 =	vor.u32 v0, v1  }
0x21c: {  	[tilespmem:$0x0] =	vst v1;
	v1 =	vor.u32 v0, v2;
	v2 =	vshll.u32 v3, $0x1;
	v3 =	vld [tilespmem:$0x160]  }
0x21d: {  	v62 =	vld [tilespmem:$0x170];
	[tilespmem:$0x10] =	vst v1;
	v1 =	vor.u32 v0, v2;
	v2 =	vshll.u32 v4, $0x1  }
0x21e: {  	v63 =	vld [tilespmem:$0x180];
	[tilespmem:$0x20] =	vst v1;
	v1 =	vor.u32 v0, v2;
	v2 =	vshll.u32 v5, $0x1  }
0x21f: {  	[tilespmem:$0x30] =	vst v1;
	v1 =	vor.u32 v0, v2;
	v2 =	vshll.u32 v6, $0x1  }
0x220: {  	[tilespmem:$0x40] =	vst v1;
	v1 =	vor.u32 v0, v2;
	v2 =	vshll.u32 v7, $0x1  }
0x221: {  	[tilespmem:$0x280] =	vst v1;
	v1 =	vor.u32 v0, v2;
	v2 =	vshll.u32 v3, $0x1  }
0x222: {  	[tilespmem:$0x290] =	vst v1;
	v1 =	vor.u32 v0, v2;
	v2 =	vshll.u32 v62, $0x1  }
0x223: {  	[tilespmem:$0x2A0] =	vst v1;
	v1 =	vor.u32 v0, v2;
	v2 =	vshll.u32 v63, $0x1  }
.Ltmp8:
0x224: {  	[tilespmem:$0x2B0] =	vst v1;
	v1 =	vor.u32 v0, v2;
	(pc) =	sbr.rel @p3 .LBB2_13-.Ltmp8, $4  }
0x225: {  	s21 =	simm.s32 $0x17C0;
	[tilespmem:$0x2C0] =	vst v1  }
0x226: {  	[tilespmem:s21], [sflag:$0x5] =	stream.indirect.gather [hbm4b:s15+s22], $0x80, s6, s22, $0xb8;
	[tilespmem:$0x1DF50] =	vst v63  }
0x227: {  	s31 =	simm.s32 $0x280;
	p4 =	por $0x0, $0x0  }
0x228: {  	[tilespmem:s30], [sflag:$0x5] =	stream.indirect.gather [hbm4b:s4+s22], $0x40, s31, s22, $0xb8;
	[tilespmem:$0x1DF50] =	vst v63  }
0x229: {  	s10 =	simm.s32 $0x7  }
0x22a: {  	_ =	swait.ge [sflag:s10], $0x2800  }
0x22b: {  	[sflag:s10] =	ssyncset.done $0x0  }
0x22c: {  	[sflag:s10] =	ssyncadd.s32 $0xFFFFD800  }
0x22d: {  	_ =	swait.ge [sflag:s10], $0x1400  }
0x22e: {  	[sflag:s10] =	ssyncset.done $0x0  }
0x22f: {  	[sflag:s10] =	ssyncadd.s32 $0xFFFFEC00  }
0x230: {  	v2 =	vld [tilespmem:$0x11BC0]  }
0x231: {  	v3 =	vld [tilespmem:$0x11BD0]  }
0x232: {  	v1 =	vld [tilespmem:$0x11BE0]  }
0x233: {  	s21 =	simm.s32 $0x0;
	v4 =	vld [tilespmem:$0x11BF0]  }
0x234: {  	v7 =	vld [tilespmem:s21+$0xE030]  }
0x235: {  	v8 =	vld [tilespmem:s21+$0xDFD0]  }
0x236: {  	v9 =	vld [tilespmem:s21+$0xE000]  }
0x237: {  	v11 =	vld [tilespmem:s21+$0xE020]  }
0x238: {  	v12 =	vld [tilespmem:s21+$0xE010]  }
0x239: {  	s31 =	simm.s32 $0xDD0;
	v5 =	vld [tilespmem:s21+$0xDFE0]  }
0x23a: {  	s10 =	simm.s32 $0x6840;
	v13 =	vld [tilespmem:s31+$0x0]  }
0x23b: {  	v14 =	vld [tilespmem:s10+$0x30]  }
0x23c: {  	v6 =	vld [tilespmem:s10+$0xFFFFFFA0]  }
0x23d: {  	v15 =	vld [tilespmem:s10+$0x0]  }
0x23e: {  	v16 =	vld [tilespmem:s10+$0x10]  }
0x23f: {  	v17 =	vld [tilespmem:s10+$0xFFFFFF90]  }
0x240: {  	v18 =	vld [tilespmem:s10+$0x20]  }
0x241: {  	v10 =	vld [tilespmem:s21+$0xDFF0]  }
0x242: {  	v19 =	vld [tilespmem:s21+$0xDFC0]  }
0x243: {  	v5 =	vadd.f32 v5, v6;
	v6 =	vld [tilespmem:s31+$0xFFFFFFF0];
	v9 =	vadd.f32 v9, v15  }
0x244: {  	v15 =	vld [tilespmem:s10+$0xFFFFFFB0];
	v14 =	vadd.f32 v7, v14;
	v7 =	vadd.f32 v8, v17;
	v8 =	vmul.f32 v13, v2  }
0x245: {  	v21 =	vld [tilespmem:s10+$0xFFFFFF80];
	v20 =	vmul.f32 v13, v3;
	v12 =	vadd.f32 v12, v16;
	v11 =	vadd.f32 v11, v18  }
0x246: {  	v60 =	vmul.f32 v13, v1;
	v13 =	vmul.f32 v13, v4;
	v61 =	vadd.f32 v9, v8  }
0x247: {  	v62 =	vadd.f32 v12, v20  }
0x248: {  	v12 =	vadd.f32 v11, v60;
	v8 =	vadd.f32 v14, v13;
	v63 =	vmul.f32 $1.442695020e+00, v61  }
0x249: {  	v9 =	vmul.f32 v6, v3;
	v13 =	vadd.f32 v10, v15;
	v15 =	vmul.f32 v6, v4  }
0x24a: {  	v11 =	vadd.f32 v19, v21;
	v14 =	vmul.f32 v6, v2;
	v10 =	vmul.f32 $1.442695020e+00, v12  }
0x24b: {  	s19 =	simm.s32 $0x200;
	s17 =	simm.s32 $0x6840;
	(erf) = vpow2.f32 v63;
	v12 =	vadd.f32 v13, v15;
	v13 =	vmul.f32 $1.442695020e+00, v62  }
.LBB2_11:
0x24c: {  	p4 =	sne.s32 s19, $0x4E00;
	v11 =	vadd.f32 v11, v14;
	v7 =	vadd.f32 v7, v9;
	v6 =	vmul.f32 v6, v1;
	s10 =	sadd.s32 $0x100, s10;
	s31 =	sadd.s32 $0x20, s31  }
0x24d: {  	s30 =	smov.u32 s19;
	s19 =	sadd.s32 $0x200, s19;
	v9 =	vmul.f32 $1.442695020e+00, v12;
	(erf) = vpow2.f32 v13  }
0x24e: {  	v11 =	vmul.f32 $1.442695020e+00, v11;
	v5 =	vadd.f32 v5, v6;
	(erf) = vpow2.f32 v10  }
0x24f: {  	v6 =	vmul.f32 $1.442695020e+00, v8;
	(erf) = vpow2.f32 v9  }
0x250: {  	v7 =	vmul.f32 $1.442695020e+00, v7;
	(erf) = vpow2.f32 v11  }
0x251: {  	v8 =	vmul.f32 $1.442695020e+00, v5;
	(erf) = vpow2.f32 v6  }
0x252: {  	(erf) = vpow2.f32 v7  }
0x253: {  	(erf) = vpow2.f32 v8  }
0x254: {  	v5 =	vpop (erf)  }
0x255: {  	v8 =	vadd.f32 $1.000000000e+00, v5  }
0x256: {  	v6 =	vpop (erf)  }
0x257: {  	v6 =	vadd.f32 $1.000000000e+00, v6;
	v7 =	vld [tilespmem:s17+$0x70];
	(erf) = vrcp.f32 v8;
	v5 =	vpop (erf)  }
0x258: {  	v8 =	vld [tilespmem:s17+$0xFFFFFFE0];
	v15 =	vadd.f32 $1.000000000e+00, v5;
	v9 =	vpop (erf)  }
0x259: {  	s30 =	sshra.s32 s30, $0x2;
	v10 =	vld [tilespmem:s17+$0xFFFFFFC0];
	v9 =	vadd.f32 $1.000000000e+00, v9;
	v11 =	vpop (erf);
	(erf) = vrcp.f32 v6  }
0x25a: {  	v12 =	vld [tilespmem:s30+$0xDFF0];
	v14 =	vadd.f32 $1.000000000e+00, v11;
	(erf) = vrcp.f32 v15;
	v5 =	vpop (erf)  }
0x25b: {  	v11 =	vld [tilespmem:s17+$0x40];
	v5 =	vadd.f32 $1.000000000e+00, v5;
	v13 =	vpop (erf);
	(erf) = vrcp.f32 v9  }
0x25c: {  	v9 =	vld [tilespmem:s30+$0xE030];
	v13 =	vadd.f32 $1.000000000e+00, v13;
	(erf) = vrcp.f32 v14;
	v6 =	vpop (erf)  }
0x25d: {  	v16 =	vadd.f32 $1.000000000e+00, v6;
	v14 =	vld [tilespmem:s17+$0xFFFFFFF0];
	(erf) = vrcp.f32 v5  }
0x25e: {  	v5 =	vld [tilespmem:s17+$0x50];
	(erf) = vrcp.f32 v13  }
0x25f: {  	v13 =	vld [tilespmem:s17+$0x60];
	(erf) = vrcp.f32 v16  }
0x260: {  	v15 =	vld [tilespmem:s30+$0xDFD0];
	v6 =	vpop (erf)  }
0x261: {  	v16 =	vld [tilespmem:s30+$0xE000];
	v18 =	vmul.f32 v6, v11  }
0x262: {  	v11 =	vld [tilespmem:s17+$0xFFFFFFD0];
	v17 =	vpop (erf);
	s17 =	smov.u32 s10  }
0x263: {  	v17 =	vmul.f32 v17, v5;
	[tilespmem:s21+$0x10800] =	vst v18;
	v6 =	vpop (erf)  }
0x264: {  	v18 =	vmul.f32 v6, v13;
	v13 =	vpop (erf)  }
0x265: {  	v13 =	vmul.f32 v13, v14;
	[tilespmem:s21+$0x10810] =	vst v17;
	v5 =	vpop (erf)  }
0x266: {  	v10 =	vmul.f32 v5, v10;
	[tilespmem:s21+$0x10820] =	vst v18;
	v6 =	vpop (erf)  }
0x267: {  	v6 =	vmul.f32 v6, v7;
	[tilespmem:s21+$0x107F0] =	vst v13;
	v7 =	vpop (erf)  }
0x268: {  	v7 =	vmul.f32 v7, v11;
	[tilespmem:s21+$0x107C0] =	vst v10;
	v5 =	vpop (erf)  }
0x269: {  	v10 =	vld [tilespmem:s30+$0xE020];
	v5 =	vmul.f32 v5, v8;
	[tilespmem:s21+$0x10830] =	vst v6  }
0x26a: {  	v8 =	vld [tilespmem:s30+$0xE010];
	[tilespmem:s21+$0x107D0] =	vst v7  }
0x26b: {  	v6 =	vld [tilespmem:s30+$0xDFE0];
	[tilespmem:s21+$0x107E0] =	vst v5;
	s21 =	smov.u32 s30  }
0x26c: {  	v11 =	vld [tilespmem:s31+$0x0]  }
0x26d: {  	v7 =	vld [tilespmem:s10+$0x30]  }
0x26e: {  	v5 =	vld [tilespmem:s10+$0xFFFFFFA0]  }
0x26f: {  	v13 =	vld [tilespmem:s10+$0x0]  }
0x270: {  	v14 =	vld [tilespmem:s10+$0x10]  }
0x271: {  	v17 =	vld [tilespmem:s10+$0xFFFFFF90]  }
0x272: {  	v18 =	vld [tilespmem:s10+$0x20]  }
0x273: {  	v19 =	vld [tilespmem:s21+$0xDFC0];
	v5 =	vadd.f32 v6, v5  }
0x274: {  	v6 =	vld [tilespmem:s31+$0xFFFFFFF0];
	v13 =	vadd.f32 v16, v13  }
0x275: {  	v20 =	vmul.f32 v11, v3;
	v21 =	vadd.f32 v9, v7;
	v16 =	vld [tilespmem:s10+$0xFFFFFFB0]  }
0x276: {  	v9 =	vmul.f32 v11, v2;
	v8 =	vadd.f32 v8, v14;
	v22 =	vld [tilespmem:s10+$0xFFFFFF80];
	v7 =	vadd.f32 v15, v17  }
0x277: {  	v14 =	vmul.f32 v11, v1;
	v11 =	vmul.f32 v11, v4;
	v10 =	vadd.f32 v10, v18  }
.Ltmp9:
0x278: {  	v13 =	vadd.f32 v13, v9;
	v15 =	vadd.f32 v8, v20;
	(pc) =	sbr.rel @p4 .LBB2_11-.Ltmp9, $4  }
0x279: {  	v8 =	vadd.f32 v21, v11;
	v9 =	vmul.f32 v6, v3;
	v10 =	vadd.f32 v10, v14  }
0x27a: {  	v17 =	vmul.f32 $1.442695020e+00, v13;
	v12 =	vadd.f32 v12, v16;
	v16 =	vmul.f32 v6, v4  }
0x27b: {  	v14 =	vmul.f32 v6, v2;
	v11 =	vadd.f32 v19, v22;
	v10 =	vmul.f32 $1.442695020e+00, v10  }
0x27c: {  	v13 =	vmul.f32 $1.442695020e+00, v15;
	v12 =	vadd.f32 v12, v16;
	(erf) = vpow2.f32 v17  }
0x27d: {  	_ = 	snop  }
0x27e: {  	v1 =	vmul.f32 v6, v1;
	(erf) = vpow2.f32 v13  }
0x27f: {  	v2 =	vadd.f32 v11, v14;
	(erf) = vpow2.f32 v10  }
0x280: {  	v3 =	vmul.f32 $1.442695020e+00, v12;
	v1 =	vadd.f32 v5, v1  }
0x281: {  	v4 =	vadd.f32 v7, v9;
	v51 =	vmul.f32 $1.442695020e+00, v8;
	v2 =	vmul.f32 $1.442695020e+00, v2  }
0x282: {  	(erf) = vpow2.f32 v3;
	v1 =	vmul.f32 $1.442695020e+00, v1  }
0x283: {  	v3 =	vmul.f32 $1.442695020e+00, v4;
	(erf) = vpow2.f32 v2  }
0x284: {  	(erf) = vpow2.f32 v51  }
0x285: {  	(erf) = vpow2.f32 v3  }
0x286: {  	(erf) = vpow2.f32 v1;
	v1 =	vpop (erf)  }
0x287: {  	v1 =	vadd.f32 $1.000000000e+00, v1;
	v2 =	vpop (erf)  }
0x288: {  	v3 =	vpop (erf)  }
0x289: {  	v2 =	vadd.f32 $1.000000000e+00, v2;
	(erf) = vrcp.f32 v1;
	v1 =	vadd.f32 $1.000000000e+00, v3;
	_ =	sdelay $0x1  }
0x28a: {  	v3 =	vpop (erf);
	(erf) = vrcp.f32 v2  }
0x28b: {  	v3 =	vadd.f32 $1.000000000e+00, v3;
	v52 =	vpop (erf)  }
0x28c: {  	v2 =	vadd.f32 $1.000000000e+00, v52;
	(erf) = vrcp.f32 v1;
	v1 =	vpop (erf)  }
0x28d: {  	(erf) = vrcp.f32 v3;
	v1 =	vadd.f32 $1.000000000e+00, v1  }
0x28e: {  	(erf) = vrcp.f32 v2  }
0x28f: {  	v53 =	vpop (erf);
	(erf) = vrcp.f32 v1;
	v1 =	vld [tilespmem:s17+$0x50]  }
0x290: {  	v4 =	vadd.f32 $1.000000000e+00, v53;
	v2 =	vpop (erf)  }
0x291: {  	v54 =	vld [tilespmem:s17+$0x40];
	v2 =	vadd.f32 $1.000000000e+00, v2  }
0x292: {  	v55 =	vld [tilespmem:s17+$0x60];
	(erf) = vrcp.f32 v4;
	v57 =	vpop (erf)  }
0x293: {  	(erf) = vrcp.f32 v2;
	v2 =	vld [tilespmem:s17+$0xFFFFFFF0];
	v59 =	vpop (erf)  }
0x294: {  	v56 =	vld [tilespmem:s17+$0xFFFFFFC0];
	v1 =	vmul.f32 v59, v1;
	_ =	sdelay $0x1  }
0x295: {  	v58 =	vld [tilespmem:s17+$0xFFFFFFE0];
	v61 =	vpop (erf)  }
0x296: {  	v3 =	vld [tilespmem:s17+$0x70];
	v62 =	vpop (erf)  }
0x297: {  	v60 =	vld [tilespmem:s17+$0xFFFFFFD0];
	v5 =	vmul.f32 v57, v54;
	v2 =	vmul.f32 v62, v2;
	[tilespmem:s21+$0x10810] =	vst v1;
	v1 =	vpop (erf)  }
0x298: {  	v4 =	vmul.f32 v61, v55;
	v1 =	vmul.f32 v1, v56  }
0x299: {  	[tilespmem:s21+$0x10800] =	vst v5  }
0x29a: {  	[tilespmem:s21+$0x10820] =	vst v4;
	v63 =	vpop (erf)  }
0x29b: {  	[tilespmem:s21+$0x107F0] =	vst v2;
	v3 =	vmul.f32 v63, v3;
	v2 =	vpop (erf)  }
0x29c: {  	v2 =	vmul.f32 v2, v60;
	[tilespmem:s21+$0x107C0] =	vst v1;
	v1 =	vpop (erf)  }
0x29d: {  	[tilespmem:s21+$0x10830] =	vst v3;
	v1 =	vmul.f32 v1, v58  }
0x29e: {  	[tilespmem:s21+$0x107D0] =	vst v2  }
0x29f: {  	s10 =	simm.s32 $0x1E0;
	[tilespmem:s21+$0x107E0] =	vst v1  }
0x2a0: {  	[spmem:s3] =	stream.indirect.scatter.add.f32 [tilespmem:s1], [sflag:$0x9], $0x40, s10, s22, $0xb8;
	[tilespmem:$0x1DF50] =	vst v63  }
0x2a1: {  	_ =	swait.ge [sflag:s18], $0x1400  }
0x2a2: {  	p5 =	seq.s32 s12, $0x3D;
	p4 =	por $0x0, $0x0;
	s10 =	rddreg [dreg:$0x1c]  }
0x2a3: {  	s30 =	simm.s32 @!p5 $0xA0;
	p6 =	por @!p5 $0x1, $0x1;
	s10 =	sadd.s32 @!p5 s0, s10  }
0x2a4: {  	p4 =	por @!p5 p6, p6;
	[sflag:s18] =	ssyncset.done $0x0;
	s17 =	sshrl.u32 @!p5 s10, $0x3  }
0x2a5: {  	s21 =	simm.s32 @!p5 $0x0;
	[sflag:s18] =	ssyncadd.s32 $0xFFFFEC00;
	s19 =	sadd.s32 @!p5 s7, s17  }
0x2a6: {  	[tilespmem:s30], [sflag:$0x3] =	stream.linear.gather @!p5 [hbm4b:s19+s21], $0x50, $0x38;
	[tilespmem:$0x1DF50] =	vst v63  }
0x2a7: {  	s10 =	sshll.u32 @!p5 s10, $0x1;
	s17 =	sadd.s32 @!p5 s8, s17;
	s19 =	simm.s32 @!p5 $0x1E0  }
0x2a8: {  	[tilespmem:s19], [sflag:$0x3] =	stream.linear.gather @!p5 [hbm4b:s17+s21], $0x50, $0x38;
	[tilespmem:$0x1DF50] =	vst v63  }
0x2a9: {  	s10 =	sadd.s32 @!p5 s9, s10;
	s30 =	simm.s32 $0xB7C0;
	s17 =	simm.s32 @!p5 $0xDC0  }
0x2aa: {  	[tilespmem:s17], [sflag:$0x3] =	stream.linear.gather @!p5 [hbm4b:s10+s21], $0x500, $0x38;
	[tilespmem:$0x1DF50] =	vst v63  }
.LBB2_13:
0x2ab: {  	_ =	swait.ge [sflag:s16], $0x50  }
0x2ac: {  	[sflag:s16] =	ssyncset.done $0x0  }
0x2ad: {  	[sflag:s16] =	ssyncadd.s32 $0xFFFFFFB0  }
0x2ae: {  	_ =	swait.ge [sflag:s16], $0x50  }
0x2af: {  	[sflag:s16] =	ssyncset.done $0x0  }
0x2b0: {  	[sflag:s16] =	ssyncadd.s32 $0xFFFFFFB0  }
0x2b1: {  	_ =	swait.ge [sflag:s16], $0x500  }
0x2b2: {  	[sflag:s16] =	ssyncset.done $0x0  }
0x2b3: {  	[sflag:s16] =	ssyncadd.s32 $0xFFFFFB00  }
0x2b4: {  	v1 =	vld [tilespmem:$0x50]  }
0x2b5: {  	v2 =	vld [tilespmem:$0x60]  }
0x2b6: {  	v3 =	vld [tilespmem:$0x70]  }
0x2b7: {  	v4 =	vld [tilespmem:$0x80]  }
0x2b8: {  	v5 =	vld [tilespmem:$0x90]  }
0x2b9: {  	v6 =	vld [tilespmem:$0x190];
	v1 =	vshll.u32 v1, $0x1  }
0x2ba: {  	v7 =	vld [tilespmem:$0x1A0];
	v2 =	vshll.u32 v2, $0x1;
	v1 =	vor.u32 v0, v1  }
0x2bb: {  	[tilespmem:$0x50] =	vst v1;
	v1 =	vor.u32 v0, v2;
	v2 =	vshll.u32 v3, $0x1;
	v3 =	vld [tilespmem:$0x1B0]  }
0x2bc: {  	v62 =	vld [tilespmem:$0x1C0];
	[tilespmem:$0x60] =	vst v1;
	v1 =	vor.u32 v0, v2;
	v2 =	vshll.u32 v4, $0x1  }
0x2bd: {  	v63 =	vld [tilespmem:$0x1D0];
	[tilespmem:$0x70] =	vst v1;
	v1 =	vor.u32 v0, v2;
	v2 =	vshll.u32 v5, $0x1  }
0x2be: {  	[tilespmem:$0x80] =	vst v1;
	v1 =	vor.u32 v0, v2;
	v2 =	vshll.u32 v6, $0x1  }
0x2bf: {  	[tilespmem:$0x90] =	vst v1;
	v1 =	vor.u32 v0, v2;
	v2 =	vshll.u32 v7, $0x1  }
0x2c0: {  	[tilespmem:$0x2D0] =	vst v1;
	v1 =	vor.u32 v0, v2;
	v2 =	vshll.u32 v3, $0x1  }
0x2c1: {  	[tilespmem:$0x2E0] =	vst v1;
	v1 =	vor.u32 v0, v2;
	v2 =	vshll.u32 v62, $0x1  }
0x2c2: {  	[tilespmem:$0x2F0] =	vst v1;
	v1 =	vor.u32 v0, v2;
	v2 =	vshll.u32 v63, $0x1  }
.Ltmp10:
0x2c3: {  	[tilespmem:$0x300] =	vst v1;
	v1 =	vor.u32 v0, v2;
	(pc) =	sbr.rel @p3 .LBB2_17-.Ltmp10, $4  }
0x2c4: {  	s10 =	simm.s32 $0x3FC0;
	[tilespmem:$0x310] =	vst v1  }
0x2c5: {  	[tilespmem:s10], [sflag:$0x6] =	stream.indirect.gather [hbm4b:s15+s22], $0x80, s22, s22, $0xb8;
	[tilespmem:$0x1DF50] =	vst v63  }
0x2c6: {  	s31 =	simm.s32 $0x2D0  }
0x2c7: {  	[tilespmem:s11], [sflag:$0x6] =	stream.indirect.gather [hbm4b:s4+s22], $0x40, s31, s22, $0xb8;
	[tilespmem:$0x1DF50] =	vst v63  }
0x2c8: {  	_ =	swait.ge [sflag:s28], $0x2800  }
0x2c9: {  	[sflag:s28] =	ssyncset.done $0x0  }
0x2ca: {  	[sflag:s28] =	ssyncadd.s32 $0xFFFFD800  }
0x2cb: {  	_ =	swait.ge [sflag:s28], $0x1400  }
0x2cc: {  	[sflag:s28] =	ssyncset.done $0x0  }
0x2cd: {  	[sflag:s28] =	ssyncadd.s32 $0xFFFFEC00  }
0x2ce: {  	v2 =	vld [tilespmem:$0x11BC0]  }
0x2cf: {  	v3 =	vld [tilespmem:$0x11BD0]  }
0x2d0: {  	v1 =	vld [tilespmem:$0x11BE0]  }
0x2d1: {  	s21 =	simm.s32 $0x0;
	v4 =	vld [tilespmem:$0x11BF0]  }
0x2d2: {  	v7 =	vld [tilespmem:s21+$0xF430]  }
0x2d3: {  	v8 =	vld [tilespmem:s21+$0xF3D0]  }
0x2d4: {  	v9 =	vld [tilespmem:s21+$0xF400]  }
0x2d5: {  	v11 =	vld [tilespmem:s21+$0xF420]  }
0x2d6: {  	v12 =	vld [tilespmem:s21+$0xF410]  }
0x2d7: {  	s31 =	simm.s32 $0x12D0;
	v5 =	vld [tilespmem:s21+$0xF3E0]  }
0x2d8: {  	s10 =	simm.s32 $0x9040;
	v13 =	vld [tilespmem:s31+$0x0]  }
0x2d9: {  	v14 =	vld [tilespmem:s10+$0x30]  }
0x2da: {  	v6 =	vld [tilespmem:s10+$0xFFFFFFA0]  }
0x2db: {  	v15 =	vld [tilespmem:s10+$0x0]  }
0x2dc: {  	v16 =	vld [tilespmem:s10+$0x10]  }
0x2dd: {  	v17 =	vld [tilespmem:s10+$0xFFFFFF90]  }
0x2de: {  	v18 =	vld [tilespmem:s10+$0x20]  }
0x2df: {  	v10 =	vld [tilespmem:s21+$0xF3F0]  }
0x2e0: {  	v19 =	vld [tilespmem:s21+$0xF3C0]  }
0x2e1: {  	v5 =	vadd.f32 v5, v6;
	v6 =	vld [tilespmem:s31+$0xFFFFFFF0];
	v9 =	vadd.f32 v9, v15  }
0x2e2: {  	v15 =	vld [tilespmem:s10+$0xFFFFFFB0];
	v14 =	vadd.f32 v7, v14;
	v7 =	vadd.f32 v8, v17;
	v8 =	vmul.f32 v13, v2  }
0x2e3: {  	v21 =	vld [tilespmem:s10+$0xFFFFFF80];
	v20 =	vmul.f32 v13, v3;
	v12 =	vadd.f32 v12, v16;
	v11 =	vadd.f32 v11, v18  }
0x2e4: {  	v60 =	vmul.f32 v13, v1;
	v13 =	vmul.f32 v13, v4;
	v61 =	vadd.f32 v9, v8  }
0x2e5: {  	v62 =	vadd.f32 v12, v20  }
0x2e6: {  	v12 =	vadd.f32 v11, v60;
	v8 =	vadd.f32 v14, v13;
	v63 =	vmul.f32 $1.442695020e+00, v61  }
0x2e7: {  	v9 =	vmul.f32 v6, v3;
	v13 =	vadd.f32 v10, v15;
	v15 =	vmul.f32 v6, v4  }
0x2e8: {  	v11 =	vadd.f32 v19, v21;
	v14 =	vmul.f32 v6, v2;
	v10 =	vmul.f32 $1.442695020e+00, v12  }
0x2e9: {  	s19 =	simm.s32 $0x200;
	s17 =	simm.s32 $0x9040;
	(erf) = vpow2.f32 v63;
	v12 =	vadd.f32 v13, v15;
	v13 =	vmul.f32 $1.442695020e+00, v62  }
.LBB2_15:
0x2ea: {  	p3 =	sne.s32 s19, $0x4E00;
	v11 =	vadd.f32 v11, v14;
	v7 =	vadd.f32 v7, v9;
	v6 =	vmul.f32 v6, v1;
	s10 =	sadd.s32 $0x100, s10;
	s31 =	sadd.s32 $0x20, s31  }
0x2eb: {  	s30 =	smov.u32 s19;
	s19 =	sadd.s32 $0x200, s19;
	v9 =	vmul.f32 $1.442695020e+00, v12;
	(erf) = vpow2.f32 v13  }
0x2ec: {  	v11 =	vmul.f32 $1.442695020e+00, v11;
	v5 =	vadd.f32 v5, v6;
	(erf) = vpow2.f32 v10  }
0x2ed: {  	v6 =	vmul.f32 $1.442695020e+00, v8;
	(erf) = vpow2.f32 v9  }
0x2ee: {  	v7 =	vmul.f32 $1.442695020e+00, v7;
	(erf) = vpow2.f32 v11  }
0x2ef: {  	v8 =	vmul.f32 $1.442695020e+00, v5;
	(erf) = vpow2.f32 v6  }
0x2f0: {  	(erf) = vpow2.f32 v7  }
0x2f1: {  	(erf) = vpow2.f32 v8  }
0x2f2: {  	v5 =	vpop (erf)  }
0x2f3: {  	v8 =	vadd.f32 $1.000000000e+00, v5  }
0x2f4: {  	v6 =	vpop (erf)  }
0x2f5: {  	v6 =	vadd.f32 $1.000000000e+00, v6;
	v7 =	vld [tilespmem:s17+$0x70];
	(erf) = vrcp.f32 v8;
	v5 =	vpop (erf)  }
0x2f6: {  	v8 =	vld [tilespmem:s17+$0xFFFFFFE0];
	v15 =	vadd.f32 $1.000000000e+00, v5;
	v9 =	vpop (erf)  }
0x2f7: {  	s30 =	sshra.s32 s30, $0x2;
	v10 =	vld [tilespmem:s17+$0xFFFFFFC0];
	v9 =	vadd.f32 $1.000000000e+00, v9;
	v11 =	vpop (erf);
	(erf) = vrcp.f32 v6  }
0x2f8: {  	v12 =	vld [tilespmem:s30+$0xF3F0];
	v14 =	vadd.f32 $1.000000000e+00, v11;
	(erf) = vrcp.f32 v15;
	v5 =	vpop (erf)  }
0x2f9: {  	v11 =	vld [tilespmem:s17+$0x40];
	v5 =	vadd.f32 $1.000000000e+00, v5;
	v13 =	vpop (erf);
	(erf) = vrcp.f32 v9  }
0x2fa: {  	v9 =	vld [tilespmem:s30+$0xF430];
	v13 =	vadd.f32 $1.000000000e+00, v13;
	(erf) = vrcp.f32 v14;
	v6 =	vpop (erf)  }
0x2fb: {  	v16 =	vadd.f32 $1.000000000e+00, v6;
	v14 =	vld [tilespmem:s17+$0xFFFFFFF0];
	(erf) = vrcp.f32 v5  }
0x2fc: {  	v5 =	vld [tilespmem:s17+$0x50];
	(erf) = vrcp.f32 v13  }
0x2fd: {  	v13 =	vld [tilespmem:s17+$0x60];
	(erf) = vrcp.f32 v16  }
0x2fe: {  	v15 =	vld [tilespmem:s30+$0xF3D0];
	v6 =	vpop (erf)  }
0x2ff: {  	v16 =	vld [tilespmem:s30+$0xF400];
	v18 =	vmul.f32 v6, v11  }
0x300: {  	v11 =	vld [tilespmem:s17+$0xFFFFFFD0];
	v17 =	vpop (erf);
	s17 =	smov.u32 s10  }
0x301: {  	v17 =	vmul.f32 v17, v5;
	[tilespmem:s21+$0x10800] =	vst v18;
	v6 =	vpop (erf)  }
0x302: {  	v18 =	vmul.f32 v6, v13;
	v13 =	vpop (erf)  }
0x303: {  	v13 =	vmul.f32 v13, v14;
	[tilespmem:s21+$0x10810] =	vst v17;
	v5 =	vpop (erf)  }
0x304: {  	v10 =	vmul.f32 v5, v10;
	[tilespmem:s21+$0x10820] =	vst v18;
	v6 =	vpop (erf)  }
0x305: {  	v6 =	vmul.f32 v6, v7;
	[tilespmem:s21+$0x107F0] =	vst v13;
	v7 =	vpop (erf)  }
0x306: {  	v7 =	vmul.f32 v7, v11;
	[tilespmem:s21+$0x107C0] =	vst v10;
	v5 =	vpop (erf)  }
0x307: {  	v10 =	vld [tilespmem:s30+$0xF420];
	v5 =	vmul.f32 v5, v8;
	[tilespmem:s21+$0x10830] =	vst v6  }
0x308: {  	v8 =	vld [tilespmem:s30+$0xF410];
	[tilespmem:s21+$0x107D0] =	vst v7  }
0x309: {  	v6 =	vld [tilespmem:s30+$0xF3E0];
	[tilespmem:s21+$0x107E0] =	vst v5;
	s21 =	smov.u32 s30  }
0x30a: {  	v11 =	vld [tilespmem:s31+$0x0]  }
0x30b: {  	v7 =	vld [tilespmem:s10+$0x30]  }
0x30c: {  	v5 =	vld [tilespmem:s10+$0xFFFFFFA0]  }
0x30d: {  	v13 =	vld [tilespmem:s10+$0x0]  }
0x30e: {  	v14 =	vld [tilespmem:s10+$0x10]  }
0x30f: {  	v17 =	vld [tilespmem:s10+$0xFFFFFF90]  }
0x310: {  	v18 =	vld [tilespmem:s10+$0x20]  }
0x311: {  	v19 =	vld [tilespmem:s21+$0xF3C0];
	v5 =	vadd.f32 v6, v5  }
0x312: {  	v6 =	vld [tilespmem:s31+$0xFFFFFFF0];
	v13 =	vadd.f32 v16, v13  }
0x313: {  	v20 =	vmul.f32 v11, v3;
	v21 =	vadd.f32 v9, v7;
	v16 =	vld [tilespmem:s10+$0xFFFFFFB0]  }
0x314: {  	v9 =	vmul.f32 v11, v2;
	v8 =	vadd.f32 v8, v14;
	v22 =	vld [tilespmem:s10+$0xFFFFFF80];
	v7 =	vadd.f32 v15, v17  }
0x315: {  	v14 =	vmul.f32 v11, v1;
	v11 =	vmul.f32 v11, v4;
	v10 =	vadd.f32 v10, v18  }
.Ltmp11:
0x316: {  	v13 =	vadd.f32 v13, v9;
	v15 =	vadd.f32 v8, v20;
	(pc) =	sbr.rel @p3 .LBB2_15-.Ltmp11, $4  }
0x317: {  	v8 =	vadd.f32 v21, v11;
	v9 =	vmul.f32 v6, v3;
	v10 =	vadd.f32 v10, v14  }
0x318: {  	v17 =	vmul.f32 $1.442695020e+00, v13;
	v12 =	vadd.f32 v12, v16;
	v16 =	vmul.f32 v6, v4  }
0x319: {  	v14 =	vmul.f32 v6, v2;
	v11 =	vadd.f32 v19, v22;
	v10 =	vmul.f32 $1.442695020e+00, v10  }
0x31a: {  	v13 =	vmul.f32 $1.442695020e+00, v15;
	v12 =	vadd.f32 v12, v16;
	(erf) = vpow2.f32 v17  }
0x31b: {  	_ = 	snop  }
0x31c: {  	v1 =	vmul.f32 v6, v1;
	(erf) = vpow2.f32 v13  }
0x31d: {  	v2 =	vadd.f32 v11, v14;
	(erf) = vpow2.f32 v10  }
0x31e: {  	v3 =	vmul.f32 $1.442695020e+00, v12;
	v1 =	vadd.f32 v5, v1  }
0x31f: {  	v4 =	vadd.f32 v7, v9;
	v51 =	vmul.f32 $1.442695020e+00, v8;
	v2 =	vmul.f32 $1.442695020e+00, v2  }
0x320: {  	(erf) = vpow2.f32 v3;
	v1 =	vmul.f32 $1.442695020e+00, v1  }
0x321: {  	v3 =	vmul.f32 $1.442695020e+00, v4;
	(erf) = vpow2.f32 v2  }
0x322: {  	(erf) = vpow2.f32 v51  }
0x323: {  	(erf) = vpow2.f32 v3  }
0x324: {  	(erf) = vpow2.f32 v1;
	v1 =	vpop (erf)  }
0x325: {  	v1 =	vadd.f32 $1.000000000e+00, v1;
	v2 =	vpop (erf)  }
0x326: {  	v3 =	vpop (erf)  }
0x327: {  	v2 =	vadd.f32 $1.000000000e+00, v2;
	(erf) = vrcp.f32 v1;
	v1 =	vadd.f32 $1.000000000e+00, v3;
	_ =	sdelay $0x1  }
0x328: {  	v3 =	vpop (erf);
	(erf) = vrcp.f32 v2  }
0x329: {  	v3 =	vadd.f32 $1.000000000e+00, v3;
	v52 =	vpop (erf)  }
0x32a: {  	v2 =	vadd.f32 $1.000000000e+00, v52;
	(erf) = vrcp.f32 v1;
	v1 =	vpop (erf)  }
0x32b: {  	(erf) = vrcp.f32 v3;
	v1 =	vadd.f32 $1.000000000e+00, v1  }
0x32c: {  	(erf) = vrcp.f32 v2  }
0x32d: {  	v53 =	vpop (erf);
	(erf) = vrcp.f32 v1;
	v1 =	vld [tilespmem:s17+$0x50]  }
0x32e: {  	v4 =	vadd.f32 $1.000000000e+00, v53;
	v2 =	vpop (erf)  }
0x32f: {  	v54 =	vld [tilespmem:s17+$0x40];
	v2 =	vadd.f32 $1.000000000e+00, v2  }
0x330: {  	v55 =	vld [tilespmem:s17+$0x60];
	(erf) = vrcp.f32 v4;
	v57 =	vpop (erf)  }
0x331: {  	(erf) = vrcp.f32 v2;
	v2 =	vld [tilespmem:s17+$0xFFFFFFF0];
	v59 =	vpop (erf)  }
0x332: {  	v56 =	vld [tilespmem:s17+$0xFFFFFFC0];
	v1 =	vmul.f32 v59, v1;
	_ =	sdelay $0x1  }
0x333: {  	v58 =	vld [tilespmem:s17+$0xFFFFFFE0];
	v61 =	vpop (erf)  }
0x334: {  	v3 =	vld [tilespmem:s17+$0x70];
	v62 =	vpop (erf)  }
0x335: {  	v60 =	vld [tilespmem:s17+$0xFFFFFFD0];
	v5 =	vmul.f32 v57, v54;
	v2 =	vmul.f32 v62, v2;
	[tilespmem:s21+$0x10810] =	vst v1;
	v1 =	vpop (erf)  }
0x336: {  	v4 =	vmul.f32 v61, v55;
	v1 =	vmul.f32 v1, v56  }
0x337: {  	[tilespmem:s21+$0x10800] =	vst v5  }
0x338: {  	[tilespmem:s21+$0x10820] =	vst v4;
	v63 =	vpop (erf)  }
0x339: {  	[tilespmem:s21+$0x107F0] =	vst v2;
	v3 =	vmul.f32 v63, v3;
	v2 =	vpop (erf)  }
0x33a: {  	v2 =	vmul.f32 v2, v60;
	[tilespmem:s21+$0x107C0] =	vst v1;
	v1 =	vpop (erf)  }
0x33b: {  	[tilespmem:s21+$0x10830] =	vst v3;
	v1 =	vmul.f32 v1, v58  }
0x33c: {  	[tilespmem:s21+$0x107D0] =	vst v2  }
0x33d: {  	[tilespmem:s21+$0x107E0] =	vst v1  }
0x33e: {  	[spmem:s3] =	stream.indirect.scatter.add.f32 [tilespmem:s1], [sflag:$0x9], $0x40, s29, s22, $0xb8;
	[tilespmem:$0x1DF50] =	vst v63  }
.Ltmp12:
0x33f: {  	_ = 	snop;
	(pc) =	sbr.rel @p4 .LBB2_18-.Ltmp12, $4  }
.Ltmp13:
0x340: {  	_ = 	snop;
	(pc) =	sbr.rel @!p4 .LBB2_19-.Ltmp13, $4  }
0x341: {  	_ =	swait.ge [sflag:s18], $0x1400  }
0x342: {  	[sflag:s18] =	ssyncset.done $0x0  }
0x343: {  	s30 =	simm.s32 $0xB7C0;
	[sflag:s18] =	ssyncadd.s32 $0xFFFFEC00  }
0x344: {  	_ = 	snop  }
.LBB2_17:
.Ltmp14:
0x345: {  	(pc) =	sbr.rel @!p4 .LBB2_19-.Ltmp14, $4  }
.Ltmp15:
0x346: {  	(pc) =	sbr.rel @p4 .LBB2_18-.Ltmp15, $4  }
0x347: {  	_ = 	snop  }
0x348: {  	_ = 	snop  }
0x349: {  	_ = 	snop  }
0x34a: {  	_ = 	snop  }
.LBB2_20:
0x34b: {  	[bflag:$0x0] =	sbarrier.arrive $0xFFFF  }
0x34c: {  	s1 =	sld [smem:$0x7F4]  }
0x34d: {  	s4 =	sld [smem:$0x7F3];
	_ =	sdelay $0x1  }
0x34e: {  	s0 =	rddreg [dreg:$0xa]  }
0x34f: {  	[hbm:s0], [sflag:s1] =	dma.local [spmem:s4], $0x1380  }
0x350: {  	_ =	swait.ge [sflag:s18], $0x1380  }
0x351: {  	[sflag:s18] =	ssyncset.done $0x0;
	s10 =	rddreg [dreg:$0x8]  }
0x352: {  	s12 =	rddreg [dreg:$0x9];
	[sflag:s18] =	ssyncadd.s32 $0xFFFFEC80;
	s0 =	sshrl.u32 @p1 s10, $0x3  }
0x353: {  	[spmem:s0], [sflag:s1] =	dma.local @p1 [hbm:s12], $0x1380  }
0x354: {  	s0 =	simm.s32 @p1 $0x9  }
0x355: {  	_ =	swait.ge @p1 [sflag:s0], $0x1380  }
0x356: {  	s4 =	sld [smem:$0x7F5]  }
0x357: {  	[sflag:s0] =	ssyncset.done @p1 $0x0  }
0x358: {  	[sflag:s0] =	ssyncadd.s32 @p1 $0xFFFFEC80;
	s0 =	rddreg [dreg:$0xb]  }
0x359: {  	[hbm:s0], [sflag:s1] =	dma.local @!p1 [spmem:s4], $0x80  }
0x35a: {  	s0 =	simm.s32 @!p1 $0x9  }
0x35b: {  	_ =	swait.ge @!p1 [sflag:s0], $0x80  }
0x35c: {  	[sflag:s0] =	ssyncset.done @!p1 $0x0  }
0x35d: {  	s10 =	sshrl.u32 @!p1 s10, $0x3;
	[sflag:s0] =	ssyncadd.s32 @!p1 $0xFFFFFF80  }
0x35e: {  	[spmem:s10], [sflag:s1] =	dma.local @!p1 [hbm:s12], $0x1380  }
0x35f: {  	_ =	swait.ge @!p1 [sflag:s0], $0x1380  }
0x360: {  	s10 =	sld [smem:$0x7F7]  }
0x361: {  	[sflag:s0] =	ssyncset.done @!p1 $0x0  }
0x362: {  	[sflag:s0] =	ssyncadd.s32 @!p1 $0xFFFFEC80  }
0x363: {  	[spmem:s4], [sflag:s1] =	dma.local @!p1 [hbm:s10], $0x80  }
0x364: {  	_ =	swait.ge @!p1 [sflag:s0], $0x80  }
0x365: {  	[sflag:s0] =	ssyncset.done @!p1 $0x0;
	s17 =	rddreg [dreg:$0x1e]  }
0x366: {  	s19 =	rddreg [dreg:$0x1f];
	[sflag:s0] =	ssyncadd.s32 @!p1 $0xFFFFFF80;
	s10 =	sshrl.u32 s17, $0x3  }
0x367: {  	[spmem:s10], [sflag:s1] =	dma.local [hbm:s19], $0x4E0  }
0x368: {  	_ =	swait.ge [sflag:s18], $0x4E0  }
0x369: {  	s10 =	sld [smem:$0x7FC]  }
0x36a: {  	s12 =	sld [smem:$0x7F8]  }
0x36b: {  	[sflag:s18] =	ssyncset.done $0x0  }
0x36c: {  	[sflag:s18] =	ssyncadd.s32 $0xFFFFFB20;
	s10 =	sshrl.u32 @!p1 s10, $0x3  }
0x36d: {  	[spmem:s10], [sflag:s1] =	dma.local @!p1 [hbm:s12], $0x20  }
0x36e: {  	_ =	swait.ge @!p1 [sflag:s0], $0x20  }
0x36f: {  	[sflag:s0] =	ssyncset.done @!p1 $0x0  }
0x370: {  	[sflag:s0] =	ssyncadd.s32 @!p1 $0xFFFFFFE0  }
0x371: {  	[bflag:$0x0] =	sbarrier.arrive $0xFFFF  }
0x372: {  	s0 =	simm.s32 $0x0;
	s21 =	rddreg [dreg:$0xe]  }
0x373: {  	[tilespmem:s0], [sflag:$0x1] =	stream.linear.gather [hbm4b:s21+s0], $0x50, $0x38;
	[tilespmem:$0x1DF50] =	vst v63  }
0x374: {  	s24 =	rddreg [dreg:$0xf]  }
0x375: {  	[tilespmem:s20], [sflag:$0x1] =	stream.linear.gather [hbm4b:s24+s0], $0x50, $0x38;
	[tilespmem:$0x1DF50] =	vst v63  }
0x376: {  	s1 =	simm.s32 $0x3C0;
	s31 =	rddreg [dreg:$0x10]  }
0x377: {  	[tilespmem:s1], [sflag:$0x1] =	stream.linear.gather [hbm4b:s31+s0], $0x500, $0x38;
	[tilespmem:$0x1DF50] =	vst v63  }
0x378: {  	s4 =	rddreg [dreg:$0x11]  }
0x379: {  	[tilespmem:s22], [sflag:$0x2] =	stream.linear.gather [hbm4b:s4+s0], $0x50, $0x38;
	[tilespmem:$0x1DF50] =	vst v63  }
0x37a: {  	s12 =	rddreg [dreg:$0x12]  }
0x37b: {  	[tilespmem:s23], [sflag:$0x2] =	stream.linear.gather [hbm4b:s12+s0], $0x50, $0x38;
	[tilespmem:$0x1DF50] =	vst v63  }
0x37c: {  	s17 =	rddreg [dreg:$0x13];
	s24 =	simm.s32 $0x8C0  }
0x37d: {  	[tilespmem:s24], [sflag:$0x2] =	stream.linear.gather [hbm4b:s17+s0], $0x500, $0x38;
	[tilespmem:$0x1DF50] =	vst v63  }
0x37e: {  	_ =	swait.ge [sflag:s25], $0x50  }
0x37f: {  	[sflag:s25] =	ssyncset.done $0x0  }
0x380: {  	[sflag:s25] =	ssyncadd.s32 $0xFFFFFFB0  }
0x381: {  	_ =	swait.ge [sflag:s25], $0x50  }
0x382: {  	[sflag:s25] =	ssyncset.done $0x0  }
0x383: {  	[sflag:s25] =	ssyncadd.s32 $0xFFFFFFB0  }
0x384: {  	_ =	swait.ge [sflag:s25], $0x500  }
0x385: {  	[sflag:s25] =	ssyncset.done $0x0  }
0x386: {  	[sflag:s25] =	ssyncadd.s32 $0xFFFFFB00  }
0x387: {  	v1 =	vld [tilespmem:$0x0]  }
0x388: {  	v2 =	vld [tilespmem:$0x10]  }
0x389: {  	v3 =	vld [tilespmem:$0x20]  }
0x38a: {  	v4 =	vld [tilespmem:$0x30]  }
0x38b: {  	v5 =	vld [tilespmem:$0x40]  }
0x38c: {  	v1 =	vshll.u32 v1, $0x1  }
0x38d: {  	v2 =	vshll.u32 v2, $0x1;
	v1 =	vor.u32 v0, v1  }
0x38e: {  	[tilespmem:$0x0] =	vst v1;
	v1 =	vor.u32 v0, v2;
	v2 =	vshll.u32 v3, $0x1  }
0x38f: {  	[tilespmem:$0x10] =	vst v1;
	v1 =	vor.u32 v0, v2;
	v2 =	vshll.u32 v4, $0x1  }
0x390: {  	[tilespmem:$0x20] =	vst v1;
	v1 =	vor.u32 v0, v2;
	v2 =	vshll.u32 v5, $0x1  }
0x391: {  	[tilespmem:$0x30] =	vst v1;
	v1 =	vor.u32 v0, v2  }
0x392: {  	[tilespmem:$0x40] =	vst v1  }
0x393: {  	[tilespmem:s30], [sflag:$0x5] =	stream.indirect.gather [hbm4b:s2+s22], $0x40, s0, s22, $0xb8;
	[tilespmem:$0x1DF50] =	vst v63  }
0x394: {  	s21 =	simm.s32 $0xA0;
	s19 =	rddreg [dreg:$0x14]  }
0x395: {  	[tilespmem:s21], [sflag:$0x3] =	stream.linear.gather [hbm4b:s19+s0], $0x50, $0x38;
	[tilespmem:$0x1DF50] =	vst v63  }
0x396: {  	s31 =	simm.s32 $0x1E0;
	s30 =	rddreg [dreg:$0x15]  }
0x397: {  	[tilespmem:s31], [sflag:$0x3] =	stream.linear.gather [hbm4b:s30+s0], $0x50, $0x38;
	[tilespmem:$0x1DF50] =	vst v63  }
0x398: {  	s4 =	simm.s32 $0xDC0;
	s1 =	rddreg [dreg:$0x16]  }
0x399: {  	[tilespmem:s4], [sflag:$0x3] =	stream.linear.gather [hbm4b:s1+s0], $0x500, $0x38;
	[tilespmem:$0x1DF50] =	vst v63  }
0x39a: {  	_ =	swait.ge [sflag:s16], $0x50  }
0x39b: {  	[sflag:s16] =	ssyncset.done $0x0  }
0x39c: {  	[sflag:s16] =	ssyncadd.s32 $0xFFFFFFB0  }
0x39d: {  	_ =	swait.ge [sflag:s16], $0x50  }
0x39e: {  	[sflag:s16] =	ssyncset.done $0x0  }
0x39f: {  	[sflag:s16] =	ssyncadd.s32 $0xFFFFFFB0  }
0x3a0: {  	_ =	swait.ge [sflag:s16], $0x500  }
0x3a1: {  	[sflag:s16] =	ssyncset.done $0x0  }
0x3a2: {  	[sflag:s16] =	ssyncadd.s32 $0xFFFFFB00  }
0x3a3: {  	v1 =	vld [tilespmem:$0x50]  }
0x3a4: {  	v2 =	vld [tilespmem:$0x60]  }
0x3a5: {  	v3 =	vld [tilespmem:$0x70]  }
0x3a6: {  	v62 =	vld [tilespmem:$0x80]  }
0x3a7: {  	v63 =	vld [tilespmem:$0x90]  }
0x3a8: {  	v1 =	vshll.u32 v1, $0x1  }
0x3a9: {  	v2 =	vshll.u32 v2, $0x1;
	v1 =	vor.u32 v0, v1  }
0x3aa: {  	[tilespmem:$0x50] =	vst v1;
	v1 =	vor.u32 v0, v2;
	v2 =	vshll.u32 v3, $0x1  }
0x3ab: {  	[tilespmem:$0x60] =	vst v1;
	v1 =	vor.u32 v0, v2;
	v2 =	vshll.u32 v62, $0x1  }
0x3ac: {  	[tilespmem:$0x70] =	vst v1;
	v1 =	vor.u32 v0, v2;
	v2 =	vshll.u32 v63, $0x1  }
0x3ad: {  	[tilespmem:$0x80] =	vst v1;
	v1 =	vor.u32 v0, v2  }
0x3ae: {  	s17 =	rddreg [dreg:$0x17];
	[tilespmem:$0x90] =	vst v1  }
0x3af: {  	[tilespmem:s11], [sflag:$0x6] =	stream.indirect.gather [hbm4b:s2+s22], $0x40, s22, s22, $0xb8;
	[tilespmem:$0x1DF50] =	vst v63  }
0x3b0: {  	s19 =	simm.s32 $0xF0;
	s21 =	rddreg [dreg:$0x18]  }
0x3b1: {  	[tilespmem:s19], [sflag:$0x4] =	stream.linear.gather [hbm4b:s17+s0], $0x50, $0x38;
	[tilespmem:$0x1DF50] =	vst v63  }
.Ltmp16:
0x3b2: {  	s30 =	rddreg [dreg:$0x19];
	(pc) =	sbr.rel .LBB2_21-.Ltmp16, $4  }
0x3b3: {  	s31 =	simm.s32 $0x12C0;
	s4 =	simm.s32 $0xCBC0;
	s12 =	sld [smem:$0x7FD]  }
0x3b4: {  	[tilespmem:s29], [sflag:$0x4] =	stream.linear.gather [hbm4b:s21+s0], $0x50, $0x38;
	[tilespmem:$0x1DF50] =	vst v63  }
0x3b5: {  	s1 =	rddreg [dreg:$0x5];
	s11 =	simm.s32 $0xB7C0;
	s21 =	simm.s32 $0x0  }
0x3b6: {  	[tilespmem:s31], [sflag:$0x4] =	stream.linear.gather [hbm4b:s30+s0], $0x500, $0x38;
	[tilespmem:$0x1DF50] =	vst v63  }
.LBB2_25:
0x3b7: {  	s10 =	sadd.s32 $0x46, s17;
	s30 =	simm.s32 $0xF0  }
0x3b8: {  	[tilespmem:s30], [sflag:$0x4] =	stream.linear.gather [hbm4b:s10+s6], $0x50, $0x38;
	[tilespmem:$0x1DF50] =	vst v63  }
0x3b9: {  	s31 =	sadd.s32 $0x46, s19  }
0x3ba: {  	[tilespmem:s29], [sflag:$0x4] =	stream.linear.gather [hbm4b:s31+s6], $0x50, $0x38;
	[tilespmem:$0x1DF50] =	vst v63  }
0x3bb: {  	s1 =	simm.s32 $0x12C0  }
0x3bc: {  	[tilespmem:s1], [sflag:$0x4] =	stream.linear.gather [hbm4b:s12+s6], $0x500, $0x38;
	[tilespmem:$0x1DF50] =	vst v63  }
.LBB2_26:
0x3bd: {  	s0 =	sadd.s32 $0x28, s0  }
0x3be: {  	p3 =	sne.s32 s0, $0x9D8  }
.Ltmp17:
0x3bf: {  	_ = 	snop;
	(pc) =	sbr.rel @!p3 .LBB2_27-.Ltmp17, $3  }
0x3c0: {  	_ =	sdelay $0x1  }
0x3c1: {  	s21 =	sadd.s32 $0x1, s21;
	s12 =	sadd.s32 $0x280, s12;
	s24 =	simm.s32 $0x8C0  }
0x3c2: {  	s11 =	simm.s32 $0xB7C0;
	s4 =	simm.s32 $0xCBC0;
	s1 =	rddreg [dreg:$0x5]  }
.LBB2_21:
0x3c3: {  	p3 =	sgt.u32 s21, $0x3D  }
0x3c4: {  	s10 =	simm.s32 @!p3 $0x3  }
0x3c5: {  	_ =	swait.ge @!p3 [sflag:s10], $0x50  }
0x3c6: {  	[sflag:s10] =	ssyncset.done @!p3 $0x0  }
0x3c7: {  	[sflag:s10] =	ssyncadd.s32 @!p3 $0xFFFFFFB0  }
0x3c8: {  	_ =	swait.ge @!p3 [sflag:s10], $0x50  }
0x3c9: {  	[sflag:s10] =	ssyncset.done @!p3 $0x0  }
0x3ca: {  	[sflag:s10] =	ssyncadd.s32 @!p3 $0xFFFFFFB0  }
0x3cb: {  	_ =	swait.ge @!p3 [sflag:s10], $0x500  }
0x3cc: {  	[sflag:s10] =	ssyncset.done @!p3 $0x0  }
0x3cd: {  	[sflag:s10] =	ssyncadd.s32 @!p3 $0xFFFFFB00  }
0x3ce: {  	v1 =	vld @!p3 [tilespmem:$0xA0]  }
0x3cf: {  	v2 =	vld @!p3 [tilespmem:$0xB0]  }
0x3d0: {  	v3 =	vld @!p3 [tilespmem:$0xC0]  }
0x3d1: {  	v4 =	vld @!p3 [tilespmem:$0xD0]  }
0x3d2: {  	v5 =	vld @!p3 [tilespmem:$0xE0]  }
0x3d3: {  	v1 =	vshll.u32 @!p3 v1, $0x1  }
0x3d4: {  	v2 =	vshll.u32 @!p3 v2, $0x1;
	v1 =	vor.u32 @!p3 v0, v1  }
0x3d5: {  	[tilespmem:$0xA0] =	vst @!p3 v1;
	v1 =	vor.u32 @!p3 v0, v2;
	v2 =	vshll.u32 @!p3 v3, $0x1  }
0x3d6: {  	[tilespmem:$0xB0] =	vst @!p3 v1;
	v1 =	vor.u32 @!p3 v0, v2;
	v2 =	vshll.u32 @!p3 v4, $0x1  }
0x3d7: {  	[tilespmem:$0xC0] =	vst @!p3 v1;
	v1 =	vor.u32 @!p3 v0, v2;
	v2 =	vshll.u32 @!p3 v5, $0x1  }
0x3d8: {  	[tilespmem:$0xD0] =	vst @!p3 v1;
	v1 =	vor.u32 @!p3 v0, v2  }
0x3d9: {  	s17 =	simm.s32 @!p3 $0xA0;
	s31 =	simm.s32 @!p3 $0xDFC0;
	s10 =	simm.s32 @!p3 $0x50;
	[tilespmem:$0xE0] =	vst @!p3 v1  }
0x3da: {  	[tilespmem:s31], [sflag:$0x7] =	stream.indirect.gather @!p3 [hbm4b:s2+s10], $0x40, s17, s10, $0xb8;
	[tilespmem:$0x1DF50] =	vst v63  }
0x3db: {  	_ =	swait.ge [sflag:s5], $0x1400  }
0x3dc: {  	[sflag:s5] =	ssyncset.done $0x0  }
0x3dd: {  	[sflag:s5] =	ssyncadd.s32 $0xFFFFEC00  }
0x3de: {  	[spmem:s3] =	stream.indirect.scatter.add.f32 [tilespmem:s11], [sflag:$0x9], $0x40, s20, s22, $0xb8;
	[tilespmem:$0x1DF50] =	vst v63  }
0x3df: {  	_ =	swait.ge [sflag:s18], $0x1400  }
0x3e0: {  	[sflag:s18] =	ssyncset.done $0x0  }
0x3e1: {  	s30 =	simm.s32 $0x3C0;
	[sflag:s18] =	ssyncadd.s32 $0xFFFFEC00  }
0x3e2: {  	[spmem:s1] =	stream.indirect.scatter.add.f32 [tilespmem:s30], [sflag:$0x9], $0x10, s20, s22, $0xb8;
	[tilespmem:$0x1DF50] =	vst v63  }
0x3e3: {  	p4 =	seq.s32 s0, $0x9B0;
	_ =	swait.ge [sflag:s18], $0x500  }
0x3e4: {  	s17 =	sadd.s32 @!p4 s0, s13;
	[sflag:s18] =	ssyncset.done $0x0  }
0x3e5: {  	s19 =	simm.s32 @!p4 $0x0;
	s17 =	sadd.s32 @!p4 $0x28, s17;
	[sflag:s18] =	ssyncadd.s32 $0xFFFFFB00  }
0x3e6: {  	[tilespmem:s19], [sflag:$0x1] =	stream.linear.gather @!p4 [hbm4b:s17+s19], $0x50, $0x38;
	[tilespmem:$0x1DF50] =	vst v63  }
0x3e7: {  	s17 =	sadd.s32 @!p4 s0, s14  }
0x3e8: {  	p5 =	sgt.u32 @!p4 s21, $0x3D;
	s30 =	simm.s32 @!p4 $0x140;
	s17 =	sadd.s32 @!p4 $0x28, s17  }
0x3e9: {  	[tilespmem:s30], [sflag:$0x1] =	stream.linear.gather @!p4 [hbm4b:s17+s19], $0x50, $0x38;
	[tilespmem:$0x1DF50] =	vst v63  }
0x3ea: {  	p5 =	por p5, p4;
	s17 =	sadd.s32 @!p4 $0xFFFFFE20, s12;
	s30 =	simm.s32 @!p4 $0x3C0  }
0x3eb: {  	[tilespmem:s30], [sflag:$0x1] =	stream.linear.gather @!p4 [hbm4b:s17+s19], $0x500, $0x38;
	[tilespmem:$0x1DF50] =	vst v63  }
0x3ec: {  	s17 =	simm.s32 @!p5 $0x4  }
0x3ed: {  	_ =	swait.ge @!p5 [sflag:s17], $0x50  }
0x3ee: {  	[sflag:s17] =	ssyncset.done @!p5 $0x0  }
0x3ef: {  	[sflag:s17] =	ssyncadd.s32 @!p5 $0xFFFFFFB0  }
0x3f0: {  	_ =	swait.ge @!p5 [sflag:s17], $0x50  }
0x3f1: {  	[sflag:s17] =	ssyncset.done @!p5 $0x0  }
0x3f2: {  	[sflag:s17] =	ssyncadd.s32 @!p5 $0xFFFFFFB0  }
0x3f3: {  	_ =	swait.ge @!p5 [sflag:s17], $0x500  }
0x3f4: {  	[sflag:s17] =	ssyncset.done @!p5 $0x0  }
0x3f5: {  	[sflag:s17] =	ssyncadd.s32 @!p5 $0xFFFFFB00  }
0x3f6: {  	v1 =	vld @!p5 [tilespmem:$0xF0]  }
0x3f7: {  	v2 =	vld @!p5 [tilespmem:$0x100]  }
0x3f8: {  	v3 =	vld @!p5 [tilespmem:$0x110]  }
0x3f9: {  	v4 =	vld @!p5 [tilespmem:$0x120]  }
0x3fa: {  	v5 =	vld @!p5 [tilespmem:$0x130]  }
0x3fb: {  	v1 =	vshll.u32 @!p5 v1, $0x1  }
0x3fc: {  	v2 =	vshll.u32 @!p5 v2, $0x1;
	v1 =	vor.u32 @!p5 v0, v1  }
0x3fd: {  	[tilespmem:$0xF0] =	vst @!p5 v1;
	v1 =	vor.u32 @!p5 v0, v2;
	v2 =	vshll.u32 @!p5 v3, $0x1  }
0x3fe: {  	[tilespmem:$0x100] =	vst @!p5 v1;
	v1 =	vor.u32 @!p5 v0, v2;
	v2 =	vshll.u32 @!p5 v4, $0x1  }
0x3ff: {  	[tilespmem:$0x110] =	vst @!p5 v1;
	v1 =	vor.u32 @!p5 v0, v2;
	v2 =	vshll.u32 @!p5 v5, $0x1  }
0x400: {  	[tilespmem:$0x120] =	vst @!p5 v1;
	v1 =	vor.u32 @!p5 v0, v2  }
0x401: {  	s19 =	simm.s32 @!p5 $0xF0;
	s30 =	simm.s32 @!p5 $0xF3C0;
	s17 =	simm.s32 @!p5 $0x50;
	[tilespmem:$0x130] =	vst @!p5 v1  }
0x402: {  	[tilespmem:s30], [sflag:$0x8] =	stream.indirect.gather @!p5 [hbm4b:s2+s17], $0x40, s19, s17, $0xb8;
	[tilespmem:$0x1DF50] =	vst v63  }
0x403: {  	_ =	swait.ge [sflag:s26], $0x1400  }
0x404: {  	[sflag:s26] =	ssyncset.done $0x0  }
0x405: {  	[sflag:s26] =	ssyncadd.s32 $0xFFFFEC00  }
0x406: {  	[spmem:s3] =	stream.indirect.scatter.add.f32 [tilespmem:s4], [sflag:$0x9], $0x40, s23, s22, $0xb8;
	[tilespmem:$0x1DF50] =	vst v63  }
0x407: {  	_ =	swait.ge [sflag:s18], $0x1400  }
0x408: {  	[sflag:s18] =	ssyncset.done $0x0  }
.Ltmp18:
0x409: {  	[sflag:s18] =	ssyncadd.s32 $0xFFFFEC00;
	(pc) =	sbr.rel @p4 .LBB2_27-.Ltmp18, $4  }
0x40a: {  	[spmem:s1] =	stream.indirect.scatter.add.f32 [tilespmem:s24], [sflag:$0x9], $0x10, s23, s22, $0xb8;
	[tilespmem:$0x1DF50] =	vst v63  }
0x40b: {  	_ =	swait.ge [sflag:s18], $0x500  }
0x40c: {  	[sflag:s18] =	ssyncset.done $0x0  }
0x40d: {  	[sflag:s18] =	ssyncadd.s32 $0xFFFFFB00  }
0x40e: {  	s17 =	sadd.s32 s0, s13  }
0x40f: {  	s19 =	sadd.s32 $0x32, s17  }
0x410: {  	[tilespmem:s22], [sflag:$0x2] =	stream.linear.gather [hbm4b:s19+s6], $0x50, $0x38;
	[tilespmem:$0x1DF50] =	vst v63  }
0x411: {  	s19 =	sadd.s32 s0, s14  }
0x412: {  	s30 =	sadd.s32 $0x32, s19  }
0x413: {  	[tilespmem:s23], [sflag:$0x2] =	stream.linear.gather [hbm4b:s30+s6], $0x50, $0x38;
	[tilespmem:$0x1DF50] =	vst v63  }
0x414: {  	s30 =	sadd.s32 $0xFFFFFEC0, s12  }
0x415: {  	[tilespmem:s24], [sflag:$0x2] =	stream.linear.gather [hbm4b:s30+s6], $0x500, $0x38;
	[tilespmem:$0x1DF50] =	vst v63  }
0x416: {  	_ =	swait.ge [sflag:s25], $0x50  }
0x417: {  	[sflag:s25] =	ssyncset.done $0x0  }
0x418: {  	[sflag:s25] =	ssyncadd.s32 $0xFFFFFFB0  }
0x419: {  	_ =	swait.ge [sflag:s25], $0x50  }
0x41a: {  	[sflag:s25] =	ssyncset.done $0x0  }
0x41b: {  	[sflag:s25] =	ssyncadd.s32 $0xFFFFFFB0  }
0x41c: {  	_ =	swait.ge [sflag:s25], $0x500  }
0x41d: {  	[sflag:s25] =	ssyncset.done $0x0  }
0x41e: {  	[sflag:s25] =	ssyncadd.s32 $0xFFFFFB00  }
0x41f: {  	v1 =	vld [tilespmem:$0x0]  }
0x420: {  	v2 =	vld [tilespmem:$0x10]  }
0x421: {  	v3 =	vld [tilespmem:$0x20]  }
0x422: {  	v4 =	vld [tilespmem:$0x30]  }
0x423: {  	v5 =	vld [tilespmem:$0x40]  }
0x424: {  	v1 =	vshll.u32 v1, $0x1  }
0x425: {  	v2 =	vshll.u32 v2, $0x1;
	v1 =	vor.u32 v0, v1  }
0x426: {  	[tilespmem:$0x0] =	vst v1;
	v1 =	vor.u32 v0, v2;
	v2 =	vshll.u32 v3, $0x1  }
0x427: {  	[tilespmem:$0x10] =	vst v1;
	v1 =	vor.u32 v0, v2;
	v2 =	vshll.u32 v4, $0x1  }
0x428: {  	[tilespmem:$0x20] =	vst v1;
	v1 =	vor.u32 v0, v2;
	v2 =	vshll.u32 v5, $0x1  }
0x429: {  	[tilespmem:$0x30] =	vst v1;
	v1 =	vor.u32 v0, v2  }
0x42a: {  	s30 =	simm.s32 @!p3 $0x7;
	[tilespmem:$0x40] =	vst v1  }
0x42b: {  	[tilespmem:s11], [sflag:$0x5] =	stream.indirect.gather [hbm4b:s2+s22], $0x40, s6, s22, $0xb8;
	[tilespmem:$0x1DF50] =	vst v63  }
0x42c: {  	_ =	swait.ge @!p3 [sflag:s30], $0x1400  }
0x42d: {  	[sflag:s30] =	ssyncset.done @!p3 $0x0  }
0x42e: {  	[sflag:s30] =	ssyncadd.s32 @!p3 $0xFFFFEC00;
	s30 =	simm.s32 @!p3 $0x1E0  }
0x42f: {  	[spmem:s3] =	stream.indirect.scatter.add.f32 @!p3 [tilespmem:s31], [sflag:$0x9], $0x40, s30, s10, $0xb8;
	[tilespmem:$0x1DF50] =	vst v63  }
0x430: {  	s31 =	simm.s32 @!p3 $0x9  }
0x431: {  	_ =	swait.ge @!p3 [sflag:s31], $0x1400  }
0x432: {  	[sflag:s31] =	ssyncset.done @!p3 $0x0  }
0x433: {  	p4 =	seq.s32 @!p3 s0, $0x988;
	s24 =	simm.s32 @!p3 $0xDC0;
	[sflag:s31] =	ssyncadd.s32 @!p3 $0xFFFFEC00  }
0x434: {  	[spmem:s1] =	stream.indirect.scatter.add.f32 @!p3 [tilespmem:s24], [sflag:$0x9], $0x10, s30, s10, $0xb8;
	[tilespmem:$0x1DF50] =	vst v63  }
0x435: {  	p5 =	por p4, p3;
	_ =	swait.ge @!p3 [sflag:s31], $0x500  }
0x436: {  	s10 =	sadd.s32 @!p5 s0, s13;
	s24 =	simm.s32 @!p5 $0x0;
	[sflag:s31] =	ssyncset.done @!p3 $0x0  }
0x437: {  	s30 =	simm.s32 @!p5 $0xA0;
	s10 =	sadd.s32 @!p5 $0x3C, s10;
	[sflag:s31] =	ssyncadd.s32 @!p3 $0xFFFFFB00  }
0x438: {  	[tilespmem:s30], [sflag:$0x3] =	stream.linear.gather @!p5 [hbm4b:s10+s24], $0x50, $0x38;
	[tilespmem:$0x1DF50] =	vst v63  }
0x439: {  	s10 =	sadd.s32 @!p5 s0, s14  }
0x43a: {  	s30 =	simm.s32 @!p5 $0x1E0;
	s10 =	sadd.s32 @!p5 $0x3C, s10  }
0x43b: {  	[tilespmem:s30], [sflag:$0x3] =	stream.linear.gather @!p5 [hbm4b:s10+s24], $0x50, $0x38;
	[tilespmem:$0x1DF50] =	vst v63  }
0x43c: {  	s10 =	sadd.s32 @!p5 $0xFFFFFF60, s12;
	s30 =	simm.s32 @!p5 $0xDC0  }
0x43d: {  	[tilespmem:s30], [sflag:$0x3] =	stream.linear.gather @!p5 [hbm4b:s10+s24], $0x500, $0x38;
	[tilespmem:$0x1DF50] =	vst v63  }
0x43e: {  	_ =	swait.ge [sflag:s16], $0x50  }
0x43f: {  	[sflag:s16] =	ssyncset.done $0x0  }
0x440: {  	[sflag:s16] =	ssyncadd.s32 $0xFFFFFFB0  }
0x441: {  	_ =	swait.ge [sflag:s16], $0x50  }
0x442: {  	[sflag:s16] =	ssyncset.done $0x0  }
0x443: {  	[sflag:s16] =	ssyncadd.s32 $0xFFFFFFB0  }
0x444: {  	_ =	swait.ge [sflag:s16], $0x500  }
0x445: {  	[sflag:s16] =	ssyncset.done $0x0  }
0x446: {  	[sflag:s16] =	ssyncadd.s32 $0xFFFFFB00  }
0x447: {  	v1 =	vld [tilespmem:$0x50]  }
0x448: {  	v2 =	vld [tilespmem:$0x60]  }
0x449: {  	v3 =	vld [tilespmem:$0x70]  }
0x44a: {  	v62 =	vld [tilespmem:$0x80]  }
0x44b: {  	v63 =	vld [tilespmem:$0x90]  }
0x44c: {  	v1 =	vshll.u32 v1, $0x1  }
0x44d: {  	v2 =	vshll.u32 v2, $0x1;
	v1 =	vor.u32 v0, v1  }
0x44e: {  	[tilespmem:$0x50] =	vst v1;
	v1 =	vor.u32 v0, v2;
	v2 =	vshll.u32 v3, $0x1  }
.Ltmp19:
0x44f: {  	[tilespmem:$0x60] =	vst v1;
	v1 =	vor.u32 v0, v2;
	v2 =	vshll.u32 v62, $0x1;
	(pc) =	sbr.rel @p3 .LBB2_24-.Ltmp19, $4  }
0x450: {  	p6 =	por @!p3 $0x0, $0x0;
	p4 =	por !p4, p3;
	p5 =	por @!p5 $0x1, $0x1;
	[tilespmem:$0x70] =	vst v1;
	v1 =	vor.u32 v0, v2;
	v2 =	vshll.u32 v63, $0x1  }
0x451: {  	p5 =	por @!p4 p6, p6;
	p4 =	por $0x0, $0x0;
	[tilespmem:$0x80] =	vst v1;
	v1 =	vor.u32 v0, v2  }
0x452: {  	p4 =	por @!p3 p5, p5;
	[tilespmem:$0x90] =	vst v1  }
0x453: {  	[tilespmem:s4], [sflag:$0x6] =	stream.indirect.gather [hbm4b:s2+s22], $0x40, s22, s22, $0xb8;
	[tilespmem:$0x1DF50] =	vst v63  }
0x454: {  	_ =	swait.ge [sflag:s28], $0x1400  }
0x455: {  	[sflag:s28] =	ssyncset.done $0x0  }
0x456: {  	s10 =	simm.s32 $0x230;
	s4 =	simm.s32 $0xF3C0;
	[sflag:s28] =	ssyncadd.s32 $0xFFFFEC00  }
0x457: {  	[spmem:s3] =	stream.indirect.scatter.add.f32 [tilespmem:s4], [sflag:$0x9], $0x40, s10, s22, $0xb8;
	[tilespmem:$0x1DF50] =	vst v63  }
0x458: {  	_ =	swait.ge [sflag:s18], $0x1400  }
0x459: {  	[sflag:s18] =	ssyncset.done $0x0  }
0x45a: {  	s31 =	simm.s32 $0x12C0;
	[sflag:s18] =	ssyncadd.s32 $0xFFFFEC00  }
0x45b: {  	[spmem:s1] =	stream.indirect.scatter.add.f32 [tilespmem:s31], [sflag:$0x9], $0x10, s10, s22, $0xb8;
	[tilespmem:$0x1DF50] =	vst v63  }
.Ltmp20:
0x45c: {  	_ = 	snop;
	(pc) =	sbr.rel @p4 .LBB2_25-.Ltmp20, $4  }
.Ltmp21:
0x45d: {  	_ = 	snop;
	(pc) =	sbr.rel @!p4 .LBB2_26-.Ltmp21, $4  }
0x45e: {  	_ =	swait.ge [sflag:s18], $0x500  }
0x45f: {  	[sflag:s18] =	ssyncset.done $0x0  }
0x460: {  	s29 =	simm.s32 $0x230;
	[sflag:s18] =	ssyncadd.s32 $0xFFFFFB00  }
0x461: {  	_ = 	snop  }
.LBB2_24:
.Ltmp22:
0x462: {  	(pc) =	sbr.rel @!p4 .LBB2_26-.Ltmp22, $4  }
.Ltmp23:
0x463: {  	(pc) =	sbr.rel @p4 .LBB2_25-.Ltmp23, $4  }
0x464: {  	_ = 	snop  }
0x465: {  	_ = 	snop  }
0x466: {  	_ = 	snop  }
0x467: {  	_ = 	snop  }
.LBB2_28:
0x468: {  	_ =	sfence.sel $0x180000  }
0x469: {  	[bflag:$0x0] =	sbarrier.arrive $0xFFFF  }
0x46a: {  	_ =	strace $0x90000047  }
0x46b: {  	s0 =	stileid.u32;
	[bflag:$0x2] =	sbarrier.arrive $0xFFFF  }
0x46c: {  	p0 =	sne.s32 s0, $0x0;
	s0 =	rddreg [dreg:$0x6]  }
0x46d: {  	s0 =	sadd.s32 @!p0 $0x100000, s0  }
0x46e: {  	[sflag:s0] =	ssyncadd.tile.s32 @!p0 $0x1;
	_ =	shalt  }
.Lfunc_end2:
_tile_overlayer_lowered:
.L_overlay_start_2:
0x46f: {  	(tag) =	ssettag $0x2  }
0x470: {  	s0 =	rddreg [dreg:$0x0];
	s2 =	stileid.u32  }
0x471: {  	s1 =	rddreg [dreg:$0x1];
	p0 =	sne.s32 s2, $0x0  }
0x472: {  	s3 =	rddreg [dreg:$0x2];
	[bflag:$0x3] =	sbarrier.arrive $0xFFFF;
	s2 =	simm.s32 @!p0 $0x1C09  }
0x473: {  	[timem:s3], [sflag:s2] =	dma.local @!p0 [hbm:s0], s1  }
0x474: {  	s0 =	simm.s32 @!p0 $0x9  }
0x475: {  	_ =	swait.ge @!p0 [sflag:s0], s1  }
0x476: {  	s1 =	ssub.s32 @!p0 $0x0, s1;
	[sflag:s0] =	ssyncset.done @!p0 $0x0  }
0x477: {  	[sflag:s0] =	ssyncadd.s32 @!p0 s1  }
0x478: {  	[bflag:$0x3] =	sbarrier.arrive $0xFFFF  }
0x479: {  	_ =	shalt  }

</sc_bundles>
